<compile_context>
chip_gen: v7x
topology: tpu7x:2x2x1
jax: 0.10.2.dev20260603
libtpu: 0.0.44.dev20260713+nightly
codegen_flags: <defaults>
</compile_context>

<pallas_src>
import functools

import jax
import jax.numpy as jnp
from jax import lax
from jax.experimental import pallas as pl
from jax.experimental.pallas import tpu as pltpu
from jax.experimental.pallas import tpu_sc as plsc

NC = 2
NS = 16
K = 128
LANES = 16
NBUF = 8
HALF = NBUF // 2


def _tc_linear1(x1, W1, b1, blk, nblk):
    n, d_in = x1.shape
    d_out = W1.shape[1]

    def body(x_ref, w_ref, b_ref, o_ref):
        acc = jnp.dot(x_ref[...], w_ref[...], preferred_element_type=jnp.float32)
        acc = acc + b_ref[...]
        o_ref[...] = jnp.where(acc > 0.0, acc, jnp.exp(acc) - 1.0)

    return pl.pallas_call(
        body,
        grid=(nblk,),
        in_specs=[
            pl.BlockSpec((blk, d_in), lambda i: (i, 0)),
            pl.BlockSpec((d_in, d_out), lambda i: (0, 0)),
            pl.BlockSpec((1, d_out), lambda i: (0, 0)),
        ],
        out_specs=pl.BlockSpec((blk, d_out), lambda i: (i, 0)),
        out_shape=jax.ShapeDtypeStruct((n, d_out), jnp.float32),
    )(x1, W1, b1.reshape(1, d_out))


def _sc_aggregate(x2s, rows3, cols3, wts3, n_nodes, chunks):
    dh = x2s.shape[2]
    rpt = -(-n_nodes // (NS * K)) * K
    n_pad = rpt * NS
    mesh = plsc.VectorSubcoreMesh(core_axis_name="c", subcore_axis_name="s")

    @functools.partial(
        pl.kernel,
        out_type=jax.ShapeDtypeStruct((NC, n_pad, dh), jnp.float32),
        mesh=mesh,
        compiler_params=pltpu.CompilerParams(use_tc_tiling_on_sc=False,
                                             needs_layout_passes=False),
        scratch_types=(
            [
                pltpu.VMEM((chunks, K), jnp.int32),
                pltpu.VMEM((NBUF, K), jnp.int32),
                pltpu.VMEM((NBUF, K), jnp.float32),
            ]
            + [pltpu.VMEM((K, dh), jnp.float32)] * NBUF
            + [pltpu.VMEM_SHARED((n_pad, dh), jnp.float32)]
            + [pltpu.SemaphoreType.DMA] * (2 * NBUF)
        ),
    )
    def k(x2_hbm, rows_hbm, cols_hbm, wts_hbm, out_hbm,
          cols_v, rows_r, wts_r, *rest):
        xbs = list(rest[:NBUF])
        agg_sh = rest[NBUF]
        gsem = list(rest[NBUF + 1:2 * NBUF + 1])
        ssem = list(rest[2 * NBUF + 1:3 * NBUF + 1])
        cid = lax.axis_index("c")
        sid = lax.axis_index("s")

        pltpu.sync_copy(cols_hbm.at[sid], cols_v)

        @pl.loop(0, K)
        def _(r):
            for j in range(dh // LANES):
                xbs[0][r, pl.ds(j * LANES, LANES)] = jnp.zeros(
                    (LANES,), jnp.float32)

        base = sid * rpt

        @pl.loop(0, rpt // K)
        def _(t):
            pltpu.sync_copy(xbs[0], agg_sh.at[pl.ds(base + t * K, K)])

        plsc.subcore_barrier()

        x2_half = x2_hbm.at[cid]

        def start_fetch(s, b):
            pltpu.async_copy(x2_half.at[cols_v.at[s]], xbs[b], gsem[b])
            pltpu.async_copy(rows_hbm.at[sid, s], rows_r.at[b], gsem[b])
            pltpu.async_copy(wts_hbm.at[sid, s], wts_r.at[b], gsem[b])

        def wait_fetch(s, b):
            pltpu.make_async_copy(x2_half.at[cols_v.at[s]], xbs[b],
                                  gsem[b]).wait()
            pltpu.make_async_copy(rows_hbm.at[sid, s], rows_r.at[b],
                                  gsem[b]).wait()
            pltpu.make_async_copy(wts_hbm.at[sid, s], wts_r.at[b],
                                  gsem[b]).wait()

        def start_scatter(b):
            pltpu.async_copy(xbs[b], agg_sh.at[rows_r.at[b]], ssem[b],
                             add=True)

        def wait_scatter(b):
            pltpu.make_async_copy(xbs[b], agg_sh.at[rows_r.at[b]],
                                  ssem[b]).wait()

        for b in range(HALF):
            start_fetch(b, b)

        @pl.loop(0, chunks, step=NBUF)
        def _(g):
            for b in range(NBUF):
                s = g + b
                b2 = (b + HALF) % NBUF
                @pl.when(s >= HALF)
                def _():
                    wait_scatter(b2)

                @pl.when(s + HALF < chunks)
                def _():
                    start_fetch(s + HALF, b2)

                wait_fetch(s, b)
                xb = xbs[b]

                bv = jnp.full((LANES,), b, jnp.int32)

                @plsc.parallel_loop(0, K, unroll=8)
                def _(e):
                    wv = plsc.load_gather(
                        wts_r, [bv, jnp.full((LANES,), e, jnp.int32)])
                    for j in range(dh // LANES):
                        sl = pl.ds(j * LANES, LANES)
                        xb[e, sl] = xb[e, sl] * wv

                start_scatter(b)

        for t in range(HALF):
            wait_scatter((chunks - HALF + t) % NBUF)
        plsc.subcore_barrier()

        pltpu.sync_copy(agg_sh.at[pl.ds(base, rpt)],
                        out_hbm.at[cid, pl.ds(base, rpt)])

    return k(x2s, rows3, cols3, wts3)


def _tc_stats(partials, blk, nblk):
    _, n, dh = partials.shape

    def body(p_ref, sums_ref):
        i = pl.program_id(0)
        a = jnp.concatenate([p_ref[0], p_ref[1]], axis=1)
        s1 = jnp.sum(a, axis=0, keepdims=True)
        s2 = jnp.sum(a * a, axis=0, keepdims=True)
        new = jnp.concatenate([s1, s2], axis=0)

        @pl.when(i == 0)
        def _():
            sums_ref[...] = new

        @pl.when(i > 0)
        def _():
            sums_ref[...] = sums_ref[...] + new

    return pl.pallas_call(
        body,
        grid=(nblk,),
        in_specs=[pl.BlockSpec((2, blk, dh), lambda i: (0, i, 0))],
        out_specs=pl.BlockSpec((2, 2 * dh), lambda i: (0, 0)),
        out_shape=jax.ShapeDtypeStruct((2, 2 * dh), jnp.float32),
    )(partials)


def _tc_finish(partials, sums, x1, W2, b2, gn_weight, gn_bias, gn_mean_scale,
               blk, nblk):
    _, n, dh = partials.shape
    d = 2 * dh
    d2 = W2.shape[0]
    d_out = W2.shape[1]
    inv_n = 1.0 / float(n)

    def body(p_ref, x1_ref, sums_ref, gw_ref, gb_ref, gms_ref, w2_ref,
             b2_ref, o_ref):
        agg = jnp.concatenate([p_ref[0], p_ref[1]], axis=1)
        mean = sums_ref[0:1, :] * inv_n
        msq = sums_ref[1:2, :] * inv_n
        c = mean * gms_ref[...]
        var = msq - 2.0 * c * mean + c * c
        scale = lax.rsqrt(var + 1e-5) * gw_ref[...]
        normed = (agg - c) * scale + gb_ref[...]
        cat = jnp.concatenate([normed, x1_ref[...]], axis=1)
        o_ref[...] = (jnp.dot(cat, w2_ref[...],
                              preferred_element_type=jnp.float32)
                      + b2_ref[...])

    return pl.pallas_call(
        body,
        grid=(nblk,),
        in_specs=[
            pl.BlockSpec((2, blk, dh), lambda i: (0, i, 0)),
            pl.BlockSpec((blk, d), lambda i: (i, 0)),
            pl.BlockSpec((2, d), lambda i: (0, 0)),
            pl.BlockSpec((1, d), lambda i: (0, 0)),
            pl.BlockSpec((1, d), lambda i: (0, 0)),
            pl.BlockSpec((1, d), lambda i: (0, 0)),
            pl.BlockSpec((d2, d_out), lambda i: (0, 0)),
            pl.BlockSpec((1, d_out), lambda i: (0, 0)),
        ],
        out_specs=pl.BlockSpec((blk, d_out), lambda i: (i, 0)),
        out_shape=jax.ShapeDtypeStruct((n, d_out), jnp.float32),
    )(partials, x1, sums, gn_weight.reshape(1, d), gn_bias.reshape(1, d),
      gn_mean_scale.reshape(1, d), W2, b2.reshape(1, d_out))


def kernel(x1, edge_index, edge_weight, W1, b1, W2, b2,
           gn_weight, gn_bias, gn_mean_scale):
    n, d_in = x1.shape
    d = W1.shape[1]
    dh = d // NC
    e = edge_weight.shape[0]

    chunks = -(-e // (NS * K))
    if chunks % NBUF:
        chunks += NBUF - chunks % NBUF
    e_pad = NS * chunks * K
    pad = e_pad - e
    rows = edge_index[0]
    cols = edge_index[1]
    if pad:
        zi = jnp.zeros((pad,), jnp.int32)
        rows = jnp.concatenate([rows, zi])
        cols = jnp.concatenate([cols, zi])
        edge_weight = jnp.concatenate(
            [edge_weight, jnp.zeros((pad,), jnp.float32)])
    rows3 = rows.reshape(NS, chunks, K)
    cols3 = cols.reshape(NS, chunks, K)
    wts3 = edge_weight.reshape(NS, chunks, K)

    blk = 400
    nblk = n // blk
    x2 = _tc_linear1(x1, W1, b1, blk, nblk)
    x2s = jnp.stack([x2[:, :dh], x2[:, dh:]])
    partials = _sc_aggregate(x2s, rows3, cols3, wts3, n, chunks)[:, :n, :]
    sums = _tc_stats(partials, blk, nblk)
    return _tc_finish(partials, sums, x1, W2, b2, gn_weight, gn_bias,
                      gn_mean_scale, blk, nblk)

# --- scband reference (transcript-rebuilt; emitter-appended) ---
"""Pipeline reference for scband-network-in-network-18030272708840 (READ-ONLY COPY).

The authoritative reference and input builder live on the scoring server;
editing this copy changes nothing except your own understanding.
"""

import jax, jax.numpy as jnp
import numpy as np

N_NODES = 10000
N_EDGES = 320000
D_IN = 128
D_OUT = 128

def setup_inputs(seed: int = 0) -> dict:
    key = jax.random.key(seed)
    ks = jax.random.split(key, 10)
    x1 = jax.random.normal(ks[0], (N_NODES, D_IN), dtype=jnp.float32)
    edge_index = jax.random.randint(ks[1], (2, N_EDGES), 0, N_NODES, dtype=jnp.int64 if jax.config.jax_enable_x64 else jnp.int32).astype(jnp.int32)
    edge_weight = jax.random.uniform(ks[2], (N_EDGES,), dtype=jnp.float32)
    glorot1 = float(np.sqrt(6.0 / (D_IN + D_OUT)))
    glorot2 = float(np.sqrt(6.0 / (D_IN + D_OUT + D_OUT)))
    W1 = jax.random.uniform(ks[3], (D_IN, D_OUT), dtype=jnp.float32, minval=-glorot1, maxval=glorot1)
    b1 = jnp.zeros((D_OUT,), dtype=jnp.float32)
    W2 = jax.random.uniform(ks[4], (D_IN + D_OUT, D_OUT), dtype=jnp.float32, minval=-glorot2, maxval=glorot2)
    b2 = jnp.zeros((D_OUT,), dtype=jnp.float32)
    gn_weight = jnp.ones((D_OUT,), dtype=jnp.float32)
    gn_bias = jnp.zeros((D_OUT,), dtype=jnp.float32)
    gn_mean_scale = jnp.ones((D_OUT,), dtype=jnp.float32)
    return {"x1": x1, "edge_index": edge_index, "edge_weight": edge_weight,
            "W1": W1, "b1": b1, "W2": W2, "b2": b2,
            "gn_weight": gn_weight, "gn_bias": gn_bias, "gn_mean_scale": gn_mean_scale}

def reference(x1, edge_index, edge_weight, W1, b1, W2, b2, gn_weight, gn_bias, gn_mean_scale):
    # linear1 + ELU
    x2 = jax.nn.elu(x1 @ W1 + b1)
    # sparse adj @ x2 : out[i] = sum_e w_e * x2[col_e] for row_e == i
    row = edge_index[0]
    col = edge_index[1]
    msg = edge_weight[:, None] * jnp.take(x2, col, axis=0)
    agg = jnp.zeros((x1.shape[0], x2.shape[1]), dtype=x2.dtype).at[row].add(msg)
    # GraphNorm over the single graph (batch = all zeros)
    mean = jnp.mean(agg, axis=0, keepdims=True)
    out = agg - mean * gn_mean_scale
    var = jnp.mean(out * out, axis=0, keepdims=True)
    out = out / jnp.sqrt(var + 1e-5) * gn_weight + gn_bias
    # dropout skipped (eval mode / deterministic reference)
    out = jnp.concatenate([out, x1], axis=-1)
    return out @ W2 + b2

if __name__ == "__main__":
    import jax
    _d = setup_inputs()
    print(jax.jit(kernel)(*tuple(_d.values())))

</pallas_src>

<mosaic_0001>
#map = affine_map<(d0, d1) -> (0, 0, 0)>
module attributes {stable_mosaic.version = 14 : i64} {
  func.func @k(%arg0: i32, %arg1: i32, %arg2: memref<2x10000x64xf32, #tpu.memory_space<hbm>>, %arg3: memref<16x160x128xi32, #tpu.memory_space<hbm>>, %arg4: memref<16x160x128xi32, #tpu.memory_space<hbm>>, %arg5: memref<16x160x128xf32, #tpu.memory_space<hbm>>, %arg6: memref<2x10240x64xf32, #tpu.memory_space<hbm>>, %arg7: memref<160x128xi32, #tpu.memory_space<vmem>>, %arg8: memref<8x128xi32, #tpu.memory_space<vmem>>, %arg9: memref<8x128xf32, #tpu.memory_space<vmem>>, %arg10: memref<128x64xf32, #tpu.memory_space<vmem>>, %arg11: memref<128x64xf32, #tpu.memory_space<vmem>>, %arg12: memref<128x64xf32, #tpu.memory_space<vmem>>, %arg13: memref<128x64xf32, #tpu.memory_space<vmem>>, %arg14: memref<128x64xf32, #tpu.memory_space<vmem>>, %arg15: memref<128x64xf32, #tpu.memory_space<vmem>>, %arg16: memref<128x64xf32, #tpu.memory_space<vmem>>, %arg17: memref<128x64xf32, #tpu.memory_space<vmem>>, %arg18: memref<10240x64xf32, #tpu.memory_space<vmem_shared>>, %arg19: memref<!tpu.dma_semaphore, #tpu.memory_space<semaphore_mem>>, %arg20: memref<!tpu.dma_semaphore, #tpu.memory_space<semaphore_mem>>, %arg21: memref<!tpu.dma_semaphore, #tpu.memory_space<semaphore_mem>>, %arg22: memref<!tpu.dma_semaphore, #tpu.memory_space<semaphore_mem>>, %arg23: memref<!tpu.dma_semaphore, #tpu.memory_space<semaphore_mem>>, %arg24: memref<!tpu.dma_semaphore, #tpu.memory_space<semaphore_mem>>, %arg25: memref<!tpu.dma_semaphore, #tpu.memory_space<semaphore_mem>>, %arg26: memref<!tpu.dma_semaphore, #tpu.memory_space<semaphore_mem>>, %arg27: memref<!tpu.dma_semaphore, #tpu.memory_space<semaphore_mem>>, %arg28: memref<!tpu.dma_semaphore, #tpu.memory_space<semaphore_mem>>, %arg29: memref<!tpu.dma_semaphore, #tpu.memory_space<semaphore_mem>>, %arg30: memref<!tpu.dma_semaphore, #tpu.memory_space<semaphore_mem>>, %arg31: memref<!tpu.dma_semaphore, #tpu.memory_space<semaphore_mem>>, %arg32: memref<!tpu.dma_semaphore, #tpu.memory_space<semaphore_mem>>, %arg33: memref<!tpu.dma_semaphore, #tpu.memory_space<semaphore_mem>>, %arg34: memref<!tpu.dma_semaphore, #tpu.memory_space<semaphore_mem>>) attributes {dimension_semantics = [#tpu.dimension_semantics<core_parallel>, #tpu.dimension_semantics<subcore_parallel>], iteration_bounds = array<i64: 2, 16>, scalar_prefetch = 0 : i64, scratch_operands = 28 : i64, tpu.core_type = #tpu.core_type<sc_vector_subcore>, window_params = [{transform_indices = #map}, {transform_indices = #map}, {transform_indices = #map}, {transform_indices = #map}, {transform_indices = #map}]} {
    "tpu.region"() ({
      %run_scoped3A = tpu.sem_alloc : memref<!tpu.dma_semaphore, #tpu.memory_space<semaphore_mem>>
      %dma_start3A_198 = arith.constant 0 : i32
      %dma_start3A_199 = arith.constant 0 : i32
      %dma_start3A_200 = tpu.memref_slice %arg4[%arg1, %dma_start3A_198, %dma_start3A_199] : memref<16x160x128xi32, #tpu.memory_space<hbm>> -> memref<1x160x128xi32, #tpu.memory_space<hbm>>
      %dma_start3A_201 = tpu.memref_squeeze %dma_start3A_200 : memref<1x160x128xi32, #tpu.memory_space<hbm>> -> memref<160x128xi32, #tpu.memory_space<hbm>>
      %dma_start3A_202 = arith.constant 0 : i32
      %dma_start3A_203 = arith.constant 0 : i32
      %dma_start3A_204 = tpu.memref_slice %arg4[%arg1, %dma_start3A_202, %dma_start3A_203] : memref<16x160x128xi32, #tpu.memory_space<hbm>> -> memref<1x160x128xi32, #tpu.memory_space<hbm>>
      %dma_start3A_205 = tpu.memref_squeeze %dma_start3A_204 : memref<1x160x128xi32, #tpu.memory_space<hbm>> -> memref<160x128xi32, #tpu.memory_space<hbm>>
      tpu.enqueue_dma source(%dma_start3A_205 : memref<160x128xi32, #tpu.memory_space<hbm>>) target(%arg7 : memref<160x128xi32, #tpu.memory_space<vmem>>) target_semaphore(%run_scoped3A : memref<!tpu.dma_semaphore, #tpu.memory_space<semaphore_mem>>)
      %dma_wait3A_206 = arith.constant 0 : i32
      %dma_wait3A_207 = arith.constant 0 : i32
      %dma_wait3A_208 = tpu.memref_slice %arg4[%arg1, %dma_wait3A_206, %dma_wait3A_207] : memref<16x160x128xi32, #tpu.memory_space<hbm>> -> memref<1x160x128xi32, #tpu.memory_space<hbm>>
      %dma_wait3A_209 = tpu.memref_squeeze %dma_wait3A_208 : memref<1x160x128xi32, #tpu.memory_space<hbm>> -> memref<160x128xi32, #tpu.memory_space<hbm>>
      %dma_wait3A_210 = arith.constant 0 : i32
      %dma_wait3A_211 = arith.constant 0 : i32
      %dma_wait3A_212 = tpu.memref_slice %arg4[%arg1, %dma_wait3A_210, %dma_wait3A_211] : memref<16x160x128xi32, #tpu.memory_space<hbm>> -> memref<1x160x128xi32, #tpu.memory_space<hbm>>
      %dma_wait3A_213 = tpu.memref_squeeze %dma_wait3A_212 : memref<1x160x128xi32, #tpu.memory_space<hbm>> -> memref<160x128xi32, #tpu.memory_space<hbm>>
      tpu.wait_dma2 semaphore(%run_scoped3A : memref<!tpu.dma_semaphore, #tpu.memory_space<semaphore_mem>>) src(%dma_wait3A_213 : memref<160x128xi32, #tpu.memory_space<hbm>>) dst(%arg7 : memref<160x128xi32, #tpu.memory_space<vmem>>)
      tpu.yield
    }) : () -> ()
    %scan3A = arith.constant 0 : i32
    %scan3A_0 = arith.constant 128 : i32
    %scan3A_1 = arith.addi %scan3A, %scan3A_0 : i32
    %scan3A_2 = arith.constant 1 : i32
    scf.for %scan3A_198 = %scan3A to %scan3A_1 step %scan3A_2  : i32 {
      %mul3A_199 = arith.constant 1 : i32
      %mul3A_200 = arith.muli %scan3A_198, %mul3A_199 : i32
      %add3A = arith.constant 0 : i32
      %add3A_201 = arith.addi %add3A, %mul3A_200 : i32
      %broadcast_in_dim3A = arith.constant 0.000000e+00 : f32
      %broadcast_in_dim3A_202 = vector.broadcast %broadcast_in_dim3A : f32 to vector<16xf32>
      %swap3A = arith.index_cast %add3A_201 : i32 to index
      %swap3A_203 = arith.constant 0 : index
      %swap3A_204 = tpu.vector_load %arg10[%swap3A, %swap3A_203] {strides = array<i32>} : memref<128x64xf32, #tpu.memory_space<vmem>>, vector<16xf32>,
      tpu.vector_store %arg10[%swap3A, %swap3A_203], %broadcast_in_dim3A_202 {strides = array<i32>} : memref<128x64xf32, #tpu.memory_space<vmem>>, vector<16xf32>,
      %broadcast_in_dim3A_205 = arith.constant 0.000000e+00 : f32
      %broadcast_in_dim3A_206 = vector.broadcast %broadcast_in_dim3A_205 : f32 to vector<16xf32>
      %swap3A_207 = arith.index_cast %add3A_201 : i32 to index
      %swap3A_208 = arith.constant 16 : index
      %swap3A_209 = tpu.vector_load %arg10[%swap3A_207, %swap3A_208] {strides = array<i32>} : memref<128x64xf32, #tpu.memory_space<vmem>>, vector<16xf32>,
      tpu.vector_store %arg10[%swap3A_207, %swap3A_208], %broadcast_in_dim3A_206 {strides = array<i32>} : memref<128x64xf32, #tpu.memory_space<vmem>>, vector<16xf32>,
      %broadcast_in_dim3A_210 = arith.constant 0.000000e+00 : f32
      %broadcast_in_dim3A_211 = vector.broadcast %broadcast_in_dim3A_210 : f32 to vector<16xf32>
      %swap3A_212 = arith.index_cast %add3A_201 : i32 to index
      %swap3A_213 = arith.constant 32 : index
      %swap3A_214 = tpu.vector_load %arg10[%swap3A_212, %swap3A_213] {strides = array<i32>} : memref<128x64xf32, #tpu.memory_space<vmem>>, vector<16xf32>,
      tpu.vector_store %arg10[%swap3A_212, %swap3A_213], %broadcast_in_dim3A_211 {strides = array<i32>} : memref<128x64xf32, #tpu.memory_space<vmem>>, vector<16xf32>,
      %broadcast_in_dim3A_215 = arith.constant 0.000000e+00 : f32
      %broadcast_in_dim3A_216 = vector.broadcast %broadcast_in_dim3A_215 : f32 to vector<16xf32>
      %swap3A_217 = arith.index_cast %add3A_201 : i32 to index
      %swap3A_218 = arith.constant 48 : index
      %swap3A_219 = tpu.vector_load %arg10[%swap3A_217, %swap3A_218] {strides = array<i32>} : memref<128x64xf32, #tpu.memory_space<vmem>>, vector<16xf32>,
      tpu.vector_store %arg10[%swap3A_217, %swap3A_218], %broadcast_in_dim3A_216 {strides = array<i32>} : memref<128x64xf32, #tpu.memory_space<vmem>>, vector<16xf32>,
    }
    %scan3A_3 = arith.constant 128 : i32
    %mul3A = arith.constant 640 : i32
    %mul3A_4 = arith.muli %arg1, %mul3A : i32
    %scan3A_5 = arith.constant 0 : i32
    %scan3A_6 = arith.constant 5 : i32
    %scan3A_7 = arith.addi %scan3A_5, %scan3A_6 : i32
    %scan3A_8 = arith.constant 1 : i32
    scf.for %scan3A_198 = %scan3A_5 to %scan3A_7 step %scan3A_8  : i32 {
      %mul3A_199 = arith.constant 1 : i32
      %mul3A_200 = arith.muli %scan3A_198, %mul3A_199 : i32
      %add3A = arith.constant 0 : i32
      %add3A_201 = arith.addi %add3A, %mul3A_200 : i32
      %mul3A_202 = arith.constant 128 : i32
      %mul3A_203 = arith.muli %add3A_201, %mul3A_202 : i32
      %add3A_204 = arith.addi %mul3A_4, %mul3A_203 : i32
      "tpu.region"() ({
        %run_scoped3A = tpu.sem_alloc : memref<!tpu.dma_semaphore, #tpu.memory_space<semaphore_mem>>
        %dma_start3A_205 = arith.constant 0 : i32
        %dma_start3A_206 = tpu.memref_slice %arg18[%add3A_204, %dma_start3A_205] : memref<10240x64xf32, #tpu.memory_space<vmem_shared>> -> memref<128x64xf32, #tpu.memory_space<vmem_shared>>
        %dma_start3A_207 = arith.constant 0 : i32
        %dma_start3A_208 = tpu.memref_slice %arg18[%add3A_204, %dma_start3A_207] : memref<10240x64xf32, #tpu.memory_space<vmem_shared>> -> memref<128x64xf32, #tpu.memory_space<vmem_shared>>
        tpu.enqueue_dma source(%arg10 : memref<128x64xf32, #tpu.memory_space<vmem>>) target(%dma_start3A_208 : memref<128x64xf32, #tpu.memory_space<vmem_shared>>) target_semaphore(%run_scoped3A : memref<!tpu.dma_semaphore, #tpu.memory_space<semaphore_mem>>)
        %dma_wait3A_209 = arith.constant 0 : i32
        %dma_wait3A_210 = tpu.memref_slice %arg18[%add3A_204, %dma_wait3A_209] : memref<10240x64xf32, #tpu.memory_space<vmem_shared>> -> memref<128x64xf32, #tpu.memory_space<vmem_shared>>
        %dma_wait3A_211 = arith.constant 0 : i32
        %dma_wait3A_212 = tpu.memref_slice %arg18[%add3A_204, %dma_wait3A_211] : memref<10240x64xf32, #tpu.memory_space<vmem_shared>> -> memref<128x64xf32, #tpu.memory_space<vmem_shared>>
        tpu.wait_dma2 semaphore(%run_scoped3A : memref<!tpu.dma_semaphore, #tpu.memory_space<semaphore_mem>>) src(%arg10 : memref<128x64xf32, #tpu.memory_space<vmem>>) dst(%dma_wait3A_212 : memref<128x64xf32, #tpu.memory_space<vmem_shared>>)
        tpu.yield
      }) : () -> ()
    }
    %scan3A_9 = arith.constant 5 : i32
    %barrier3A = arith.constant 0 : index
    tpu.barrier barrier_id(%barrier3A)
    %dma_start3A = arith.constant 0 : i32
    %dma_start3A_10 = arith.constant 0 : i32
    %dma_start3A_11 = tpu.memref_slice %arg7[%dma_start3A, %dma_start3A_10] : memref<160x128xi32, #tpu.memory_space<vmem>> -> memref<1x128xi32, #tpu.memory_space<vmem>>
    %dma_start3A_12 = tpu.memref_squeeze %dma_start3A_11 : memref<1x128xi32, #tpu.memory_space<vmem>> -> memref<128xi32, #tpu.memory_space<vmem>>
    %dma_start3A_13 = arith.constant 0 : i32
    %dma_start3A_14 = arith.constant 0 : i32
    %dma_start3A_15 = tpu.memref_slice %arg2[%arg0, %dma_start3A_13, %dma_start3A_14] : memref<2x10000x64xf32, #tpu.memory_space<hbm>> -> memref<1x10000x64xf32, #tpu.memory_space<hbm>>
    %dma_start3A_16 = tpu.memref_squeeze %dma_start3A_15 : memref<1x10000x64xf32, #tpu.memory_space<hbm>> -> memref<10000x64xf32, #tpu.memory_space<hbm>>
    %dma_start3A_17 = arith.constant 0 : i32
    %dma_start3A_18 = arith.constant 0 : i32
    %dma_start3A_19 = tpu.memref_slice %dma_start3A_16[%dma_start3A_17, %dma_start3A_18] : memref<10000x64xf32, #tpu.memory_space<hbm>> -> memref<10000x64xf32, #tpu.memory_space<hbm>>
    tpu.enqueue_indirect_dma source(%dma_start3A_19 : memref<10000x64xf32, #tpu.memory_space<hbm>>) target(%arg10 : memref<128x64xf32, #tpu.memory_space<vmem>>) offsets(%dma_start3A_12 : memref<128xi32, #tpu.memory_space<vmem>>) semaphore(%arg19 : memref<!tpu.dma_semaphore, #tpu.memory_space<semaphore_mem>>)
    %dma_start3A_20 = arith.constant 0 : i32
    %dma_start3A_21 = arith.constant 0 : i32
    %dma_start3A_22 = arith.constant 0 : i32
    %dma_start3A_23 = tpu.memref_slice %arg8[%dma_start3A_21, %dma_start3A_22] : memref<8x128xi32, #tpu.memory_space<vmem>> -> memref<1x128xi32, #tpu.memory_space<vmem>>
    %dma_start3A_24 = tpu.memref_squeeze %dma_start3A_23 : memref<1x128xi32, #tpu.memory_space<vmem>> -> memref<128xi32, #tpu.memory_space<vmem>>
    %dma_start3A_25 = arith.constant 0 : i32
    %dma_start3A_26 = tpu.memref_slice %arg3[%arg1, %dma_start3A_20, %dma_start3A_25] : memref<16x160x128xi32, #tpu.memory_space<hbm>> -> memref<1x1x128xi32, #tpu.memory_space<hbm>>
    %dma_start3A_27 = tpu.memref_squeeze %dma_start3A_26 : memref<1x1x128xi32, #tpu.memory_space<hbm>> -> memref<128xi32, #tpu.memory_space<hbm>>
    %dma_start3A_28 = arith.constant 0 : i32
    %dma_start3A_29 = tpu.memref_slice %arg8[%dma_start3A_21, %dma_start3A_28] : memref<8x128xi32, #tpu.memory_space<vmem>> -> memref<1x128xi32, #tpu.memory_space<vmem>>
    %dma_start3A_30 = tpu.memref_squeeze %dma_start3A_29 : memref<1x128xi32, #tpu.memory_space<vmem>> -> memref<128xi32, #tpu.memory_space<vmem>>
    %dma_start3A_31 = arith.constant 0 : i32
    %dma_start3A_32 = tpu.memref_slice %arg3[%arg1, %dma_start3A_20, %dma_start3A_31] : memref<16x160x128xi32, #tpu.memory_space<hbm>> -> memref<1x1x128xi32, #tpu.memory_space<hbm>>
    %dma_start3A_33 = tpu.memref_squeeze %dma_start3A_32 : memref<1x1x128xi32, #tpu.memory_space<hbm>> -> memref<128xi32, #tpu.memory_space<hbm>>
    tpu.enqueue_dma source(%dma_start3A_33 : memref<128xi32, #tpu.memory_space<hbm>>) target(%dma_start3A_30 : memref<128xi32, #tpu.memory_space<vmem>>) target_semaphore(%arg19 : memref<!tpu.dma_semaphore, #tpu.memory_space<semaphore_mem>>)
    %dma_start3A_34 = arith.constant 0 : i32
    %dma_start3A_35 = arith.constant 0 : i32
    %dma_start3A_36 = arith.constant 0 : i32
    %dma_start3A_37 = tpu.memref_slice %arg9[%dma_start3A_35, %dma_start3A_36] : memref<8x128xf32, #tpu.memory_space<vmem>> -> memref<1x128xf32, #tpu.memory_space<vmem>>
    %dma_start3A_38 = tpu.memref_squeeze %dma_start3A_37 : memref<1x128xf32, #tpu.memory_space<vmem>> -> memref<128xf32, #tpu.memory_space<vmem>>
    %dma_start3A_39 = arith.constant 0 : i32
    %dma_start3A_40 = tpu.memref_slice %arg5[%arg1, %dma_start3A_34, %dma_start3A_39] : memref<16x160x128xf32, #tpu.memory_space<hbm>> -> memref<1x1x128xf32, #tpu.memory_space<hbm>>
    %dma_start3A_41 = tpu.memref_squeeze %dma_start3A_40 : memref<1x1x128xf32, #tpu.memory_space<hbm>> -> memref<128xf32, #tpu.memory_space<hbm>>
    %dma_start3A_42 = arith.constant 0 : i32
    %dma_start3A_43 = tpu.memref_slice %arg9[%dma_start3A_35, %dma_start3A_42] : memref<8x128xf32, #tpu.memory_space<vmem>> -> memref<1x128xf32, #tpu.memory_space<vmem>>
    %dma_start3A_44 = tpu.memref_squeeze %dma_start3A_43 : memref<1x128xf32, #tpu.memory_space<vmem>> -> memref<128xf32, #tpu.memory_space<vmem>>
    %dma_start3A_45 = arith.constant 0 : i32
    %dma_start3A_46 = tpu.memref_slice %arg5[%arg1, %dma_start3A_34, %dma_start3A_45] : memref<16x160x128xf32, #tpu.memory_space<hbm>> -> memref<1x1x128xf32, #tpu.memory_space<hbm>>
    %dma_start3A_47 = tpu.memref_squeeze %dma_start3A_46 : memref<1x1x128xf32, #tpu.memory_space<hbm>> -> memref<128xf32, #tpu.memory_space<hbm>>
    tpu.enqueue_dma source(%dma_start3A_47 : memref<128xf32, #tpu.memory_space<hbm>>) target(%dma_start3A_44 : memref<128xf32, #tpu.memory_space<vmem>>) target_semaphore(%arg19 : memref<!tpu.dma_semaphore, #tpu.memory_space<semaphore_mem>>)
    %dma_start3A_48 = arith.constant 1 : i32
    %dma_start3A_49 = arith.constant 0 : i32
    %dma_start3A_50 = tpu.memref_slice %arg7[%dma_start3A_48, %dma_start3A_49] : memref<160x128xi32, #tpu.memory_space<vmem>> -> memref<1x128xi32, #tpu.memory_space<vmem>>
    %dma_start3A_51 = tpu.memref_squeeze %dma_start3A_50 : memref<1x128xi32, #tpu.memory_space<vmem>> -> memref<128xi32, #tpu.memory_space<vmem>>
    %dma_start3A_52 = arith.constant 0 : i32
    %dma_start3A_53 = arith.constant 0 : i32
    %dma_start3A_54 = tpu.memref_slice %arg2[%arg0, %dma_start3A_52, %dma_start3A_53] : memref<2x10000x64xf32, #tpu.memory_space<hbm>> -> memref<1x10000x64xf32, #tpu.memory_space<hbm>>
    %dma_start3A_55 = tpu.memref_squeeze %dma_start3A_54 : memref<1x10000x64xf32, #tpu.memory_space<hbm>> -> memref<10000x64xf32, #tpu.memory_space<hbm>>
    %dma_start3A_56 = arith.constant 0 : i32
    %dma_start3A_57 = arith.constant 0 : i32
    %dma_start3A_58 = tpu.memref_slice %dma_start3A_55[%dma_start3A_56, %dma_start3A_57] : memref<10000x64xf32, #tpu.memory_space<hbm>> -> memref<10000x64xf32, #tpu.memory_space<hbm>>
    tpu.enqueue_indirect_dma source(%dma_start3A_58 : memref<10000x64xf32, #tpu.memory_space<hbm>>) target(%arg11 : memref<128x64xf32, #tpu.memory_space<vmem>>) offsets(%dma_start3A_51 : memref<128xi32, #tpu.memory_space<vmem>>) semaphore(%arg20 : memref<!tpu.dma_semaphore, #tpu.memory_space<semaphore_mem>>)
    %dma_start3A_59 = arith.constant 1 : i32
    %dma_start3A_60 = arith.constant 1 : i32
    %dma_start3A_61 = arith.constant 0 : i32
    %dma_start3A_62 = tpu.memref_slice %arg8[%dma_start3A_60, %dma_start3A_61] : memref<8x128xi32, #tpu.memory_space<vmem>> -> memref<1x128xi32, #tpu.memory_space<vmem>>
    %dma_start3A_63 = tpu.memref_squeeze %dma_start3A_62 : memref<1x128xi32, #tpu.memory_space<vmem>> -> memref<128xi32, #tpu.memory_space<vmem>>
    %dma_start3A_64 = arith.constant 0 : i32
    %dma_start3A_65 = tpu.memref_slice %arg3[%arg1, %dma_start3A_59, %dma_start3A_64] : memref<16x160x128xi32, #tpu.memory_space<hbm>> -> memref<1x1x128xi32, #tpu.memory_space<hbm>>
    %dma_start3A_66 = tpu.memref_squeeze %dma_start3A_65 : memref<1x1x128xi32, #tpu.memory_space<hbm>> -> memref<128xi32, #tpu.memory_space<hbm>>
    %dma_start3A_67 = arith.constant 0 : i32
    %dma_start3A_68 = tpu.memref_slice %arg8[%dma_start3A_60, %dma_start3A_67] : memref<8x128xi32, #tpu.memory_space<vmem>> -> memref<1x128xi32, #tpu.memory_space<vmem>>
    %dma_start3A_69 = tpu.memref_squeeze %dma_start3A_68 : memref<1x128xi32, #tpu.memory_space<vmem>> -> memref<128xi32, #tpu.memory_space<vmem>>
    %dma_start3A_70 = arith.constant 0 : i32
    %dma_start3A_71 = tpu.memref_slice %arg3[%arg1, %dma_start3A_59, %dma_start3A_70] : memref<16x160x128xi32, #tpu.memory_space<hbm>> -> memref<1x1x128xi32, #tpu.memory_space<hbm>>
    %dma_start3A_72 = tpu.memref_squeeze %dma_start3A_71 : memref<1x1x128xi32, #tpu.memory_space<hbm>> -> memref<128xi32, #tpu.memory_space<hbm>>
    tpu.enqueue_dma source(%dma_start3A_72 : memref<128xi32, #tpu.memory_space<hbm>>) target(%dma_start3A_69 : memref<128xi32, #tpu.memory_space<vmem>>) target_semaphore(%arg20 : memref<!tpu.dma_semaphore, #tpu.memory_space<semaphore_mem>>)
    %dma_start3A_73 = arith.constant 1 : i32
    %dma_start3A_74 = arith.constant 1 : i32
    %dma_start3A_75 = arith.constant 0 : i32
    %dma_start3A_76 = tpu.memref_slice %arg9[%dma_start3A_74, %dma_start3A_75] : memref<8x128xf32, #tpu.memory_space<vmem>> -> memref<1x128xf32, #tpu.memory_space<vmem>>
    %dma_start3A_77 = tpu.memref_squeeze %dma_start3A_76 : memref<1x128xf32, #tpu.memory_space<vmem>> -> memref<128xf32, #tpu.memory_space<vmem>>
    %dma_start3A_78 = arith.constant 0 : i32
    %dma_start3A_79 = tpu.memref_slice %arg5[%arg1, %dma_start3A_73, %dma_start3A_78] : memref<16x160x128xf32, #tpu.memory_space<hbm>> -> memref<1x1x128xf32, #tpu.memory_space<hbm>>
    %dma_start3A_80 = tpu.memref_squeeze %dma_start3A_79 : memref<1x1x128xf32, #tpu.memory_space<hbm>> -> memref<128xf32, #tpu.memory_space<hbm>>
    %dma_start3A_81 = arith.constant 0 : i32
    %dma_start3A_82 = tpu.memref_slice %arg9[%dma_start3A_74, %dma_start3A_81] : memref<8x128xf32, #tpu.memory_space<vmem>> -> memref<1x128xf32, #tpu.memory_space<vmem>>
    %dma_start3A_83 = tpu.memref_squeeze %dma_start3A_82 : memref<1x128xf32, #tpu.memory_space<vmem>> -> memref<128xf32, #tpu.memory_space<vmem>>
    %dma_start3A_84 = arith.constant 0 : i32
    %dma_start3A_85 = tpu.memref_slice %arg5[%arg1, %dma_start3A_73, %dma_start3A_84] : memref<16x160x128xf32, #tpu.memory_space<hbm>> -> memref<1x1x128xf32, #tpu.memory_space<hbm>>
    %dma_start3A_86 = tpu.memref_squeeze %dma_start3A_85 : memref<1x1x128xf32, #tpu.memory_space<hbm>> -> memref<128xf32, #tpu.memory_space<hbm>>
    tpu.enqueue_dma source(%dma_start3A_86 : memref<128xf32, #tpu.memory_space<hbm>>) target(%dma_start3A_83 : memref<128xf32, #tpu.memory_space<vmem>>) target_semaphore(%arg20 : memref<!tpu.dma_semaphore, #tpu.memory_space<semaphore_mem>>)
    %dma_start3A_87 = arith.constant 2 : i32
    %dma_start3A_88 = arith.constant 0 : i32
    %dma_start3A_89 = tpu.memref_slice %arg7[%dma_start3A_87, %dma_start3A_88] : memref<160x128xi32, #tpu.memory_space<vmem>> -> memref<1x128xi32, #tpu.memory_space<vmem>>
    %dma_start3A_90 = tpu.memref_squeeze %dma_start3A_89 : memref<1x128xi32, #tpu.memory_space<vmem>> -> memref<128xi32, #tpu.memory_space<vmem>>
    %dma_start3A_91 = arith.constant 0 : i32
    %dma_start3A_92 = arith.constant 0 : i32
    %dma_start3A_93 = tpu.memref_slice %arg2[%arg0, %dma_start3A_91, %dma_start3A_92] : memref<2x10000x64xf32, #tpu.memory_space<hbm>> -> memref<1x10000x64xf32, #tpu.memory_space<hbm>>
    %dma_start3A_94 = tpu.memref_squeeze %dma_start3A_93 : memref<1x10000x64xf32, #tpu.memory_space<hbm>> -> memref<10000x64xf32, #tpu.memory_space<hbm>>
    %dma_start3A_95 = arith.constant 0 : i32
    %dma_start3A_96 = arith.constant 0 : i32
    %dma_start3A_97 = tpu.memref_slice %dma_start3A_94[%dma_start3A_95, %dma_start3A_96] : memref<10000x64xf32, #tpu.memory_space<hbm>> -> memref<10000x64xf32, #tpu.memory_space<hbm>>
    tpu.enqueue_indirect_dma source(%dma_start3A_97 : memref<10000x64xf32, #tpu.memory_space<hbm>>) target(%arg12 : memref<128x64xf32, #tpu.memory_space<vmem>>) offsets(%dma_start3A_90 : memref<128xi32, #tpu.memory_space<vmem>>) semaphore(%arg21 : memref<!tpu.dma_semaphore, #tpu.memory_space<semaphore_mem>>)
    %dma_start3A_98 = arith.constant 2 : i32
    %dma_start3A_99 = arith.constant 2 : i32
    %dma_start3A_100 = arith.constant 0 : i32
    %dma_start3A_101 = tpu.memref_slice %arg8[%dma_start3A_99, %dma_start3A_100] : memref<8x128xi32, #tpu.memory_space<vmem>> -> memref<1x128xi32, #tpu.memory_space<vmem>>
    %dma_start3A_102 = tpu.memref_squeeze %dma_start3A_101 : memref<1x128xi32, #tpu.memory_space<vmem>> -> memref<128xi32, #tpu.memory_space<vmem>>
    %dma_start3A_103 = arith.constant 0 : i32
    %dma_start3A_104 = tpu.memref_slice %arg3[%arg1, %dma_start3A_98, %dma_start3A_103] : memref<16x160x128xi32, #tpu.memory_space<hbm>> -> memref<1x1x128xi32, #tpu.memory_space<hbm>>
    %dma_start3A_105 = tpu.memref_squeeze %dma_start3A_104 : memref<1x1x128xi32, #tpu.memory_space<hbm>> -> memref<128xi32, #tpu.memory_space<hbm>>
    %dma_start3A_106 = arith.constant 0 : i32
    %dma_start3A_107 = tpu.memref_slice %arg8[%dma_start3A_99, %dma_start3A_106] : memref<8x128xi32, #tpu.memory_space<vmem>> -> memref<1x128xi32, #tpu.memory_space<vmem>>
    %dma_start3A_108 = tpu.memref_squeeze %dma_start3A_107 : memref<1x128xi32, #tpu.memory_space<vmem>> -> memref<128xi32, #tpu.memory_space<vmem>>
    %dma_start3A_109 = arith.constant 0 : i32
    %dma_start3A_110 = tpu.memref_slice %arg3[%arg1, %dma_start3A_98, %dma_start3A_109] : memref<16x160x128xi32, #tpu.memory_space<hbm>> -> memref<1x1x128xi32, #tpu.memory_space<hbm>>
    %dma_start3A_111 = tpu.memref_squeeze %dma_start3A_110 : memref<1x1x128xi32, #tpu.memory_space<hbm>> -> memref<128xi32, #tpu.memory_space<hbm>>
    tpu.enqueue_dma source(%dma_start3A_111 : memref<128xi32, #tpu.memory_space<hbm>>) target(%dma_start3A_108 : memref<128xi32, #tpu.memory_space<vmem>>) target_semaphore(%arg21 : memref<!tpu.dma_semaphore, #tpu.memory_space<semaphore_mem>>)
    %dma_start3A_112 = arith.constant 2 : i32
    %dma_start3A_113 = arith.constant 2 : i32
    %dma_start3A_114 = arith.constant 0 : i32
    %dma_start3A_115 = tpu.memref_slice %arg9[%dma_start3A_113, %dma_start3A_114] : memref<8x128xf32, #tpu.memory_space<vmem>> -> memref<1x128xf32, #tpu.memory_space<vmem>>
    %dma_start3A_116 = tpu.memref_squeeze %dma_start3A_115 : memref<1x128xf32, #tpu.memory_space<vmem>> -> memref<128xf32, #tpu.memory_space<vmem>>
    %dma_start3A_117 = arith.constant 0 : i32
    %dma_start3A_118 = tpu.memref_slice %arg5[%arg1, %dma_start3A_112, %dma_start3A_117] : memref<16x160x128xf32, #tpu.memory_space<hbm>> -> memref<1x1x128xf32, #tpu.memory_space<hbm>>
    %dma_start3A_119 = tpu.memref_squeeze %dma_start3A_118 : memref<1x1x128xf32, #tpu.memory_space<hbm>> -> memref<128xf32, #tpu.memory_space<hbm>>
    %dma_start3A_120 = arith.constant 0 : i32
    %dma_start3A_121 = tpu.memref_slice %arg9[%dma_start3A_113, %dma_start3A_120] : memref<8x128xf32, #tpu.memory_space<vmem>> -> memref<1x128xf32, #tpu.memory_space<vmem>>
    %dma_start3A_122 = tpu.memref_squeeze %dma_start3A_121 : memref<1x128xf32, #tpu.memory_space<vmem>> -> memref<128xf32, #tpu.memory_space<vmem>>
    %dma_start3A_123 = arith.constant 0 : i32
    %dma_start3A_124 = tpu.memref_slice %arg5[%arg1, %dma_start3A_112, %dma_start3A_123] : memref<16x160x128xf32, #tpu.memory_space<hbm>> -> memref<1x1x128xf32, #tpu.memory_space<hbm>>
    %dma_start3A_125 = tpu.memref_squeeze %dma_start3A_124 : memref<1x1x128xf32, #tpu.memory_space<hbm>> -> memref<128xf32, #tpu.memory_space<hbm>>
    tpu.enqueue_dma source(%dma_start3A_125 : memref<128xf32, #tpu.memory_space<hbm>>) target(%dma_start3A_122 : memref<128xf32, #tpu.memory_space<vmem>>) target_semaphore(%arg21 : memref<!tpu.dma_semaphore, #tpu.memory_space<semaphore_mem>>)
    %dma_start3A_126 = arith.constant 3 : i32
    %dma_start3A_127 = arith.constant 0 : i32
    %dma_start3A_128 = tpu.memref_slice %arg7[%dma_start3A_126, %dma_start3A_127] : memref<160x128xi32, #tpu.memory_space<vmem>> -> memref<1x128xi32, #tpu.memory_space<vmem>>
    %dma_start3A_129 = tpu.memref_squeeze %dma_start3A_128 : memref<1x128xi32, #tpu.memory_space<vmem>> -> memref<128xi32, #tpu.memory_space<vmem>>
    %dma_start3A_130 = arith.constant 0 : i32
    %dma_start3A_131 = arith.constant 0 : i32
    %dma_start3A_132 = tpu.memref_slice %arg2[%arg0, %dma_start3A_130, %dma_start3A_131] : memref<2x10000x64xf32, #tpu.memory_space<hbm>> -> memref<1x10000x64xf32, #tpu.memory_space<hbm>>
    %dma_start3A_133 = tpu.memref_squeeze %dma_start3A_132 : memref<1x10000x64xf32, #tpu.memory_space<hbm>> -> memref<10000x64xf32, #tpu.memory_space<hbm>>
    %dma_start3A_134 = arith.constant 0 : i32
    %dma_start3A_135 = arith.constant 0 : i32
    %dma_start3A_136 = tpu.memref_slice %dma_start3A_133[%dma_start3A_134, %dma_start3A_135] : memref<10000x64xf32, #tpu.memory_space<hbm>> -> memref<10000x64xf32, #tpu.memory_space<hbm>>
    tpu.enqueue_indirect_dma source(%dma_start3A_136 : memref<10000x64xf32, #tpu.memory_space<hbm>>) target(%arg13 : memref<128x64xf32, #tpu.memory_space<vmem>>) offsets(%dma_start3A_129 : memref<128xi32, #tpu.memory_space<vmem>>) semaphore(%arg22 : memref<!tpu.dma_semaphore, #tpu.memory_space<semaphore_mem>>)
    %dma_start3A_137 = arith.constant 3 : i32
    %dma_start3A_138 = arith.constant 3 : i32
    %dma_start3A_139 = arith.constant 0 : i32
    %dma_start3A_140 = tpu.memref_slice %arg8[%dma_start3A_138, %dma_start3A_139] : memref<8x128xi32, #tpu.memory_space<vmem>> -> memref<1x128xi32, #tpu.memory_space<vmem>>
    %dma_start3A_141 = tpu.memref_squeeze %dma_start3A_140 : memref<1x128xi32, #tpu.memory_space<vmem>> -> memref<128xi32, #tpu.memory_space<vmem>>
    %dma_start3A_142 = arith.constant 0 : i32
    %dma_start3A_143 = tpu.memref_slice %arg3[%arg1, %dma_start3A_137, %dma_start3A_142] : memref<16x160x128xi32, #tpu.memory_space<hbm>> -> memref<1x1x128xi32, #tpu.memory_space<hbm>>
    %dma_start3A_144 = tpu.memref_squeeze %dma_start3A_143 : memref<1x1x128xi32, #tpu.memory_space<hbm>> -> memref<128xi32, #tpu.memory_space<hbm>>
    %dma_start3A_145 = arith.constant 0 : i32
    %dma_start3A_146 = tpu.memref_slice %arg8[%dma_start3A_138, %dma_start3A_145] : memref<8x128xi32, #tpu.memory_space<vmem>> -> memref<1x128xi32, #tpu.memory_space<vmem>>
    %dma_start3A_147 = tpu.memref_squeeze %dma_start3A_146 : memref<1x128xi32, #tpu.memory_space<vmem>> -> memref<128xi32, #tpu.memory_space<vmem>>
    %dma_start3A_148 = arith.constant 0 : i32
    %dma_start3A_149 = tpu.memref_slice %arg3[%arg1, %dma_start3A_137, %dma_start3A_148] : memref<16x160x128xi32, #tpu.memory_space<hbm>> -> memref<1x1x128xi32, #tpu.memory_space<hbm>>
    %dma_start3A_150 = tpu.memref_squeeze %dma_start3A_149 : memref<1x1x128xi32, #tpu.memory_space<hbm>> -> memref<128xi32, #tpu.memory_space<hbm>>
    tpu.enqueue_dma source(%dma_start3A_150 : memref<128xi32, #tpu.memory_space<hbm>>) target(%dma_start3A_147 : memref<128xi32, #tpu.memory_space<vmem>>) target_semaphore(%arg22 : memref<!tpu.dma_semaphore, #tpu.memory_space<semaphore_mem>>)
    %dma_start3A_151 = arith.constant 3 : i32
    %dma_start3A_152 = arith.constant 3 : i32
    %dma_start3A_153 = arith.constant 0 : i32
    %dma_start3A_154 = tpu.memref_slice %arg9[%dma_start3A_152, %dma_start3A_153] : memref<8x128xf32, #tpu.memory_space<vmem>> -> memref<1x128xf32, #tpu.memory_space<vmem>>
    %dma_start3A_155 = tpu.memref_squeeze %dma_start3A_154 : memref<1x128xf32, #tpu.memory_space<vmem>> -> memref<128xf32, #tpu.memory_space<vmem>>
    %dma_start3A_156 = arith.constant 0 : i32
    %dma_start3A_157 = tpu.memref_slice %arg5[%arg1, %dma_start3A_151, %dma_start3A_156] : memref<16x160x128xf32, #tpu.memory_space<hbm>> -> memref<1x1x128xf32, #tpu.memory_space<hbm>>
    %dma_start3A_158 = tpu.memref_squeeze %dma_start3A_157 : memref<1x1x128xf32, #tpu.memory_space<hbm>> -> memref<128xf32, #tpu.memory_space<hbm>>
    %dma_start3A_159 = arith.constant 0 : i32
    %dma_start3A_160 = tpu.memref_slice %arg9[%dma_start3A_152, %dma_start3A_159] : memref<8x128xf32, #tpu.memory_space<vmem>> -> memref<1x128xf32, #tpu.memory_space<vmem>>
    %dma_start3A_161 = tpu.memref_squeeze %dma_start3A_160 : memref<1x128xf32, #tpu.memory_space<vmem>> -> memref<128xf32, #tpu.memory_space<vmem>>
    %dma_start3A_162 = arith.constant 0 : i32
    %dma_start3A_163 = tpu.memref_slice %arg5[%arg1, %dma_start3A_151, %dma_start3A_162] : memref<16x160x128xf32, #tpu.memory_space<hbm>> -> memref<1x1x128xf32, #tpu.memory_space<hbm>>
    %dma_start3A_164 = tpu.memref_squeeze %dma_start3A_163 : memref<1x1x128xf32, #tpu.memory_space<hbm>> -> memref<128xf32, #tpu.memory_space<hbm>>
    tpu.enqueue_dma source(%dma_start3A_164 : memref<128xf32, #tpu.memory_space<hbm>>) target(%dma_start3A_161 : memref<128xf32, #tpu.memory_space<vmem>>) target_semaphore(%arg22 : memref<!tpu.dma_semaphore, #tpu.memory_space<semaphore_mem>>)
    %scan3A_165 = arith.constant 0 : i32
    %scan3A_166 = arith.constant 20 : i32
    %scan3A_167 = arith.addi %scan3A_165, %scan3A_166 : i32
    %scan3A_168 = arith.constant 1 : i32
    scf.for %scan3A_198 = %scan3A_165 to %scan3A_167 step %scan3A_168  : i32 {
      %mul3A_199 = arith.constant 8 : i32
      %mul3A_200 = arith.muli %scan3A_198, %mul3A_199 : i32
      %add3A = arith.constant 0 : i32
      %add3A_201 = arith.addi %add3A, %mul3A_200 : i32
      %add3A_202 = arith.constant 0 : i32
      %add3A_203 = arith.addi %add3A_201, %add3A_202 : i32
      %ge3A = arith.constant 4 : i32
      %ge3A_204 = arith.cmpi sge, %add3A_203, %ge3A : i32
      %convert_element_type3A = arith.extui %ge3A_204 : i1 to i32
      %cond3A = arith.constant 0 : i32
      %cond3A_205 = arith.cmpi ne, %convert_element_type3A, %cond3A : i32
      scf.if %cond3A_205 {
        %dma_wait3A_692 = arith.constant 4 : i32
        %dma_wait3A_693 = arith.constant 0 : i32
        %dma_wait3A_694 = tpu.memref_slice %arg8[%dma_wait3A_692, %dma_wait3A_693] : memref<8x128xi32, #tpu.memory_space<vmem>> -> memref<1x128xi32, #tpu.memory_space<vmem>>
        %dma_wait3A_695 = tpu.memref_squeeze %dma_wait3A_694 : memref<1x128xi32, #tpu.memory_space<vmem>> -> memref<128xi32, #tpu.memory_space<vmem>>
        %dma_wait3A_696 = arith.constant 0 : i32
        %dma_wait3A_697 = arith.constant 0 : i32
        %dma_wait3A_698 = tpu.memref_slice %arg18[%dma_wait3A_696, %dma_wait3A_697] : memref<10240x64xf32, #tpu.memory_space<vmem_shared>> -> memref<10240x64xf32, #tpu.memory_space<vmem_shared>>
        tpu.wait_indirect_dma semaphore(%arg31 : memref<!tpu.dma_semaphore, #tpu.memory_space<semaphore_mem>>) src(%arg14 : memref<128x64xf32, #tpu.memory_space<vmem>>) dst(%dma_wait3A_698 : memref<10240x64xf32, #tpu.memory_space<vmem_shared>>)
      } else {
      }
      %add3A_206 = arith.constant 4 : i32
      %add3A_207 = arith.addi %add3A_203, %add3A_206 : i32
      %lt3A = arith.constant 160 : i32
      %lt3A_208 = arith.cmpi slt, %add3A_207, %lt3A : i32
      %convert_element_type3A_209 = arith.extui %lt3A_208 : i1 to i32
      %cond3A_210 = arith.constant 0 : i32
      %cond3A_211 = arith.cmpi ne, %convert_element_type3A_209, %cond3A_210 : i32
      scf.if %cond3A_211 {
        %add3A_692 = arith.constant 4 : i32
        %add3A_693 = arith.addi %add3A_203, %add3A_692 : i32
        %dma_start3A_694 = arith.constant 0 : i32
        %dma_start3A_695 = tpu.memref_slice %arg7[%add3A_693, %dma_start3A_694] : memref<160x128xi32, #tpu.memory_space<vmem>> -> memref<1x128xi32, #tpu.memory_space<vmem>>
        %dma_start3A_696 = tpu.memref_squeeze %dma_start3A_695 : memref<1x128xi32, #tpu.memory_space<vmem>> -> memref<128xi32, #tpu.memory_space<vmem>>
        %dma_start3A_697 = arith.constant 0 : i32
        %dma_start3A_698 = arith.constant 0 : i32
        %dma_start3A_699 = tpu.memref_slice %arg2[%arg0, %dma_start3A_697, %dma_start3A_698] : memref<2x10000x64xf32, #tpu.memory_space<hbm>> -> memref<1x10000x64xf32, #tpu.memory_space<hbm>>
        %dma_start3A_700 = tpu.memref_squeeze %dma_start3A_699 : memref<1x10000x64xf32, #tpu.memory_space<hbm>> -> memref<10000x64xf32, #tpu.memory_space<hbm>>
        %dma_start3A_701 = arith.constant 0 : i32
        %dma_start3A_702 = arith.constant 0 : i32
        %dma_start3A_703 = tpu.memref_slice %dma_start3A_700[%dma_start3A_701, %dma_start3A_702] : memref<10000x64xf32, #tpu.memory_space<hbm>> -> memref<10000x64xf32, #tpu.memory_space<hbm>>
        tpu.enqueue_indirect_dma source(%dma_start3A_703 : memref<10000x64xf32, #tpu.memory_space<hbm>>) target(%arg14 : memref<128x64xf32, #tpu.memory_space<vmem>>) offsets(%dma_start3A_696 : memref<128xi32, #tpu.memory_space<vmem>>) semaphore(%arg23 : memref<!tpu.dma_semaphore, #tpu.memory_space<semaphore_mem>>)
        %dma_start3A_704 = arith.constant 4 : i32
        %dma_start3A_705 = arith.constant 0 : i32
        %dma_start3A_706 = tpu.memref_slice %arg8[%dma_start3A_704, %dma_start3A_705] : memref<8x128xi32, #tpu.memory_space<vmem>> -> memref<1x128xi32, #tpu.memory_space<vmem>>
        %dma_start3A_707 = tpu.memref_squeeze %dma_start3A_706 : memref<1x128xi32, #tpu.memory_space<vmem>> -> memref<128xi32, #tpu.memory_space<vmem>>
        %dma_start3A_708 = arith.constant 0 : i32
        %dma_start3A_709 = tpu.memref_slice %arg3[%arg1, %add3A_693, %dma_start3A_708] : memref<16x160x128xi32, #tpu.memory_space<hbm>> -> memref<1x1x128xi32, #tpu.memory_space<hbm>>
        %dma_start3A_710 = tpu.memref_squeeze %dma_start3A_709 : memref<1x1x128xi32, #tpu.memory_space<hbm>> -> memref<128xi32, #tpu.memory_space<hbm>>
        %dma_start3A_711 = arith.constant 0 : i32
        %dma_start3A_712 = tpu.memref_slice %arg8[%dma_start3A_704, %dma_start3A_711] : memref<8x128xi32, #tpu.memory_space<vmem>> -> memref<1x128xi32, #tpu.memory_space<vmem>>
        %dma_start3A_713 = tpu.memref_squeeze %dma_start3A_712 : memref<1x128xi32, #tpu.memory_space<vmem>> -> memref<128xi32, #tpu.memory_space<vmem>>
        %dma_start3A_714 = arith.constant 0 : i32
        %dma_start3A_715 = tpu.memref_slice %arg3[%arg1, %add3A_693, %dma_start3A_714] : memref<16x160x128xi32, #tpu.memory_space<hbm>> -> memref<1x1x128xi32, #tpu.memory_space<hbm>>
        %dma_start3A_716 = tpu.memref_squeeze %dma_start3A_715 : memref<1x1x128xi32, #tpu.memory_space<hbm>> -> memref<128xi32, #tpu.memory_space<hbm>>
        tpu.enqueue_dma source(%dma_start3A_716 : memref<128xi32, #tpu.memory_space<hbm>>) target(%dma_start3A_713 : memref<128xi32, #tpu.memory_space<vmem>>) target_semaphore(%arg23 : memref<!tpu.dma_semaphore, #tpu.memory_space<semaphore_mem>>)
        %dma_start3A_717 = arith.constant 4 : i32
        %dma_start3A_718 = arith.constant 0 : i32
        %dma_start3A_719 = tpu.memref_slice %arg9[%dma_start3A_717, %dma_start3A_718] : memref<8x128xf32, #tpu.memory_space<vmem>> -> memref<1x128xf32, #tpu.memory_space<vmem>>
        %dma_start3A_720 = tpu.memref_squeeze %dma_start3A_719 : memref<1x128xf32, #tpu.memory_space<vmem>> -> memref<128xf32, #tpu.memory_space<vmem>>
        %dma_start3A_721 = arith.constant 0 : i32
        %dma_start3A_722 = tpu.memref_slice %arg5[%arg1, %add3A_693, %dma_start3A_721] : memref<16x160x128xf32, #tpu.memory_space<hbm>> -> memref<1x1x128xf32, #tpu.memory_space<hbm>>
        %dma_start3A_723 = tpu.memref_squeeze %dma_start3A_722 : memref<1x1x128xf32, #tpu.memory_space<hbm>> -> memref<128xf32, #tpu.memory_space<hbm>>
        %dma_start3A_724 = arith.constant 0 : i32
        %dma_start3A_725 = tpu.memref_slice %arg9[%dma_start3A_717, %dma_start3A_724] : memref<8x128xf32, #tpu.memory_space<vmem>> -> memref<1x128xf32, #tpu.memory_space<vmem>>
        %dma_start3A_726 = tpu.memref_squeeze %dma_start3A_725 : memref<1x128xf32, #tpu.memory_space<vmem>> -> memref<128xf32, #tpu.memory_space<vmem>>
        %dma_start3A_727 = arith.constant 0 : i32
        %dma_start3A_728 = tpu.memref_slice %arg5[%arg1, %add3A_693, %dma_start3A_727] : memref<16x160x128xf32, #tpu.memory_space<hbm>> -> memref<1x1x128xf32, #tpu.memory_space<hbm>>
        %dma_start3A_729 = tpu.memref_squeeze %dma_start3A_728 : memref<1x1x128xf32, #tpu.memory_space<hbm>> -> memref<128xf32, #tpu.memory_space<hbm>>
        tpu.enqueue_dma source(%dma_start3A_729 : memref<128xf32, #tpu.memory_space<hbm>>) target(%dma_start3A_726 : memref<128xf32, #tpu.memory_space<vmem>>) target_semaphore(%arg23 : memref<!tpu.dma_semaphore, #tpu.memory_space<semaphore_mem>>)
      } else {
      }
      %dma_wait3A_212 = arith.constant 0 : i32
      %dma_wait3A_213 = tpu.memref_slice %arg7[%add3A_203, %dma_wait3A_212] : memref<160x128xi32, #tpu.memory_space<vmem>> -> memref<1x128xi32, #tpu.memory_space<vmem>>
      %dma_wait3A_214 = tpu.memref_squeeze %dma_wait3A_213 : memref<1x128xi32, #tpu.memory_space<vmem>> -> memref<128xi32, #tpu.memory_space<vmem>>
      %dma_wait3A_215 = arith.constant 0 : i32
      %dma_wait3A_216 = arith.constant 0 : i32
      %dma_wait3A_217 = tpu.memref_slice %arg2[%arg0, %dma_wait3A_215, %dma_wait3A_216] : memref<2x10000x64xf32, #tpu.memory_space<hbm>> -> memref<1x10000x64xf32, #tpu.memory_space<hbm>>
      %dma_wait3A_218 = tpu.memref_squeeze %dma_wait3A_217 : memref<1x10000x64xf32, #tpu.memory_space<hbm>> -> memref<10000x64xf32, #tpu.memory_space<hbm>>
      %dma_wait3A_219 = arith.constant 0 : i32
      %dma_wait3A_220 = arith.constant 0 : i32
      %dma_wait3A_221 = tpu.memref_slice %dma_wait3A_218[%dma_wait3A_219, %dma_wait3A_220] : memref<10000x64xf32, #tpu.memory_space<hbm>> -> memref<10000x64xf32, #tpu.memory_space<hbm>>
      tpu.wait_indirect_dma semaphore(%arg19 : memref<!tpu.dma_semaphore, #tpu.memory_space<semaphore_mem>>) src(%dma_wait3A_221 : memref<10000x64xf32, #tpu.memory_space<hbm>>) dst(%arg10 : memref<128x64xf32, #tpu.memory_space<vmem>>)
      %dma_wait3A_222 = arith.constant 0 : i32
      %dma_wait3A_223 = arith.constant 0 : i32
      %dma_wait3A_224 = tpu.memref_slice %arg8[%dma_wait3A_222, %dma_wait3A_223] : memref<8x128xi32, #tpu.memory_space<vmem>> -> memref<1x128xi32, #tpu.memory_space<vmem>>
      %dma_wait3A_225 = tpu.memref_squeeze %dma_wait3A_224 : memref<1x128xi32, #tpu.memory_space<vmem>> -> memref<128xi32, #tpu.memory_space<vmem>>
      %dma_wait3A_226 = arith.constant 0 : i32
      %dma_wait3A_227 = tpu.memref_slice %arg3[%arg1, %add3A_203, %dma_wait3A_226] : memref<16x160x128xi32, #tpu.memory_space<hbm>> -> memref<1x1x128xi32, #tpu.memory_space<hbm>>
      %dma_wait3A_228 = tpu.memref_squeeze %dma_wait3A_227 : memref<1x1x128xi32, #tpu.memory_space<hbm>> -> memref<128xi32, #tpu.memory_space<hbm>>
      %dma_wait3A_229 = arith.constant 0 : i32
      %dma_wait3A_230 = tpu.memref_slice %arg8[%dma_wait3A_222, %dma_wait3A_229] : memref<8x128xi32, #tpu.memory_space<vmem>> -> memref<1x128xi32, #tpu.memory_space<vmem>>
      %dma_wait3A_231 = tpu.memref_squeeze %dma_wait3A_230 : memref<1x128xi32, #tpu.memory_space<vmem>> -> memref<128xi32, #tpu.memory_space<vmem>>
      %dma_wait3A_232 = arith.constant 0 : i32
      %dma_wait3A_233 = tpu.memref_slice %arg3[%arg1, %add3A_203, %dma_wait3A_232] : memref<16x160x128xi32, #tpu.memory_space<hbm>> -> memref<1x1x128xi32, #tpu.memory_space<hbm>>
      %dma_wait3A_234 = tpu.memref_squeeze %dma_wait3A_233 : memref<1x1x128xi32, #tpu.memory_space<hbm>> -> memref<128xi32, #tpu.memory_space<hbm>>
      tpu.wait_dma2 semaphore(%arg19 : memref<!tpu.dma_semaphore, #tpu.memory_space<semaphore_mem>>) src(%dma_wait3A_234 : memref<128xi32, #tpu.memory_space<hbm>>) dst(%dma_wait3A_231 : memref<128xi32, #tpu.memory_space<vmem>>)
      %dma_wait3A_235 = arith.constant 0 : i32
      %dma_wait3A_236 = arith.constant 0 : i32
      %dma_wait3A_237 = tpu.memref_slice %arg9[%dma_wait3A_235, %dma_wait3A_236] : memref<8x128xf32, #tpu.memory_space<vmem>> -> memref<1x128xf32, #tpu.memory_space<vmem>>
      %dma_wait3A_238 = tpu.memref_squeeze %dma_wait3A_237 : memref<1x128xf32, #tpu.memory_space<vmem>> -> memref<128xf32, #tpu.memory_space<vmem>>
      %dma_wait3A_239 = arith.constant 0 : i32
      %dma_wait3A_240 = tpu.memref_slice %arg5[%arg1, %add3A_203, %dma_wait3A_239] : memref<16x160x128xf32, #tpu.memory_space<hbm>> -> memref<1x1x128xf32, #tpu.memory_space<hbm>>
      %dma_wait3A_241 = tpu.memref_squeeze %dma_wait3A_240 : memref<1x1x128xf32, #tpu.memory_space<hbm>> -> memref<128xf32, #tpu.memory_space<hbm>>
      %dma_wait3A_242 = arith.constant 0 : i32
      %dma_wait3A_243 = tpu.memref_slice %arg9[%dma_wait3A_235, %dma_wait3A_242] : memref<8x128xf32, #tpu.memory_space<vmem>> -> memref<1x128xf32, #tpu.memory_space<vmem>>
      %dma_wait3A_244 = tpu.memref_squeeze %dma_wait3A_243 : memref<1x128xf32, #tpu.memory_space<vmem>> -> memref<128xf32, #tpu.memory_space<vmem>>
      %dma_wait3A_245 = arith.constant 0 : i32
      %dma_wait3A_246 = tpu.memref_slice %arg5[%arg1, %add3A_203, %dma_wait3A_245] : memref<16x160x128xf32, #tpu.memory_space<hbm>> -> memref<1x1x128xf32, #tpu.memory_space<hbm>>
      %dma_wait3A_247 = tpu.memref_squeeze %dma_wait3A_246 : memref<1x1x128xf32, #tpu.memory_space<hbm>> -> memref<128xf32, #tpu.memory_space<hbm>>
      tpu.wait_dma2 semaphore(%arg19 : memref<!tpu.dma_semaphore, #tpu.memory_space<semaphore_mem>>) src(%dma_wait3A_247 : memref<128xf32, #tpu.memory_space<hbm>>) dst(%dma_wait3A_244 : memref<128xf32, #tpu.memory_space<vmem>>)
      %broadcast_in_dim3A = arith.constant 0 : i32
      %broadcast_in_dim3A_248 = vector.broadcast %broadcast_in_dim3A : i32 to vector<16xi32>
      %parallel_loop3A = arith.constant 0 : i32
      %parallel_loop3A_249 = arith.constant 128 : i32
      %parallel_loop3A_250 = arith.constant 1 : i32
      scf.for %parallel_loop3A_692 = %parallel_loop3A to %parallel_loop3A_249 step %parallel_loop3A_250  : i32 {
        %parallel_loop3A_693 = vector.broadcast %parallel_loop3A_692 : i32 to vector<16xi32>
        %parallel_loop3A_694 = tpu.vector_load_idx %arg9[%broadcast_in_dim3A_248, %parallel_loop3A_693] : memref<8x128xf32, #tpu.memory_space<vmem>>[vector<16xi32>, vector<16xi32>], vector<16xf32>,
        %parallel_loop3A_695 = arith.index_cast %parallel_loop3A_692 : i32 to index
        %parallel_loop3A_696 = arith.constant 0 : index
        %parallel_loop3A_697 = tpu.vector_load %arg10[%parallel_loop3A_695, %parallel_loop3A_696] {strides = array<i32>} : memref<128x64xf32, #tpu.memory_space<vmem>>, vector<16xf32>,
        %parallel_loop3A_698 = arith.mulf %parallel_loop3A_697, %parallel_loop3A_694 : vector<16xf32>
        %parallel_loop3A_699 = arith.index_cast %parallel_loop3A_692 : i32 to index
        %parallel_loop3A_700 = arith.constant 0 : index
        %parallel_loop3A_701 = tpu.vector_load %arg10[%parallel_loop3A_699, %parallel_loop3A_700] {strides = array<i32>} : memref<128x64xf32, #tpu.memory_space<vmem>>, vector<16xf32>,
        tpu.vector_store %arg10[%parallel_loop3A_699, %parallel_loop3A_700], %parallel_loop3A_698 {strides = array<i32>} : memref<128x64xf32, #tpu.memory_space<vmem>>, vector<16xf32>,
        %parallel_loop3A_702 = arith.index_cast %parallel_loop3A_692 : i32 to index
        %parallel_loop3A_703 = arith.constant 16 : index
        %parallel_loop3A_704 = tpu.vector_load %arg10[%parallel_loop3A_702, %parallel_loop3A_703] {strides = array<i32>} : memref<128x64xf32, #tpu.memory_space<vmem>>, vector<16xf32>,
        %parallel_loop3A_705 = arith.mulf %parallel_loop3A_704, %parallel_loop3A_694 : vector<16xf32>
        %parallel_loop3A_706 = arith.index_cast %parallel_loop3A_692 : i32 to index
        %parallel_loop3A_707 = arith.constant 16 : index
        %parallel_loop3A_708 = tpu.vector_load %arg10[%parallel_loop3A_706, %parallel_loop3A_707] {strides = array<i32>} : memref<128x64xf32, #tpu.memory_space<vmem>>, vector<16xf32>,
        tpu.vector_store %arg10[%parallel_loop3A_706, %parallel_loop3A_707], %parallel_loop3A_705 {strides = array<i32>} : memref<128x64xf32, #tpu.memory_space<vmem>>, vector<16xf32>,
        %parallel_loop3A_709 = arith.index_cast %parallel_loop3A_692 : i32 to index
        %parallel_loop3A_710 = arith.constant 32 : index
        %parallel_loop3A_711 = tpu.vector_load %arg10[%parallel_loop3A_709, %parallel_loop3A_710] {strides = array<i32>} : memref<128x64xf32, #tpu.memory_space<vmem>>, vector<16xf32>,
        %parallel_loop3A_712 = arith.mulf %parallel_loop3A_711, %parallel_loop3A_694 : vector<16xf32>
        %parallel_loop3A_713 = arith.index_cast %parallel_loop3A_692 : i32 to index
        %parallel_loop3A_714 = arith.constant 32 : index
        %parallel_loop3A_715 = tpu.vector_load %arg10[%parallel_loop3A_713, %parallel_loop3A_714] {strides = array<i32>} : memref<128x64xf32, #tpu.memory_space<vmem>>, vector<16xf32>,
        tpu.vector_store %arg10[%parallel_loop3A_713, %parallel_loop3A_714], %parallel_loop3A_712 {strides = array<i32>} : memref<128x64xf32, #tpu.memory_space<vmem>>, vector<16xf32>,
        %parallel_loop3A_716 = arith.index_cast %parallel_loop3A_692 : i32 to index
        %parallel_loop3A_717 = arith.constant 48 : index
        %parallel_loop3A_718 = tpu.vector_load %arg10[%parallel_loop3A_716, %parallel_loop3A_717] {strides = array<i32>} : memref<128x64xf32, #tpu.memory_space<vmem>>, vector<16xf32>,
        %parallel_loop3A_719 = arith.mulf %parallel_loop3A_718, %parallel_loop3A_694 : vector<16xf32>
        %parallel_loop3A_720 = arith.index_cast %parallel_loop3A_692 : i32 to index
        %parallel_loop3A_721 = arith.constant 48 : index
        %parallel_loop3A_722 = tpu.vector_load %arg10[%parallel_loop3A_720, %parallel_loop3A_721] {strides = array<i32>} : memref<128x64xf32, #tpu.memory_space<vmem>>, vector<16xf32>,
        tpu.vector_store %arg10[%parallel_loop3A_720, %parallel_loop3A_721], %parallel_loop3A_719 {strides = array<i32>} : memref<128x64xf32, #tpu.memory_space<vmem>>, vector<16xf32>,
      } {sc.loop_unroll_factor = 8 : i64, sc.parallel_access}
      %dma_start3A_251 = arith.constant 0 : i32
      %dma_start3A_252 = arith.constant 0 : i32
      %dma_start3A_253 = tpu.memref_slice %arg8[%dma_start3A_251, %dma_start3A_252] : memref<8x128xi32, #tpu.memory_space<vmem>> -> memref<1x128xi32, #tpu.memory_space<vmem>>
      %dma_start3A_254 = tpu.memref_squeeze %dma_start3A_253 : memref<1x128xi32, #tpu.memory_space<vmem>> -> memref<128xi32, #tpu.memory_space<vmem>>
      %dma_start3A_255 = arith.constant 0 : i32
      %dma_start3A_256 = arith.constant 0 : i32
      %dma_start3A_257 = tpu.memref_slice %arg18[%dma_start3A_255, %dma_start3A_256] : memref<10240x64xf32, #tpu.memory_space<vmem_shared>> -> memref<10240x64xf32, #tpu.memory_space<vmem_shared>>
      tpu.enqueue_indirect_dma source(%arg10 : memref<128x64xf32, #tpu.memory_space<vmem>>) target(%dma_start3A_257 : memref<10240x64xf32, #tpu.memory_space<vmem_shared>>) offsets(%dma_start3A_254 : memref<128xi32, #tpu.memory_space<vmem>>) semaphore(%arg27 : memref<!tpu.dma_semaphore, #tpu.memory_space<semaphore_mem>>) {add = true}
      %add3A_258 = arith.constant 1 : i32
      %add3A_259 = arith.addi %add3A_201, %add3A_258 : i32
      %ge3A_260 = arith.constant 4 : i32
      %ge3A_261 = arith.cmpi sge, %add3A_259, %ge3A_260 : i32
      %convert_element_type3A_262 = arith.extui %ge3A_261 : i1 to i32
      %cond3A_263 = arith.constant 0 : i32
      %cond3A_264 = arith.cmpi ne, %convert_element_type3A_262, %cond3A_263 : i32
      scf.if %cond3A_264 {
        %dma_wait3A_692 = arith.constant 5 : i32
        %dma_wait3A_693 = arith.constant 0 : i32
        %dma_wait3A_694 = tpu.memref_slice %arg8[%dma_wait3A_692, %dma_wait3A_693] : memref<8x128xi32, #tpu.memory_space<vmem>> -> memref<1x128xi32, #tpu.memory_space<vmem>>
        %dma_wait3A_695 = tpu.memref_squeeze %dma_wait3A_694 : memref<1x128xi32, #tpu.memory_space<vmem>> -> memref<128xi32, #tpu.memory_space<vmem>>
        %dma_wait3A_696 = arith.constant 0 : i32
        %dma_wait3A_697 = arith.constant 0 : i32
        %dma_wait3A_698 = tpu.memref_slice %arg18[%dma_wait3A_696, %dma_wait3A_697] : memref<10240x64xf32, #tpu.memory_space<vmem_shared>> -> memref<10240x64xf32, #tpu.memory_space<vmem_shared>>
        tpu.wait_indirect_dma semaphore(%arg32 : memref<!tpu.dma_semaphore, #tpu.memory_space<semaphore_mem>>) src(%arg15 : memref<128x64xf32, #tpu.memory_space<vmem>>) dst(%dma_wait3A_698 : memref<10240x64xf32, #tpu.memory_space<vmem_shared>>)
      } else {
      }
      %add3A_265 = arith.constant 4 : i32
      %add3A_266 = arith.addi %add3A_259, %add3A_265 : i32
      %lt3A_267 = arith.constant 160 : i32
      %lt3A_268 = arith.cmpi slt, %add3A_266, %lt3A_267 : i32
      %convert_element_type3A_269 = arith.extui %lt3A_268 : i1 to i32
      %cond3A_270 = arith.constant 0 : i32
      %cond3A_271 = arith.cmpi ne, %convert_element_type3A_269, %cond3A_270 : i32
      scf.if %cond3A_271 {
        %add3A_692 = arith.constant 4 : i32
        %add3A_693 = arith.addi %add3A_259, %add3A_692 : i32
        %dma_start3A_694 = arith.constant 0 : i32
        %dma_start3A_695 = tpu.memref_slice %arg7[%add3A_693, %dma_start3A_694] : memref<160x128xi32, #tpu.memory_space<vmem>> -> memref<1x128xi32, #tpu.memory_space<vmem>>
        %dma_start3A_696 = tpu.memref_squeeze %dma_start3A_695 : memref<1x128xi32, #tpu.memory_space<vmem>> -> memref<128xi32, #tpu.memory_space<vmem>>
        %dma_start3A_697 = arith.constant 0 : i32
        %dma_start3A_698 = arith.constant 0 : i32
        %dma_start3A_699 = tpu.memref_slice %arg2[%arg0, %dma_start3A_697, %dma_start3A_698] : memref<2x10000x64xf32, #tpu.memory_space<hbm>> -> memref<1x10000x64xf32, #tpu.memory_space<hbm>>
        %dma_start3A_700 = tpu.memref_squeeze %dma_start3A_699 : memref<1x10000x64xf32, #tpu.memory_space<hbm>> -> memref<10000x64xf32, #tpu.memory_space<hbm>>
        %dma_start3A_701 = arith.constant 0 : i32
        %dma_start3A_702 = arith.constant 0 : i32
        %dma_start3A_703 = tpu.memref_slice %dma_start3A_700[%dma_start3A_701, %dma_start3A_702] : memref<10000x64xf32, #tpu.memory_space<hbm>> -> memref<10000x64xf32, #tpu.memory_space<hbm>>
        tpu.enqueue_indirect_dma source(%dma_start3A_703 : memref<10000x64xf32, #tpu.memory_space<hbm>>) target(%arg15 : memref<128x64xf32, #tpu.memory_space<vmem>>) offsets(%dma_start3A_696 : memref<128xi32, #tpu.memory_space<vmem>>) semaphore(%arg24 : memref<!tpu.dma_semaphore, #tpu.memory_space<semaphore_mem>>)
        %dma_start3A_704 = arith.constant 5 : i32
        %dma_start3A_705 = arith.constant 0 : i32
        %dma_start3A_706 = tpu.memref_slice %arg8[%dma_start3A_704, %dma_start3A_705] : memref<8x128xi32, #tpu.memory_space<vmem>> -> memref<1x128xi32, #tpu.memory_space<vmem>>
        %dma_start3A_707 = tpu.memref_squeeze %dma_start3A_706 : memref<1x128xi32, #tpu.memory_space<vmem>> -> memref<128xi32, #tpu.memory_space<vmem>>
        %dma_start3A_708 = arith.constant 0 : i32
        %dma_start3A_709 = tpu.memref_slice %arg3[%arg1, %add3A_693, %dma_start3A_708] : memref<16x160x128xi32, #tpu.memory_space<hbm>> -> memref<1x1x128xi32, #tpu.memory_space<hbm>>
        %dma_start3A_710 = tpu.memref_squeeze %dma_start3A_709 : memref<1x1x128xi32, #tpu.memory_space<hbm>> -> memref<128xi32, #tpu.memory_space<hbm>>
        %dma_start3A_711 = arith.constant 0 : i32
        %dma_start3A_712 = tpu.memref_slice %arg8[%dma_start3A_704, %dma_start3A_711] : memref<8x128xi32, #tpu.memory_space<vmem>> -> memref<1x128xi32, #tpu.memory_space<vmem>>
        %dma_start3A_713 = tpu.memref_squeeze %dma_start3A_712 : memref<1x128xi32, #tpu.memory_space<vmem>> -> memref<128xi32, #tpu.memory_space<vmem>>
        %dma_start3A_714 = arith.constant 0 : i32
        %dma_start3A_715 = tpu.memref_slice %arg3[%arg1, %add3A_693, %dma_start3A_714] : memref<16x160x128xi32, #tpu.memory_space<hbm>> -> memref<1x1x128xi32, #tpu.memory_space<hbm>>
        %dma_start3A_716 = tpu.memref_squeeze %dma_start3A_715 : memref<1x1x128xi32, #tpu.memory_space<hbm>> -> memref<128xi32, #tpu.memory_space<hbm>>
        tpu.enqueue_dma source(%dma_start3A_716 : memref<128xi32, #tpu.memory_space<hbm>>) target(%dma_start3A_713 : memref<128xi32, #tpu.memory_space<vmem>>) target_semaphore(%arg24 : memref<!tpu.dma_semaphore, #tpu.memory_space<semaphore_mem>>)
        %dma_start3A_717 = arith.constant 5 : i32
        %dma_start3A_718 = arith.constant 0 : i32
        %dma_start3A_719 = tpu.memref_slice %arg9[%dma_start3A_717, %dma_start3A_718] : memref<8x128xf32, #tpu.memory_space<vmem>> -> memref<1x128xf32, #tpu.memory_space<vmem>>
        %dma_start3A_720 = tpu.memref_squeeze %dma_start3A_719 : memref<1x128xf32, #tpu.memory_space<vmem>> -> memref<128xf32, #tpu.memory_space<vmem>>
        %dma_start3A_721 = arith.constant 0 : i32
        %dma_start3A_722 = tpu.memref_slice %arg5[%arg1, %add3A_693, %dma_start3A_721] : memref<16x160x128xf32, #tpu.memory_space<hbm>> -> memref<1x1x128xf32, #tpu.memory_space<hbm>>
        %dma_start3A_723 = tpu.memref_squeeze %dma_start3A_722 : memref<1x1x128xf32, #tpu.memory_space<hbm>> -> memref<128xf32, #tpu.memory_space<hbm>>
        %dma_start3A_724 = arith.constant 0 : i32
        %dma_start3A_725 = tpu.memref_slice %arg9[%dma_start3A_717, %dma_start3A_724] : memref<8x128xf32, #tpu.memory_space<vmem>> -> memref<1x128xf32, #tpu.memory_space<vmem>>
        %dma_start3A_726 = tpu.memref_squeeze %dma_start3A_725 : memref<1x128xf32, #tpu.memory_space<vmem>> -> memref<128xf32, #tpu.memory_space<vmem>>
        %dma_start3A_727 = arith.constant 0 : i32
        %dma_start3A_728 = tpu.memref_slice %arg5[%arg1, %add3A_693, %dma_start3A_727] : memref<16x160x128xf32, #tpu.memory_space<hbm>> -> memref<1x1x128xf32, #tpu.memory_space<hbm>>
        %dma_start3A_729 = tpu.memref_squeeze %dma_start3A_728 : memref<1x1x128xf32, #tpu.memory_space<hbm>> -> memref<128xf32, #tpu.memory_space<hbm>>
        tpu.enqueue_dma source(%dma_start3A_729 : memref<128xf32, #tpu.memory_space<hbm>>) target(%dma_start3A_726 : memref<128xf32, #tpu.memory_space<vmem>>) target_semaphore(%arg24 : memref<!tpu.dma_semaphore, #tpu.memory_space<semaphore_mem>>)
      } else {
      }
      %dma_wait3A_272 = arith.constant 0 : i32
      %dma_wait3A_273 = tpu.memref_slice %arg7[%add3A_259, %dma_wait3A_272] : memref<160x128xi32, #tpu.memory_space<vmem>> -> memref<1x128xi32, #tpu.memory_space<vmem>>
      %dma_wait3A_274 = tpu.memref_squeeze %dma_wait3A_273 : memref<1x128xi32, #tpu.memory_space<vmem>> -> memref<128xi32, #tpu.memory_space<vmem>>
      %dma_wait3A_275 = arith.constant 0 : i32
      %dma_wait3A_276 = arith.constant 0 : i32
      %dma_wait3A_277 = tpu.memref_slice %arg2[%arg0, %dma_wait3A_275, %dma_wait3A_276] : memref<2x10000x64xf32, #tpu.memory_space<hbm>> -> memref<1x10000x64xf32, #tpu.memory_space<hbm>>
      %dma_wait3A_278 = tpu.memref_squeeze %dma_wait3A_277 : memref<1x10000x64xf32, #tpu.memory_space<hbm>> -> memref<10000x64xf32, #tpu.memory_space<hbm>>
      %dma_wait3A_279 = arith.constant 0 : i32
      %dma_wait3A_280 = arith.constant 0 : i32
      %dma_wait3A_281 = tpu.memref_slice %dma_wait3A_278[%dma_wait3A_279, %dma_wait3A_280] : memref<10000x64xf32, #tpu.memory_space<hbm>> -> memref<10000x64xf32, #tpu.memory_space<hbm>>
      tpu.wait_indirect_dma semaphore(%arg20 : memref<!tpu.dma_semaphore, #tpu.memory_space<semaphore_mem>>) src(%dma_wait3A_281 : memref<10000x64xf32, #tpu.memory_space<hbm>>) dst(%arg11 : memref<128x64xf32, #tpu.memory_space<vmem>>)
      %dma_wait3A_282 = arith.constant 1 : i32
      %dma_wait3A_283 = arith.constant 0 : i32
      %dma_wait3A_284 = tpu.memref_slice %arg8[%dma_wait3A_282, %dma_wait3A_283] : memref<8x128xi32, #tpu.memory_space<vmem>> -> memref<1x128xi32, #tpu.memory_space<vmem>>
      %dma_wait3A_285 = tpu.memref_squeeze %dma_wait3A_284 : memref<1x128xi32, #tpu.memory_space<vmem>> -> memref<128xi32, #tpu.memory_space<vmem>>
      %dma_wait3A_286 = arith.constant 0 : i32
      %dma_wait3A_287 = tpu.memref_slice %arg3[%arg1, %add3A_259, %dma_wait3A_286] : memref<16x160x128xi32, #tpu.memory_space<hbm>> -> memref<1x1x128xi32, #tpu.memory_space<hbm>>
      %dma_wait3A_288 = tpu.memref_squeeze %dma_wait3A_287 : memref<1x1x128xi32, #tpu.memory_space<hbm>> -> memref<128xi32, #tpu.memory_space<hbm>>
      %dma_wait3A_289 = arith.constant 0 : i32
      %dma_wait3A_290 = tpu.memref_slice %arg8[%dma_wait3A_282, %dma_wait3A_289] : memref<8x128xi32, #tpu.memory_space<vmem>> -> memref<1x128xi32, #tpu.memory_space<vmem>>
      %dma_wait3A_291 = tpu.memref_squeeze %dma_wait3A_290 : memref<1x128xi32, #tpu.memory_space<vmem>> -> memref<128xi32, #tpu.memory_space<vmem>>
      %dma_wait3A_292 = arith.constant 0 : i32
      %dma_wait3A_293 = tpu.memref_slice %arg3[%arg1, %add3A_259, %dma_wait3A_292] : memref<16x160x128xi32, #tpu.memory_space<hbm>> -> memref<1x1x128xi32, #tpu.memory_space<hbm>>
      %dma_wait3A_294 = tpu.memref_squeeze %dma_wait3A_293 : memref<1x1x128xi32, #tpu.memory_space<hbm>> -> memref<128xi32, #tpu.memory_space<hbm>>
      tpu.wait_dma2 semaphore(%arg20 : memref<!tpu.dma_semaphore, #tpu.memory_space<semaphore_mem>>) src(%dma_wait3A_294 : memref<128xi32, #tpu.memory_space<hbm>>) dst(%dma_wait3A_291 : memref<128xi32, #tpu.memory_space<vmem>>)
      %dma_wait3A_295 = arith.constant 1 : i32
      %dma_wait3A_296 = arith.constant 0 : i32
      %dma_wait3A_297 = tpu.memref_slice %arg9[%dma_wait3A_295, %dma_wait3A_296] : memref<8x128xf32, #tpu.memory_space<vmem>> -> memref<1x128xf32, #tpu.memory_space<vmem>>
      %dma_wait3A_298 = tpu.memref_squeeze %dma_wait3A_297 : memref<1x128xf32, #tpu.memory_space<vmem>> -> memref<128xf32, #tpu.memory_space<vmem>>
      %dma_wait3A_299 = arith.constant 0 : i32
      %dma_wait3A_300 = tpu.memref_slice %arg5[%arg1, %add3A_259, %dma_wait3A_299] : memref<16x160x128xf32, #tpu.memory_space<hbm>> -> memref<1x1x128xf32, #tpu.memory_space<hbm>>
      %dma_wait3A_301 = tpu.memref_squeeze %dma_wait3A_300 : memref<1x1x128xf32, #tpu.memory_space<hbm>> -> memref<128xf32, #tpu.memory_space<hbm>>
      %dma_wait3A_302 = arith.constant 0 : i32
      %dma_wait3A_303 = tpu.memref_slice %arg9[%dma_wait3A_295, %dma_wait3A_302] : memref<8x128xf32, #tpu.memory_space<vmem>> -> memref<1x128xf32, #tpu.memory_space<vmem>>
      %dma_wait3A_304 = tpu.memref_squeeze %dma_wait3A_303 : memref<1x128xf32, #tpu.memory_space<vmem>> -> memref<128xf32, #tpu.memory_space<vmem>>
      %dma_wait3A_305 = arith.constant 0 : i32
      %dma_wait3A_306 = tpu.memref_slice %arg5[%arg1, %add3A_259, %dma_wait3A_305] : memref<16x160x128xf32, #tpu.memory_space<hbm>> -> memref<1x1x128xf32, #tpu.memory_space<hbm>>
      %dma_wait3A_307 = tpu.memref_squeeze %dma_wait3A_306 : memref<1x1x128xf32, #tpu.memory_space<hbm>> -> memref<128xf32, #tpu.memory_space<hbm>>
      tpu.wait_dma2 semaphore(%arg20 : memref<!tpu.dma_semaphore, #tpu.memory_space<semaphore_mem>>) src(%dma_wait3A_307 : memref<128xf32, #tpu.memory_space<hbm>>) dst(%dma_wait3A_304 : memref<128xf32, #tpu.memory_space<vmem>>)
      %broadcast_in_dim3A_308 = arith.constant 1 : i32
      %broadcast_in_dim3A_309 = vector.broadcast %broadcast_in_dim3A_308 : i32 to vector<16xi32>
      %parallel_loop3A_310 = arith.constant 0 : i32
      %parallel_loop3A_311 = arith.constant 128 : i32
      %parallel_loop3A_312 = arith.constant 1 : i32
      scf.for %parallel_loop3A_692 = %parallel_loop3A_310 to %parallel_loop3A_311 step %parallel_loop3A_312  : i32 {
        %parallel_loop3A_693 = vector.broadcast %parallel_loop3A_692 : i32 to vector<16xi32>
        %parallel_loop3A_694 = tpu.vector_load_idx %arg9[%broadcast_in_dim3A_309, %parallel_loop3A_693] : memref<8x128xf32, #tpu.memory_space<vmem>>[vector<16xi32>, vector<16xi32>], vector<16xf32>,
        %parallel_loop3A_695 = arith.index_cast %parallel_loop3A_692 : i32 to index
        %parallel_loop3A_696 = arith.constant 0 : index
        %parallel_loop3A_697 = tpu.vector_load %arg11[%parallel_loop3A_695, %parallel_loop3A_696] {strides = array<i32>} : memref<128x64xf32, #tpu.memory_space<vmem>>, vector<16xf32>,
        %parallel_loop3A_698 = arith.mulf %parallel_loop3A_697, %parallel_loop3A_694 : vector<16xf32>
        %parallel_loop3A_699 = arith.index_cast %parallel_loop3A_692 : i32 to index
        %parallel_loop3A_700 = arith.constant 0 : index
        %parallel_loop3A_701 = tpu.vector_load %arg11[%parallel_loop3A_699, %parallel_loop3A_700] {strides = array<i32>} : memref<128x64xf32, #tpu.memory_space<vmem>>, vector<16xf32>,
        tpu.vector_store %arg11[%parallel_loop3A_699, %parallel_loop3A_700], %parallel_loop3A_698 {strides = array<i32>} : memref<128x64xf32, #tpu.memory_space<vmem>>, vector<16xf32>,
        %parallel_loop3A_702 = arith.index_cast %parallel_loop3A_692 : i32 to index
        %parallel_loop3A_703 = arith.constant 16 : index
        %parallel_loop3A_704 = tpu.vector_load %arg11[%parallel_loop3A_702, %parallel_loop3A_703] {strides = array<i32>} : memref<128x64xf32, #tpu.memory_space<vmem>>, vector<16xf32>,
        %parallel_loop3A_705 = arith.mulf %parallel_loop3A_704, %parallel_loop3A_694 : vector<16xf32>
        %parallel_loop3A_706 = arith.index_cast %parallel_loop3A_692 : i32 to index
        %parallel_loop3A_707 = arith.constant 16 : index
        %parallel_loop3A_708 = tpu.vector_load %arg11[%parallel_loop3A_706, %parallel_loop3A_707] {strides = array<i32>} : memref<128x64xf32, #tpu.memory_space<vmem>>, vector<16xf32>,
        tpu.vector_store %arg11[%parallel_loop3A_706, %parallel_loop3A_707], %parallel_loop3A_705 {strides = array<i32>} : memref<128x64xf32, #tpu.memory_space<vmem>>, vector<16xf32>,
        %parallel_loop3A_709 = arith.index_cast %parallel_loop3A_692 : i32 to index
        %parallel_loop3A_710 = arith.constant 32 : index
        %parallel_loop3A_711 = tpu.vector_load %arg11[%parallel_loop3A_709, %parallel_loop3A_710] {strides = array<i32>} : memref<128x64xf32, #tpu.memory_space<vmem>>, vector<16xf32>,
        %parallel_loop3A_712 = arith.mulf %parallel_loop3A_711, %parallel_loop3A_694 : vector<16xf32>
        %parallel_loop3A_713 = arith.index_cast %parallel_loop3A_692 : i32 to index
        %parallel_loop3A_714 = arith.constant 32 : index
        %parallel_loop3A_715 = tpu.vector_load %arg11[%parallel_loop3A_713, %parallel_loop3A_714] {strides = array<i32>} : memref<128x64xf32, #tpu.memory_space<vmem>>, vector<16xf32>,
        tpu.vector_store %arg11[%parallel_loop3A_713, %parallel_loop3A_714], %parallel_loop3A_712 {strides = array<i32>} : memref<128x64xf32, #tpu.memory_space<vmem>>, vector<16xf32>,
        %parallel_loop3A_716 = arith.index_cast %parallel_loop3A_692 : i32 to index
        %parallel_loop3A_717 = arith.constant 48 : index
        %parallel_loop3A_718 = tpu.vector_load %arg11[%parallel_loop3A_716, %parallel_loop3A_717] {strides = array<i32>} : memref<128x64xf32, #tpu.memory_space<vmem>>, vector<16xf32>,
        %parallel_loop3A_719 = arith.mulf %parallel_loop3A_718, %parallel_loop3A_694 : vector<16xf32>
        %parallel_loop3A_720 = arith.index_cast %parallel_loop3A_692 : i32 to index
        %parallel_loop3A_721 = arith.constant 48 : index
        %parallel_loop3A_722 = tpu.vector_load %arg11[%parallel_loop3A_720, %parallel_loop3A_721] {strides = array<i32>} : memref<128x64xf32, #tpu.memory_space<vmem>>, vector<16xf32>,
        tpu.vector_store %arg11[%parallel_loop3A_720, %parallel_loop3A_721], %parallel_loop3A_719 {strides = array<i32>} : memref<128x64xf32, #tpu.memory_space<vmem>>, vector<16xf32>,
      } {sc.loop_unroll_factor = 8 : i64, sc.parallel_access}
      %dma_start3A_313 = arith.constant 1 : i32
      %dma_start3A_314 = arith.constant 0 : i32
      %dma_start3A_315 = tpu.memref_slice %arg8[%dma_start3A_313, %dma_start3A_314] : memref<8x128xi32, #tpu.memory_space<vmem>> -> memref<1x128xi32, #tpu.memory_space<vmem>>
      %dma_start3A_316 = tpu.memref_squeeze %dma_start3A_315 : memref<1x128xi32, #tpu.memory_space<vmem>> -> memref<128xi32, #tpu.memory_space<vmem>>
      %dma_start3A_317 = arith.constant 0 : i32
      %dma_start3A_318 = arith.constant 0 : i32
      %dma_start3A_319 = tpu.memref_slice %arg18[%dma_start3A_317, %dma_start3A_318] : memref<10240x64xf32, #tpu.memory_space<vmem_shared>> -> memref<10240x64xf32, #tpu.memory_space<vmem_shared>>
      tpu.enqueue_indirect_dma source(%arg11 : memref<128x64xf32, #tpu.memory_space<vmem>>) target(%dma_start3A_319 : memref<10240x64xf32, #tpu.memory_space<vmem_shared>>) offsets(%dma_start3A_316 : memref<128xi32, #tpu.memory_space<vmem>>) semaphore(%arg28 : memref<!tpu.dma_semaphore, #tpu.memory_space<semaphore_mem>>) {add = true}
      %add3A_320 = arith.constant 2 : i32
      %add3A_321 = arith.addi %add3A_201, %add3A_320 : i32
      %ge3A_322 = arith.constant 4 : i32
      %ge3A_323 = arith.cmpi sge, %add3A_321, %ge3A_322 : i32
      %convert_element_type3A_324 = arith.extui %ge3A_323 : i1 to i32
      %cond3A_325 = arith.constant 0 : i32
      %cond3A_326 = arith.cmpi ne, %convert_element_type3A_324, %cond3A_325 : i32
      scf.if %cond3A_326 {
        %dma_wait3A_692 = arith.constant 6 : i32
        %dma_wait3A_693 = arith.constant 0 : i32
        %dma_wait3A_694 = tpu.memref_slice %arg8[%dma_wait3A_692, %dma_wait3A_693] : memref<8x128xi32, #tpu.memory_space<vmem>> -> memref<1x128xi32, #tpu.memory_space<vmem>>
        %dma_wait3A_695 = tpu.memref_squeeze %dma_wait3A_694 : memref<1x128xi32, #tpu.memory_space<vmem>> -> memref<128xi32, #tpu.memory_space<vmem>>
        %dma_wait3A_696 = arith.constant 0 : i32
        %dma_wait3A_697 = arith.constant 0 : i32
        %dma_wait3A_698 = tpu.memref_slice %arg18[%dma_wait3A_696, %dma_wait3A_697] : memref<10240x64xf32, #tpu.memory_space<vmem_shared>> -> memref<10240x64xf32, #tpu.memory_space<vmem_shared>>
        tpu.wait_indirect_dma semaphore(%arg33 : memref<!tpu.dma_semaphore, #tpu.memory_space<semaphore_mem>>) src(%arg16 : memref<128x64xf32, #tpu.memory_space<vmem>>) dst(%dma_wait3A_698 : memref<10240x64xf32, #tpu.memory_space<vmem_shared>>)
      } else {
      }
      %add3A_327 = arith.constant 4 : i32
      %add3A_328 = arith.addi %add3A_321, %add3A_327 : i32
      %lt3A_329 = arith.constant 160 : i32
      %lt3A_330 = arith.cmpi slt, %add3A_328, %lt3A_329 : i32
      %convert_element_type3A_331 = arith.extui %lt3A_330 : i1 to i32
      %cond3A_332 = arith.constant 0 : i32
      %cond3A_333 = arith.cmpi ne, %convert_element_type3A_331, %cond3A_332 : i32
      scf.if %cond3A_333 {
        %add3A_692 = arith.constant 4 : i32
        %add3A_693 = arith.addi %add3A_321, %add3A_692 : i32
        %dma_start3A_694 = arith.constant 0 : i32
        %dma_start3A_695 = tpu.memref_slice %arg7[%add3A_693, %dma_start3A_694] : memref<160x128xi32, #tpu.memory_space<vmem>> -> memref<1x128xi32, #tpu.memory_space<vmem>>
        %dma_start3A_696 = tpu.memref_squeeze %dma_start3A_695 : memref<1x128xi32, #tpu.memory_space<vmem>> -> memref<128xi32, #tpu.memory_space<vmem>>
        %dma_start3A_697 = arith.constant 0 : i32
        %dma_start3A_698 = arith.constant 0 : i32
        %dma_start3A_699 = tpu.memref_slice %arg2[%arg0, %dma_start3A_697, %dma_start3A_698] : memref<2x10000x64xf32, #tpu.memory_space<hbm>> -> memref<1x10000x64xf32, #tpu.memory_space<hbm>>
        %dma_start3A_700 = tpu.memref_squeeze %dma_start3A_699 : memref<1x10000x64xf32, #tpu.memory_space<hbm>> -> memref<10000x64xf32, #tpu.memory_space<hbm>>
        %dma_start3A_701 = arith.constant 0 : i32
        %dma_start3A_702 = arith.constant 0 : i32
        %dma_start3A_703 = tpu.memref_slice %dma_start3A_700[%dma_start3A_701, %dma_start3A_702] : memref<10000x64xf32, #tpu.memory_space<hbm>> -> memref<10000x64xf32, #tpu.memory_space<hbm>>
        tpu.enqueue_indirect_dma source(%dma_start3A_703 : memref<10000x64xf32, #tpu.memory_space<hbm>>) target(%arg16 : memref<128x64xf32, #tpu.memory_space<vmem>>) offsets(%dma_start3A_696 : memref<128xi32, #tpu.memory_space<vmem>>) semaphore(%arg25 : memref<!tpu.dma_semaphore, #tpu.memory_space<semaphore_mem>>)
        %dma_start3A_704 = arith.constant 6 : i32
        %dma_start3A_705 = arith.constant 0 : i32
        %dma_start3A_706 = tpu.memref_slice %arg8[%dma_start3A_704, %dma_start3A_705] : memref<8x128xi32, #tpu.memory_space<vmem>> -> memref<1x128xi32, #tpu.memory_space<vmem>>
        %dma_start3A_707 = tpu.memref_squeeze %dma_start3A_706 : memref<1x128xi32, #tpu.memory_space<vmem>> -> memref<128xi32, #tpu.memory_space<vmem>>
        %dma_start3A_708 = arith.constant 0 : i32
        %dma_start3A_709 = tpu.memref_slice %arg3[%arg1, %add3A_693, %dma_start3A_708] : memref<16x160x128xi32, #tpu.memory_space<hbm>> -> memref<1x1x128xi32, #tpu.memory_space<hbm>>
        %dma_start3A_710 = tpu.memref_squeeze %dma_start3A_709 : memref<1x1x128xi32, #tpu.memory_space<hbm>> -> memref<128xi32, #tpu.memory_space<hbm>>
        %dma_start3A_711 = arith.constant 0 : i32
        %dma_start3A_712 = tpu.memref_slice %arg8[%dma_start3A_704, %dma_start3A_711] : memref<8x128xi32, #tpu.memory_space<vmem>> -> memref<1x128xi32, #tpu.memory_space<vmem>>
        %dma_start3A_713 = tpu.memref_squeeze %dma_start3A_712 : memref<1x128xi32, #tpu.memory_space<vmem>> -> memref<128xi32, #tpu.memory_space<vmem>>
        %dma_start3A_714 = arith.constant 0 : i32
        %dma_start3A_715 = tpu.memref_slice %arg3[%arg1, %add3A_693, %dma_start3A_714] : memref<16x160x128xi32, #tpu.memory_space<hbm>> -> memref<1x1x128xi32, #tpu.memory_space<hbm>>
        %dma_start3A_716 = tpu.memref_squeeze %dma_start3A_715 : memref<1x1x128xi32, #tpu.memory_space<hbm>> -> memref<128xi32, #tpu.memory_space<hbm>>
        tpu.enqueue_dma source(%dma_start3A_716 : memref<128xi32, #tpu.memory_space<hbm>>) target(%dma_start3A_713 : memref<128xi32, #tpu.memory_space<vmem>>) target_semaphore(%arg25 : memref<!tpu.dma_semaphore, #tpu.memory_space<semaphore_mem>>)
        %dma_start3A_717 = arith.constant 6 : i32
        %dma_start3A_718 = arith.constant 0 : i32
        %dma_start3A_719 = tpu.memref_slice %arg9[%dma_start3A_717, %dma_start3A_718] : memref<8x128xf32, #tpu.memory_space<vmem>> -> memref<1x128xf32, #tpu.memory_space<vmem>>
        %dma_start3A_720 = tpu.memref_squeeze %dma_start3A_719 : memref<1x128xf32, #tpu.memory_space<vmem>> -> memref<128xf32, #tpu.memory_space<vmem>>
        %dma_start3A_721 = arith.constant 0 : i32
        %dma_start3A_722 = tpu.memref_slice %arg5[%arg1, %add3A_693, %dma_start3A_721] : memref<16x160x128xf32, #tpu.memory_space<hbm>> -> memref<1x1x128xf32, #tpu.memory_space<hbm>>
        %dma_start3A_723 = tpu.memref_squeeze %dma_start3A_722 : memref<1x1x128xf32, #tpu.memory_space<hbm>> -> memref<128xf32, #tpu.memory_space<hbm>>
        %dma_start3A_724 = arith.constant 0 : i32
        %dma_start3A_725 = tpu.memref_slice %arg9[%dma_start3A_717, %dma_start3A_724] : memref<8x128xf32, #tpu.memory_space<vmem>> -> memref<1x128xf32, #tpu.memory_space<vmem>>
        %dma_start3A_726 = tpu.memref_squeeze %dma_start3A_725 : memref<1x128xf32, #tpu.memory_space<vmem>> -> memref<128xf32, #tpu.memory_space<vmem>>
        %dma_start3A_727 = arith.constant 0 : i32
        %dma_start3A_728 = tpu.memref_slice %arg5[%arg1, %add3A_693, %dma_start3A_727] : memref<16x160x128xf32, #tpu.memory_space<hbm>> -> memref<1x1x128xf32, #tpu.memory_space<hbm>>
        %dma_start3A_729 = tpu.memref_squeeze %dma_start3A_728 : memref<1x1x128xf32, #tpu.memory_space<hbm>> -> memref<128xf32, #tpu.memory_space<hbm>>
        tpu.enqueue_dma source(%dma_start3A_729 : memref<128xf32, #tpu.memory_space<hbm>>) target(%dma_start3A_726 : memref<128xf32, #tpu.memory_space<vmem>>) target_semaphore(%arg25 : memref<!tpu.dma_semaphore, #tpu.memory_space<semaphore_mem>>)
      } else {
      }
      %dma_wait3A_334 = arith.constant 0 : i32
      %dma_wait3A_335 = tpu.memref_slice %arg7[%add3A_321, %dma_wait3A_334] : memref<160x128xi32, #tpu.memory_space<vmem>> -> memref<1x128xi32, #tpu.memory_space<vmem>>
      %dma_wait3A_336 = tpu.memref_squeeze %dma_wait3A_335 : memref<1x128xi32, #tpu.memory_space<vmem>> -> memref<128xi32, #tpu.memory_space<vmem>>
      %dma_wait3A_337 = arith.constant 0 : i32
      %dma_wait3A_338 = arith.constant 0 : i32
      %dma_wait3A_339 = tpu.memref_slice %arg2[%arg0, %dma_wait3A_337, %dma_wait3A_338] : memref<2x10000x64xf32, #tpu.memory_space<hbm>> -> memref<1x10000x64xf32, #tpu.memory_space<hbm>>
      %dma_wait3A_340 = tpu.memref_squeeze %dma_wait3A_339 : memref<1x10000x64xf32, #tpu.memory_space<hbm>> -> memref<10000x64xf32, #tpu.memory_space<hbm>>
      %dma_wait3A_341 = arith.constant 0 : i32
      %dma_wait3A_342 = arith.constant 0 : i32
      %dma_wait3A_343 = tpu.memref_slice %dma_wait3A_340[%dma_wait3A_341, %dma_wait3A_342] : memref<10000x64xf32, #tpu.memory_space<hbm>> -> memref<10000x64xf32, #tpu.memory_space<hbm>>
      tpu.wait_indirect_dma semaphore(%arg21 : memref<!tpu.dma_semaphore, #tpu.memory_space<semaphore_mem>>) src(%dma_wait3A_343 : memref<10000x64xf32, #tpu.memory_space<hbm>>) dst(%arg12 : memref<128x64xf32, #tpu.memory_space<vmem>>)
      %dma_wait3A_344 = arith.constant 2 : i32
      %dma_wait3A_345 = arith.constant 0 : i32
      %dma_wait3A_346 = tpu.memref_slice %arg8[%dma_wait3A_344, %dma_wait3A_345] : memref<8x128xi32, #tpu.memory_space<vmem>> -> memref<1x128xi32, #tpu.memory_space<vmem>>
      %dma_wait3A_347 = tpu.memref_squeeze %dma_wait3A_346 : memref<1x128xi32, #tpu.memory_space<vmem>> -> memref<128xi32, #tpu.memory_space<vmem>>
      %dma_wait3A_348 = arith.constant 0 : i32
      %dma_wait3A_349 = tpu.memref_slice %arg3[%arg1, %add3A_321, %dma_wait3A_348] : memref<16x160x128xi32, #tpu.memory_space<hbm>> -> memref<1x1x128xi32, #tpu.memory_space<hbm>>
      %dma_wait3A_350 = tpu.memref_squeeze %dma_wait3A_349 : memref<1x1x128xi32, #tpu.memory_space<hbm>> -> memref<128xi32, #tpu.memory_space<hbm>>
      %dma_wait3A_351 = arith.constant 0 : i32
      %dma_wait3A_352 = tpu.memref_slice %arg8[%dma_wait3A_344, %dma_wait3A_351] : memref<8x128xi32, #tpu.memory_space<vmem>> -> memref<1x128xi32, #tpu.memory_space<vmem>>
      %dma_wait3A_353 = tpu.memref_squeeze %dma_wait3A_352 : memref<1x128xi32, #tpu.memory_space<vmem>> -> memref<128xi32, #tpu.memory_space<vmem>>
      %dma_wait3A_354 = arith.constant 0 : i32
      %dma_wait3A_355 = tpu.memref_slice %arg3[%arg1, %add3A_321, %dma_wait3A_354] : memref<16x160x128xi32, #tpu.memory_space<hbm>> -> memref<1x1x128xi32, #tpu.memory_space<hbm>>
      %dma_wait3A_356 = tpu.memref_squeeze %dma_wait3A_355 : memref<1x1x128xi32, #tpu.memory_space<hbm>> -> memref<128xi32, #tpu.memory_space<hbm>>
      tpu.wait_dma2 semaphore(%arg21 : memref<!tpu.dma_semaphore, #tpu.memory_space<semaphore_mem>>) src(%dma_wait3A_356 : memref<128xi32, #tpu.memory_space<hbm>>) dst(%dma_wait3A_353 : memref<128xi32, #tpu.memory_space<vmem>>)
      %dma_wait3A_357 = arith.constant 2 : i32
      %dma_wait3A_358 = arith.constant 0 : i32
      %dma_wait3A_359 = tpu.memref_slice %arg9[%dma_wait3A_357, %dma_wait3A_358] : memref<8x128xf32, #tpu.memory_space<vmem>> -> memref<1x128xf32, #tpu.memory_space<vmem>>
      %dma_wait3A_360 = tpu.memref_squeeze %dma_wait3A_359 : memref<1x128xf32, #tpu.memory_space<vmem>> -> memref<128xf32, #tpu.memory_space<vmem>>
      %dma_wait3A_361 = arith.constant 0 : i32
      %dma_wait3A_362 = tpu.memref_slice %arg5[%arg1, %add3A_321, %dma_wait3A_361] : memref<16x160x128xf32, #tpu.memory_space<hbm>> -> memref<1x1x128xf32, #tpu.memory_space<hbm>>
      %dma_wait3A_363 = tpu.memref_squeeze %dma_wait3A_362 : memref<1x1x128xf32, #tpu.memory_space<hbm>> -> memref<128xf32, #tpu.memory_space<hbm>>
      %dma_wait3A_364 = arith.constant 0 : i32
      %dma_wait3A_365 = tpu.memref_slice %arg9[%dma_wait3A_357, %dma_wait3A_364] : memref<8x128xf32, #tpu.memory_space<vmem>> -> memref<1x128xf32, #tpu.memory_space<vmem>>
      %dma_wait3A_366 = tpu.memref_squeeze %dma_wait3A_365 : memref<1x128xf32, #tpu.memory_space<vmem>> -> memref<128xf32, #tpu.memory_space<vmem>>
      %dma_wait3A_367 = arith.constant 0 : i32
      %dma_wait3A_368 = tpu.memref_slice %arg5[%arg1, %add3A_321, %dma_wait3A_367] : memref<16x160x128xf32, #tpu.memory_space<hbm>> -> memref<1x1x128xf32, #tpu.memory_space<hbm>>
      %dma_wait3A_369 = tpu.memref_squeeze %dma_wait3A_368 : memref<1x1x128xf32, #tpu.memory_space<hbm>> -> memref<128xf32, #tpu.memory_space<hbm>>
      tpu.wait_dma2 semaphore(%arg21 : memref<!tpu.dma_semaphore, #tpu.memory_space<semaphore_mem>>) src(%dma_wait3A_369 : memref<128xf32, #tpu.memory_space<hbm>>) dst(%dma_wait3A_366 : memref<128xf32, #tpu.memory_space<vmem>>)
      %broadcast_in_dim3A_370 = arith.constant 2 : i32
      %broadcast_in_dim3A_371 = vector.broadcast %broadcast_in_dim3A_370 : i32 to vector<16xi32>
      %parallel_loop3A_372 = arith.constant 0 : i32
      %parallel_loop3A_373 = arith.constant 128 : i32
      %parallel_loop3A_374 = arith.constant 1 : i32
      scf.for %parallel_loop3A_692 = %parallel_loop3A_372 to %parallel_loop3A_373 step %parallel_loop3A_374  : i32 {
        %parallel_loop3A_693 = vector.broadcast %parallel_loop3A_692 : i32 to vector<16xi32>
        %parallel_loop3A_694 = tpu.vector_load_idx %arg9[%broadcast_in_dim3A_371, %parallel_loop3A_693] : memref<8x128xf32, #tpu.memory_space<vmem>>[vector<16xi32>, vector<16xi32>], vector<16xf32>,
        %parallel_loop3A_695 = arith.index_cast %parallel_loop3A_692 : i32 to index
        %parallel_loop3A_696 = arith.constant 0 : index
        %parallel_loop3A_697 = tpu.vector_load %arg12[%parallel_loop3A_695, %parallel_loop3A_696] {strides = array<i32>} : memref<128x64xf32, #tpu.memory_space<vmem>>, vector<16xf32>,
        %parallel_loop3A_698 = arith.mulf %parallel_loop3A_697, %parallel_loop3A_694 : vector<16xf32>
        %parallel_loop3A_699 = arith.index_cast %parallel_loop3A_692 : i32 to index
        %parallel_loop3A_700 = arith.constant 0 : index
        %parallel_loop3A_701 = tpu.vector_load %arg12[%parallel_loop3A_699, %parallel_loop3A_700] {strides = array<i32>} : memref<128x64xf32, #tpu.memory_space<vmem>>, vector<16xf32>,
        tpu.vector_store %arg12[%parallel_loop3A_699, %parallel_loop3A_700], %parallel_loop3A_698 {strides = array<i32>} : memref<128x64xf32, #tpu.memory_space<vmem>>, vector<16xf32>,
        %parallel_loop3A_702 = arith.index_cast %parallel_loop3A_692 : i32 to index
        %parallel_loop3A_703 = arith.constant 16 : index
        %parallel_loop3A_704 = tpu.vector_load %arg12[%parallel_loop3A_702, %parallel_loop3A_703] {strides = array<i32>} : memref<128x64xf32, #tpu.memory_space<vmem>>, vector<16xf32>,
        %parallel_loop3A_705 = arith.mulf %parallel_loop3A_704, %parallel_loop3A_694 : vector<16xf32>
        %parallel_loop3A_706 = arith.index_cast %parallel_loop3A_692 : i32 to index
        %parallel_loop3A_707 = arith.constant 16 : index
        %parallel_loop3A_708 = tpu.vector_load %arg12[%parallel_loop3A_706, %parallel_loop3A_707] {strides = array<i32>} : memref<128x64xf32, #tpu.memory_space<vmem>>, vector<16xf32>,
        tpu.vector_store %arg12[%parallel_loop3A_706, %parallel_loop3A_707], %parallel_loop3A_705 {strides = array<i32>} : memref<128x64xf32, #tpu.memory_space<vmem>>, vector<16xf32>,
        %parallel_loop3A_709 = arith.index_cast %parallel_loop3A_692 : i32 to index
        %parallel_loop3A_710 = arith.constant 32 : index
        %parallel_loop3A_711 = tpu.vector_load %arg12[%parallel_loop3A_709, %parallel_loop3A_710] {strides = array<i32>} : memref<128x64xf32, #tpu.memory_space<vmem>>, vector<16xf32>,
        %parallel_loop3A_712 = arith.mulf %parallel_loop3A_711, %parallel_loop3A_694 : vector<16xf32>
        %parallel_loop3A_713 = arith.index_cast %parallel_loop3A_692 : i32 to index
        %parallel_loop3A_714 = arith.constant 32 : index
        %parallel_loop3A_715 = tpu.vector_load %arg12[%parallel_loop3A_713, %parallel_loop3A_714] {strides = array<i32>} : memref<128x64xf32, #tpu.memory_space<vmem>>, vector<16xf32>,
        tpu.vector_store %arg12[%parallel_loop3A_713, %parallel_loop3A_714], %parallel_loop3A_712 {strides = array<i32>} : memref<128x64xf32, #tpu.memory_space<vmem>>, vector<16xf32>,
        %parallel_loop3A_716 = arith.index_cast %parallel_loop3A_692 : i32 to index
        %parallel_loop3A_717 = arith.constant 48 : index
        %parallel_loop3A_718 = tpu.vector_load %arg12[%parallel_loop3A_716, %parallel_loop3A_717] {strides = array<i32>} : memref<128x64xf32, #tpu.memory_space<vmem>>, vector<16xf32>,
        %parallel_loop3A_719 = arith.mulf %parallel_loop3A_718, %parallel_loop3A_694 : vector<16xf32>
        %parallel_loop3A_720 = arith.index_cast %parallel_loop3A_692 : i32 to index
        %parallel_loop3A_721 = arith.constant 48 : index
        %parallel_loop3A_722 = tpu.vector_load %arg12[%parallel_loop3A_720, %parallel_loop3A_721] {strides = array<i32>} : memref<128x64xf32, #tpu.memory_space<vmem>>, vector<16xf32>,
        tpu.vector_store %arg12[%parallel_loop3A_720, %parallel_loop3A_721], %parallel_loop3A_719 {strides = array<i32>} : memref<128x64xf32, #tpu.memory_space<vmem>>, vector<16xf32>,
      } {sc.loop_unroll_factor = 8 : i64, sc.parallel_access}
      %dma_start3A_375 = arith.constant 2 : i32
      %dma_start3A_376 = arith.constant 0 : i32
      %dma_start3A_377 = tpu.memref_slice %arg8[%dma_start3A_375, %dma_start3A_376] : memref<8x128xi32, #tpu.memory_space<vmem>> -> memref<1x128xi32, #tpu.memory_space<vmem>>
      %dma_start3A_378 = tpu.memref_squeeze %dma_start3A_377 : memref<1x128xi32, #tpu.memory_space<vmem>> -> memref<128xi32, #tpu.memory_space<vmem>>
      %dma_start3A_379 = arith.constant 0 : i32
      %dma_start3A_380 = arith.constant 0 : i32
      %dma_start3A_381 = tpu.memref_slice %arg18[%dma_start3A_379, %dma_start3A_380] : memref<10240x64xf32, #tpu.memory_space<vmem_shared>> -> memref<10240x64xf32, #tpu.memory_space<vmem_shared>>
      tpu.enqueue_indirect_dma source(%arg12 : memref<128x64xf32, #tpu.memory_space<vmem>>) target(%dma_start3A_381 : memref<10240x64xf32, #tpu.memory_space<vmem_shared>>) offsets(%dma_start3A_378 : memref<128xi32, #tpu.memory_space<vmem>>) semaphore(%arg29 : memref<!tpu.dma_semaphore, #tpu.memory_space<semaphore_mem>>) {add = true}
      %add3A_382 = arith.constant 3 : i32
      %add3A_383 = arith.addi %add3A_201, %add3A_382 : i32
      %ge3A_384 = arith.constant 4 : i32
      %ge3A_385 = arith.cmpi sge, %add3A_383, %ge3A_384 : i32
      %convert_element_type3A_386 = arith.extui %ge3A_385 : i1 to i32
      %cond3A_387 = arith.constant 0 : i32
      %cond3A_388 = arith.cmpi ne, %convert_element_type3A_386, %cond3A_387 : i32
      scf.if %cond3A_388 {
        %dma_wait3A_692 = arith.constant 7 : i32
        %dma_wait3A_693 = arith.constant 0 : i32
        %dma_wait3A_694 = tpu.memref_slice %arg8[%dma_wait3A_692, %dma_wait3A_693] : memref<8x128xi32, #tpu.memory_space<vmem>> -> memref<1x128xi32, #tpu.memory_space<vmem>>
        %dma_wait3A_695 = tpu.memref_squeeze %dma_wait3A_694 : memref<1x128xi32, #tpu.memory_space<vmem>> -> memref<128xi32, #tpu.memory_space<vmem>>
        %dma_wait3A_696 = arith.constant 0 : i32
        %dma_wait3A_697 = arith.constant 0 : i32
        %dma_wait3A_698 = tpu.memref_slice %arg18[%dma_wait3A_696, %dma_wait3A_697] : memref<10240x64xf32, #tpu.memory_space<vmem_shared>> -> memref<10240x64xf32, #tpu.memory_space<vmem_shared>>
        tpu.wait_indirect_dma semaphore(%arg34 : memref<!tpu.dma_semaphore, #tpu.memory_space<semaphore_mem>>) src(%arg17 : memref<128x64xf32, #tpu.memory_space<vmem>>) dst(%dma_wait3A_698 : memref<10240x64xf32, #tpu.memory_space<vmem_shared>>)
      } else {
      }
      %add3A_389 = arith.constant 4 : i32
      %add3A_390 = arith.addi %add3A_383, %add3A_389 : i32
      %lt3A_391 = arith.constant 160 : i32
      %lt3A_392 = arith.cmpi slt, %add3A_390, %lt3A_391 : i32
      %convert_element_type3A_393 = arith.extui %lt3A_392 : i1 to i32
      %cond3A_394 = arith.constant 0 : i32
      %cond3A_395 = arith.cmpi ne, %convert_element_type3A_393, %cond3A_394 : i32
      scf.if %cond3A_395 {
        %add3A_692 = arith.constant 4 : i32
        %add3A_693 = arith.addi %add3A_383, %add3A_692 : i32
        %dma_start3A_694 = arith.constant 0 : i32
        %dma_start3A_695 = tpu.memref_slice %arg7[%add3A_693, %dma_start3A_694] : memref<160x128xi32, #tpu.memory_space<vmem>> -> memref<1x128xi32, #tpu.memory_space<vmem>>
        %dma_start3A_696 = tpu.memref_squeeze %dma_start3A_695 : memref<1x128xi32, #tpu.memory_space<vmem>> -> memref<128xi32, #tpu.memory_space<vmem>>
        %dma_start3A_697 = arith.constant 0 : i32
        %dma_start3A_698 = arith.constant 0 : i32
        %dma_start3A_699 = tpu.memref_slice %arg2[%arg0, %dma_start3A_697, %dma_start3A_698] : memref<2x10000x64xf32, #tpu.memory_space<hbm>> -> memref<1x10000x64xf32, #tpu.memory_space<hbm>>
        %dma_start3A_700 = tpu.memref_squeeze %dma_start3A_699 : memref<1x10000x64xf32, #tpu.memory_space<hbm>> -> memref<10000x64xf32, #tpu.memory_space<hbm>>
        %dma_start3A_701 = arith.constant 0 : i32
        %dma_start3A_702 = arith.constant 0 : i32
        %dma_start3A_703 = tpu.memref_slice %dma_start3A_700[%dma_start3A_701, %dma_start3A_702] : memref<10000x64xf32, #tpu.memory_space<hbm>> -> memref<10000x64xf32, #tpu.memory_space<hbm>>
        tpu.enqueue_indirect_dma source(%dma_start3A_703 : memref<10000x64xf32, #tpu.memory_space<hbm>>) target(%arg17 : memref<128x64xf32, #tpu.memory_space<vmem>>) offsets(%dma_start3A_696 : memref<128xi32, #tpu.memory_space<vmem>>) semaphore(%arg26 : memref<!tpu.dma_semaphore, #tpu.memory_space<semaphore_mem>>)
        %dma_start3A_704 = arith.constant 7 : i32
        %dma_start3A_705 = arith.constant 0 : i32
        %dma_start3A_706 = tpu.memref_slice %arg8[%dma_start3A_704, %dma_start3A_705] : memref<8x128xi32, #tpu.memory_space<vmem>> -> memref<1x128xi32, #tpu.memory_space<vmem>>
        %dma_start3A_707 = tpu.memref_squeeze %dma_start3A_706 : memref<1x128xi32, #tpu.memory_space<vmem>> -> memref<128xi32, #tpu.memory_space<vmem>>
        %dma_start3A_708 = arith.constant 0 : i32
        %dma_start3A_709 = tpu.memref_slice %arg3[%arg1, %add3A_693, %dma_start3A_708] : memref<16x160x128xi32, #tpu.memory_space<hbm>> -> memref<1x1x128xi32, #tpu.memory_space<hbm>>
        %dma_start3A_710 = tpu.memref_squeeze %dma_start3A_709 : memref<1x1x128xi32, #tpu.memory_space<hbm>> -> memref<128xi32, #tpu.memory_space<hbm>>
        %dma_start3A_711 = arith.constant 0 : i32
        %dma_start3A_712 = tpu.memref_slice %arg8[%dma_start3A_704, %dma_start3A_711] : memref<8x128xi32, #tpu.memory_space<vmem>> -> memref<1x128xi32, #tpu.memory_space<vmem>>
        %dma_start3A_713 = tpu.memref_squeeze %dma_start3A_712 : memref<1x128xi32, #tpu.memory_space<vmem>> -> memref<128xi32, #tpu.memory_space<vmem>>
        %dma_start3A_714 = arith.constant 0 : i32
        %dma_start3A_715 = tpu.memref_slice %arg3[%arg1, %add3A_693, %dma_start3A_714] : memref<16x160x128xi32, #tpu.memory_space<hbm>> -> memref<1x1x128xi32, #tpu.memory_space<hbm>>
        %dma_start3A_716 = tpu.memref_squeeze %dma_start3A_715 : memref<1x1x128xi32, #tpu.memory_space<hbm>> -> memref<128xi32, #tpu.memory_space<hbm>>
        tpu.enqueue_dma source(%dma_start3A_716 : memref<128xi32, #tpu.memory_space<hbm>>) target(%dma_start3A_713 : memref<128xi32, #tpu.memory_space<vmem>>) target_semaphore(%arg26 : memref<!tpu.dma_semaphore, #tpu.memory_space<semaphore_mem>>)
        %dma_start3A_717 = arith.constant 7 : i32
        %dma_start3A_718 = arith.constant 0 : i32
        %dma_start3A_719 = tpu.memref_slice %arg9[%dma_start3A_717, %dma_start3A_718] : memref<8x128xf32, #tpu.memory_space<vmem>> -> memref<1x128xf32, #tpu.memory_space<vmem>>
        %dma_start3A_720 = tpu.memref_squeeze %dma_start3A_719 : memref<1x128xf32, #tpu.memory_space<vmem>> -> memref<128xf32, #tpu.memory_space<vmem>>
        %dma_start3A_721 = arith.constant 0 : i32
        %dma_start3A_722 = tpu.memref_slice %arg5[%arg1, %add3A_693, %dma_start3A_721] : memref<16x160x128xf32, #tpu.memory_space<hbm>> -> memref<1x1x128xf32, #tpu.memory_space<hbm>>
        %dma_start3A_723 = tpu.memref_squeeze %dma_start3A_722 : memref<1x1x128xf32, #tpu.memory_space<hbm>> -> memref<128xf32, #tpu.memory_space<hbm>>
        %dma_start3A_724 = arith.constant 0 : i32
        %dma_start3A_725 = tpu.memref_slice %arg9[%dma_start3A_717, %dma_start3A_724] : memref<8x128xf32, #tpu.memory_space<vmem>> -> memref<1x128xf32, #tpu.memory_space<vmem>>
        %dma_start3A_726 = tpu.memref_squeeze %dma_start3A_725 : memref<1x128xf32, #tpu.memory_space<vmem>> -> memref<128xf32, #tpu.memory_space<vmem>>
        %dma_start3A_727 = arith.constant 0 : i32
        %dma_start3A_728 = tpu.memref_slice %arg5[%arg1, %add3A_693, %dma_start3A_727] : memref<16x160x128xf32, #tpu.memory_space<hbm>> -> memref<1x1x128xf32, #tpu.memory_space<hbm>>
        %dma_start3A_729 = tpu.memref_squeeze %dma_start3A_728 : memref<1x1x128xf32, #tpu.memory_space<hbm>> -> memref<128xf32, #tpu.memory_space<hbm>>
        tpu.enqueue_dma source(%dma_start3A_729 : memref<128xf32, #tpu.memory_space<hbm>>) target(%dma_start3A_726 : memref<128xf32, #tpu.memory_space<vmem>>) target_semaphore(%arg26 : memref<!tpu.dma_semaphore, #tpu.memory_space<semaphore_mem>>)
      } else {
      }
      %dma_wait3A_396 = arith.constant 0 : i32
      %dma_wait3A_397 = tpu.memref_slice %arg7[%add3A_383, %dma_wait3A_396] : memref<160x128xi32, #tpu.memory_space<vmem>> -> memref<1x128xi32, #tpu.memory_space<vmem>>
      %dma_wait3A_398 = tpu.memref_squeeze %dma_wait3A_397 : memref<1x128xi32, #tpu.memory_space<vmem>> -> memref<128xi32, #tpu.memory_space<vmem>>
      %dma_wait3A_399 = arith.constant 0 : i32
      %dma_wait3A_400 = arith.constant 0 : i32
      %dma_wait3A_401 = tpu.memref_slice %arg2[%arg0, %dma_wait3A_399, %dma_wait3A_400] : memref<2x10000x64xf32, #tpu.memory_space<hbm>> -> memref<1x10000x64xf32, #tpu.memory_space<hbm>>
      %dma_wait3A_402 = tpu.memref_squeeze %dma_wait3A_401 : memref<1x10000x64xf32, #tpu.memory_space<hbm>> -> memref<10000x64xf32, #tpu.memory_space<hbm>>
      %dma_wait3A_403 = arith.constant 0 : i32
      %dma_wait3A_404 = arith.constant 0 : i32
      %dma_wait3A_405 = tpu.memref_slice %dma_wait3A_402[%dma_wait3A_403, %dma_wait3A_404] : memref<10000x64xf32, #tpu.memory_space<hbm>> -> memref<10000x64xf32, #tpu.memory_space<hbm>>
      tpu.wait_indirect_dma semaphore(%arg22 : memref<!tpu.dma_semaphore, #tpu.memory_space<semaphore_mem>>) src(%dma_wait3A_405 : memref<10000x64xf32, #tpu.memory_space<hbm>>) dst(%arg13 : memref<128x64xf32, #tpu.memory_space<vmem>>)
      %dma_wait3A_406 = arith.constant 3 : i32
      %dma_wait3A_407 = arith.constant 0 : i32
      %dma_wait3A_408 = tpu.memref_slice %arg8[%dma_wait3A_406, %dma_wait3A_407] : memref<8x128xi32, #tpu.memory_space<vmem>> -> memref<1x128xi32, #tpu.memory_space<vmem>>
      %dma_wait3A_409 = tpu.memref_squeeze %dma_wait3A_408 : memref<1x128xi32, #tpu.memory_space<vmem>> -> memref<128xi32, #tpu.memory_space<vmem>>
      %dma_wait3A_410 = arith.constant 0 : i32
      %dma_wait3A_411 = tpu.memref_slice %arg3[%arg1, %add3A_383, %dma_wait3A_410] : memref<16x160x128xi32, #tpu.memory_space<hbm>> -> memref<1x1x128xi32, #tpu.memory_space<hbm>>
      %dma_wait3A_412 = tpu.memref_squeeze %dma_wait3A_411 : memref<1x1x128xi32, #tpu.memory_space<hbm>> -> memref<128xi32, #tpu.memory_space<hbm>>
      %dma_wait3A_413 = arith.constant 0 : i32
      %dma_wait3A_414 = tpu.memref_slice %arg8[%dma_wait3A_406, %dma_wait3A_413] : memref<8x128xi32, #tpu.memory_space<vmem>> -> memref<1x128xi32, #tpu.memory_space<vmem>>
      %dma_wait3A_415 = tpu.memref_squeeze %dma_wait3A_414 : memref<1x128xi32, #tpu.memory_space<vmem>> -> memref<128xi32, #tpu.memory_space<vmem>>
      %dma_wait3A_416 = arith.constant 0 : i32
      %dma_wait3A_417 = tpu.memref_slice %arg3[%arg1, %add3A_383, %dma_wait3A_416] : memref<16x160x128xi32, #tpu.memory_space<hbm>> -> memref<1x1x128xi32, #tpu.memory_space<hbm>>
      %dma_wait3A_418 = tpu.memref_squeeze %dma_wait3A_417 : memref<1x1x128xi32, #tpu.memory_space<hbm>> -> memref<128xi32, #tpu.memory_space<hbm>>
      tpu.wait_dma2 semaphore(%arg22 : memref<!tpu.dma_semaphore, #tpu.memory_space<semaphore_mem>>) src(%dma_wait3A_418 : memref<128xi32, #tpu.memory_space<hbm>>) dst(%dma_wait3A_415 : memref<128xi32, #tpu.memory_space<vmem>>)
      %dma_wait3A_419 = arith.constant 3 : i32
      %dma_wait3A_420 = arith.constant 0 : i32
      %dma_wait3A_421 = tpu.memref_slice %arg9[%dma_wait3A_419, %dma_wait3A_420] : memref<8x128xf32, #tpu.memory_space<vmem>> -> memref<1x128xf32, #tpu.memory_space<vmem>>
      %dma_wait3A_422 = tpu.memref_squeeze %dma_wait3A_421 : memref<1x128xf32, #tpu.memory_space<vmem>> -> memref<128xf32, #tpu.memory_space<vmem>>
      %dma_wait3A_423 = arith.constant 0 : i32
      %dma_wait3A_424 = tpu.memref_slice %arg5[%arg1, %add3A_383, %dma_wait3A_423] : memref<16x160x128xf32, #tpu.memory_space<hbm>> -> memref<1x1x128xf32, #tpu.memory_space<hbm>>
      %dma_wait3A_425 = tpu.memref_squeeze %dma_wait3A_424 : memref<1x1x128xf32, #tpu.memory_space<hbm>> -> memref<128xf32, #tpu.memory_space<hbm>>
      %dma_wait3A_426 = arith.constant 0 : i32
      %dma_wait3A_427 = tpu.memref_slice %arg9[%dma_wait3A_419, %dma_wait3A_426] : memref<8x128xf32, #tpu.memory_space<vmem>> -> memref<1x128xf32, #tpu.memory_space<vmem>>
      %dma_wait3A_428 = tpu.memref_squeeze %dma_wait3A_427 : memref<1x128xf32, #tpu.memory_space<vmem>> -> memref<128xf32, #tpu.memory_space<vmem>>
      %dma_wait3A_429 = arith.constant 0 : i32
      %dma_wait3A_430 = tpu.memref_slice %arg5[%arg1, %add3A_383, %dma_wait3A_429] : memref<16x160x128xf32, #tpu.memory_space<hbm>> -> memref<1x1x128xf32, #tpu.memory_space<hbm>>
      %dma_wait3A_431 = tpu.memref_squeeze %dma_wait3A_430 : memref<1x1x128xf32, #tpu.memory_space<hbm>> -> memref<128xf32, #tpu.memory_space<hbm>>
      tpu.wait_dma2 semaphore(%arg22 : memref<!tpu.dma_semaphore, #tpu.memory_space<semaphore_mem>>) src(%dma_wait3A_431 : memref<128xf32, #tpu.memory_space<hbm>>) dst(%dma_wait3A_428 : memref<128xf32, #tpu.memory_space<vmem>>)
      %broadcast_in_dim3A_432 = arith.constant 3 : i32
      %broadcast_in_dim3A_433 = vector.broadcast %broadcast_in_dim3A_432 : i32 to vector<16xi32>
      %parallel_loop3A_434 = arith.constant 0 : i32
      %parallel_loop3A_435 = arith.constant 128 : i32
      %parallel_loop3A_436 = arith.constant 1 : i32
      scf.for %parallel_loop3A_692 = %parallel_loop3A_434 to %parallel_loop3A_435 step %parallel_loop3A_436  : i32 {
        %parallel_loop3A_693 = vector.broadcast %parallel_loop3A_692 : i32 to vector<16xi32>
        %parallel_loop3A_694 = tpu.vector_load_idx %arg9[%broadcast_in_dim3A_433, %parallel_loop3A_693] : memref<8x128xf32, #tpu.memory_space<vmem>>[vector<16xi32>, vector<16xi32>], vector<16xf32>,
        %parallel_loop3A_695 = arith.index_cast %parallel_loop3A_692 : i32 to index
        %parallel_loop3A_696 = arith.constant 0 : index
        %parallel_loop3A_697 = tpu.vector_load %arg13[%parallel_loop3A_695, %parallel_loop3A_696] {strides = array<i32>} : memref<128x64xf32, #tpu.memory_space<vmem>>, vector<16xf32>,
        %parallel_loop3A_698 = arith.mulf %parallel_loop3A_697, %parallel_loop3A_694 : vector<16xf32>
        %parallel_loop3A_699 = arith.index_cast %parallel_loop3A_692 : i32 to index
        %parallel_loop3A_700 = arith.constant 0 : index
        %parallel_loop3A_701 = tpu.vector_load %arg13[%parallel_loop3A_699, %parallel_loop3A_700] {strides = array<i32>} : memref<128x64xf32, #tpu.memory_space<vmem>>, vector<16xf32>,
        tpu.vector_store %arg13[%parallel_loop3A_699, %parallel_loop3A_700], %parallel_loop3A_698 {strides = array<i32>} : memref<128x64xf32, #tpu.memory_space<vmem>>, vector<16xf32>,
        %parallel_loop3A_702 = arith.index_cast %parallel_loop3A_692 : i32 to index
        %parallel_loop3A_703 = arith.constant 16 : index
        %parallel_loop3A_704 = tpu.vector_load %arg13[%parallel_loop3A_702, %parallel_loop3A_703] {strides = array<i32>} : memref<128x64xf32, #tpu.memory_space<vmem>>, vector<16xf32>,
        %parallel_loop3A_705 = arith.mulf %parallel_loop3A_704, %parallel_loop3A_694 : vector<16xf32>
        %parallel_loop3A_706 = arith.index_cast %parallel_loop3A_692 : i32 to index
        %parallel_loop3A_707 = arith.constant 16 : index
        %parallel_loop3A_708 = tpu.vector_load %arg13[%parallel_loop3A_706, %parallel_loop3A_707] {strides = array<i32>} : memref<128x64xf32, #tpu.memory_space<vmem>>, vector<16xf32>,
        tpu.vector_store %arg13[%parallel_loop3A_706, %parallel_loop3A_707], %parallel_loop3A_705 {strides = array<i32>} : memref<128x64xf32, #tpu.memory_space<vmem>>, vector<16xf32>,
        %parallel_loop3A_709 = arith.index_cast %parallel_loop3A_692 : i32 to index
        %parallel_loop3A_710 = arith.constant 32 : index
        %parallel_loop3A_711 = tpu.vector_load %arg13[%parallel_loop3A_709, %parallel_loop3A_710] {strides = array<i32>} : memref<128x64xf32, #tpu.memory_space<vmem>>, vector<16xf32>,
        %parallel_loop3A_712 = arith.mulf %parallel_loop3A_711, %parallel_loop3A_694 : vector<16xf32>
        %parallel_loop3A_713 = arith.index_cast %parallel_loop3A_692 : i32 to index
        %parallel_loop3A_714 = arith.constant 32 : index
        %parallel_loop3A_715 = tpu.vector_load %arg13[%parallel_loop3A_713, %parallel_loop3A_714] {strides = array<i32>} : memref<128x64xf32, #tpu.memory_space<vmem>>, vector<16xf32>,
        tpu.vector_store %arg13[%parallel_loop3A_713, %parallel_loop3A_714], %parallel_loop3A_712 {strides = array<i32>} : memref<128x64xf32, #tpu.memory_space<vmem>>, vector<16xf32>,
        %parallel_loop3A_716 = arith.index_cast %parallel_loop3A_692 : i32 to index
        %parallel_loop3A_717 = arith.constant 48 : index
        %parallel_loop3A_718 = tpu.vector_load %arg13[%parallel_loop3A_716, %parallel_loop3A_717] {strides = array<i32>} : memref<128x64xf32, #tpu.memory_space<vmem>>, vector<16xf32>,
        %parallel_loop3A_719 = arith.mulf %parallel_loop3A_718, %parallel_loop3A_694 : vector<16xf32>
        %parallel_loop3A_720 = arith.index_cast %parallel_loop3A_692 : i32 to index
        %parallel_loop3A_721 = arith.constant 48 : index
        %parallel_loop3A_722 = tpu.vector_load %arg13[%parallel_loop3A_720, %parallel_loop3A_721] {strides = array<i32>} : memref<128x64xf32, #tpu.memory_space<vmem>>, vector<16xf32>,
        tpu.vector_store %arg13[%parallel_loop3A_720, %parallel_loop3A_721], %parallel_loop3A_719 {strides = array<i32>} : memref<128x64xf32, #tpu.memory_space<vmem>>, vector<16xf32>,
      } {sc.loop_unroll_factor = 8 : i64, sc.parallel_access}
      %dma_start3A_437 = arith.constant 3 : i32
      %dma_start3A_438 = arith.constant 0 : i32
      %dma_start3A_439 = tpu.memref_slice %arg8[%dma_start3A_437, %dma_start3A_438] : memref<8x128xi32, #tpu.memory_space<vmem>> -> memref<1x128xi32, #tpu.memory_space<vmem>>
      %dma_start3A_440 = tpu.memref_squeeze %dma_start3A_439 : memref<1x128xi32, #tpu.memory_space<vmem>> -> memref<128xi32, #tpu.memory_space<vmem>>
      %dma_start3A_441 = arith.constant 0 : i32
      %dma_start3A_442 = arith.constant 0 : i32
      %dma_start3A_443 = tpu.memref_slice %arg18[%dma_start3A_441, %dma_start3A_442] : memref<10240x64xf32, #tpu.memory_space<vmem_shared>> -> memref<10240x64xf32, #tpu.memory_space<vmem_shared>>
      tpu.enqueue_indirect_dma source(%arg13 : memref<128x64xf32, #tpu.memory_space<vmem>>) target(%dma_start3A_443 : memref<10240x64xf32, #tpu.memory_space<vmem_shared>>) offsets(%dma_start3A_440 : memref<128xi32, #tpu.memory_space<vmem>>) semaphore(%arg30 : memref<!tpu.dma_semaphore, #tpu.memory_space<semaphore_mem>>) {add = true}
      %add3A_444 = arith.constant 4 : i32
      %add3A_445 = arith.addi %add3A_201, %add3A_444 : i32
      %ge3A_446 = arith.constant 4 : i32
      %ge3A_447 = arith.cmpi sge, %add3A_445, %ge3A_446 : i32
      %convert_element_type3A_448 = arith.extui %ge3A_447 : i1 to i32
      %cond3A_449 = arith.constant 0 : i32
      %cond3A_450 = arith.cmpi ne, %convert_element_type3A_448, %cond3A_449 : i32
      scf.if %cond3A_450 {
        %dma_wait3A_692 = arith.constant 0 : i32
        %dma_wait3A_693 = arith.constant 0 : i32
        %dma_wait3A_694 = tpu.memref_slice %arg8[%dma_wait3A_692, %dma_wait3A_693] : memref<8x128xi32, #tpu.memory_space<vmem>> -> memref<1x128xi32, #tpu.memory_space<vmem>>
        %dma_wait3A_695 = tpu.memref_squeeze %dma_wait3A_694 : memref<1x128xi32, #tpu.memory_space<vmem>> -> memref<128xi32, #tpu.memory_space<vmem>>
        %dma_wait3A_696 = arith.constant 0 : i32
        %dma_wait3A_697 = arith.constant 0 : i32
        %dma_wait3A_698 = tpu.memref_slice %arg18[%dma_wait3A_696, %dma_wait3A_697] : memref<10240x64xf32, #tpu.memory_space<vmem_shared>> -> memref<10240x64xf32, #tpu.memory_space<vmem_shared>>
        tpu.wait_indirect_dma semaphore(%arg27 : memref<!tpu.dma_semaphore, #tpu.memory_space<semaphore_mem>>) src(%arg10 : memref<128x64xf32, #tpu.memory_space<vmem>>) dst(%dma_wait3A_698 : memref<10240x64xf32, #tpu.memory_space<vmem_shared>>)
      } else {
      }
      %add3A_451 = arith.constant 4 : i32
      %add3A_452 = arith.addi %add3A_445, %add3A_451 : i32
      %lt3A_453 = arith.constant 160 : i32
      %lt3A_454 = arith.cmpi slt, %add3A_452, %lt3A_453 : i32
      %convert_element_type3A_455 = arith.extui %lt3A_454 : i1 to i32
      %cond3A_456 = arith.constant 0 : i32
      %cond3A_457 = arith.cmpi ne, %convert_element_type3A_455, %cond3A_456 : i32
      scf.if %cond3A_457 {
        %add3A_692 = arith.constant 4 : i32
        %add3A_693 = arith.addi %add3A_445, %add3A_692 : i32
        %dma_start3A_694 = arith.constant 0 : i32
        %dma_start3A_695 = tpu.memref_slice %arg7[%add3A_693, %dma_start3A_694] : memref<160x128xi32, #tpu.memory_space<vmem>> -> memref<1x128xi32, #tpu.memory_space<vmem>>
        %dma_start3A_696 = tpu.memref_squeeze %dma_start3A_695 : memref<1x128xi32, #tpu.memory_space<vmem>> -> memref<128xi32, #tpu.memory_space<vmem>>
        %dma_start3A_697 = arith.constant 0 : i32
        %dma_start3A_698 = arith.constant 0 : i32
        %dma_start3A_699 = tpu.memref_slice %arg2[%arg0, %dma_start3A_697, %dma_start3A_698] : memref<2x10000x64xf32, #tpu.memory_space<hbm>> -> memref<1x10000x64xf32, #tpu.memory_space<hbm>>
        %dma_start3A_700 = tpu.memref_squeeze %dma_start3A_699 : memref<1x10000x64xf32, #tpu.memory_space<hbm>> -> memref<10000x64xf32, #tpu.memory_space<hbm>>
        %dma_start3A_701 = arith.constant 0 : i32
        %dma_start3A_702 = arith.constant 0 : i32
        %dma_start3A_703 = tpu.memref_slice %dma_start3A_700[%dma_start3A_701, %dma_start3A_702] : memref<10000x64xf32, #tpu.memory_space<hbm>> -> memref<10000x64xf32, #tpu.memory_space<hbm>>
        tpu.enqueue_indirect_dma source(%dma_start3A_703 : memref<10000x64xf32, #tpu.memory_space<hbm>>) target(%arg10 : memref<128x64xf32, #tpu.memory_space<vmem>>) offsets(%dma_start3A_696 : memref<128xi32, #tpu.memory_space<vmem>>) semaphore(%arg19 : memref<!tpu.dma_semaphore, #tpu.memory_space<semaphore_mem>>)
        %dma_start3A_704 = arith.constant 0 : i32
        %dma_start3A_705 = arith.constant 0 : i32
        %dma_start3A_706 = tpu.memref_slice %arg8[%dma_start3A_704, %dma_start3A_705] : memref<8x128xi32, #tpu.memory_space<vmem>> -> memref<1x128xi32, #tpu.memory_space<vmem>>
        %dma_start3A_707 = tpu.memref_squeeze %dma_start3A_706 : memref<1x128xi32, #tpu.memory_space<vmem>> -> memref<128xi32, #tpu.memory_space<vmem>>
        %dma_start3A_708 = arith.constant 0 : i32
        %dma_start3A_709 = tpu.memref_slice %arg3[%arg1, %add3A_693, %dma_start3A_708] : memref<16x160x128xi32, #tpu.memory_space<hbm>> -> memref<1x1x128xi32, #tpu.memory_space<hbm>>
        %dma_start3A_710 = tpu.memref_squeeze %dma_start3A_709 : memref<1x1x128xi32, #tpu.memory_space<hbm>> -> memref<128xi32, #tpu.memory_space<hbm>>
        %dma_start3A_711 = arith.constant 0 : i32
        %dma_start3A_712 = tpu.memref_slice %arg8[%dma_start3A_704, %dma_start3A_711] : memref<8x128xi32, #tpu.memory_space<vmem>> -> memref<1x128xi32, #tpu.memory_space<vmem>>
        %dma_start3A_713 = tpu.memref_squeeze %dma_start3A_712 : memref<1x128xi32, #tpu.memory_space<vmem>> -> memref<128xi32, #tpu.memory_space<vmem>>
        %dma_start3A_714 = arith.constant 0 : i32
        %dma_start3A_715 = tpu.memref_slice %arg3[%arg1, %add3A_693, %dma_start3A_714] : memref<16x160x128xi32, #tpu.memory_space<hbm>> -> memref<1x1x128xi32, #tpu.memory_space<hbm>>
        %dma_start3A_716 = tpu.memref_squeeze %dma_start3A_715 : memref<1x1x128xi32, #tpu.memory_space<hbm>> -> memref<128xi32, #tpu.memory_space<hbm>>
        tpu.enqueue_dma source(%dma_start3A_716 : memref<128xi32, #tpu.memory_space<hbm>>) target(%dma_start3A_713 : memref<128xi32, #tpu.memory_space<vmem>>) target_semaphore(%arg19 : memref<!tpu.dma_semaphore, #tpu.memory_space<semaphore_mem>>)
        %dma_start3A_717 = arith.constant 0 : i32
        %dma_start3A_718 = arith.constant 0 : i32
        %dma_start3A_719 = tpu.memref_slice %arg9[%dma_start3A_717, %dma_start3A_718] : memref<8x128xf32, #tpu.memory_space<vmem>> -> memref<1x128xf32, #tpu.memory_space<vmem>>
        %dma_start3A_720 = tpu.memref_squeeze %dma_start3A_719 : memref<1x128xf32, #tpu.memory_space<vmem>> -> memref<128xf32, #tpu.memory_space<vmem>>
        %dma_start3A_721 = arith.constant 0 : i32
        %dma_start3A_722 = tpu.memref_slice %arg5[%arg1, %add3A_693, %dma_start3A_721] : memref<16x160x128xf32, #tpu.memory_space<hbm>> -> memref<1x1x128xf32, #tpu.memory_space<hbm>>
        %dma_start3A_723 = tpu.memref_squeeze %dma_start3A_722 : memref<1x1x128xf32, #tpu.memory_space<hbm>> -> memref<128xf32, #tpu.memory_space<hbm>>
        %dma_start3A_724 = arith.constant 0 : i32
        %dma_start3A_725 = tpu.memref_slice %arg9[%dma_start3A_717, %dma_start3A_724] : memref<8x128xf32, #tpu.memory_space<vmem>> -> memref<1x128xf32, #tpu.memory_space<vmem>>
        %dma_start3A_726 = tpu.memref_squeeze %dma_start3A_725 : memref<1x128xf32, #tpu.memory_space<vmem>> -> memref<128xf32, #tpu.memory_space<vmem>>
        %dma_start3A_727 = arith.constant 0 : i32
        %dma_start3A_728 = tpu.memref_slice %arg5[%arg1, %add3A_693, %dma_start3A_727] : memref<16x160x128xf32, #tpu.memory_space<hbm>> -> memref<1x1x128xf32, #tpu.memory_space<hbm>>
        %dma_start3A_729 = tpu.memref_squeeze %dma_start3A_728 : memref<1x1x128xf32, #tpu.memory_space<hbm>> -> memref<128xf32, #tpu.memory_space<hbm>>
        tpu.enqueue_dma source(%dma_start3A_729 : memref<128xf32, #tpu.memory_space<hbm>>) target(%dma_start3A_726 : memref<128xf32, #tpu.memory_space<vmem>>) target_semaphore(%arg19 : memref<!tpu.dma_semaphore, #tpu.memory_space<semaphore_mem>>)
      } else {
      }
      %dma_wait3A_458 = arith.constant 0 : i32
      %dma_wait3A_459 = tpu.memref_slice %arg7[%add3A_445, %dma_wait3A_458] : memref<160x128xi32, #tpu.memory_space<vmem>> -> memref<1x128xi32, #tpu.memory_space<vmem>>
      %dma_wait3A_460 = tpu.memref_squeeze %dma_wait3A_459 : memref<1x128xi32, #tpu.memory_space<vmem>> -> memref<128xi32, #tpu.memory_space<vmem>>
      %dma_wait3A_461 = arith.constant 0 : i32
      %dma_wait3A_462 = arith.constant 0 : i32
      %dma_wait3A_463 = tpu.memref_slice %arg2[%arg0, %dma_wait3A_461, %dma_wait3A_462] : memref<2x10000x64xf32, #tpu.memory_space<hbm>> -> memref<1x10000x64xf32, #tpu.memory_space<hbm>>
      %dma_wait3A_464 = tpu.memref_squeeze %dma_wait3A_463 : memref<1x10000x64xf32, #tpu.memory_space<hbm>> -> memref<10000x64xf32, #tpu.memory_space<hbm>>
      %dma_wait3A_465 = arith.constant 0 : i32
      %dma_wait3A_466 = arith.constant 0 : i32
      %dma_wait3A_467 = tpu.memref_slice %dma_wait3A_464[%dma_wait3A_465, %dma_wait3A_466] : memref<10000x64xf32, #tpu.memory_space<hbm>> -> memref<10000x64xf32, #tpu.memory_space<hbm>>
      tpu.wait_indirect_dma semaphore(%arg23 : memref<!tpu.dma_semaphore, #tpu.memory_space<semaphore_mem>>) src(%dma_wait3A_467 : memref<10000x64xf32, #tpu.memory_space<hbm>>) dst(%arg14 : memref<128x64xf32, #tpu.memory_space<vmem>>)
      %dma_wait3A_468 = arith.constant 4 : i32
      %dma_wait3A_469 = arith.constant 0 : i32
      %dma_wait3A_470 = tpu.memref_slice %arg8[%dma_wait3A_468, %dma_wait3A_469] : memref<8x128xi32, #tpu.memory_space<vmem>> -> memref<1x128xi32, #tpu.memory_space<vmem>>
      %dma_wait3A_471 = tpu.memref_squeeze %dma_wait3A_470 : memref<1x128xi32, #tpu.memory_space<vmem>> -> memref<128xi32, #tpu.memory_space<vmem>>
      %dma_wait3A_472 = arith.constant 0 : i32
      %dma_wait3A_473 = tpu.memref_slice %arg3[%arg1, %add3A_445, %dma_wait3A_472] : memref<16x160x128xi32, #tpu.memory_space<hbm>> -> memref<1x1x128xi32, #tpu.memory_space<hbm>>
      %dma_wait3A_474 = tpu.memref_squeeze %dma_wait3A_473 : memref<1x1x128xi32, #tpu.memory_space<hbm>> -> memref<128xi32, #tpu.memory_space<hbm>>
      %dma_wait3A_475 = arith.constant 0 : i32
      %dma_wait3A_476 = tpu.memref_slice %arg8[%dma_wait3A_468, %dma_wait3A_475] : memref<8x128xi32, #tpu.memory_space<vmem>> -> memref<1x128xi32, #tpu.memory_space<vmem>>
      %dma_wait3A_477 = tpu.memref_squeeze %dma_wait3A_476 : memref<1x128xi32, #tpu.memory_space<vmem>> -> memref<128xi32, #tpu.memory_space<vmem>>
      %dma_wait3A_478 = arith.constant 0 : i32
      %dma_wait3A_479 = tpu.memref_slice %arg3[%arg1, %add3A_445, %dma_wait3A_478] : memref<16x160x128xi32, #tpu.memory_space<hbm>> -> memref<1x1x128xi32, #tpu.memory_space<hbm>>
      %dma_wait3A_480 = tpu.memref_squeeze %dma_wait3A_479 : memref<1x1x128xi32, #tpu.memory_space<hbm>> -> memref<128xi32, #tpu.memory_space<hbm>>
      tpu.wait_dma2 semaphore(%arg23 : memref<!tpu.dma_semaphore, #tpu.memory_space<semaphore_mem>>) src(%dma_wait3A_480 : memref<128xi32, #tpu.memory_space<hbm>>) dst(%dma_wait3A_477 : memref<128xi32, #tpu.memory_space<vmem>>)
      %dma_wait3A_481 = arith.constant 4 : i32
      %dma_wait3A_482 = arith.constant 0 : i32
      %dma_wait3A_483 = tpu.memref_slice %arg9[%dma_wait3A_481, %dma_wait3A_482] : memref<8x128xf32, #tpu.memory_space<vmem>> -> memref<1x128xf32, #tpu.memory_space<vmem>>
      %dma_wait3A_484 = tpu.memref_squeeze %dma_wait3A_483 : memref<1x128xf32, #tpu.memory_space<vmem>> -> memref<128xf32, #tpu.memory_space<vmem>>
      %dma_wait3A_485 = arith.constant 0 : i32
      %dma_wait3A_486 = tpu.memref_slice %arg5[%arg1, %add3A_445, %dma_wait3A_485] : memref<16x160x128xf32, #tpu.memory_space<hbm>> -> memref<1x1x128xf32, #tpu.memory_space<hbm>>
      %dma_wait3A_487 = tpu.memref_squeeze %dma_wait3A_486 : memref<1x1x128xf32, #tpu.memory_space<hbm>> -> memref<128xf32, #tpu.memory_space<hbm>>
      %dma_wait3A_488 = arith.constant 0 : i32
      %dma_wait3A_489 = tpu.memref_slice %arg9[%dma_wait3A_481, %dma_wait3A_488] : memref<8x128xf32, #tpu.memory_space<vmem>> -> memref<1x128xf32, #tpu.memory_space<vmem>>
      %dma_wait3A_490 = tpu.memref_squeeze %dma_wait3A_489 : memref<1x128xf32, #tpu.memory_space<vmem>> -> memref<128xf32, #tpu.memory_space<vmem>>
      %dma_wait3A_491 = arith.constant 0 : i32
      %dma_wait3A_492 = tpu.memref_slice %arg5[%arg1, %add3A_445, %dma_wait3A_491] : memref<16x160x128xf32, #tpu.memory_space<hbm>> -> memref<1x1x128xf32, #tpu.memory_space<hbm>>
      %dma_wait3A_493 = tpu.memref_squeeze %dma_wait3A_492 : memref<1x1x128xf32, #tpu.memory_space<hbm>> -> memref<128xf32, #tpu.memory_space<hbm>>
      tpu.wait_dma2 semaphore(%arg23 : memref<!tpu.dma_semaphore, #tpu.memory_space<semaphore_mem>>) src(%dma_wait3A_493 : memref<128xf32, #tpu.memory_space<hbm>>) dst(%dma_wait3A_490 : memref<128xf32, #tpu.memory_space<vmem>>)
      %broadcast_in_dim3A_494 = arith.constant 4 : i32
      %broadcast_in_dim3A_495 = vector.broadcast %broadcast_in_dim3A_494 : i32 to vector<16xi32>
      %parallel_loop3A_496 = arith.constant 0 : i32
      %parallel_loop3A_497 = arith.constant 128 : i32
      %parallel_loop3A_498 = arith.constant 1 : i32
      scf.for %parallel_loop3A_692 = %parallel_loop3A_496 to %parallel_loop3A_497 step %parallel_loop3A_498  : i32 {
        %parallel_loop3A_693 = vector.broadcast %parallel_loop3A_692 : i32 to vector<16xi32>
        %parallel_loop3A_694 = tpu.vector_load_idx %arg9[%broadcast_in_dim3A_495, %parallel_loop3A_693] : memref<8x128xf32, #tpu.memory_space<vmem>>[vector<16xi32>, vector<16xi32>], vector<16xf32>,
        %parallel_loop3A_695 = arith.index_cast %parallel_loop3A_692 : i32 to index
        %parallel_loop3A_696 = arith.constant 0 : index
        %parallel_loop3A_697 = tpu.vector_load %arg14[%parallel_loop3A_695, %parallel_loop3A_696] {strides = array<i32>} : memref<128x64xf32, #tpu.memory_space<vmem>>, vector<16xf32>,
        %parallel_loop3A_698 = arith.mulf %parallel_loop3A_697, %parallel_loop3A_694 : vector<16xf32>
        %parallel_loop3A_699 = arith.index_cast %parallel_loop3A_692 : i32 to index
        %parallel_loop3A_700 = arith.constant 0 : index
        %parallel_loop3A_701 = tpu.vector_load %arg14[%parallel_loop3A_699, %parallel_loop3A_700] {strides = array<i32>} : memref<128x64xf32, #tpu.memory_space<vmem>>, vector<16xf32>,
        tpu.vector_store %arg14[%parallel_loop3A_699, %parallel_loop3A_700], %parallel_loop3A_698 {strides = array<i32>} : memref<128x64xf32, #tpu.memory_space<vmem>>, vector<16xf32>,
        %parallel_loop3A_702 = arith.index_cast %parallel_loop3A_692 : i32 to index
        %parallel_loop3A_703 = arith.constant 16 : index
        %parallel_loop3A_704 = tpu.vector_load %arg14[%parallel_loop3A_702, %parallel_loop3A_703] {strides = array<i32>} : memref<128x64xf32, #tpu.memory_space<vmem>>, vector<16xf32>,
        %parallel_loop3A_705 = arith.mulf %parallel_loop3A_704, %parallel_loop3A_694 : vector<16xf32>
        %parallel_loop3A_706 = arith.index_cast %parallel_loop3A_692 : i32 to index
        %parallel_loop3A_707 = arith.constant 16 : index
        %parallel_loop3A_708 = tpu.vector_load %arg14[%parallel_loop3A_706, %parallel_loop3A_707] {strides = array<i32>} : memref<128x64xf32, #tpu.memory_space<vmem>>, vector<16xf32>,
        tpu.vector_store %arg14[%parallel_loop3A_706, %parallel_loop3A_707], %parallel_loop3A_705 {strides = array<i32>} : memref<128x64xf32, #tpu.memory_space<vmem>>, vector<16xf32>,
        %parallel_loop3A_709 = arith.index_cast %parallel_loop3A_692 : i32 to index
        %parallel_loop3A_710 = arith.constant 32 : index
        %parallel_loop3A_711 = tpu.vector_load %arg14[%parallel_loop3A_709, %parallel_loop3A_710] {strides = array<i32>} : memref<128x64xf32, #tpu.memory_space<vmem>>, vector<16xf32>,
        %parallel_loop3A_712 = arith.mulf %parallel_loop3A_711, %parallel_loop3A_694 : vector<16xf32>
        %parallel_loop3A_713 = arith.index_cast %parallel_loop3A_692 : i32 to index
        %parallel_loop3A_714 = arith.constant 32 : index
        %parallel_loop3A_715 = tpu.vector_load %arg14[%parallel_loop3A_713, %parallel_loop3A_714] {strides = array<i32>} : memref<128x64xf32, #tpu.memory_space<vmem>>, vector<16xf32>,
        tpu.vector_store %arg14[%parallel_loop3A_713, %parallel_loop3A_714], %parallel_loop3A_712 {strides = array<i32>} : memref<128x64xf32, #tpu.memory_space<vmem>>, vector<16xf32>,
        %parallel_loop3A_716 = arith.index_cast %parallel_loop3A_692 : i32 to index
        %parallel_loop3A_717 = arith.constant 48 : index
        %parallel_loop3A_718 = tpu.vector_load %arg14[%parallel_loop3A_716, %parallel_loop3A_717] {strides = array<i32>} : memref<128x64xf32, #tpu.memory_space<vmem>>, vector<16xf32>,
        %parallel_loop3A_719 = arith.mulf %parallel_loop3A_718, %parallel_loop3A_694 : vector<16xf32>
        %parallel_loop3A_720 = arith.index_cast %parallel_loop3A_692 : i32 to index
        %parallel_loop3A_721 = arith.constant 48 : index
        %parallel_loop3A_722 = tpu.vector_load %arg14[%parallel_loop3A_720, %parallel_loop3A_721] {strides = array<i32>} : memref<128x64xf32, #tpu.memory_space<vmem>>, vector<16xf32>,
        tpu.vector_store %arg14[%parallel_loop3A_720, %parallel_loop3A_721], %parallel_loop3A_719 {strides = array<i32>} : memref<128x64xf32, #tpu.memory_space<vmem>>, vector<16xf32>,
      } {sc.loop_unroll_factor = 8 : i64, sc.parallel_access}
      %dma_start3A_499 = arith.constant 4 : i32
      %dma_start3A_500 = arith.constant 0 : i32
      %dma_start3A_501 = tpu.memref_slice %arg8[%dma_start3A_499, %dma_start3A_500] : memref<8x128xi32, #tpu.memory_space<vmem>> -> memref<1x128xi32, #tpu.memory_space<vmem>>
      %dma_start3A_502 = tpu.memref_squeeze %dma_start3A_501 : memref<1x128xi32, #tpu.memory_space<vmem>> -> memref<128xi32, #tpu.memory_space<vmem>>
      %dma_start3A_503 = arith.constant 0 : i32
      %dma_start3A_504 = arith.constant 0 : i32
      %dma_start3A_505 = tpu.memref_slice %arg18[%dma_start3A_503, %dma_start3A_504] : memref<10240x64xf32, #tpu.memory_space<vmem_shared>> -> memref<10240x64xf32, #tpu.memory_space<vmem_shared>>
      tpu.enqueue_indirect_dma source(%arg14 : memref<128x64xf32, #tpu.memory_space<vmem>>) target(%dma_start3A_505 : memref<10240x64xf32, #tpu.memory_space<vmem_shared>>) offsets(%dma_start3A_502 : memref<128xi32, #tpu.memory_space<vmem>>) semaphore(%arg31 : memref<!tpu.dma_semaphore, #tpu.memory_space<semaphore_mem>>) {add = true}
      %add3A_506 = arith.constant 5 : i32
      %add3A_507 = arith.addi %add3A_201, %add3A_506 : i32
      %ge3A_508 = arith.constant 4 : i32
      %ge3A_509 = arith.cmpi sge, %add3A_507, %ge3A_508 : i32
      %convert_element_type3A_510 = arith.extui %ge3A_509 : i1 to i32
      %cond3A_511 = arith.constant 0 : i32
      %cond3A_512 = arith.cmpi ne, %convert_element_type3A_510, %cond3A_511 : i32
      scf.if %cond3A_512 {
        %dma_wait3A_692 = arith.constant 1 : i32
        %dma_wait3A_693 = arith.constant 0 : i32
        %dma_wait3A_694 = tpu.memref_slice %arg8[%dma_wait3A_692, %dma_wait3A_693] : memref<8x128xi32, #tpu.memory_space<vmem>> -> memref<1x128xi32, #tpu.memory_space<vmem>>
        %dma_wait3A_695 = tpu.memref_squeeze %dma_wait3A_694 : memref<1x128xi32, #tpu.memory_space<vmem>> -> memref<128xi32, #tpu.memory_space<vmem>>
        %dma_wait3A_696 = arith.constant 0 : i32
        %dma_wait3A_697 = arith.constant 0 : i32
        %dma_wait3A_698 = tpu.memref_slice %arg18[%dma_wait3A_696, %dma_wait3A_697] : memref<10240x64xf32, #tpu.memory_space<vmem_shared>> -> memref<10240x64xf32, #tpu.memory_space<vmem_shared>>
        tpu.wait_indirect_dma semaphore(%arg28 : memref<!tpu.dma_semaphore, #tpu.memory_space<semaphore_mem>>) src(%arg11 : memref<128x64xf32, #tpu.memory_space<vmem>>) dst(%dma_wait3A_698 : memref<10240x64xf32, #tpu.memory_space<vmem_shared>>)
      } else {
      }
      %add3A_513 = arith.constant 4 : i32
      %add3A_514 = arith.addi %add3A_507, %add3A_513 : i32
      %lt3A_515 = arith.constant 160 : i32
      %lt3A_516 = arith.cmpi slt, %add3A_514, %lt3A_515 : i32
      %convert_element_type3A_517 = arith.extui %lt3A_516 : i1 to i32
      %cond3A_518 = arith.constant 0 : i32
      %cond3A_519 = arith.cmpi ne, %convert_element_type3A_517, %cond3A_518 : i32
      scf.if %cond3A_519 {
        %add3A_692 = arith.constant 4 : i32
        %add3A_693 = arith.addi %add3A_507, %add3A_692 : i32
        %dma_start3A_694 = arith.constant 0 : i32
        %dma_start3A_695 = tpu.memref_slice %arg7[%add3A_693, %dma_start3A_694] : memref<160x128xi32, #tpu.memory_space<vmem>> -> memref<1x128xi32, #tpu.memory_space<vmem>>
        %dma_start3A_696 = tpu.memref_squeeze %dma_start3A_695 : memref<1x128xi32, #tpu.memory_space<vmem>> -> memref<128xi32, #tpu.memory_space<vmem>>
        %dma_start3A_697 = arith.constant 0 : i32
        %dma_start3A_698 = arith.constant 0 : i32
        %dma_start3A_699 = tpu.memref_slice %arg2[%arg0, %dma_start3A_697, %dma_start3A_698] : memref<2x10000x64xf32, #tpu.memory_space<hbm>> -> memref<1x10000x64xf32, #tpu.memory_space<hbm>>
        %dma_start3A_700 = tpu.memref_squeeze %dma_start3A_699 : memref<1x10000x64xf32, #tpu.memory_space<hbm>> -> memref<10000x64xf32, #tpu.memory_space<hbm>>
        %dma_start3A_701 = arith.constant 0 : i32
        %dma_start3A_702 = arith.constant 0 : i32
        %dma_start3A_703 = tpu.memref_slice %dma_start3A_700[%dma_start3A_701, %dma_start3A_702] : memref<10000x64xf32, #tpu.memory_space<hbm>> -> memref<10000x64xf32, #tpu.memory_space<hbm>>
        tpu.enqueue_indirect_dma source(%dma_start3A_703 : memref<10000x64xf32, #tpu.memory_space<hbm>>) target(%arg11 : memref<128x64xf32, #tpu.memory_space<vmem>>) offsets(%dma_start3A_696 : memref<128xi32, #tpu.memory_space<vmem>>) semaphore(%arg20 : memref<!tpu.dma_semaphore, #tpu.memory_space<semaphore_mem>>)
        %dma_start3A_704 = arith.constant 1 : i32
        %dma_start3A_705 = arith.constant 0 : i32
        %dma_start3A_706 = tpu.memref_slice %arg8[%dma_start3A_704, %dma_start3A_705] : memref<8x128xi32, #tpu.memory_space<vmem>> -> memref<1x128xi32, #tpu.memory_space<vmem>>
        %dma_start3A_707 = tpu.memref_squeeze %dma_start3A_706 : memref<1x128xi32, #tpu.memory_space<vmem>> -> memref<128xi32, #tpu.memory_space<vmem>>
        %dma_start3A_708 = arith.constant 0 : i32
        %dma_start3A_709 = tpu.memref_slice %arg3[%arg1, %add3A_693, %dma_start3A_708] : memref<16x160x128xi32, #tpu.memory_space<hbm>> -> memref<1x1x128xi32, #tpu.memory_space<hbm>>
        %dma_start3A_710 = tpu.memref_squeeze %dma_start3A_709 : memref<1x1x128xi32, #tpu.memory_space<hbm>> -> memref<128xi32, #tpu.memory_space<hbm>>
        %dma_start3A_711 = arith.constant 0 : i32
        %dma_start3A_712 = tpu.memref_slice %arg8[%dma_start3A_704, %dma_start3A_711] : memref<8x128xi32, #tpu.memory_space<vmem>> -> memref<1x128xi32, #tpu.memory_space<vmem>>
        %dma_start3A_713 = tpu.memref_squeeze %dma_start3A_712 : memref<1x128xi32, #tpu.memory_space<vmem>> -> memref<128xi32, #tpu.memory_space<vmem>>
        %dma_start3A_714 = arith.constant 0 : i32
        %dma_start3A_715 = tpu.memref_slice %arg3[%arg1, %add3A_693, %dma_start3A_714] : memref<16x160x128xi32, #tpu.memory_space<hbm>> -> memref<1x1x128xi32, #tpu.memory_space<hbm>>
        %dma_start3A_716 = tpu.memref_squeeze %dma_start3A_715 : memref<1x1x128xi32, #tpu.memory_space<hbm>> -> memref<128xi32, #tpu.memory_space<hbm>>
        tpu.enqueue_dma source(%dma_start3A_716 : memref<128xi32, #tpu.memory_space<hbm>>) target(%dma_start3A_713 : memref<128xi32, #tpu.memory_space<vmem>>) target_semaphore(%arg20 : memref<!tpu.dma_semaphore, #tpu.memory_space<semaphore_mem>>)
        %dma_start3A_717 = arith.constant 1 : i32
        %dma_start3A_718 = arith.constant 0 : i32
        %dma_start3A_719 = tpu.memref_slice %arg9[%dma_start3A_717, %dma_start3A_718] : memref<8x128xf32, #tpu.memory_space<vmem>> -> memref<1x128xf32, #tpu.memory_space<vmem>>
        %dma_start3A_720 = tpu.memref_squeeze %dma_start3A_719 : memref<1x128xf32, #tpu.memory_space<vmem>> -> memref<128xf32, #tpu.memory_space<vmem>>
        %dma_start3A_721 = arith.constant 0 : i32
        %dma_start3A_722 = tpu.memref_slice %arg5[%arg1, %add3A_693, %dma_start3A_721] : memref<16x160x128xf32, #tpu.memory_space<hbm>> -> memref<1x1x128xf32, #tpu.memory_space<hbm>>
        %dma_start3A_723 = tpu.memref_squeeze %dma_start3A_722 : memref<1x1x128xf32, #tpu.memory_space<hbm>> -> memref<128xf32, #tpu.memory_space<hbm>>
        %dma_start3A_724 = arith.constant 0 : i32
        %dma_start3A_725 = tpu.memref_slice %arg9[%dma_start3A_717, %dma_start3A_724] : memref<8x128xf32, #tpu.memory_space<vmem>> -> memref<1x128xf32, #tpu.memory_space<vmem>>
        %dma_start3A_726 = tpu.memref_squeeze %dma_start3A_725 : memref<1x128xf32, #tpu.memory_space<vmem>> -> memref<128xf32, #tpu.memory_space<vmem>>
        %dma_start3A_727 = arith.constant 0 : i32
        %dma_start3A_728 = tpu.memref_slice %arg5[%arg1, %add3A_693, %dma_start3A_727] : memref<16x160x128xf32, #tpu.memory_space<hbm>> -> memref<1x1x128xf32, #tpu.memory_space<hbm>>
        %dma_start3A_729 = tpu.memref_squeeze %dma_start3A_728 : memref<1x1x128xf32, #tpu.memory_space<hbm>> -> memref<128xf32, #tpu.memory_space<hbm>>
        tpu.enqueue_dma source(%dma_start3A_729 : memref<128xf32, #tpu.memory_space<hbm>>) target(%dma_start3A_726 : memref<128xf32, #tpu.memory_space<vmem>>) target_semaphore(%arg20 : memref<!tpu.dma_semaphore, #tpu.memory_space<semaphore_mem>>)
      } else {
      }
      %dma_wait3A_520 = arith.constant 0 : i32
      %dma_wait3A_521 = tpu.memref_slice %arg7[%add3A_507, %dma_wait3A_520] : memref<160x128xi32, #tpu.memory_space<vmem>> -> memref<1x128xi32, #tpu.memory_space<vmem>>
      %dma_wait3A_522 = tpu.memref_squeeze %dma_wait3A_521 : memref<1x128xi32, #tpu.memory_space<vmem>> -> memref<128xi32, #tpu.memory_space<vmem>>
      %dma_wait3A_523 = arith.constant 0 : i32
      %dma_wait3A_524 = arith.constant 0 : i32
      %dma_wait3A_525 = tpu.memref_slice %arg2[%arg0, %dma_wait3A_523, %dma_wait3A_524] : memref<2x10000x64xf32, #tpu.memory_space<hbm>> -> memref<1x10000x64xf32, #tpu.memory_space<hbm>>
      %dma_wait3A_526 = tpu.memref_squeeze %dma_wait3A_525 : memref<1x10000x64xf32, #tpu.memory_space<hbm>> -> memref<10000x64xf32, #tpu.memory_space<hbm>>
      %dma_wait3A_527 = arith.constant 0 : i32
      %dma_wait3A_528 = arith.constant 0 : i32
      %dma_wait3A_529 = tpu.memref_slice %dma_wait3A_526[%dma_wait3A_527, %dma_wait3A_528] : memref<10000x64xf32, #tpu.memory_space<hbm>> -> memref<10000x64xf32, #tpu.memory_space<hbm>>
      tpu.wait_indirect_dma semaphore(%arg24 : memref<!tpu.dma_semaphore, #tpu.memory_space<semaphore_mem>>) src(%dma_wait3A_529 : memref<10000x64xf32, #tpu.memory_space<hbm>>) dst(%arg15 : memref<128x64xf32, #tpu.memory_space<vmem>>)
      %dma_wait3A_530 = arith.constant 5 : i32
      %dma_wait3A_531 = arith.constant 0 : i32
      %dma_wait3A_532 = tpu.memref_slice %arg8[%dma_wait3A_530, %dma_wait3A_531] : memref<8x128xi32, #tpu.memory_space<vmem>> -> memref<1x128xi32, #tpu.memory_space<vmem>>
      %dma_wait3A_533 = tpu.memref_squeeze %dma_wait3A_532 : memref<1x128xi32, #tpu.memory_space<vmem>> -> memref<128xi32, #tpu.memory_space<vmem>>
      %dma_wait3A_534 = arith.constant 0 : i32
      %dma_wait3A_535 = tpu.memref_slice %arg3[%arg1, %add3A_507, %dma_wait3A_534] : memref<16x160x128xi32, #tpu.memory_space<hbm>> -> memref<1x1x128xi32, #tpu.memory_space<hbm>>
      %dma_wait3A_536 = tpu.memref_squeeze %dma_wait3A_535 : memref<1x1x128xi32, #tpu.memory_space<hbm>> -> memref<128xi32, #tpu.memory_space<hbm>>
      %dma_wait3A_537 = arith.constant 0 : i32
      %dma_wait3A_538 = tpu.memref_slice %arg8[%dma_wait3A_530, %dma_wait3A_537] : memref<8x128xi32, #tpu.memory_space<vmem>> -> memref<1x128xi32, #tpu.memory_space<vmem>>
      %dma_wait3A_539 = tpu.memref_squeeze %dma_wait3A_538 : memref<1x128xi32, #tpu.memory_space<vmem>> -> memref<128xi32, #tpu.memory_space<vmem>>
      %dma_wait3A_540 = arith.constant 0 : i32
      %dma_wait3A_541 = tpu.memref_slice %arg3[%arg1, %add3A_507, %dma_wait3A_540] : memref<16x160x128xi32, #tpu.memory_space<hbm>> -> memref<1x1x128xi32, #tpu.memory_space<hbm>>
      %dma_wait3A_542 = tpu.memref_squeeze %dma_wait3A_541 : memref<1x1x128xi32, #tpu.memory_space<hbm>> -> memref<128xi32, #tpu.memory_space<hbm>>
      tpu.wait_dma2 semaphore(%arg24 : memref<!tpu.dma_semaphore, #tpu.memory_space<semaphore_mem>>) src(%dma_wait3A_542 : memref<128xi32, #tpu.memory_space<hbm>>) dst(%dma_wait3A_539 : memref<128xi32, #tpu.memory_space<vmem>>)
      %dma_wait3A_543 = arith.constant 5 : i32
      %dma_wait3A_544 = arith.constant 0 : i32
      %dma_wait3A_545 = tpu.memref_slice %arg9[%dma_wait3A_543, %dma_wait3A_544] : memref<8x128xf32, #tpu.memory_space<vmem>> -> memref<1x128xf32, #tpu.memory_space<vmem>>
      %dma_wait3A_546 = tpu.memref_squeeze %dma_wait3A_545 : memref<1x128xf32, #tpu.memory_space<vmem>> -> memref<128xf32, #tpu.memory_space<vmem>>
      %dma_wait3A_547 = arith.constant 0 : i32
      %dma_wait3A_548 = tpu.memref_slice %arg5[%arg1, %add3A_507, %dma_wait3A_547] : memref<16x160x128xf32, #tpu.memory_space<hbm>> -> memref<1x1x128xf32, #tpu.memory_space<hbm>>
      %dma_wait3A_549 = tpu.memref_squeeze %dma_wait3A_548 : memref<1x1x128xf32, #tpu.memory_space<hbm>> -> memref<128xf32, #tpu.memory_space<hbm>>
      %dma_wait3A_550 = arith.constant 0 : i32
      %dma_wait3A_551 = tpu.memref_slice %arg9[%dma_wait3A_543, %dma_wait3A_550] : memref<8x128xf32, #tpu.memory_space<vmem>> -> memref<1x128xf32, #tpu.memory_space<vmem>>
      %dma_wait3A_552 = tpu.memref_squeeze %dma_wait3A_551 : memref<1x128xf32, #tpu.memory_space<vmem>> -> memref<128xf32, #tpu.memory_space<vmem>>
      %dma_wait3A_553 = arith.constant 0 : i32
      %dma_wait3A_554 = tpu.memref_slice %arg5[%arg1, %add3A_507, %dma_wait3A_553] : memref<16x160x128xf32, #tpu.memory_space<hbm>> -> memref<1x1x128xf32, #tpu.memory_space<hbm>>
      %dma_wait3A_555 = tpu.memref_squeeze %dma_wait3A_554 : memref<1x1x128xf32, #tpu.memory_space<hbm>> -> memref<128xf32, #tpu.memory_space<hbm>>
      tpu.wait_dma2 semaphore(%arg24 : memref<!tpu.dma_semaphore, #tpu.memory_space<semaphore_mem>>) src(%dma_wait3A_555 : memref<128xf32, #tpu.memory_space<hbm>>) dst(%dma_wait3A_552 : memref<128xf32, #tpu.memory_space<vmem>>)
      %broadcast_in_dim3A_556 = arith.constant 5 : i32
      %broadcast_in_dim3A_557 = vector.broadcast %broadcast_in_dim3A_556 : i32 to vector<16xi32>
      %parallel_loop3A_558 = arith.constant 0 : i32
      %parallel_loop3A_559 = arith.constant 128 : i32
      %parallel_loop3A_560 = arith.constant 1 : i32
      scf.for %parallel_loop3A_692 = %parallel_loop3A_558 to %parallel_loop3A_559 step %parallel_loop3A_560  : i32 {
        %parallel_loop3A_693 = vector.broadcast %parallel_loop3A_692 : i32 to vector<16xi32>
        %parallel_loop3A_694 = tpu.vector_load_idx %arg9[%broadcast_in_dim3A_557, %parallel_loop3A_693] : memref<8x128xf32, #tpu.memory_space<vmem>>[vector<16xi32>, vector<16xi32>], vector<16xf32>,
        %parallel_loop3A_695 = arith.index_cast %parallel_loop3A_692 : i32 to index
        %parallel_loop3A_696 = arith.constant 0 : index
        %parallel_loop3A_697 = tpu.vector_load %arg15[%parallel_loop3A_695, %parallel_loop3A_696] {strides = array<i32>} : memref<128x64xf32, #tpu.memory_space<vmem>>, vector<16xf32>,
        %parallel_loop3A_698 = arith.mulf %parallel_loop3A_697, %parallel_loop3A_694 : vector<16xf32>
        %parallel_loop3A_699 = arith.index_cast %parallel_loop3A_692 : i32 to index
        %parallel_loop3A_700 = arith.constant 0 : index
        %parallel_loop3A_701 = tpu.vector_load %arg15[%parallel_loop3A_699, %parallel_loop3A_700] {strides = array<i32>} : memref<128x64xf32, #tpu.memory_space<vmem>>, vector<16xf32>,
        tpu.vector_store %arg15[%parallel_loop3A_699, %parallel_loop3A_700], %parallel_loop3A_698 {strides = array<i32>} : memref<128x64xf32, #tpu.memory_space<vmem>>, vector<16xf32>,
        %parallel_loop3A_702 = arith.index_cast %parallel_loop3A_692 : i32 to index
        %parallel_loop3A_703 = arith.constant 16 : index
        %parallel_loop3A_704 = tpu.vector_load %arg15[%parallel_loop3A_702, %parallel_loop3A_703] {strides = array<i32>} : memref<128x64xf32, #tpu.memory_space<vmem>>, vector<16xf32>,
        %parallel_loop3A_705 = arith.mulf %parallel_loop3A_704, %parallel_loop3A_694 : vector<16xf32>
        %parallel_loop3A_706 = arith.index_cast %parallel_loop3A_692 : i32 to index
        %parallel_loop3A_707 = arith.constant 16 : index
        %parallel_loop3A_708 = tpu.vector_load %arg15[%parallel_loop3A_706, %parallel_loop3A_707] {strides = array<i32>} : memref<128x64xf32, #tpu.memory_space<vmem>>, vector<16xf32>,
        tpu.vector_store %arg15[%parallel_loop3A_706, %parallel_loop3A_707], %parallel_loop3A_705 {strides = array<i32>} : memref<128x64xf32, #tpu.memory_space<vmem>>, vector<16xf32>,
        %parallel_loop3A_709 = arith.index_cast %parallel_loop3A_692 : i32 to index
        %parallel_loop3A_710 = arith.constant 32 : index
        %parallel_loop3A_711 = tpu.vector_load %arg15[%parallel_loop3A_709, %parallel_loop3A_710] {strides = array<i32>} : memref<128x64xf32, #tpu.memory_space<vmem>>, vector<16xf32>,
        %parallel_loop3A_712 = arith.mulf %parallel_loop3A_711, %parallel_loop3A_694 : vector<16xf32>
        %parallel_loop3A_713 = arith.index_cast %parallel_loop3A_692 : i32 to index
        %parallel_loop3A_714 = arith.constant 32 : index
        %parallel_loop3A_715 = tpu.vector_load %arg15[%parallel_loop3A_713, %parallel_loop3A_714] {strides = array<i32>} : memref<128x64xf32, #tpu.memory_space<vmem>>, vector<16xf32>,
        tpu.vector_store %arg15[%parallel_loop3A_713, %parallel_loop3A_714], %parallel_loop3A_712 {strides = array<i32>} : memref<128x64xf32, #tpu.memory_space<vmem>>, vector<16xf32>,
        %parallel_loop3A_716 = arith.index_cast %parallel_loop3A_692 : i32 to index
        %parallel_loop3A_717 = arith.constant 48 : index
        %parallel_loop3A_718 = tpu.vector_load %arg15[%parallel_loop3A_716, %parallel_loop3A_717] {strides = array<i32>} : memref<128x64xf32, #tpu.memory_space<vmem>>, vector<16xf32>,
        %parallel_loop3A_719 = arith.mulf %parallel_loop3A_718, %parallel_loop3A_694 : vector<16xf32>
        %parallel_loop3A_720 = arith.index_cast %parallel_loop3A_692 : i32 to index
        %parallel_loop3A_721 = arith.constant 48 : index
        %parallel_loop3A_722 = tpu.vector_load %arg15[%parallel_loop3A_720, %parallel_loop3A_721] {strides = array<i32>} : memref<128x64xf32, #tpu.memory_space<vmem>>, vector<16xf32>,
        tpu.vector_store %arg15[%parallel_loop3A_720, %parallel_loop3A_721], %parallel_loop3A_719 {strides = array<i32>} : memref<128x64xf32, #tpu.memory_space<vmem>>, vector<16xf32>,
      } {sc.loop_unroll_factor = 8 : i64, sc.parallel_access}
      %dma_start3A_561 = arith.constant 5 : i32
      %dma_start3A_562 = arith.constant 0 : i32
      %dma_start3A_563 = tpu.memref_slice %arg8[%dma_start3A_561, %dma_start3A_562] : memref<8x128xi32, #tpu.memory_space<vmem>> -> memref<1x128xi32, #tpu.memory_space<vmem>>
      %dma_start3A_564 = tpu.memref_squeeze %dma_start3A_563 : memref<1x128xi32, #tpu.memory_space<vmem>> -> memref<128xi32, #tpu.memory_space<vmem>>
      %dma_start3A_565 = arith.constant 0 : i32
      %dma_start3A_566 = arith.constant 0 : i32
      %dma_start3A_567 = tpu.memref_slice %arg18[%dma_start3A_565, %dma_start3A_566] : memref<10240x64xf32, #tpu.memory_space<vmem_shared>> -> memref<10240x64xf32, #tpu.memory_space<vmem_shared>>
      tpu.enqueue_indirect_dma source(%arg15 : memref<128x64xf32, #tpu.memory_space<vmem>>) target(%dma_start3A_567 : memref<10240x64xf32, #tpu.memory_space<vmem_shared>>) offsets(%dma_start3A_564 : memref<128xi32, #tpu.memory_space<vmem>>) semaphore(%arg32 : memref<!tpu.dma_semaphore, #tpu.memory_space<semaphore_mem>>) {add = true}
      %add3A_568 = arith.constant 6 : i32
      %add3A_569 = arith.addi %add3A_201, %add3A_568 : i32
      %ge3A_570 = arith.constant 4 : i32
      %ge3A_571 = arith.cmpi sge, %add3A_569, %ge3A_570 : i32
      %convert_element_type3A_572 = arith.extui %ge3A_571 : i1 to i32
      %cond3A_573 = arith.constant 0 : i32
      %cond3A_574 = arith.cmpi ne, %convert_element_type3A_572, %cond3A_573 : i32
      scf.if %cond3A_574 {
        %dma_wait3A_692 = arith.constant 2 : i32
        %dma_wait3A_693 = arith.constant 0 : i32
        %dma_wait3A_694 = tpu.memref_slice %arg8[%dma_wait3A_692, %dma_wait3A_693] : memref<8x128xi32, #tpu.memory_space<vmem>> -> memref<1x128xi32, #tpu.memory_space<vmem>>
        %dma_wait3A_695 = tpu.memref_squeeze %dma_wait3A_694 : memref<1x128xi32, #tpu.memory_space<vmem>> -> memref<128xi32, #tpu.memory_space<vmem>>
        %dma_wait3A_696 = arith.constant 0 : i32
        %dma_wait3A_697 = arith.constant 0 : i32
        %dma_wait3A_698 = tpu.memref_slice %arg18[%dma_wait3A_696, %dma_wait3A_697] : memref<10240x64xf32, #tpu.memory_space<vmem_shared>> -> memref<10240x64xf32, #tpu.memory_space<vmem_shared>>
        tpu.wait_indirect_dma semaphore(%arg29 : memref<!tpu.dma_semaphore, #tpu.memory_space<semaphore_mem>>) src(%arg12 : memref<128x64xf32, #tpu.memory_space<vmem>>) dst(%dma_wait3A_698 : memref<10240x64xf32, #tpu.memory_space<vmem_shared>>)
      } else {
      }
      %add3A_575 = arith.constant 4 : i32
      %add3A_576 = arith.addi %add3A_569, %add3A_575 : i32
      %lt3A_577 = arith.constant 160 : i32
      %lt3A_578 = arith.cmpi slt, %add3A_576, %lt3A_577 : i32
      %convert_element_type3A_579 = arith.extui %lt3A_578 : i1 to i32
      %cond3A_580 = arith.constant 0 : i32
      %cond3A_581 = arith.cmpi ne, %convert_element_type3A_579, %cond3A_580 : i32
      scf.if %cond3A_581 {
        %add3A_692 = arith.constant 4 : i32
        %add3A_693 = arith.addi %add3A_569, %add3A_692 : i32
        %dma_start3A_694 = arith.constant 0 : i32
        %dma_start3A_695 = tpu.memref_slice %arg7[%add3A_693, %dma_start3A_694] : memref<160x128xi32, #tpu.memory_space<vmem>> -> memref<1x128xi32, #tpu.memory_space<vmem>>
        %dma_start3A_696 = tpu.memref_squeeze %dma_start3A_695 : memref<1x128xi32, #tpu.memory_space<vmem>> -> memref<128xi32, #tpu.memory_space<vmem>>
        %dma_start3A_697 = arith.constant 0 : i32
        %dma_start3A_698 = arith.constant 0 : i32
        %dma_start3A_699 = tpu.memref_slice %arg2[%arg0, %dma_start3A_697, %dma_start3A_698] : memref<2x10000x64xf32, #tpu.memory_space<hbm>> -> memref<1x10000x64xf32, #tpu.memory_space<hbm>>
        %dma_start3A_700 = tpu.memref_squeeze %dma_start3A_699 : memref<1x10000x64xf32, #tpu.memory_space<hbm>> -> memref<10000x64xf32, #tpu.memory_space<hbm>>
        %dma_start3A_701 = arith.constant 0 : i32
        %dma_start3A_702 = arith.constant 0 : i32
        %dma_start3A_703 = tpu.memref_slice %dma_start3A_700[%dma_start3A_701, %dma_start3A_702] : memref<10000x64xf32, #tpu.memory_space<hbm>> -> memref<10000x64xf32, #tpu.memory_space<hbm>>
        tpu.enqueue_indirect_dma source(%dma_start3A_703 : memref<10000x64xf32, #tpu.memory_space<hbm>>) target(%arg12 : memref<128x64xf32, #tpu.memory_space<vmem>>) offsets(%dma_start3A_696 : memref<128xi32, #tpu.memory_space<vmem>>) semaphore(%arg21 : memref<!tpu.dma_semaphore, #tpu.memory_space<semaphore_mem>>)
        %dma_start3A_704 = arith.constant 2 : i32
        %dma_start3A_705 = arith.constant 0 : i32
        %dma_start3A_706 = tpu.memref_slice %arg8[%dma_start3A_704, %dma_start3A_705] : memref<8x128xi32, #tpu.memory_space<vmem>> -> memref<1x128xi32, #tpu.memory_space<vmem>>
        %dma_start3A_707 = tpu.memref_squeeze %dma_start3A_706 : memref<1x128xi32, #tpu.memory_space<vmem>> -> memref<128xi32, #tpu.memory_space<vmem>>
        %dma_start3A_708 = arith.constant 0 : i32
        %dma_start3A_709 = tpu.memref_slice %arg3[%arg1, %add3A_693, %dma_start3A_708] : memref<16x160x128xi32, #tpu.memory_space<hbm>> -> memref<1x1x128xi32, #tpu.memory_space<hbm>>
        %dma_start3A_710 = tpu.memref_squeeze %dma_start3A_709 : memref<1x1x128xi32, #tpu.memory_space<hbm>> -> memref<128xi32, #tpu.memory_space<hbm>>
        %dma_start3A_711 = arith.constant 0 : i32
        %dma_start3A_712 = tpu.memref_slice %arg8[%dma_start3A_704, %dma_start3A_711] : memref<8x128xi32, #tpu.memory_space<vmem>> -> memref<1x128xi32, #tpu.memory_space<vmem>>
        %dma_start3A_713 = tpu.memref_squeeze %dma_start3A_712 : memref<1x128xi32, #tpu.memory_space<vmem>> -> memref<128xi32, #tpu.memory_space<vmem>>
        %dma_start3A_714 = arith.constant 0 : i32
        %dma_start3A_715 = tpu.memref_slice %arg3[%arg1, %add3A_693, %dma_start3A_714] : memref<16x160x128xi32, #tpu.memory_space<hbm>> -> memref<1x1x128xi32, #tpu.memory_space<hbm>>
        %dma_start3A_716 = tpu.memref_squeeze %dma_start3A_715 : memref<1x1x128xi32, #tpu.memory_space<hbm>> -> memref<128xi32, #tpu.memory_space<hbm>>
        tpu.enqueue_dma source(%dma_start3A_716 : memref<128xi32, #tpu.memory_space<hbm>>) target(%dma_start3A_713 : memref<128xi32, #tpu.memory_space<vmem>>) target_semaphore(%arg21 : memref<!tpu.dma_semaphore, #tpu.memory_space<semaphore_mem>>)
        %dma_start3A_717 = arith.constant 2 : i32
        %dma_start3A_718 = arith.constant 0 : i32
        %dma_start3A_719 = tpu.memref_slice %arg9[%dma_start3A_717, %dma_start3A_718] : memref<8x128xf32, #tpu.memory_space<vmem>> -> memref<1x128xf32, #tpu.memory_space<vmem>>
        %dma_start3A_720 = tpu.memref_squeeze %dma_start3A_719 : memref<1x128xf32, #tpu.memory_space<vmem>> -> memref<128xf32, #tpu.memory_space<vmem>>
        %dma_start3A_721 = arith.constant 0 : i32
        %dma_start3A_722 = tpu.memref_slice %arg5[%arg1, %add3A_693, %dma_start3A_721] : memref<16x160x128xf32, #tpu.memory_space<hbm>> -> memref<1x1x128xf32, #tpu.memory_space<hbm>>
        %dma_start3A_723 = tpu.memref_squeeze %dma_start3A_722 : memref<1x1x128xf32, #tpu.memory_space<hbm>> -> memref<128xf32, #tpu.memory_space<hbm>>
        %dma_start3A_724 = arith.constant 0 : i32
        %dma_start3A_725 = tpu.memref_slice %arg9[%dma_start3A_717, %dma_start3A_724] : memref<8x128xf32, #tpu.memory_space<vmem>> -> memref<1x128xf32, #tpu.memory_space<vmem>>
        %dma_start3A_726 = tpu.memref_squeeze %dma_start3A_725 : memref<1x128xf32, #tpu.memory_space<vmem>> -> memref<128xf32, #tpu.memory_space<vmem>>
        %dma_start3A_727 = arith.constant 0 : i32
        %dma_start3A_728 = tpu.memref_slice %arg5[%arg1, %add3A_693, %dma_start3A_727] : memref<16x160x128xf32, #tpu.memory_space<hbm>> -> memref<1x1x128xf32, #tpu.memory_space<hbm>>
        %dma_start3A_729 = tpu.memref_squeeze %dma_start3A_728 : memref<1x1x128xf32, #tpu.memory_space<hbm>> -> memref<128xf32, #tpu.memory_space<hbm>>
        tpu.enqueue_dma source(%dma_start3A_729 : memref<128xf32, #tpu.memory_space<hbm>>) target(%dma_start3A_726 : memref<128xf32, #tpu.memory_space<vmem>>) target_semaphore(%arg21 : memref<!tpu.dma_semaphore, #tpu.memory_space<semaphore_mem>>)
      } else {
      }
      %dma_wait3A_582 = arith.constant 0 : i32
      %dma_wait3A_583 = tpu.memref_slice %arg7[%add3A_569, %dma_wait3A_582] : memref<160x128xi32, #tpu.memory_space<vmem>> -> memref<1x128xi32, #tpu.memory_space<vmem>>
      %dma_wait3A_584 = tpu.memref_squeeze %dma_wait3A_583 : memref<1x128xi32, #tpu.memory_space<vmem>> -> memref<128xi32, #tpu.memory_space<vmem>>
      %dma_wait3A_585 = arith.constant 0 : i32
      %dma_wait3A_586 = arith.constant 0 : i32
      %dma_wait3A_587 = tpu.memref_slice %arg2[%arg0, %dma_wait3A_585, %dma_wait3A_586] : memref<2x10000x64xf32, #tpu.memory_space<hbm>> -> memref<1x10000x64xf32, #tpu.memory_space<hbm>>
      %dma_wait3A_588 = tpu.memref_squeeze %dma_wait3A_587 : memref<1x10000x64xf32, #tpu.memory_space<hbm>> -> memref<10000x64xf32, #tpu.memory_space<hbm>>
      %dma_wait3A_589 = arith.constant 0 : i32
      %dma_wait3A_590 = arith.constant 0 : i32
      %dma_wait3A_591 = tpu.memref_slice %dma_wait3A_588[%dma_wait3A_589, %dma_wait3A_590] : memref<10000x64xf32, #tpu.memory_space<hbm>> -> memref<10000x64xf32, #tpu.memory_space<hbm>>
      tpu.wait_indirect_dma semaphore(%arg25 : memref<!tpu.dma_semaphore, #tpu.memory_space<semaphore_mem>>) src(%dma_wait3A_591 : memref<10000x64xf32, #tpu.memory_space<hbm>>) dst(%arg16 : memref<128x64xf32, #tpu.memory_space<vmem>>)
      %dma_wait3A_592 = arith.constant 6 : i32
      %dma_wait3A_593 = arith.constant 0 : i32
      %dma_wait3A_594 = tpu.memref_slice %arg8[%dma_wait3A_592, %dma_wait3A_593] : memref<8x128xi32, #tpu.memory_space<vmem>> -> memref<1x128xi32, #tpu.memory_space<vmem>>
      %dma_wait3A_595 = tpu.memref_squeeze %dma_wait3A_594 : memref<1x128xi32, #tpu.memory_space<vmem>> -> memref<128xi32, #tpu.memory_space<vmem>>
      %dma_wait3A_596 = arith.constant 0 : i32
      %dma_wait3A_597 = tpu.memref_slice %arg3[%arg1, %add3A_569, %dma_wait3A_596] : memref<16x160x128xi32, #tpu.memory_space<hbm>> -> memref<1x1x128xi32, #tpu.memory_space<hbm>>
      %dma_wait3A_598 = tpu.memref_squeeze %dma_wait3A_597 : memref<1x1x128xi32, #tpu.memory_space<hbm>> -> memref<128xi32, #tpu.memory_space<hbm>>
      %dma_wait3A_599 = arith.constant 0 : i32
      %dma_wait3A_600 = tpu.memref_slice %arg8[%dma_wait3A_592, %dma_wait3A_599] : memref<8x128xi32, #tpu.memory_space<vmem>> -> memref<1x128xi32, #tpu.memory_space<vmem>>
      %dma_wait3A_601 = tpu.memref_squeeze %dma_wait3A_600 : memref<1x128xi32, #tpu.memory_space<vmem>> -> memref<128xi32, #tpu.memory_space<vmem>>
      %dma_wait3A_602 = arith.constant 0 : i32
      %dma_wait3A_603 = tpu.memref_slice %arg3[%arg1, %add3A_569, %dma_wait3A_602] : memref<16x160x128xi32, #tpu.memory_space<hbm>> -> memref<1x1x128xi32, #tpu.memory_space<hbm>>
      %dma_wait3A_604 = tpu.memref_squeeze %dma_wait3A_603 : memref<1x1x128xi32, #tpu.memory_space<hbm>> -> memref<128xi32, #tpu.memory_space<hbm>>
      tpu.wait_dma2 semaphore(%arg25 : memref<!tpu.dma_semaphore, #tpu.memory_space<semaphore_mem>>) src(%dma_wait3A_604 : memref<128xi32, #tpu.memory_space<hbm>>) dst(%dma_wait3A_601 : memref<128xi32, #tpu.memory_space<vmem>>)
      %dma_wait3A_605 = arith.constant 6 : i32
      %dma_wait3A_606 = arith.constant 0 : i32
      %dma_wait3A_607 = tpu.memref_slice %arg9[%dma_wait3A_605, %dma_wait3A_606] : memref<8x128xf32, #tpu.memory_space<vmem>> -> memref<1x128xf32, #tpu.memory_space<vmem>>
      %dma_wait3A_608 = tpu.memref_squeeze %dma_wait3A_607 : memref<1x128xf32, #tpu.memory_space<vmem>> -> memref<128xf32, #tpu.memory_space<vmem>>
      %dma_wait3A_609 = arith.constant 0 : i32
      %dma_wait3A_610 = tpu.memref_slice %arg5[%arg1, %add3A_569, %dma_wait3A_609] : memref<16x160x128xf32, #tpu.memory_space<hbm>> -> memref<1x1x128xf32, #tpu.memory_space<hbm>>
      %dma_wait3A_611 = tpu.memref_squeeze %dma_wait3A_610 : memref<1x1x128xf32, #tpu.memory_space<hbm>> -> memref<128xf32, #tpu.memory_space<hbm>>
      %dma_wait3A_612 = arith.constant 0 : i32
      %dma_wait3A_613 = tpu.memref_slice %arg9[%dma_wait3A_605, %dma_wait3A_612] : memref<8x128xf32, #tpu.memory_space<vmem>> -> memref<1x128xf32, #tpu.memory_space<vmem>>
      %dma_wait3A_614 = tpu.memref_squeeze %dma_wait3A_613 : memref<1x128xf32, #tpu.memory_space<vmem>> -> memref<128xf32, #tpu.memory_space<vmem>>
      %dma_wait3A_615 = arith.constant 0 : i32
      %dma_wait3A_616 = tpu.memref_slice %arg5[%arg1, %add3A_569, %dma_wait3A_615] : memref<16x160x128xf32, #tpu.memory_space<hbm>> -> memref<1x1x128xf32, #tpu.memory_space<hbm>>
      %dma_wait3A_617 = tpu.memref_squeeze %dma_wait3A_616 : memref<1x1x128xf32, #tpu.memory_space<hbm>> -> memref<128xf32, #tpu.memory_space<hbm>>
      tpu.wait_dma2 semaphore(%arg25 : memref<!tpu.dma_semaphore, #tpu.memory_space<semaphore_mem>>) src(%dma_wait3A_617 : memref<128xf32, #tpu.memory_space<hbm>>) dst(%dma_wait3A_614 : memref<128xf32, #tpu.memory_space<vmem>>)
      %broadcast_in_dim3A_618 = arith.constant 6 : i32
      %broadcast_in_dim3A_619 = vector.broadcast %broadcast_in_dim3A_618 : i32 to vector<16xi32>
      %parallel_loop3A_620 = arith.constant 0 : i32
      %parallel_loop3A_621 = arith.constant 128 : i32
      %parallel_loop3A_622 = arith.constant 1 : i32
      scf.for %parallel_loop3A_692 = %parallel_loop3A_620 to %parallel_loop3A_621 step %parallel_loop3A_622  : i32 {
        %parallel_loop3A_693 = vector.broadcast %parallel_loop3A_692 : i32 to vector<16xi32>
        %parallel_loop3A_694 = tpu.vector_load_idx %arg9[%broadcast_in_dim3A_619, %parallel_loop3A_693] : memref<8x128xf32, #tpu.memory_space<vmem>>[vector<16xi32>, vector<16xi32>], vector<16xf32>,
        %parallel_loop3A_695 = arith.index_cast %parallel_loop3A_692 : i32 to index
        %parallel_loop3A_696 = arith.constant 0 : index
        %parallel_loop3A_697 = tpu.vector_load %arg16[%parallel_loop3A_695, %parallel_loop3A_696] {strides = array<i32>} : memref<128x64xf32, #tpu.memory_space<vmem>>, vector<16xf32>,
        %parallel_loop3A_698 = arith.mulf %parallel_loop3A_697, %parallel_loop3A_694 : vector<16xf32>
        %parallel_loop3A_699 = arith.index_cast %parallel_loop3A_692 : i32 to index
        %parallel_loop3A_700 = arith.constant 0 : index
        %parallel_loop3A_701 = tpu.vector_load %arg16[%parallel_loop3A_699, %parallel_loop3A_700] {strides = array<i32>} : memref<128x64xf32, #tpu.memory_space<vmem>>, vector<16xf32>,
        tpu.vector_store %arg16[%parallel_loop3A_699, %parallel_loop3A_700], %parallel_loop3A_698 {strides = array<i32>} : memref<128x64xf32, #tpu.memory_space<vmem>>, vector<16xf32>,
        %parallel_loop3A_702 = arith.index_cast %parallel_loop3A_692 : i32 to index
        %parallel_loop3A_703 = arith.constant 16 : index
        %parallel_loop3A_704 = tpu.vector_load %arg16[%parallel_loop3A_702, %parallel_loop3A_703] {strides = array<i32>} : memref<128x64xf32, #tpu.memory_space<vmem>>, vector<16xf32>,
        %parallel_loop3A_705 = arith.mulf %parallel_loop3A_704, %parallel_loop3A_694 : vector<16xf32>
        %parallel_loop3A_706 = arith.index_cast %parallel_loop3A_692 : i32 to index
        %parallel_loop3A_707 = arith.constant 16 : index
        %parallel_loop3A_708 = tpu.vector_load %arg16[%parallel_loop3A_706, %parallel_loop3A_707] {strides = array<i32>} : memref<128x64xf32, #tpu.memory_space<vmem>>, vector<16xf32>,
        tpu.vector_store %arg16[%parallel_loop3A_706, %parallel_loop3A_707], %parallel_loop3A_705 {strides = array<i32>} : memref<128x64xf32, #tpu.memory_space<vmem>>, vector<16xf32>,
        %parallel_loop3A_709 = arith.index_cast %parallel_loop3A_692 : i32 to index
        %parallel_loop3A_710 = arith.constant 32 : index
        %parallel_loop3A_711 = tpu.vector_load %arg16[%parallel_loop3A_709, %parallel_loop3A_710] {strides = array<i32>} : memref<128x64xf32, #tpu.memory_space<vmem>>, vector<16xf32>,
        %parallel_loop3A_712 = arith.mulf %parallel_loop3A_711, %parallel_loop3A_694 : vector<16xf32>
        %parallel_loop3A_713 = arith.index_cast %parallel_loop3A_692 : i32 to index
        %parallel_loop3A_714 = arith.constant 32 : index
        %parallel_loop3A_715 = tpu.vector_load %arg16[%parallel_loop3A_713, %parallel_loop3A_714] {strides = array<i32>} : memref<128x64xf32, #tpu.memory_space<vmem>>, vector<16xf32>,
        tpu.vector_store %arg16[%parallel_loop3A_713, %parallel_loop3A_714], %parallel_loop3A_712 {strides = array<i32>} : memref<128x64xf32, #tpu.memory_space<vmem>>, vector<16xf32>,
        %parallel_loop3A_716 = arith.index_cast %parallel_loop3A_692 : i32 to index
        %parallel_loop3A_717 = arith.constant 48 : index
        %parallel_loop3A_718 = tpu.vector_load %arg16[%parallel_loop3A_716, %parallel_loop3A_717] {strides = array<i32>} : memref<128x64xf32, #tpu.memory_space<vmem>>, vector<16xf32>,
        %parallel_loop3A_719 = arith.mulf %parallel_loop3A_718, %parallel_loop3A_694 : vector<16xf32>
        %parallel_loop3A_720 = arith.index_cast %parallel_loop3A_692 : i32 to index
        %parallel_loop3A_721 = arith.constant 48 : index
        %parallel_loop3A_722 = tpu.vector_load %arg16[%parallel_loop3A_720, %parallel_loop3A_721] {strides = array<i32>} : memref<128x64xf32, #tpu.memory_space<vmem>>, vector<16xf32>,
        tpu.vector_store %arg16[%parallel_loop3A_720, %parallel_loop3A_721], %parallel_loop3A_719 {strides = array<i32>} : memref<128x64xf32, #tpu.memory_space<vmem>>, vector<16xf32>,
      } {sc.loop_unroll_factor = 8 : i64, sc.parallel_access}
      %dma_start3A_623 = arith.constant 6 : i32
      %dma_start3A_624 = arith.constant 0 : i32
      %dma_start3A_625 = tpu.memref_slice %arg8[%dma_start3A_623, %dma_start3A_624] : memref<8x128xi32, #tpu.memory_space<vmem>> -> memref<1x128xi32, #tpu.memory_space<vmem>>
      %dma_start3A_626 = tpu.memref_squeeze %dma_start3A_625 : memref<1x128xi32, #tpu.memory_space<vmem>> -> memref<128xi32, #tpu.memory_space<vmem>>
      %dma_start3A_627 = arith.constant 0 : i32
      %dma_start3A_628 = arith.constant 0 : i32
      %dma_start3A_629 = tpu.memref_slice %arg18[%dma_start3A_627, %dma_start3A_628] : memref<10240x64xf32, #tpu.memory_space<vmem_shared>> -> memref<10240x64xf32, #tpu.memory_space<vmem_shared>>
      tpu.enqueue_indirect_dma source(%arg16 : memref<128x64xf32, #tpu.memory_space<vmem>>) target(%dma_start3A_629 : memref<10240x64xf32, #tpu.memory_space<vmem_shared>>) offsets(%dma_start3A_626 : memref<128xi32, #tpu.memory_space<vmem>>) semaphore(%arg33 : memref<!tpu.dma_semaphore, #tpu.memory_space<semaphore_mem>>) {add = true}
      %add3A_630 = arith.constant 7 : i32
      %add3A_631 = arith.addi %add3A_201, %add3A_630 : i32
      %ge3A_632 = arith.constant 4 : i32
      %ge3A_633 = arith.cmpi sge, %add3A_631, %ge3A_632 : i32
      %convert_element_type3A_634 = arith.extui %ge3A_633 : i1 to i32
      %cond3A_635 = arith.constant 0 : i32
      %cond3A_636 = arith.cmpi ne, %convert_element_type3A_634, %cond3A_635 : i32
      scf.if %cond3A_636 {
        %dma_wait3A_692 = arith.constant 3 : i32
        %dma_wait3A_693 = arith.constant 0 : i32
        %dma_wait3A_694 = tpu.memref_slice %arg8[%dma_wait3A_692, %dma_wait3A_693] : memref<8x128xi32, #tpu.memory_space<vmem>> -> memref<1x128xi32, #tpu.memory_space<vmem>>
        %dma_wait3A_695 = tpu.memref_squeeze %dma_wait3A_694 : memref<1x128xi32, #tpu.memory_space<vmem>> -> memref<128xi32, #tpu.memory_space<vmem>>
        %dma_wait3A_696 = arith.constant 0 : i32
        %dma_wait3A_697 = arith.constant 0 : i32
        %dma_wait3A_698 = tpu.memref_slice %arg18[%dma_wait3A_696, %dma_wait3A_697] : memref<10240x64xf32, #tpu.memory_space<vmem_shared>> -> memref<10240x64xf32, #tpu.memory_space<vmem_shared>>
        tpu.wait_indirect_dma semaphore(%arg30 : memref<!tpu.dma_semaphore, #tpu.memory_space<semaphore_mem>>) src(%arg13 : memref<128x64xf32, #tpu.memory_space<vmem>>) dst(%dma_wait3A_698 : memref<10240x64xf32, #tpu.memory_space<vmem_shared>>)
      } else {
      }
      %add3A_637 = arith.constant 4 : i32
      %add3A_638 = arith.addi %add3A_631, %add3A_637 : i32
      %lt3A_639 = arith.constant 160 : i32
      %lt3A_640 = arith.cmpi slt, %add3A_638, %lt3A_639 : i32
      %convert_element_type3A_641 = arith.extui %lt3A_640 : i1 to i32
      %cond3A_642 = arith.constant 0 : i32
      %cond3A_643 = arith.cmpi ne, %convert_element_type3A_641, %cond3A_642 : i32
      scf.if %cond3A_643 {
        %add3A_692 = arith.constant 4 : i32
        %add3A_693 = arith.addi %add3A_631, %add3A_692 : i32
        %dma_start3A_694 = arith.constant 0 : i32
        %dma_start3A_695 = tpu.memref_slice %arg7[%add3A_693, %dma_start3A_694] : memref<160x128xi32, #tpu.memory_space<vmem>> -> memref<1x128xi32, #tpu.memory_space<vmem>>
        %dma_start3A_696 = tpu.memref_squeeze %dma_start3A_695 : memref<1x128xi32, #tpu.memory_space<vmem>> -> memref<128xi32, #tpu.memory_space<vmem>>
        %dma_start3A_697 = arith.constant 0 : i32
        %dma_start3A_698 = arith.constant 0 : i32
        %dma_start3A_699 = tpu.memref_slice %arg2[%arg0, %dma_start3A_697, %dma_start3A_698] : memref<2x10000x64xf32, #tpu.memory_space<hbm>> -> memref<1x10000x64xf32, #tpu.memory_space<hbm>>
        %dma_start3A_700 = tpu.memref_squeeze %dma_start3A_699 : memref<1x10000x64xf32, #tpu.memory_space<hbm>> -> memref<10000x64xf32, #tpu.memory_space<hbm>>
        %dma_start3A_701 = arith.constant 0 : i32
        %dma_start3A_702 = arith.constant 0 : i32
        %dma_start3A_703 = tpu.memref_slice %dma_start3A_700[%dma_start3A_701, %dma_start3A_702] : memref<10000x64xf32, #tpu.memory_space<hbm>> -> memref<10000x64xf32, #tpu.memory_space<hbm>>
        tpu.enqueue_indirect_dma source(%dma_start3A_703 : memref<10000x64xf32, #tpu.memory_space<hbm>>) target(%arg13 : memref<128x64xf32, #tpu.memory_space<vmem>>) offsets(%dma_start3A_696 : memref<128xi32, #tpu.memory_space<vmem>>) semaphore(%arg22 : memref<!tpu.dma_semaphore, #tpu.memory_space<semaphore_mem>>)
        %dma_start3A_704 = arith.constant 3 : i32
        %dma_start3A_705 = arith.constant 0 : i32
        %dma_start3A_706 = tpu.memref_slice %arg8[%dma_start3A_704, %dma_start3A_705] : memref<8x128xi32, #tpu.memory_space<vmem>> -> memref<1x128xi32, #tpu.memory_space<vmem>>
        %dma_start3A_707 = tpu.memref_squeeze %dma_start3A_706 : memref<1x128xi32, #tpu.memory_space<vmem>> -> memref<128xi32, #tpu.memory_space<vmem>>
        %dma_start3A_708 = arith.constant 0 : i32
        %dma_start3A_709 = tpu.memref_slice %arg3[%arg1, %add3A_693, %dma_start3A_708] : memref<16x160x128xi32, #tpu.memory_space<hbm>> -> memref<1x1x128xi32, #tpu.memory_space<hbm>>
        %dma_start3A_710 = tpu.memref_squeeze %dma_start3A_709 : memref<1x1x128xi32, #tpu.memory_space<hbm>> -> memref<128xi32, #tpu.memory_space<hbm>>
        %dma_start3A_711 = arith.constant 0 : i32
        %dma_start3A_712 = tpu.memref_slice %arg8[%dma_start3A_704, %dma_start3A_711] : memref<8x128xi32, #tpu.memory_space<vmem>> -> memref<1x128xi32, #tpu.memory_space<vmem>>
        %dma_start3A_713 = tpu.memref_squeeze %dma_start3A_712 : memref<1x128xi32, #tpu.memory_space<vmem>> -> memref<128xi32, #tpu.memory_space<vmem>>
        %dma_start3A_714 = arith.constant 0 : i32
        %dma_start3A_715 = tpu.memref_slice %arg3[%arg1, %add3A_693, %dma_start3A_714] : memref<16x160x128xi32, #tpu.memory_space<hbm>> -> memref<1x1x128xi32, #tpu.memory_space<hbm>>
        %dma_start3A_716 = tpu.memref_squeeze %dma_start3A_715 : memref<1x1x128xi32, #tpu.memory_space<hbm>> -> memref<128xi32, #tpu.memory_space<hbm>>
        tpu.enqueue_dma source(%dma_start3A_716 : memref<128xi32, #tpu.memory_space<hbm>>) target(%dma_start3A_713 : memref<128xi32, #tpu.memory_space<vmem>>) target_semaphore(%arg22 : memref<!tpu.dma_semaphore, #tpu.memory_space<semaphore_mem>>)
        %dma_start3A_717 = arith.constant 3 : i32
        %dma_start3A_718 = arith.constant 0 : i32
        %dma_start3A_719 = tpu.memref_slice %arg9[%dma_start3A_717, %dma_start3A_718] : memref<8x128xf32, #tpu.memory_space<vmem>> -> memref<1x128xf32, #tpu.memory_space<vmem>>
        %dma_start3A_720 = tpu.memref_squeeze %dma_start3A_719 : memref<1x128xf32, #tpu.memory_space<vmem>> -> memref<128xf32, #tpu.memory_space<vmem>>
        %dma_start3A_721 = arith.constant 0 : i32
        %dma_start3A_722 = tpu.memref_slice %arg5[%arg1, %add3A_693, %dma_start3A_721] : memref<16x160x128xf32, #tpu.memory_space<hbm>> -> memref<1x1x128xf32, #tpu.memory_space<hbm>>
        %dma_start3A_723 = tpu.memref_squeeze %dma_start3A_722 : memref<1x1x128xf32, #tpu.memory_space<hbm>> -> memref<128xf32, #tpu.memory_space<hbm>>
        %dma_start3A_724 = arith.constant 0 : i32
        %dma_start3A_725 = tpu.memref_slice %arg9[%dma_start3A_717, %dma_start3A_724] : memref<8x128xf32, #tpu.memory_space<vmem>> -> memref<1x128xf32, #tpu.memory_space<vmem>>
        %dma_start3A_726 = tpu.memref_squeeze %dma_start3A_725 : memref<1x128xf32, #tpu.memory_space<vmem>> -> memref<128xf32, #tpu.memory_space<vmem>>
        %dma_start3A_727 = arith.constant 0 : i32
        %dma_start3A_728 = tpu.memref_slice %arg5[%arg1, %add3A_693, %dma_start3A_727] : memref<16x160x128xf32, #tpu.memory_space<hbm>> -> memref<1x1x128xf32, #tpu.memory_space<hbm>>
        %dma_start3A_729 = tpu.memref_squeeze %dma_start3A_728 : memref<1x1x128xf32, #tpu.memory_space<hbm>> -> memref<128xf32, #tpu.memory_space<hbm>>
        tpu.enqueue_dma source(%dma_start3A_729 : memref<128xf32, #tpu.memory_space<hbm>>) target(%dma_start3A_726 : memref<128xf32, #tpu.memory_space<vmem>>) target_semaphore(%arg22 : memref<!tpu.dma_semaphore, #tpu.memory_space<semaphore_mem>>)
      } else {
      }
      %dma_wait3A_644 = arith.constant 0 : i32
      %dma_wait3A_645 = tpu.memref_slice %arg7[%add3A_631, %dma_wait3A_644] : memref<160x128xi32, #tpu.memory_space<vmem>> -> memref<1x128xi32, #tpu.memory_space<vmem>>
      %dma_wait3A_646 = tpu.memref_squeeze %dma_wait3A_645 : memref<1x128xi32, #tpu.memory_space<vmem>> -> memref<128xi32, #tpu.memory_space<vmem>>
      %dma_wait3A_647 = arith.constant 0 : i32
      %dma_wait3A_648 = arith.constant 0 : i32
      %dma_wait3A_649 = tpu.memref_slice %arg2[%arg0, %dma_wait3A_647, %dma_wait3A_648] : memref<2x10000x64xf32, #tpu.memory_space<hbm>> -> memref<1x10000x64xf32, #tpu.memory_space<hbm>>
      %dma_wait3A_650 = tpu.memref_squeeze %dma_wait3A_649 : memref<1x10000x64xf32, #tpu.memory_space<hbm>> -> memref<10000x64xf32, #tpu.memory_space<hbm>>
      %dma_wait3A_651 = arith.constant 0 : i32
      %dma_wait3A_652 = arith.constant 0 : i32
      %dma_wait3A_653 = tpu.memref_slice %dma_wait3A_650[%dma_wait3A_651, %dma_wait3A_652] : memref<10000x64xf32, #tpu.memory_space<hbm>> -> memref<10000x64xf32, #tpu.memory_space<hbm>>
      tpu.wait_indirect_dma semaphore(%arg26 : memref<!tpu.dma_semaphore, #tpu.memory_space<semaphore_mem>>) src(%dma_wait3A_653 : memref<10000x64xf32, #tpu.memory_space<hbm>>) dst(%arg17 : memref<128x64xf32, #tpu.memory_space<vmem>>)
      %dma_wait3A_654 = arith.constant 7 : i32
      %dma_wait3A_655 = arith.constant 0 : i32
      %dma_wait3A_656 = tpu.memref_slice %arg8[%dma_wait3A_654, %dma_wait3A_655] : memref<8x128xi32, #tpu.memory_space<vmem>> -> memref<1x128xi32, #tpu.memory_space<vmem>>
      %dma_wait3A_657 = tpu.memref_squeeze %dma_wait3A_656 : memref<1x128xi32, #tpu.memory_space<vmem>> -> memref<128xi32, #tpu.memory_space<vmem>>
      %dma_wait3A_658 = arith.constant 0 : i32
      %dma_wait3A_659 = tpu.memref_slice %arg3[%arg1, %add3A_631, %dma_wait3A_658] : memref<16x160x128xi32, #tpu.memory_space<hbm>> -> memref<1x1x128xi32, #tpu.memory_space<hbm>>
      %dma_wait3A_660 = tpu.memref_squeeze %dma_wait3A_659 : memref<1x1x128xi32, #tpu.memory_space<hbm>> -> memref<128xi32, #tpu.memory_space<hbm>>
      %dma_wait3A_661 = arith.constant 0 : i32
      %dma_wait3A_662 = tpu.memref_slice %arg8[%dma_wait3A_654, %dma_wait3A_661] : memref<8x128xi32, #tpu.memory_space<vmem>> -> memref<1x128xi32, #tpu.memory_space<vmem>>
      %dma_wait3A_663 = tpu.memref_squeeze %dma_wait3A_662 : memref<1x128xi32, #tpu.memory_space<vmem>> -> memref<128xi32, #tpu.memory_space<vmem>>
      %dma_wait3A_664 = arith.constant 0 : i32
      %dma_wait3A_665 = tpu.memref_slice %arg3[%arg1, %add3A_631, %dma_wait3A_664] : memref<16x160x128xi32, #tpu.memory_space<hbm>> -> memref<1x1x128xi32, #tpu.memory_space<hbm>>
      %dma_wait3A_666 = tpu.memref_squeeze %dma_wait3A_665 : memref<1x1x128xi32, #tpu.memory_space<hbm>> -> memref<128xi32, #tpu.memory_space<hbm>>
      tpu.wait_dma2 semaphore(%arg26 : memref<!tpu.dma_semaphore, #tpu.memory_space<semaphore_mem>>) src(%dma_wait3A_666 : memref<128xi32, #tpu.memory_space<hbm>>) dst(%dma_wait3A_663 : memref<128xi32, #tpu.memory_space<vmem>>)
      %dma_wait3A_667 = arith.constant 7 : i32
      %dma_wait3A_668 = arith.constant 0 : i32
      %dma_wait3A_669 = tpu.memref_slice %arg9[%dma_wait3A_667, %dma_wait3A_668] : memref<8x128xf32, #tpu.memory_space<vmem>> -> memref<1x128xf32, #tpu.memory_space<vmem>>
      %dma_wait3A_670 = tpu.memref_squeeze %dma_wait3A_669 : memref<1x128xf32, #tpu.memory_space<vmem>> -> memref<128xf32, #tpu.memory_space<vmem>>
      %dma_wait3A_671 = arith.constant 0 : i32
      %dma_wait3A_672 = tpu.memref_slice %arg5[%arg1, %add3A_631, %dma_wait3A_671] : memref<16x160x128xf32, #tpu.memory_space<hbm>> -> memref<1x1x128xf32, #tpu.memory_space<hbm>>
      %dma_wait3A_673 = tpu.memref_squeeze %dma_wait3A_672 : memref<1x1x128xf32, #tpu.memory_space<hbm>> -> memref<128xf32, #tpu.memory_space<hbm>>
      %dma_wait3A_674 = arith.constant 0 : i32
      %dma_wait3A_675 = tpu.memref_slice %arg9[%dma_wait3A_667, %dma_wait3A_674] : memref<8x128xf32, #tpu.memory_space<vmem>> -> memref<1x128xf32, #tpu.memory_space<vmem>>
      %dma_wait3A_676 = tpu.memref_squeeze %dma_wait3A_675 : memref<1x128xf32, #tpu.memory_space<vmem>> -> memref<128xf32, #tpu.memory_space<vmem>>
      %dma_wait3A_677 = arith.constant 0 : i32
      %dma_wait3A_678 = tpu.memref_slice %arg5[%arg1, %add3A_631, %dma_wait3A_677] : memref<16x160x128xf32, #tpu.memory_space<hbm>> -> memref<1x1x128xf32, #tpu.memory_space<hbm>>
      %dma_wait3A_679 = tpu.memref_squeeze %dma_wait3A_678 : memref<1x1x128xf32, #tpu.memory_space<hbm>> -> memref<128xf32, #tpu.memory_space<hbm>>
      tpu.wait_dma2 semaphore(%arg26 : memref<!tpu.dma_semaphore, #tpu.memory_space<semaphore_mem>>) src(%dma_wait3A_679 : memref<128xf32, #tpu.memory_space<hbm>>) dst(%dma_wait3A_676 : memref<128xf32, #tpu.memory_space<vmem>>)
      %broadcast_in_dim3A_680 = arith.constant 7 : i32
      %broadcast_in_dim3A_681 = vector.broadcast %broadcast_in_dim3A_680 : i32 to vector<16xi32>
      %parallel_loop3A_682 = arith.constant 0 : i32
      %parallel_loop3A_683 = arith.constant 128 : i32
      %parallel_loop3A_684 = arith.constant 1 : i32
      scf.for %parallel_loop3A_692 = %parallel_loop3A_682 to %parallel_loop3A_683 step %parallel_loop3A_684  : i32 {
        %parallel_loop3A_693 = vector.broadcast %parallel_loop3A_692 : i32 to vector<16xi32>
        %parallel_loop3A_694 = tpu.vector_load_idx %arg9[%broadcast_in_dim3A_681, %parallel_loop3A_693] : memref<8x128xf32, #tpu.memory_space<vmem>>[vector<16xi32>, vector<16xi32>], vector<16xf32>,
        %parallel_loop3A_695 = arith.index_cast %parallel_loop3A_692 : i32 to index
        %parallel_loop3A_696 = arith.constant 0 : index
        %parallel_loop3A_697 = tpu.vector_load %arg17[%parallel_loop3A_695, %parallel_loop3A_696] {strides = array<i32>} : memref<128x64xf32, #tpu.memory_space<vmem>>, vector<16xf32>,
        %parallel_loop3A_698 = arith.mulf %parallel_loop3A_697, %parallel_loop3A_694 : vector<16xf32>
        %parallel_loop3A_699 = arith.index_cast %parallel_loop3A_692 : i32 to index
        %parallel_loop3A_700 = arith.constant 0 : index
        %parallel_loop3A_701 = tpu.vector_load %arg17[%parallel_loop3A_699, %parallel_loop3A_700] {strides = array<i32>} : memref<128x64xf32, #tpu.memory_space<vmem>>, vector<16xf32>,
        tpu.vector_store %arg17[%parallel_loop3A_699, %parallel_loop3A_700], %parallel_loop3A_698 {strides = array<i32>} : memref<128x64xf32, #tpu.memory_space<vmem>>, vector<16xf32>,
        %parallel_loop3A_702 = arith.index_cast %parallel_loop3A_692 : i32 to index
        %parallel_loop3A_703 = arith.constant 16 : index
        %parallel_loop3A_704 = tpu.vector_load %arg17[%parallel_loop3A_702, %parallel_loop3A_703] {strides = array<i32>} : memref<128x64xf32, #tpu.memory_space<vmem>>, vector<16xf32>,
        %parallel_loop3A_705 = arith.mulf %parallel_loop3A_704, %parallel_loop3A_694 : vector<16xf32>
        %parallel_loop3A_706 = arith.index_cast %parallel_loop3A_692 : i32 to index
        %parallel_loop3A_707 = arith.constant 16 : index
        %parallel_loop3A_708 = tpu.vector_load %arg17[%parallel_loop3A_706, %parallel_loop3A_707] {strides = array<i32>} : memref<128x64xf32, #tpu.memory_space<vmem>>, vector<16xf32>,
        tpu.vector_store %arg17[%parallel_loop3A_706, %parallel_loop3A_707], %parallel_loop3A_705 {strides = array<i32>} : memref<128x64xf32, #tpu.memory_space<vmem>>, vector<16xf32>,
        %parallel_loop3A_709 = arith.index_cast %parallel_loop3A_692 : i32 to index
        %parallel_loop3A_710 = arith.constant 32 : index
        %parallel_loop3A_711 = tpu.vector_load %arg17[%parallel_loop3A_709, %parallel_loop3A_710] {strides = array<i32>} : memref<128x64xf32, #tpu.memory_space<vmem>>, vector<16xf32>,
        %parallel_loop3A_712 = arith.mulf %parallel_loop3A_711, %parallel_loop3A_694 : vector<16xf32>
        %parallel_loop3A_713 = arith.index_cast %parallel_loop3A_692 : i32 to index
        %parallel_loop3A_714 = arith.constant 32 : index
        %parallel_loop3A_715 = tpu.vector_load %arg17[%parallel_loop3A_713, %parallel_loop3A_714] {strides = array<i32>} : memref<128x64xf32, #tpu.memory_space<vmem>>, vector<16xf32>,
        tpu.vector_store %arg17[%parallel_loop3A_713, %parallel_loop3A_714], %parallel_loop3A_712 {strides = array<i32>} : memref<128x64xf32, #tpu.memory_space<vmem>>, vector<16xf32>,
        %parallel_loop3A_716 = arith.index_cast %parallel_loop3A_692 : i32 to index
        %parallel_loop3A_717 = arith.constant 48 : index
        %parallel_loop3A_718 = tpu.vector_load %arg17[%parallel_loop3A_716, %parallel_loop3A_717] {strides = array<i32>} : memref<128x64xf32, #tpu.memory_space<vmem>>, vector<16xf32>,
        %parallel_loop3A_719 = arith.mulf %parallel_loop3A_718, %parallel_loop3A_694 : vector<16xf32>
        %parallel_loop3A_720 = arith.index_cast %parallel_loop3A_692 : i32 to index
        %parallel_loop3A_721 = arith.constant 48 : index
        %parallel_loop3A_722 = tpu.vector_load %arg17[%parallel_loop3A_720, %parallel_loop3A_721] {strides = array<i32>} : memref<128x64xf32, #tpu.memory_space<vmem>>, vector<16xf32>,
        tpu.vector_store %arg17[%parallel_loop3A_720, %parallel_loop3A_721], %parallel_loop3A_719 {strides = array<i32>} : memref<128x64xf32, #tpu.memory_space<vmem>>, vector<16xf32>,
      } {sc.loop_unroll_factor = 8 : i64, sc.parallel_access}
      %dma_start3A_685 = arith.constant 7 : i32
      %dma_start3A_686 = arith.constant 0 : i32
      %dma_start3A_687 = tpu.memref_slice %arg8[%dma_start3A_685, %dma_start3A_686] : memref<8x128xi32, #tpu.memory_space<vmem>> -> memref<1x128xi32, #tpu.memory_space<vmem>>
      %dma_start3A_688 = tpu.memref_squeeze %dma_start3A_687 : memref<1x128xi32, #tpu.memory_space<vmem>> -> memref<128xi32, #tpu.memory_space<vmem>>
      %dma_start3A_689 = arith.constant 0 : i32
      %dma_start3A_690 = arith.constant 0 : i32
      %dma_start3A_691 = tpu.memref_slice %arg18[%dma_start3A_689, %dma_start3A_690] : memref<10240x64xf32, #tpu.memory_space<vmem_shared>> -> memref<10240x64xf32, #tpu.memory_space<vmem_shared>>
      tpu.enqueue_indirect_dma source(%arg17 : memref<128x64xf32, #tpu.memory_space<vmem>>) target(%dma_start3A_691 : memref<10240x64xf32, #tpu.memory_space<vmem_shared>>) offsets(%dma_start3A_688 : memref<128xi32, #tpu.memory_space<vmem>>) semaphore(%arg34 : memref<!tpu.dma_semaphore, #tpu.memory_space<semaphore_mem>>) {add = true}
    }
    %scan3A_169 = arith.constant 20 : i32
    %dma_wait3A = arith.constant 4 : i32
    %dma_wait3A_170 = arith.constant 0 : i32
    %dma_wait3A_171 = tpu.memref_slice %arg8[%dma_wait3A, %dma_wait3A_170] : memref<8x128xi32, #tpu.memory_space<vmem>> -> memref<1x128xi32, #tpu.memory_space<vmem>>
    %dma_wait3A_172 = tpu.memref_squeeze %dma_wait3A_171 : memref<1x128xi32, #tpu.memory_space<vmem>> -> memref<128xi32, #tpu.memory_space<vmem>>
    %dma_wait3A_173 = arith.constant 0 : i32
    %dma_wait3A_174 = arith.constant 0 : i32
    %dma_wait3A_175 = tpu.memref_slice %arg18[%dma_wait3A_173, %dma_wait3A_174] : memref<10240x64xf32, #tpu.memory_space<vmem_shared>> -> memref<10240x64xf32, #tpu.memory_space<vmem_shared>>
    tpu.wait_indirect_dma semaphore(%arg31 : memref<!tpu.dma_semaphore, #tpu.memory_space<semaphore_mem>>) src(%arg14 : memref<128x64xf32, #tpu.memory_space<vmem>>) dst(%dma_wait3A_175 : memref<10240x64xf32, #tpu.memory_space<vmem_shared>>)
    %dma_wait3A_176 = arith.constant 5 : i32
    %dma_wait3A_177 = arith.constant 0 : i32
    %dma_wait3A_178 = tpu.memref_slice %arg8[%dma_wait3A_176, %dma_wait3A_177] : memref<8x128xi32, #tpu.memory_space<vmem>> -> memref<1x128xi32, #tpu.memory_space<vmem>>
    %dma_wait3A_179 = tpu.memref_squeeze %dma_wait3A_178 : memref<1x128xi32, #tpu.memory_space<vmem>> -> memref<128xi32, #tpu.memory_space<vmem>>
    %dma_wait3A_180 = arith.constant 0 : i32
    %dma_wait3A_181 = arith.constant 0 : i32
    %dma_wait3A_182 = tpu.memref_slice %arg18[%dma_wait3A_180, %dma_wait3A_181] : memref<10240x64xf32, #tpu.memory_space<vmem_shared>> -> memref<10240x64xf32, #tpu.memory_space<vmem_shared>>
    tpu.wait_indirect_dma semaphore(%arg32 : memref<!tpu.dma_semaphore, #tpu.memory_space<semaphore_mem>>) src(%arg15 : memref<128x64xf32, #tpu.memory_space<vmem>>) dst(%dma_wait3A_182 : memref<10240x64xf32, #tpu.memory_space<vmem_shared>>)
    %dma_wait3A_183 = arith.constant 6 : i32
    %dma_wait3A_184 = arith.constant 0 : i32
    %dma_wait3A_185 = tpu.memref_slice %arg8[%dma_wait3A_183, %dma_wait3A_184] : memref<8x128xi32, #tpu.memory_space<vmem>> -> memref<1x128xi32, #tpu.memory_space<vmem>>
    %dma_wait3A_186 = tpu.memref_squeeze %dma_wait3A_185 : memref<1x128xi32, #tpu.memory_space<vmem>> -> memref<128xi32, #tpu.memory_space<vmem>>
    %dma_wait3A_187 = arith.constant 0 : i32
    %dma_wait3A_188 = arith.constant 0 : i32
    %dma_wait3A_189 = tpu.memref_slice %arg18[%dma_wait3A_187, %dma_wait3A_188] : memref<10240x64xf32, #tpu.memory_space<vmem_shared>> -> memref<10240x64xf32, #tpu.memory_space<vmem_shared>>
    tpu.wait_indirect_dma semaphore(%arg33 : memref<!tpu.dma_semaphore, #tpu.memory_space<semaphore_mem>>) src(%arg16 : memref<128x64xf32, #tpu.memory_space<vmem>>) dst(%dma_wait3A_189 : memref<10240x64xf32, #tpu.memory_space<vmem_shared>>)
    %dma_wait3A_190 = arith.constant 7 : i32
    %dma_wait3A_191 = arith.constant 0 : i32
    %dma_wait3A_192 = tpu.memref_slice %arg8[%dma_wait3A_190, %dma_wait3A_191] : memref<8x128xi32, #tpu.memory_space<vmem>> -> memref<1x128xi32, #tpu.memory_space<vmem>>
    %dma_wait3A_193 = tpu.memref_squeeze %dma_wait3A_192 : memref<1x128xi32, #tpu.memory_space<vmem>> -> memref<128xi32, #tpu.memory_space<vmem>>
    %dma_wait3A_194 = arith.constant 0 : i32
    %dma_wait3A_195 = arith.constant 0 : i32
    %dma_wait3A_196 = tpu.memref_slice %arg18[%dma_wait3A_194, %dma_wait3A_195] : memref<10240x64xf32, #tpu.memory_space<vmem_shared>> -> memref<10240x64xf32, #tpu.memory_space<vmem_shared>>
    tpu.wait_indirect_dma semaphore(%arg34 : memref<!tpu.dma_semaphore, #tpu.memory_space<semaphore_mem>>) src(%arg17 : memref<128x64xf32, #tpu.memory_space<vmem>>) dst(%dma_wait3A_196 : memref<10240x64xf32, #tpu.memory_space<vmem_shared>>)
    %barrier3A_197 = arith.constant 0 : index
    tpu.barrier barrier_id(%barrier3A_197)
    "tpu.region"() ({
      %run_scoped3A = tpu.sem_alloc : memref<!tpu.dma_semaphore, #tpu.memory_space<semaphore_mem>>
      %dma_start3A_198 = arith.constant 0 : i32
      %dma_start3A_199 = tpu.memref_slice %arg6[%arg0, %mul3A_4, %dma_start3A_198] : memref<2x10240x64xf32, #tpu.memory_space<hbm>> -> memref<1x640x64xf32, #tpu.memory_space<hbm>>
      %dma_start3A_200 = tpu.memref_squeeze %dma_start3A_199 : memref<1x640x64xf32, #tpu.memory_space<hbm>> -> memref<640x64xf32, #tpu.memory_space<hbm>>
      %dma_start3A_201 = arith.constant 0 : i32
      %dma_start3A_202 = tpu.memref_slice %arg18[%mul3A_4, %dma_start3A_201] : memref<10240x64xf32, #tpu.memory_space<vmem_shared>> -> memref<640x64xf32, #tpu.memory_space<vmem_shared>>
      tpu.enqueue_dma source(%dma_start3A_202 : memref<640x64xf32, #tpu.memory_space<vmem_shared>>) target(%dma_start3A_200 : memref<640x64xf32, #tpu.memory_space<hbm>>) target_semaphore(%run_scoped3A : memref<!tpu.dma_semaphore, #tpu.memory_space<semaphore_mem>>)
      %dma_wait3A_203 = arith.constant 0 : i32
      %dma_wait3A_204 = tpu.memref_slice %arg6[%arg0, %mul3A_4, %dma_wait3A_203] : memref<2x10240x64xf32, #tpu.memory_space<hbm>> -> memref<1x640x64xf32, #tpu.memory_space<hbm>>
      %dma_wait3A_205 = tpu.memref_squeeze %dma_wait3A_204 : memref<1x640x64xf32, #tpu.memory_space<hbm>> -> memref<640x64xf32, #tpu.memory_space<hbm>>
      %dma_wait3A_206 = arith.constant 0 : i32
      %dma_wait3A_207 = tpu.memref_slice %arg18[%mul3A_4, %dma_wait3A_206] : memref<10240x64xf32, #tpu.memory_space<vmem_shared>> -> memref<640x64xf32, #tpu.memory_space<vmem_shared>>
      tpu.wait_dma2 semaphore(%run_scoped3A : memref<!tpu.dma_semaphore, #tpu.memory_space<semaphore_mem>>) src(%dma_wait3A_207 : memref<640x64xf32, #tpu.memory_space<vmem_shared>>) dst(%dma_wait3A_205 : memref<640x64xf32, #tpu.memory_space<hbm>>)
      tpu.yield
    }) : () -> ()
    return
  }
}

module attributes {stable_mosaic.version = 14 : i64} {
  func.func @body(%arg0: i32, %arg1: memref<400x128xf32, #tpu.memory_space<vmem>>, %arg2: memref<128x128xf32, #tpu.memory_space<vmem>>, %arg3: memref<1x128xf32, #tpu.memory_space<vmem>>, %arg4: memref<400x128xf32, #tpu.memory_space<vmem>>) attributes {dimension_semantics = [#tpu.dimension_semantics<arbitrary>], iteration_bounds = array<i64: 25>, scalar_prefetch = 0 : i64, scratch_operands = 0 : i64, tpu.core_type = #tpu.core_type<tc>, window_params = [{transform_indices = @transform_0, window_bounds = array<i64: 400, 128>}, {pipeline_mode = #tpu.pipeline_mode<synchronous>, transform_indices = @transform_1, window_bounds = array<i64: 128, 128>}, {pipeline_mode = #tpu.pipeline_mode<synchronous>, transform_indices = @transform_2, window_bounds = array<i64: 1, 128>}, {transform_indices = @transform_3, window_bounds = array<i64: 400, 128>}]} {
    %get3A = arith.constant 0 : index
    %get3A_0 = arith.constant 0 : index
    %get3A_1 = vector.load %arg1[%get3A, %get3A_0] : memref<400x128xf32, #tpu.memory_space<vmem>>, vector<400x128xf32>
    %get3A_2 = arith.constant 0 : index
    %get3A_3 = arith.constant 0 : index
    %get3A_4 = vector.load %arg2[%get3A_2, %get3A_3] : memref<128x128xf32, #tpu.memory_space<vmem>>, vector<128x128xf32>
    %dot_general3A = arith.constant dense<0.000000e+00> : vector<400x128xf32>
    %dot_general3A_5 = tpu.matmul %get3A_1, %get3A_4, %dot_general3A {dimension_numbers = #tpu.dot_dimension_numbers<[1], [0], [0], [1], [0, 0, 1, 1], [], []>, transpose_lhs_hint = false} : vector<400x128xf32>, vector<128x128xf32>, vector<400x128xf32> -> vector<400x128xf32>
    %get3A_6 = arith.constant 0 : index
    %get3A_7 = arith.constant 0 : index
    %get3A_8 = vector.load %arg3[%get3A_6, %get3A_7] : memref<1x128xf32, #tpu.memory_space<vmem>>, vector<1x128xf32>
    %add3A = vector.broadcast %get3A_8 : vector<1x128xf32> to vector<400x128xf32>
    %add3A_9 = arith.addf %dot_general3A_5, %add3A : vector<400x128xf32>
    %gt3A = arith.constant 0.000000e+00 : f32
    %gt3A_10 = vector.broadcast %gt3A : f32 to vector<400x128xf32>
    %gt3A_11 = arith.cmpf ogt, %add3A_9, %gt3A_10 : vector<400x128xf32>
    %exp3A = math.exp %add3A_9 : vector<400x128xf32>
    %sub3A = arith.constant 1.000000e+00 : f32
    %sub3A_12 = vector.broadcast %sub3A : f32 to vector<400x128xf32>
    %sub3A_13 = arith.subf %exp3A, %sub3A_12 : vector<400x128xf32>
    %select_n3A = arith.select %gt3A_11, %add3A_9, %sub3A_13 : vector<400x128xi1>, vector<400x128xf32>
    %swap3A = arith.constant 0 : index
    %swap3A_14 = arith.constant 0 : index
    %swap3A_15 = vector.load %arg4[%swap3A, %swap3A_14] : memref<400x128xf32, #tpu.memory_space<vmem>>, vector<400x128xf32>
    tpu.vector_store %arg4[%swap3A, %swap3A_14], %select_n3A {strides = array<i32>} : memref<400x128xf32, #tpu.memory_space<vmem>>, vector<400x128xf32>,
    return
  }
  func.func @transform_0(%arg0: i32) -> (i32, i32) {
    %c0_i32 = arith.constant 0 : i32
    %c0_i32_0 = arith.constant 0 : i32
    return %arg0, %c0_i32 : i32, i32
  }
  func.func @transform_1(%arg0: i32) -> (i32, i32) {
    %c0_i32 = arith.constant 0 : i32
    %c0_i32_0 = arith.constant 0 : i32
    %c0_i32_1 = arith.constant 0 : i32
    return %c0_i32, %c0_i32_0 : i32, i32
  }
  func.func @transform_2(%arg0: i32) -> (i32, i32) {
    %c0_i32 = arith.constant 0 : i32
    %c0_i32_0 = arith.constant 0 : i32
    %c0_i32_1 = arith.constant 0 : i32
    return %c0_i32, %c0_i32_0 : i32, i32
  }
  func.func @transform_3(%arg0: i32) -> (i32, i32) {
    %c0_i32 = arith.constant 0 : i32
    %c0_i32_0 = arith.constant 0 : i32
    return %arg0, %c0_i32 : i32, i32
  }
}

module attributes {stable_mosaic.version = 14 : i64} {
  func.func @body(%arg0: i32, %arg1: memref<2x400x64xf32, #tpu.memory_space<vmem>>, %arg2: memref<2x128xf32, #tpu.memory_space<vmem>>) attributes {dimension_semantics = [#tpu.dimension_semantics<arbitrary>], iteration_bounds = array<i64: 25>, scalar_prefetch = 0 : i64, scratch_operands = 0 : i64, tpu.core_type = #tpu.core_type<tc>, window_params = [{transform_indices = @transform_0, window_bounds = array<i64: 2, 400, 64>}, {pipeline_mode = #tpu.pipeline_mode<synchronous>, transform_indices = @transform_1, window_bounds = array<i64: 2, 128>}]} {
    %get3A = arith.constant 0 : index
    %get3A_0 = arith.constant 0 : index
    %get3A_1 = arith.constant 0 : index
    %get3A_2 = vector.load %arg1[%get3A, %get3A_0, %get3A_1] : memref<2x400x64xf32, #tpu.memory_space<vmem>>, vector<1x400x64xf32>
    %get3A_3 = vector.shape_cast %get3A_2 : vector<1x400x64xf32> to vector<400x64xf32>
    %get3A_4 = arith.constant 1 : index
    %get3A_5 = arith.constant 0 : index
    %get3A_6 = arith.constant 0 : index
    %get3A_7 = vector.load %arg1[%get3A_4, %get3A_5, %get3A_6] : memref<2x400x64xf32, #tpu.memory_space<vmem>>, vector<1x400x64xf32>
    %get3A_8 = vector.shape_cast %get3A_7 : vector<1x400x64xf32> to vector<400x64xf32>
    %concatenate3A = tpu.concatenate %get3A_3, %get3A_8 in 1 : vector<400x64xf32>, vector<400x64xf32> -> vector<400x128xf32>
    %reduce_sum3A = arith.constant dense<0.000000e+00> : vector<128xf32>
    %reduce_sum3A_9 = vector.multi_reduction <add>, %concatenate3A, %reduce_sum3A [0] : vector<400x128xf32> to vector<128xf32>
    %broadcast_in_dim3A = vector.shape_cast %reduce_sum3A_9 : vector<128xf32> to vector<1x128xf32>
    %mul3A = arith.mulf %concatenate3A, %concatenate3A : vector<400x128xf32>
    %reduce_sum3A_10 = arith.constant dense<0.000000e+00> : vector<128xf32>
    %reduce_sum3A_11 = vector.multi_reduction <add>, %mul3A, %reduce_sum3A_10 [0] : vector<400x128xf32> to vector<128xf32>
    %broadcast_in_dim3A_12 = vector.shape_cast %reduce_sum3A_11 : vector<128xf32> to vector<1x128xf32>
    %concatenate3A_13 = tpu.concatenate %broadcast_in_dim3A, %broadcast_in_dim3A_12 in 0 : vector<1x128xf32>, vector<1x128xf32> -> vector<2x128xf32>
    %eq3A = arith.constant 0 : i32
    %eq3A_14 = arith.cmpi eq, %arg0, %eq3A : i32
    %convert_element_type3A = arith.extui %eq3A_14 : i1 to i32
    %cond3A = arith.constant 0 : i32
    %cond3A_15 = arith.cmpi ne, %convert_element_type3A, %cond3A : i32
    scf.if %cond3A_15 {
      %swap3A = arith.constant 0 : index
      %swap3A_20 = arith.constant 0 : index
      %swap3A_21 = vector.load %arg2[%swap3A, %swap3A_20] : memref<2x128xf32, #tpu.memory_space<vmem>>, vector<2x128xf32>
      tpu.vector_store %arg2[%swap3A, %swap3A_20], %concatenate3A_13 {strides = array<i32>} : memref<2x128xf32, #tpu.memory_space<vmem>>, vector<2x128xf32>,
    } else {
    }
    %gt3A = arith.constant 0 : i32
    %gt3A_16 = arith.cmpi sgt, %arg0, %gt3A : i32
    %convert_element_type3A_17 = arith.extui %gt3A_16 : i1 to i32
    %cond3A_18 = arith.constant 0 : i32
    %cond3A_19 = arith.cmpi ne, %convert_element_type3A_17, %cond3A_18 : i32
    scf.if %cond3A_19 {
      %get3A_20 = arith.constant 0 : index
      %get3A_21 = arith.constant 0 : index
      %get3A_22 = vector.load %arg2[%get3A_20, %get3A_21] : memref<2x128xf32, #tpu.memory_space<vmem>>, vector<2x128xf32>
      %add3A = arith.addf %get3A_22, %concatenate3A_13 : vector<2x128xf32>
      %swap3A = arith.constant 0 : index
      %swap3A_23 = arith.constant 0 : index
      %swap3A_24 = vector.load %arg2[%swap3A, %swap3A_23] : memref<2x128xf32, #tpu.memory_space<vmem>>, vector<2x128xf32>
      tpu.vector_store %arg2[%swap3A, %swap3A_23], %add3A {strides = array<i32>} : memref<2x128xf32, #tpu.memory_space<vmem>>, vector<2x128xf32>,
    } else {
    }
    return
  }
  func.func @transform_0(%arg0: i32) -> (i32, i32, i32) {
    %c0_i32 = arith.constant 0 : i32
    %c0_i32_0 = arith.constant 0 : i32
    %c0_i32_1 = arith.constant 0 : i32
    return %c0_i32, %arg0, %c0_i32_0 : i32, i32, i32
  }
  func.func @transform_1(%arg0: i32) -> (i32, i32) {
    %c0_i32 = arith.constant 0 : i32
    %c0_i32_0 = arith.constant 0 : i32
    %c0_i32_1 = arith.constant 0 : i32
    return %c0_i32, %c0_i32_0 : i32, i32
  }
}

module attributes {stable_mosaic.version = 14 : i64} {
  func.func @body(%arg0: i32, %arg1: memref<2x400x64xf32, #tpu.memory_space<vmem>>, %arg2: memref<400x128xf32, #tpu.memory_space<vmem>>, %arg3: memref<2x128xf32, #tpu.memory_space<vmem>>, %arg4: memref<1x128xf32, #tpu.memory_space<vmem>>, %arg5: memref<1x128xf32, #tpu.memory_space<vmem>>, %arg6: memref<1x128xf32, #tpu.memory_space<vmem>>, %arg7: memref<256x128xf32, #tpu.memory_space<vmem>>, %arg8: memref<1x128xf32, #tpu.memory_space<vmem>>, %arg9: memref<400x128xf32, #tpu.memory_space<vmem>>) attributes {dimension_semantics = [#tpu.dimension_semantics<arbitrary>], iteration_bounds = array<i64: 25>, scalar_prefetch = 0 : i64, scratch_operands = 0 : i64, tpu.core_type = #tpu.core_type<tc>, window_params = [{transform_indices = @transform_0, window_bounds = array<i64: 2, 400, 64>}, {transform_indices = @transform_1, window_bounds = array<i64: 400, 128>}, {pipeline_mode = #tpu.pipeline_mode<synchronous>, transform_indices = @transform_2, window_bounds = array<i64: 2, 128>}, {pipeline_mode = #tpu.pipeline_mode<synchronous>, transform_indices = @transform_3, window_bounds = array<i64: 1, 128>}, {pipeline_mode = #tpu.pipeline_mode<synchronous>, transform_indices = @transform_4, window_bounds = array<i64: 1, 128>}, {pipeline_mode = #tpu.pipeline_mode<synchronous>, transform_indices = @transform_5, window_bounds = array<i64: 1, 128>}, {pipeline_mode = #tpu.pipeline_mode<synchronous>, transform_indices = @transform_6, window_bounds = array<i64: 256, 128>}, {pipeline_mode = #tpu.pipeline_mode<synchronous>, transform_indices = @transform_7, window_bounds = array<i64: 1, 128>}, {transform_indices = @transform_8, window_bounds = array<i64: 400, 128>}]} {
    %get3A = arith.constant 0 : index
    %get3A_0 = arith.constant 0 : index
    %get3A_1 = arith.constant 0 : index
    %get3A_2 = vector.load %arg1[%get3A, %get3A_0, %get3A_1] : memref<2x400x64xf32, #tpu.memory_space<vmem>>, vector<1x400x64xf32>
    %get3A_3 = vector.shape_cast %get3A_2 : vector<1x400x64xf32> to vector<400x64xf32>
    %get3A_4 = arith.constant 1 : index
    %get3A_5 = arith.constant 0 : index
    %get3A_6 = arith.constant 0 : index
    %get3A_7 = vector.load %arg1[%get3A_4, %get3A_5, %get3A_6] : memref<2x400x64xf32, #tpu.memory_space<vmem>>, vector<1x400x64xf32>
    %get3A_8 = vector.shape_cast %get3A_7 : vector<1x400x64xf32> to vector<400x64xf32>
    %concatenate3A = tpu.concatenate %get3A_3, %get3A_8 in 1 : vector<400x64xf32>, vector<400x64xf32> -> vector<400x128xf32>
    %get3A_9 = arith.constant 0 : index
    %get3A_10 = arith.constant 0 : index
    %get3A_11 = vector.load %arg3[%get3A_9, %get3A_10] : memref<2x128xf32, #tpu.memory_space<vmem>>, vector<1x128xf32>
    %mul3A = arith.constant 9.99999974E-5 : f32
    %mul3A_12 = vector.broadcast %mul3A : f32 to vector<1x128xf32>
    %mul3A_13 = arith.mulf %get3A_11, %mul3A_12 : vector<1x128xf32>
    %get3A_14 = arith.constant 1 : index
    %get3A_15 = arith.constant 0 : index
    %get3A_16 = vector.load %arg3[%get3A_14, %get3A_15] : memref<2x128xf32, #tpu.memory_space<vmem>>, vector<1x128xf32>
    %mul3A_17 = arith.constant 9.99999974E-5 : f32
    %mul3A_18 = vector.broadcast %mul3A_17 : f32 to vector<1x128xf32>
    %mul3A_19 = arith.mulf %get3A_16, %mul3A_18 : vector<1x128xf32>
    %get3A_20 = arith.constant 0 : index
    %get3A_21 = arith.constant 0 : index
    %get3A_22 = vector.load %arg6[%get3A_20, %get3A_21] : memref<1x128xf32, #tpu.memory_space<vmem>>, vector<1x128xf32>
    %mul3A_23 = arith.mulf %mul3A_13, %get3A_22 : vector<1x128xf32>
    %mul3A_24 = arith.constant 2.000000e+00 : f32
    %mul3A_25 = vector.broadcast %mul3A_24 : f32 to vector<1x128xf32>
    %mul3A_26 = arith.mulf %mul3A_25, %mul3A_23 : vector<1x128xf32>
    %mul3A_27 = arith.mulf %mul3A_26, %mul3A_13 : vector<1x128xf32>
    %sub3A = arith.subf %mul3A_19, %mul3A_27 : vector<1x128xf32>
    %mul3A_28 = arith.mulf %mul3A_23, %mul3A_23 : vector<1x128xf32>
    %add3A = arith.addf %sub3A, %mul3A_28 : vector<1x128xf32>
    %add3A_29 = arith.constant 9.99999974E-6 : f32
    %add3A_30 = vector.broadcast %add3A_29 : f32 to vector<1x128xf32>
    %add3A_31 = arith.addf %add3A, %add3A_30 : vector<1x128xf32>
    %rsqrt3A = math.rsqrt %add3A_31 : vector<1x128xf32>
    %get3A_32 = arith.constant 0 : index
    %get3A_33 = arith.constant 0 : index
    %get3A_34 = vector.load %arg4[%get3A_32, %get3A_33] : memref<1x128xf32, #tpu.memory_space<vmem>>, vector<1x128xf32>
    %mul3A_35 = arith.mulf %rsqrt3A, %get3A_34 : vector<1x128xf32>
    %sub3A_36 = vector.broadcast %mul3A_23 : vector<1x128xf32> to vector<400x128xf32>
    %sub3A_37 = arith.subf %concatenate3A, %sub3A_36 : vector<400x128xf32>
    %mul3A_38 = vector.broadcast %mul3A_35 : vector<1x128xf32> to vector<400x128xf32>
    %mul3A_39 = arith.mulf %sub3A_37, %mul3A_38 : vector<400x128xf32>
    %get3A_40 = arith.constant 0 : index
    %get3A_41 = arith.constant 0 : index
    %get3A_42 = vector.load %arg5[%get3A_40, %get3A_41] : memref<1x128xf32, #tpu.memory_space<vmem>>, vector<1x128xf32>
    %add3A_43 = vector.broadcast %get3A_42 : vector<1x128xf32> to vector<400x128xf32>
    %add3A_44 = arith.addf %mul3A_39, %add3A_43 : vector<400x128xf32>
    %get3A_45 = arith.constant 0 : index
    %get3A_46 = arith.constant 0 : index
    %get3A_47 = vector.load %arg2[%get3A_45, %get3A_46] : memref<400x128xf32, #tpu.memory_space<vmem>>, vector<400x128xf32>
    %concatenate3A_48 = tpu.concatenate %add3A_44, %get3A_47 in 1 : vector<400x128xf32>, vector<400x128xf32> -> vector<400x256xf32>
    %get3A_49 = arith.constant 0 : index
    %get3A_50 = arith.constant 0 : index
    %get3A_51 = vector.load %arg7[%get3A_49, %get3A_50] : memref<256x128xf32, #tpu.memory_space<vmem>>, vector<256x128xf32>
    %dot_general3A = arith.constant dense<0.000000e+00> : vector<400x128xf32>
    %dot_general3A_52 = tpu.matmul %concatenate3A_48, %get3A_51, %dot_general3A {dimension_numbers = #tpu.dot_dimension_numbers<[1], [0], [0], [1], [0, 0, 1, 1], [], []>, transpose_lhs_hint = false} : vector<400x256xf32>, vector<256x128xf32>, vector<400x128xf32> -> vector<400x128xf32>
    %get3A_53 = arith.constant 0 : index
    %get3A_54 = arith.constant 0 : index
    %get3A_55 = vector.load %arg8[%get3A_53, %get3A_54] : memref<1x128xf32, #tpu.memory_space<vmem>>, vector<1x128xf32>
    %add3A_56 = vector.broadcast %get3A_55 : vector<1x128xf32> to vector<400x128xf32>
    %add3A_57 = arith.addf %dot_general3A_52, %add3A_56 : vector<400x128xf32>
    %swap3A = arith.constant 0 : index
    %swap3A_58 = arith.constant 0 : index
    %swap3A_59 = vector.load %arg9[%swap3A, %swap3A_58] : memref<400x128xf32, #tpu.memory_space<vmem>>, vector<400x128xf32>
    tpu.vector_store %arg9[%swap3A, %swap3A_58], %add3A_57 {strides = array<i32>} : memref<400x128xf32, #tpu.memory_space<vmem>>, vector<400x128xf32>,
    return
  }
  func.func @transform_0(%arg0: i32) -> (i32, i32, i32) {
    %c0_i32 = arith.constant 0 : i32
    %c0_i32_0 = arith.constant 0 : i32
    %c0_i32_1 = arith.constant 0 : i32
    return %c0_i32, %arg0, %c0_i32_0 : i32, i32, i32
  }
  func.func @transform_1(%arg0: i32) -> (i32, i32) {
    %c0_i32 = arith.constant 0 : i32
    %c0_i32_0 = arith.constant 0 : i32
    return %arg0, %c0_i32 : i32, i32
  }
  func.func @transform_2(%arg0: i32) -> (i32, i32) {
    %c0_i32 = arith.constant 0 : i32
    %c0_i32_0 = arith.constant 0 : i32
    %c0_i32_1 = arith.constant 0 : i32
    return %c0_i32, %c0_i32_0 : i32, i32
  }
  func.func @transform_3(%arg0: i32) -> (i32, i32) {
    %c0_i32 = arith.constant 0 : i32
    %c0_i32_0 = arith.constant 0 : i32
    %c0_i32_1 = arith.constant 0 : i32
    return %c0_i32, %c0_i32_0 : i32, i32
  }
  func.func @transform_4(%arg0: i32) -> (i32, i32) {
    %c0_i32 = arith.constant 0 : i32
    %c0_i32_0 = arith.constant 0 : i32
    %c0_i32_1 = arith.constant 0 : i32
    return %c0_i32, %c0_i32_0 : i32, i32
  }
  func.func @transform_5(%arg0: i32) -> (i32, i32) {
    %c0_i32 = arith.constant 0 : i32
    %c0_i32_0 = arith.constant 0 : i32
    %c0_i32_1 = arith.constant 0 : i32
    return %c0_i32, %c0_i32_0 : i32, i32
  }
  func.func @transform_6(%arg0: i32) -> (i32, i32) {
    %c0_i32 = arith.constant 0 : i32
    %c0_i32_0 = arith.constant 0 : i32
    %c0_i32_1 = arith.constant 0 : i32
    return %c0_i32, %c0_i32_0 : i32, i32
  }
  func.func @transform_7(%arg0: i32) -> (i32, i32) {
    %c0_i32 = arith.constant 0 : i32
    %c0_i32_0 = arith.constant 0 : i32
    %c0_i32_1 = arith.constant 0 : i32
    return %c0_i32, %c0_i32_0 : i32, i32
  }
  func.func @transform_8(%arg0: i32) -> (i32, i32) {
    %c0_i32 = arith.constant 0 : i32
    %c0_i32_0 = arith.constant 0 : i32
    return %arg0, %c0_i32 : i32, i32
  }
}

</mosaic_0001>

<sc_bundles>
// kernel: kernel.6.cloned.1.call-start
scs
__scs_entry_jumppad:
0x0: {  	(pc) =	sbr.rel $0x88, $3  }
0x1: {  	(tag) =	ssettag $0x0;
	lr =	simm.s32 $0x1  }
0x2: {  	[smem:$0x3F97] =	sst lr;
	_ =	strace $0xD0000000  }
0x3: {  	_ = 	snop  }
0x4: {  	_ = 	snop  }
0x5: {  	_ = 	snop  }
0x6: {  	_ = 	snop  }
0x7: {  	_ = 	snop  }
__scs_overlays_trampoline_lowered:
0x8: {  	[smem:$0x3FA6] =	sst s0  }
0x9: {  	[smem:$0x3FA7] =	sst s1  }
0xa: {  	[smem:$0x3FA8] =	sst s2  }
0xb: {  	[smem:$0x3FA9] =	sst s3  }
0xc: {  	[smem:$0x3FAA] =	sst s4  }
0xd: {  	[smem:$0x3FAB] =	sst s5  }
0xe: {  	[smem:$0x3FAC] =	sst s6  }
0xf: {  	[smem:$0x3FAD] =	sst s7  }
0x10: {  	[smem:$0x3FAE] =	sst s8  }
0x11: {  	[smem:$0x3FAF] =	sst s9;
	s0 =	simm.s32 @!p0 $0x0  }
0x12: {  	s1 =	sld [smem:$0x3F95];
	s0 =	simm.s32 @p0 $0x1  }
0x13: {  	[smem:$0x3FB0] =	sst s0;
	s0 =	simm.s32 @!p1 $0x0  }
0x14: {  	s2 =	sld [smem:$0x3F94];
	s0 =	simm.s32 @p1 $0x1  }
0x15: {  	[smem:$0x3FB1] =	sst s0;
	s0 =	simm.s32 @!p2 $0x0  }
0x16: {  	s3 =	sld [smem:$0x3FDB];
	s0 =	simm.s32 @p2 $0x1  }
0x17: {  	s4 =	simm.s32 $0x1BF5;
	[smem:$0x3FB3] =	sst s0  }
0x18: {  	s0 =	sld [smem:$0x3F96];
	_ =	swait.ge [sflag:s4], $0x0  }
0x19: {  	s7 =	sld [smem:$0x3F97]  }
0x1a: {  	s8 =	sadd.s32 $0xFFFFE003, lr  }
0x1b: {  	s9 =	sadd.s32 $0xFFFFFEF7, lr;
	s5 =	simm.s32 $0xFFFFFFFF;
	p2 =	slt.u32 s8, $0xFFFFF086  }
0x1c: {  	p1 =	slt.u32 s9, $0xF7A;
	s5 =	simm.s32 @!p2 $0x0  }
0x1d: {  	s5 =	simm.s32 @p1 $0x1;
	p0 =	seq.s32 s7, s2  }
0x1e: {  	s7 =	smul.u32 @!p0 $0xF7A, s2;
	p2 =	seq.s32 @!p0 s5, $0x0  }
0x1f: {  	s9 =	smul.u32 $0xF7A, s1;
	s8 =	simm.s32 @!p0 $0x1BF5;
	p2 =	por !p2, p0  }
0x20: {  	[sflag:s8] =	ssyncset.s32 @!p0 $0xFFFFF086;
	s6 =	sadd.s32 @!p0 s3, s7;
	s7 =	simm.s32 @!p0 $0x108  }
0x21: {  	s3 =	sadd.s32 s3, s9;
	s6 =	sadd.s32 @!p0 $0x88, s6;
	s7 =	simm.s32 @p2 $0x1082  }
0x22: {  	[simem:s7], [sflag:s8] =	dma.local @!p0 [hbm:s6], $0xF7A  }
0x23: {  	s9 =	sor.u32 $0xD0000000, s2;
	s6 =	simm.s32 $0x108;
	_ =	swait.ge @!p0 [sflag:s8], $0x0  }
0x24: {  	s3 =	sadd.s32 $0x88, s3;
	s6 =	simm.s32 @!p1 $0x1082;
	[sflag:s4] =	ssyncset.s32 $0xFFFFF086  }
0x25: {  	[simem:s6], [sflag:s4] =	dma.local [hbm:s3], $0xF7A  }
0x26: {  	[smem:$0x3F97] =	sst s1;
	(tag) =	ssettag s2;
	_ =	strace s9  }
0x27: {  	s1 =	sld [smem:$0x3FA7]  }
0x28: {  	s2 =	sld [smem:$0x3FA8]  }
0x29: {  	s4 =	sld [smem:$0x3FAA]  }
0x2a: {  	p0 =	seq.s32 s5, $0x0;
	s5 =	sld [smem:$0x3FAB]  }
0x2b: {  	s6 =	sld [smem:$0x3FAC]  }
0x2c: {  	s7 =	sld [smem:$0x3FAD]  }
0x2d: {  	s3 =	simm.s32 $0x108;
	s8 =	sld [smem:$0x3FAE]  }
0x2e: {  	s3 =	simm.s32 @!p0 $0x1082;
	s9 =	sld [smem:$0x3FAF]  }
0x2f: {  	lr =	sadd.s32 s0, s3;
	s0 =	sld [smem:$0x3FA6]  }
0x30: {  	s3 =	sld [smem:$0x3FA9]  }
0x31: {  	[smem:$0x3FB2] =	sst s10  }
0x32: {  	s10 =	sld [smem:$0x3FB0];
	_ =	sdelay $0x3  }
0x33: {  	p0 =	seq.s32 s10, $0x1;
	s10 =	sld [smem:$0x3FB2];
	_ =	sdelay $0x3  }
0x34: {  	[smem:$0x3FB2] =	sst s10  }
0x35: {  	s10 =	sld [smem:$0x3FB1];
	_ =	sdelay $0x3  }
0x36: {  	p1 =	seq.s32 s10, $0x1;
	s10 =	sld [smem:$0x3FB2];
	_ =	sdelay $0x3  }
0x37: {  	[smem:$0x3FB2] =	sst s10  }
0x38: {  	s10 =	sld [smem:$0x3FB3]  }
0x39: {  	_ = 	snop;
	(pc) =	sbr.ind lr, $3  }
0x3a: {  	_ = 	snop  }
0x3b: {  	_ = 	snop  }
0x3c: {  	p2 =	seq.s32 s10, $0x1;
	s10 =	sld [smem:$0x3FB2]  }
0x3d: {  	_ =	shalt  }
0x3e: {  	_ =	shalt  }
0x3f: {  	_ =	shalt  }
0x40: {  	_ =	shalt  }
0x41: {  	_ =	shalt  }
0x42: {  	_ =	shalt  }
0x43: {  	_ =	shalt  }
0x44: {  	_ =	shalt  }
0x45: {  	_ =	shalt  }
0x46: {  	_ =	shalt  }
0x47: {  	_ =	shalt  }
0x48: {  	_ =	shalt  }
0x49: {  	_ =	shalt  }
0x4a: {  	_ =	shalt  }
0x4b: {  	_ =	shalt  }
0x4c: {  	_ =	shalt  }
0x4d: {  	_ =	shalt  }
0x4e: {  	_ =	shalt  }
0x4f: {  	_ =	shalt  }
0x50: {  	_ =	shalt  }
0x51: {  	_ =	shalt  }
0x52: {  	_ =	shalt  }
0x53: {  	_ =	shalt  }
0x54: {  	_ =	shalt  }
0x55: {  	_ =	shalt  }
0x56: {  	_ =	shalt  }
0x57: {  	_ =	shalt  }
0x58: {  	_ =	shalt  }
0x59: {  	_ =	shalt  }
0x5a: {  	_ =	shalt  }
0x5b: {  	_ =	shalt  }
0x5c: {  	_ =	shalt  }
0x5d: {  	_ =	shalt  }
0x5e: {  	_ =	shalt  }
0x5f: {  	_ =	shalt  }
0x60: {  	_ =	shalt  }
0x61: {  	_ =	shalt  }
0x62: {  	_ =	shalt  }
0x63: {  	_ =	shalt  }
0x64: {  	_ =	shalt  }
0x65: {  	_ =	shalt  }
0x66: {  	_ =	shalt  }
0x67: {  	_ =	shalt  }
0x68: {  	_ =	shalt  }
0x69: {  	_ =	shalt  }
0x6a: {  	_ =	shalt  }
0x6b: {  	_ =	shalt  }
0x6c: {  	_ =	shalt  }
0x6d: {  	_ =	shalt  }
0x6e: {  	_ =	shalt  }
0x6f: {  	_ =	shalt  }
0x70: {  	_ =	shalt  }
0x71: {  	_ =	shalt  }
0x72: {  	_ =	shalt  }
0x73: {  	_ =	shalt  }
0x74: {  	_ =	shalt  }
0x75: {  	_ =	shalt  }
0x76: {  	_ =	shalt  }
0x77: {  	_ =	shalt  }
0x78: {  	_ =	shalt  }
0x79: {  	_ =	shalt  }
0x7a: {  	_ =	shalt  }
0x7b: {  	_ =	shalt  }
0x7c: {  	_ =	shalt  }
0x7d: {  	_ =	shalt  }
0x7e: {  	_ =	shalt  }
0x7f: {  	_ =	shalt  }
0x80: {  	_ =	shalt  }
0x81: {  	_ =	shalt  }
0x82: {  	_ =	shalt  }
0x83: {  	_ =	shalt  }
0x84: {  	_ =	shalt  }
0x85: {  	_ =	shalt  }
0x86: {  	_ =	shalt  }
0x87: {  	_ =	shalt  }
.Lfunc_end0:
.L_simem_size_0:
called_computation_lowered:
.L_overlay_start_0:
0x88: {  	s2 =	sld [smem:$0x3FD9]  }
0x89: {  	s3 =	sld [smem:$0x3FFE];
	_ =	sdelay $0x1  }
0x8a: {  	s1 =	srdreg.scid  }
0x8b: {  	s0 =	sand.u32 $0x1, s1  }
0x8c: {  	s17 =	sshll.u32 s0, $0xA;
	s2 =	sadd.s32 s3, s2  }
0x8d: {  	s2 =	sadd.s32 s2, s17  }
0x8e: {  	[smem:$0x3FBE] =	sst s2  }
0x8f: {  	_ = 	snop  }
0x90: {  	s2 =	sld [smem:$0x3FD0];
	(tm) =	ssettm $0x1  }
0x91: {  	s18 =	sld [smem:$0x3FFB];
	_ =	sdelay $0x3  }
0x92: {  	_ =	strace s18  }
0x93: {  	s3 =	sld [smem:$0x3FFC];
	_ =	sdelay $0x3  }
0x94: {  	_ =	strace s3  }
0x95: {  	s3 =	sld [smem:$0x3FFD];
	_ =	sdelay $0x3  }
0x96: {  	_ =	strace s3  }
0x97: {  	_ =	strace $0x8FFFFFFF  }
0x98: {  	s19 =	sld [smem:$0x3FDB];
	_ =	sdelay $0x1  }
0x99: {  	s4 =	simm.s32 $_scs_section_size  }
0x9a: {  	s5 =	simm.s32 $_size__tile_overlayer_lowered;
	s6 =	simm.s32 $_tile_overlayer_lowered  }
0x9b: {  	s22 =	simm.s32 $0x1BFF;
	s21 =	sshll.u32 s6, $0x1;
	s3 =	sadd.s32 s4, s19  }
0x9c: {  	s7 =	simm.s32 $0x0;
	s20 =	sshll.u32 s5, $0x1;
	s5 =	sadd.s32 s21, s3  }
0x9d: {  	[timem:s7], [sflag:s22] =	dma.local [hbm:s5], s20  }
0x9e: {  	_ =	swait.ge [sflag:s22], s20  }
0x9f: {  	s4 =	ssub.s32 $0x0, s20;
	[sflag:s22] =	ssyncset.done $0x0  }
0xa0: {  	[sflag:s22] =	ssyncadd.s32 s4;
	_ =	sdelay $0x1  }
0xa1: {  	s23 =	simm.s32 $0x1B8B  }
0xa2: {  	_ =	swait.ge [sflag:s23], $0x1  }
0xa3: {  	[sflag:s23] =	ssyncset.done $0x0  }
0xa4: {  	s25 =	simm.s32 $0x1B8E;
	s24 =	sld [smem:$0x3FFE];
	[sflag:s23] =	ssyncadd.s32 $0xFFFFFFFF  }
0xa5: {  	s26 =	simm.s32 $execute0_lowered;
	[smem:$0x3FD2] =	sst s25  }
0xa6: {  	s5 =	sshll.u32 s26, $0x1;
	_ =	strace $0x80000046;
	[dreg:$0x1] =	wrdreg $0xFFFFFFFF  }
0xa7: {  	s28 =	simm.s32 $_size_execute0_lowered;
	s3 =	sadd.s32 s3, s5;
	[dreg:$0x0] =	wrdreg $0x0  }
0xa8: {  	s5 =	sshll.u32 s28, $0x1;
	[dreg:$0x2] =	wrdreg s3  }
0xa9: {  	[dreg:$0x3] =	wrdreg s5  }
0xaa: {  	[dreg:$0x4] =	wrdreg $0xC0  }
0xab: {  	_ =	task [dreg:s7], $0x5FFFF  }
0xac: {  	[dreg:$0x1] =	wrdreg $0xFFFFFFFF  }
0xad: {  	[dreg:$0x0] =	wrdreg $0x60  }
0xae: {  	[dreg:$0x2] =	wrdreg s2  }
0xaf: {  	[dreg:$0x3] =	wrdreg s24  }
0xb0: {  	[dreg:$0x4] =	wrdreg $0x158000  }
0xb1: {  	[dreg:$0x5] =	wrdreg $0x9  }
0xb2: {  	_ =	task.clear_ibuf [dreg:s7], $0x6FFFF;
	_ =	strace $0x90000046  }
0xb3: {  	s29 =	simm.s32 $0x9;
	_ =	strace $0x80000048  }
0xb4: {  	_ =	swait.ge [sflag:s29], $0x1  }
0xb5: {  	[sflag:s29] =	ssyncadd.s32 $0xFFFFFFFF  }
0xb6: {  	_ =	strace $0x90000048  }
0xb7: {  	_ =	sfence  }
0xb8: {  	s30 =	sld [smem:$0x0];
	_ =	sdelay $0x2  }
0xb9: {  	s31 =	sshll.u32 s1, $0xD;
	s1 =	sshrl.u32 s1, $0x2  }
0xba: {  	s3 =	sand.u32 $0x4000, s31;
	s1 =	sadd.s32 s1, s30  }
0xbb: {  	s0 =	sor.u32 s3, s0;
	s1 =	sshll.u32 s1, $0x11  }
0xbc: {  	s0 =	sor.u32 s1, s0  }
0xbd: {  	s0 =	sadd.s32 $0x8F2B, s0  }
0xbe: {  	[sflag:s0] =	ssyncadd.remote.s32 $0x1  }
0xbf: {  	_ =	sfence.sel $0xFFFF  }
0xc0: {  	[dreg:$0x0] =	wrdreg $0xFFFFFFFF;
	(pc) =	sbr.abs _section_cstart, $3  }
0xc1: {  	[dreg:$0x1] =	wrdreg $0xFFFFFFFF  }
0xc2: {  	_ =	task.clear_ibuf [dreg:s7], $0x2FFFF;
	_ =	strace $0x9FFFFFFF  }
0xc3: {  	(tm) =	ssettm $0x7FFFFFFF  }
tec
execute0_lowered:
.L_overlay_start_1:
0x0: {  	(tag) =	ssettag $0x1  }
0x1: {  	s0 =	rddreg [dreg:$0x0]  }
0x2: {  	s1 =	rddreg [dreg:$0x1];
	s12 =	stileid.u32  }
0x3: {  	s4 =	srdreg.scid;
	s2 =	rddreg [dreg:$0x2];
	s5 =	simm.s32 $0x0  }
0x4: {  	s28 =	simm.s32 $0x80;
	s30 =	simm.s32 $0x5400;
	s3 =	smul.u32 $0x5000, s12  }
0x5: {  	s29 =	simm.s32 $0xB;
	s31 =	simm.s32 $0x7;
	s8 =	smul.u32 $0xA000, s12  }
0x6: {  	s4 =	sand.u32 $0x1, s4;
	[smem:$0x7FF] =	sst s5;
	s12 =	smul.u32 $0x28000, s12  }
0x7: {  	s5 =	sadd.s32 $0xB200, s1;
	s6 =	sadd.s32 $0x15200, s1;
	s7 =	smul.u32 $0xA0000, s4  }
0x8: {  	_ =	strace $0x80000047;
	s11 =	ssub.s32 $0x2, s4;
	s4 =	smul.u32 $0x13880, s4  }
0x9: {  	s10 =	sshrl.u32 s3, $0x3;
	s24 =	sshrl.u32 s11, $0x1;
	s25 =	sshrl.u32 s12, $0x2  }
0xa: {  	s21 =	sadd.s32 s8, s2;
	s9 =	sadd.s32 s10, s1;
	s7 =	sadd.s32 s8, s7  }
0xb: {  	s26 =	sor.u32 $0x10, s10;
	s12 =	sadd.s32 s5, s10;
	s13 =	sadd.s32 s6, s10  }
0xc: {  	s15 =	sor.u32 $0x20, s10;
	s16 =	sor.u32 $0x30, s10;
	[dreg:$0x6] =	wrdreg s12  }
0xd: {  	s8 =	simm.s32 $0x6;
	s9 =	sadd.s32 $0x1200, s9;
	[dreg:$0x7] =	wrdreg s13  }
0xe: {  	s7 =	sshrl.u32 s7, $0x3;
	s14 =	sadd.s32 s5, s26;
	[dreg:$0x4] =	wrdreg s9  }
0xf: {  	s17 =	sadd.s32 s5, s15;
	s18 =	sadd.s32 s5, s16;
	[dreg:$0x8] =	wrdreg s14  }
0x10: {  	s19 =	sadd.s32 s6, s16;
	s13 =	simm.s32 $0x9;
	[dreg:$0xa] =	wrdreg s17  }
0x11: {  	s1 =	sadd.s32 s7, s1;
	s7 =	ssub.s32 s11, s24;
	[dreg:$0xc] =	wrdreg s18  }
0x12: {  	s9 =	sadd.s32 s0, s4;
	s0 =	sadd.s32 s6, s26;
	[dreg:$0xd] =	wrdreg s19  }
0x13: {  	s11 =	sadd.s32 s25, s2;
	s14 =	simm.s32 $0x1;
	[dreg:$0x9] =	wrdreg s0  }
0x14: {  	s18 =	simm.s32 $0x2;
	s0 =	sadd.s32 s6, s15;
	[dreg:$0x5] =	wrdreg s11  }
0x15: {  	s19 =	simm.s32 $0x11800;
	s20 =	sadd.s32 $0x1F200, s1;
	[dreg:$0xb] =	wrdreg s0  }
0x16: {  	s17 =	simm.s32 $0x5;
	s22 =	smax.u32 s7, $0x1;
	[dreg:$0xe] =	wrdreg s20  }
0x17: {  	s4 =	simm.s32 $0x8;
	s23 =	sadd.s32 $0x2000, s11;
	[dreg:$0xf] =	wrdreg s22  }
0x18: {  	s24 =	sadd.s32 $0x4000, s11;
	s25 =	sadd.s32 $0x6000, s11;
	[dreg:$0x10] =	wrdreg s23  }
0x19: {  	s26 =	sadd.s32 $0x8000, s11;
	s11 =	simm.s32 $0x11;
	[dreg:$0x11] =	wrdreg s24  }
0x1a: {  	s1 =	simm.s32 $0xC;
	s7 =	simm.s32 $0x0;
	[dreg:$0x12] =	wrdreg s25  }
0x1b: {  	[dreg:$0x13] =	wrdreg s26;
	s0 =	sshrl.u32 s21, $0x3;
	s20 =	simm.s32 $0x5300  }
0x1c: {  	v1 =	vimm.s32 $0x0;
	vm0 =	vcmask $0x300;
	s22 =	simm.s32 $0x3;
	s23 =	simm.s32 $0x13800;
	s25 =	simm.s32 $0x5380  }
0x1d: {  	v0 =	vimm.f32 $0.0e+00;
	v1 =	vsel vm0, $0x3, v1;
	s24 =	simm.s32 $0x4;
	s21 =	simm.s32 $0xA;
	[dreg:$0x14] =	wrdreg s0  }
.LBB2_1:
0x1e: {  	[dreg:$0x15] =	wrdreg s7  }
0x1f: {  	s0 =	simm.s32 $0x0;
	s26 =	rddreg [dreg:$0x4]  }
0x20: {  	[tilespmem:s0], [sflag:$0x11] =	stream.linear.gather [hbm4b:s26+s0], $0x5000, $0x38;
	[tilespmem:$0x1F800] =	vst v63  }
0x21: {  	_ =	swait.ge [sflag:s11], $0x5000  }
0x22: {  	[sflag:s11] =	ssyncset.done $0x0  }
0x23: {  	s7 =	simm.s32 $0x100;
	s0 =	simm.s32 $0x0;
	[sflag:s11] =	ssyncadd.s32 $0xFFFFB000  }
.LBB2_2:
0x24: {  	p0 =	sne.s32 s7, $0x7F00;
	[tilespmem:s0+$0x5830] =	vst v0;
	s10 =	smov.u32 s7;
	s7 =	sadd.s32 $0x100, s7  }
.Ltmp0:
0x25: {  	[tilespmem:s0+$0x5820] =	vst v0;
	(pc) =	sbr.rel @p0 .LBB2_2-.Ltmp0, $3  }
0x26: {  	[tilespmem:s0+$0x5800] =	vst v0  }
0x27: {  	[tilespmem:s0+$0x5810] =	vst v0;
	_ =	sdelay $0x1  }
0x28: {  	s0 =	sshra.s32 s10, $0x2  }
0x29: {  	[tilespmem:s0+$0x5830] =	vst v0  }
0x2a: {  	[tilespmem:s0+$0x5820] =	vst v0  }
0x2b: {  	[tilespmem:s0+$0x5800] =	vst v0  }
0x2c: {  	[tilespmem:s0+$0x5810] =	vst v0;
	s26 =	rddreg [dreg:$0x5];
	s7 =	simm.s32 $0x5800  }
0x2d: {  	[spmem:s26] =	stream.linear.scatter [tilespmem:s7], [sflag:$0x11], $0x2000, $0x38;
	[tilespmem:$0x1F800] =	vst v63  }
0x2e: {  	_ =	swait.ge [sflag:s11], $0x2000  }
0x2f: {  	[sflag:s11] =	ssyncset.done $0x0  }
0x30: {  	s10 =	rddreg [dreg:$0x10];
	[sflag:s11] =	ssyncadd.s32 $0xFFFFE000  }
0x31: {  	[spmem:s10] =	stream.linear.scatter [tilespmem:s7], [sflag:$0x11], $0x2000, $0x38;
	[tilespmem:$0x1F800] =	vst v63  }
0x32: {  	_ =	swait.ge [sflag:s11], $0x2000  }
0x33: {  	[sflag:s11] =	ssyncset.done $0x0  }
0x34: {  	s12 =	rddreg [dreg:$0x11];
	[sflag:s11] =	ssyncadd.s32 $0xFFFFE000  }
0x35: {  	[spmem:s12] =	stream.linear.scatter [tilespmem:s7], [sflag:$0x11], $0x2000, $0x38;
	[tilespmem:$0x1F800] =	vst v63  }
0x36: {  	_ =	swait.ge [sflag:s11], $0x2000  }
0x37: {  	[sflag:s11] =	ssyncset.done $0x0  }
0x38: {  	s15 =	rddreg [dreg:$0x12];
	[sflag:s11] =	ssyncadd.s32 $0xFFFFE000  }
0x39: {  	[spmem:s15] =	stream.linear.scatter [tilespmem:s7], [sflag:$0x11], $0x2000, $0x38;
	[tilespmem:$0x1F800] =	vst v63  }
0x3a: {  	_ =	swait.ge [sflag:s11], $0x2000  }
0x3b: {  	[sflag:s11] =	ssyncset.done $0x0  }
0x3c: {  	s16 =	rddreg [dreg:$0x13];
	[sflag:s11] =	ssyncadd.s32 $0xFFFFE000  }
0x3d: {  	[spmem:s16] =	stream.linear.scatter [tilespmem:s7], [sflag:$0x11], $0x2000, $0x38;
	[tilespmem:$0x1F800] =	vst v63  }
0x3e: {  	_ =	swait.ge [sflag:s11], $0x2000  }
0x3f: {  	[sflag:s11] =	ssyncset.done $0x0  }
0x40: {  	[sflag:s11] =	ssyncadd.s32 $0xFFFFE000  }
0x41: {  	s0 =	simm.s32 $0x0;
	[bflag:$0x0] =	sbarrier.arrive $0xFFFF  }
0x42: {  	[tilespmem:s7], [sflag:$0x1] =	stream.indirect.gather [hbm4b:s9+s28], $0x40, s0, s28, $0xb8;
	[tilespmem:$0x1F800] =	vst v63  }
0x43: {  	s10 =	simm.s32 $0x5000;
	s26 =	rddreg [dreg:$0x6]  }
0x44: {  	[tilespmem:s10], [sflag:$0x1] =	stream.linear.gather [hbm4b:s26+s0], $0x80, $0x38;
	[tilespmem:$0x1F800] =	vst v63  }
0x45: {  	s10 =	rddreg [dreg:$0x7]  }
0x46: {  	[tilespmem:s30], [sflag:$0x1] =	stream.linear.gather [hbm4b:s10+s0], $0x80, $0x38;
	[tilespmem:$0x1F800] =	vst v63  }
0x47: {  	s11 =	simm.s32 $0x7800  }
0x48: {  	[tilespmem:s11], [sflag:$0x2] =	stream.indirect.gather [hbm4b:s9+s28], $0x40, s28, s28, $0xb8;
	[tilespmem:$0x1F800] =	vst v63  }
0x49: {  	s15 =	simm.s32 $0x5080;
	s12 =	rddreg [dreg:$0x8]  }
0x4a: {  	[tilespmem:s15], [sflag:$0x2] =	stream.linear.gather [hbm4b:s12+s0], $0x80, $0x38;
	[tilespmem:$0x1F800] =	vst v63  }
0x4b: {  	s16 =	rddreg [dreg:$0x9];
	s26 =	simm.s32 $0x5480  }
0x4c: {  	[tilespmem:s26], [sflag:$0x2] =	stream.linear.gather [hbm4b:s16+s0], $0x80, $0x38;
	[tilespmem:$0x1F800] =	vst v63  }
0x4d: {  	s10 =	simm.s32 $0x100;
	s11 =	simm.s32 $0x9800  }
0x4e: {  	[tilespmem:s11], [sflag:$0x3] =	stream.indirect.gather [hbm4b:s9+s28], $0x40, s10, s28, $0xb8;
	[tilespmem:$0x1F800] =	vst v63  }
0x4f: {  	s12 =	rddreg [dreg:$0xa];
	s15 =	simm.s32 $0x5100  }
0x50: {  	[tilespmem:s15], [sflag:$0x3] =	stream.linear.gather [hbm4b:s12+s0], $0x80, $0x38;
	[tilespmem:$0x1F800] =	vst v63  }
0x51: {  	s16 =	rddreg [dreg:$0xb];
	s26 =	simm.s32 $0x5500  }
0x52: {  	[tilespmem:s26], [sflag:$0x3] =	stream.linear.gather [hbm4b:s16+s0], $0x80, $0x38;
	[tilespmem:$0x1F800] =	vst v63  }
0x53: {  	s10 =	simm.s32 $0x180;
	s11 =	simm.s32 $0xB800  }
0x54: {  	[tilespmem:s11], [sflag:$0x4] =	stream.indirect.gather [hbm4b:s9+s28], $0x40, s10, s28, $0xb8;
	[tilespmem:$0x1F800] =	vst v63  }
0x55: {  	s12 =	rddreg [dreg:$0xc];
	s15 =	simm.s32 $0x5180  }
0x56: {  	[tilespmem:s15], [sflag:$0x4] =	stream.linear.gather [hbm4b:s12+s0], $0x80, $0x38;
	[tilespmem:$0x1F800] =	vst v63  }
0x57: {  	s7 =	simm.s32 $0x0;
	s16 =	rddreg [dreg:$0xd];
	s26 =	simm.s32 $0x5580  }
0x58: {  	[tilespmem:s26], [sflag:$0x4] =	stream.linear.gather [hbm4b:s16+s0], $0x80, $0x38;
	[tilespmem:$0x1F800] =	vst v63  }
.LBB2_4:
0x59: {  	p0 =	seq.s32 s7, $0x0  }
0x5a: {  	s11 =	simm.s32 @!p0 $0xD  }
0x5b: {  	s10 =	sshll.u32 s7, $0xA;
	_ =	swait.ge @!p0 [sflag:s11], $0x2000  }
0x5c: {  	s16 =	sor.u32 $0x200, s10;
	[sflag:s11] =	ssyncset.done @!p0 $0x0  }
0x5d: {  	s12 =	simm.s32 $0xD800;
	[sflag:s11] =	ssyncadd.s32 @!p0 $0xFFFFE000;
	s11 =	sadd.s32 s3, s16  }
0x5e: {  	[tilespmem:s12], [sflag:$0x5] =	stream.indirect.gather [hbm4b:s9+s28], $0x40, s16, s28, $0xb8;
	[tilespmem:$0x1F800] =	vst v63  }
0x5f: {  	s15 =	simm.s32 $0x5200;
	s11 =	sshrl.u32 s11, $0x3;
	s16 =	simm.s32 $0x1  }
0x60: {  	v2 =	vmov s0;
	s12 =	simm.s32 $0x5;
	s26 =	sadd.s32 s5, s11;
	s11 =	sadd.s32 s6, s11  }
0x61: {  	v2 =	vshrl.u32 v2, $0x3;
	[tilespmem:s15], [sflag:$0x5] =	stream.linear.gather [hbm4b:s26+s0], $0x80, $0x38;
	[tilespmem:$0x1F800] =	vst v63  }
0x62: {  	v2 =	vshll.u32 v2, v1;
	v3 =	vmov s16;
	s16 =	simm.s32 $0x5600;
	s26 =	simm.s32 $0x2;
	s15 =	simm.s32 $0x4  }
0x63: {  	v2 =	vbroadcast v2, $0x0;
	v7 =	vmov s12;
	v3 =	vshrl.u32 v3, $0x3;
	[tilespmem:s16], [sflag:$0x5] =	stream.linear.gather [hbm4b:s11+s0], $0x80, $0x38;
	[tilespmem:$0x1F800] =	vst v63  }
0x64: {  	v7 =	vshrl.u32 v7, $0x3;
	v4 =	vmov s26;
	s26 =	simm.s32 $0x3;
	v6 =	vmov s15;
	_ =	swait.ge [sflag:s14], $0x2000  }
0x65: {  	v3 =	vshll.u32 v3, v1;
	v7 =	vshll.u32 v7, v1;
	v5 =	vmov s26;
	[sflag:s14] =	ssyncset.done $0x0  }
0x66: {  	v4 =	vshrl.u32 v4, $0x3;
	v6 =	vshrl.u32 v6, $0x3;
	v3 =	vadd.s32 $0x1, v3;
	[sflag:s14] =	ssyncadd.s32 $0xFFFFE000  }
0x67: {  	v7 =	vadd.s32 $0x5, v7;
	v5 =	vshrl.u32 v5, $0x3;
	v4 =	vshll.u32 v4, v1;
	_ =	swait.ge [sflag:s14], $0x80  }
0x68: {  	v3 =	vbroadcast v3, $0x0;
	v5 =	vshll.u32 v5, v1;
	v4 =	vadd.s32 $0x2, v4;
	[sflag:s14] =	ssyncset.done $0x0  }
0x69: {  	s26 =	simm.s32 $0x6;
	v6 =	vshll.u32 v6, v1;
	v5 =	vadd.s32 $0x3, v5;
	v4 =	vbroadcast v4, $0x0;
	[sflag:s14] =	ssyncadd.s32 $0xFFFFFF80  }
0x6a: {  	v8 =	vmov s26;
	s26 =	simm.s32 $0x7;
	v6 =	vadd.s32 $0x4, v6;
	v5 =	vbroadcast v5, $0x0;
	_ =	swait.ge [sflag:s14], $0x80  }
0x6b: {  	v8 =	vshrl.u32 v8, $0x3;
	v9 =	vmov s26;
	v6 =	vbroadcast v6, $0x0;
	[sflag:s14] =	ssyncset.done $0x0  }
0x6c: {  	v7 =	vbroadcast v7, $0x0;
	v8 =	vshll.u32 v8, v1;
	v9 =	vshrl.u32 v9, $0x3;
	[sflag:s14] =	ssyncadd.s32 $0xFFFFFF80  }
0x6d: {  	v8 =	vadd.s32 $0x6, v8;
	v9 =	vshll.u32 v9, v1;
	v10 =	vld.idx.msk [tilespmem:v2+s30+$0x0], $0xffff  }
0x6e: {  	v2 =	vbroadcast v8, $0x0;
	v8 =	vadd.s32 $0x7, v9;
	v9 =	vld.idx.msk [tilespmem:v3+s30+$0x0], $0xffff  }
0x6f: {  	v11 =	vld.idx.msk [tilespmem:v4+s30+$0x0], $0xffff  }
0x70: {  	v5 =	vld.idx.msk [tilespmem:v5+s30+$0x0], $0xffff;
	v8 =	vbroadcast v8, $0x0  }
0x71: {  	v12 =	vld.idx.msk [tilespmem:v6+s30+$0x0], $0xffff  }
0x72: {  	s26 =	simm.s32 $0x5900;
	v4 =	vld.idx.msk [tilespmem:v7+s30+$0x0], $0xffff  }
0x73: {  	v6 =	vld [tilespmem:s26+$0xF0]  }
0x74: {  	v7 =	vld [tilespmem:s26+$0xFFFFFF00]  }
0x75: {  	v3 =	vld.idx.msk [tilespmem:v2+s30+$0x0], $0xffff  }
0x76: {  	v2 =	vld.idx.msk [tilespmem:v8+s30+$0x0], $0xffff  }
0x77: {  	v8 =	vld [tilespmem:s26+$0xFFFFFF10]  }
0x78: {  	v13 =	vld [tilespmem:s26+$0xFFFFFF20]  }
0x79: {  	v14 =	vld [tilespmem:s26+$0xFFFFFF30]  }
0x7a: {  	v15 =	vld [tilespmem:s26+$0xFFFFFF40];
	v7 =	vmul.f32 v7, v10  }
0x7b: {  	v16 =	vld [tilespmem:s26+$0xFFFFFF50];
	v6 =	vmul.f32 v6, v2  }
0x7c: {  	[tilespmem:s26+$0xFFFFFF00] =	vst v7;
	v7 =	vld [tilespmem:s26+$0xFFFFFF70];
	v8 =	vmul.f32 v8, v10  }
0x7d: {  	v17 =	vld [tilespmem:s26+$0xFFFFFF60];
	[tilespmem:s26+$0xF0] =	vst v6;
	v6 =	vmul.f32 v13, v10  }
0x7e: {  	[tilespmem:s26+$0xFFFFFF10] =	vst v8;
	v8 =	vmul.f32 v14, v10;
	v13 =	vld [tilespmem:s26+$0xFFFFFF90]  }
0x7f: {  	v10 =	vld [tilespmem:s26+$0xFFFFFF80];
	[tilespmem:s26+$0xFFFFFF20] =	vst v6;
	v6 =	vmul.f32 v15, v9  }
0x80: {  	v14 =	vld [tilespmem:s26+$0xFFFFFFA0];
	[tilespmem:s26+$0xFFFFFF30] =	vst v8;
	v8 =	vmul.f32 v16, v9  }
0x81: {  	v7 =	vmul.f32 v7, v9;
	v15 =	vld [tilespmem:s26+$0xFFFFFFB0];
	[tilespmem:s26+$0xFFFFFF40] =	vst v6  }
0x82: {  	v6 =	vmul.f32 v17, v9;
	[tilespmem:s26+$0xFFFFFF50] =	vst v8;
	v8 =	vld [tilespmem:s26+$0xFFFFFFC0]  }
0x83: {  	s12 =	simm.s32 $0x8;
	[tilespmem:s26+$0xFFFFFF70] =	vst v7;
	v7 =	vmul.f32 v13, v11;
	v13 =	vld [tilespmem:s26+$0xFFFFFFE0]  }
0x84: {  	s15 =	simm.s32 $0x9;
	s16 =	simm.s32 $0xA;
	v16 =	vmov s12;
	[tilespmem:s26+$0xFFFFFF60] =	vst v6;
	v6 =	vmul.f32 v10, v11;
	v10 =	vld [tilespmem:s26+$0xFFFFFFD0]  }
0x85: {  	v9 =	vshrl.u32 v16, $0x3;
	v16 =	vmov s15;
	v17 =	vmov s16;
	s15 =	simm.s32 $0xB;
	s16 =	simm.s32 $0xC  }
0x86: {  	v18 =	vmov s15;
	v19 =	vmov s16;
	s15 =	simm.s32 $0xD;
	[tilespmem:s26+$0xFFFFFF80] =	vst v6;
	v6 =	vmul.f32 v14, v11;
	v14 =	vld [tilespmem:s26+$0xFFFFFFF0]  }
0x87: {  	s16 =	simm.s32 $0xE;
	v9 =	vshll.u32 v9, v1;
	v20 =	vmov s15;
	[tilespmem:s26+$0xFFFFFF90] =	vst v7;
	v7 =	vmul.f32 v15, v11;
	v11 =	vld [tilespmem:s26+$0x0]  }
0x88: {  	v21 =	vmov s16;
	v15 =	vshrl.u32 v16, $0x3;
	[tilespmem:s26+$0xFFFFFFA0] =	vst v6;
	v6 =	vmul.f32 v8, v5;
	v8 =	vld [tilespmem:s26+$0x10]  }
0x89: {  	v16 =	vshrl.u32 v17, $0x3;
	[tilespmem:s26+$0xFFFFFFB0] =	vst v7;
	v13 =	vmul.f32 v13, v5;
	v7 =	vmul.f32 v10, v5;
	v10 =	vld [tilespmem:s26+$0x20]  }
0x8a: {  	v17 =	vshrl.u32 v18, $0x3;
	v18 =	vshrl.u32 v19, $0x3;
	v19 =	vshrl.u32 v20, $0x3;
	v20 =	vld [tilespmem:s26+$0x30];
	[tilespmem:s26+$0xFFFFFFC0] =	vst v6  }
0x8b: {  	v15 =	vshll.u32 v15, v1;
	v16 =	vshll.u32 v16, v1;
	[tilespmem:s26+$0xFFFFFFE0] =	vst v13;
	v5 =	vmul.f32 v14, v5;
	v14 =	vld [tilespmem:s26+$0x40]  }
0x8c: {  	v18 =	vshll.u32 v18, v1;
	v19 =	vshll.u32 v19, v1;
	[tilespmem:s26+$0xFFFFFFD0] =	vst v7;
	v7 =	vmul.f32 v11, v12;
	v11 =	vld [tilespmem:s26+$0x50]  }
0x8d: {  	v63 =	vld [tilespmem:s26+$0x60];
	v6 =	vbroadcast v9, $0x0;
	v9 =	vshrl.u32 v21, $0x3;
	[tilespmem:s26+$0xFFFFFFF0] =	vst v5;
	v5 =	vmul.f32 v8, v12  }
0x8e: {  	v13 =	vshll.u32 v17, v1;
	v22 =	vshll.u32 v9, v1;
	[tilespmem:s26+$0x0] =	vst v7;
	v7 =	vld [tilespmem:s26+$0x70];
	v8 =	vmul.f32 v10, v12  }
0x8f: {  	v9 =	vadd.s32 $0x1, v15;
	v15 =	vadd.s32 $0x2, v16;
	v12 =	vmul.f32 v20, v12;
	[tilespmem:s26+$0x10] =	vst v5;
	v5 =	vld [tilespmem:s26+$0x80]  }
0x90: {  	v17 =	vadd.s32 $0x3, v13;
	v13 =	vadd.s32 $0x4, v18;
	[tilespmem:s26+$0x20] =	vst v8;
	v18 =	vmul.f32 v14, v4;
	v8 =	vld [tilespmem:s26+$0x90]  }
0x91: {  	v10 =	vbroadcast v9, $0x0;
	v9 =	vld [tilespmem:s26+$0xA0];
	v14 =	vadd.s32 $0x5, v19;
	[tilespmem:s26+$0x30] =	vst v12;
	v16 =	vmul.f32 v11, v4  }
0x92: {  	s11 =	simm.s32 $0x10;
	s12 =	simm.s32 $0xF;
	v12 =	vbroadcast v15, $0x0;
	v15 =	vadd.s32 $0x6, v22;
	v11 =	vld [tilespmem:s26+$0xB0];
	[tilespmem:s26+$0x40] =	vst v18;
	v18 =	vmul.f32 v63, v4  }
.LBB2_5:
0x93: {  	p1 =	slt.u32 s11, $0x78;
	v17 =	vbroadcast v17, $0x0;
	v19 =	vmov s12;
	[tilespmem:s26+$0x50] =	vst v16;
	v4 =	vmul.f32 v7, v4;
	v7 =	vld [tilespmem:s26+$0xC0]  }
0x94: {  	v13 =	vbroadcast v13, $0x0;
	v16 =	vshrl.u32 v19, $0x3;
	[tilespmem:s26+$0x60] =	vst v18;
	v5 =	vmul.f32 v5, v3;
	v18 =	vld [tilespmem:s26+$0xD0]  }
0x95: {  	v14 =	vbroadcast v14, $0x0;
	v16 =	vshll.u32 v16, v1;
	[tilespmem:s26+$0x70] =	vst v4;
	v4 =	vmul.f32 v8, v3;
	v8 =	vld [tilespmem:s26+$0xE0]  }
0x96: {  	v15 =	vbroadcast v15, $0x0;
	v6 =	vld.idx.msk [tilespmem:v6+s30+$0x0], $0xffff;
	v16 =	vadd.s32 $0x7, v16;
	[tilespmem:s26+$0x80] =	vst v5;
	v5 =	vmul.f32 v9, v3  }
0x97: {  	v9 =	vld.idx.msk [tilespmem:v10+s30+$0x0], $0xffff;
	v10 =	vbroadcast v16, $0x0;
	[tilespmem:s26+$0x90] =	vst v4;
	v3 =	vmul.f32 v11, v3  }
0x98: {  	v11 =	vld.idx.msk [tilespmem:v12+s30+$0x0], $0xffff;
	[tilespmem:s26+$0xA0] =	vst v5;
	v4 =	vmul.f32 v7, v2  }
0x99: {  	v7 =	vld.idx.msk [tilespmem:v17+s30+$0x0], $0xffff;
	[tilespmem:s26+$0xB0] =	vst v3;
	v3 =	vmul.f32 v18, v2  }
0x9a: {  	v5 =	vld.idx.msk [tilespmem:v13+s30+$0x0], $0xffff;
	[tilespmem:s26+$0xC0] =	vst v4;
	v2 =	vmul.f32 v8, v2  }
0x9b: {  	v4 =	vld.idx.msk [tilespmem:v14+s30+$0x0], $0xffff;
	[tilespmem:s26+$0xD0] =	vst v3  }
0x9c: {  	v3 =	vld.idx.msk [tilespmem:v15+s30+$0x0], $0xffff;
	[tilespmem:s26+$0xE0] =	vst v2  }
0x9d: {  	s26 =	sadd.s32 $0x200, s26;
	v2 =	vld.idx.msk [tilespmem:v10+s30+$0x0], $0xffff  }
0x9e: {  	v8 =	vld [tilespmem:s26+$0xF0]  }
0x9f: {  	v10 =	vld [tilespmem:s26+$0xFFFFFF00]  }
0xa0: {  	v12 =	vld [tilespmem:s26+$0xFFFFFF10]  }
0xa1: {  	v13 =	vld [tilespmem:s26+$0xFFFFFF20]  }
0xa2: {  	v14 =	vld [tilespmem:s26+$0xFFFFFF30]  }
0xa3: {  	v15 =	vld [tilespmem:s26+$0xFFFFFF40];
	v8 =	vmul.f32 v8, v2  }
0xa4: {  	v10 =	vmul.f32 v10, v6;
	v16 =	vld [tilespmem:s26+$0xFFFFFF50]  }
0xa5: {  	v12 =	vmul.f32 v12, v6;
	v17 =	vld [tilespmem:s26+$0xFFFFFF60];
	[tilespmem:s26+$0xF0] =	vst v8  }
0xa6: {  	[tilespmem:s26+$0xFFFFFF00] =	vst v10;
	v8 =	vmul.f32 v13, v6;
	v10 =	vld [tilespmem:s26+$0xFFFFFF70]  }
0xa7: {  	[tilespmem:s26+$0xFFFFFF10] =	vst v12;
	v6 =	vmul.f32 v14, v6;
	v12 =	vld [tilespmem:s26+$0xFFFFFF80]  }
0xa8: {  	[tilespmem:s26+$0xFFFFFF20] =	vst v8;
	v8 =	vmul.f32 v15, v9;
	v13 =	vld [tilespmem:s26+$0xFFFFFF90]  }
0xa9: {  	[tilespmem:s26+$0xFFFFFF30] =	vst v6;
	v6 =	vmul.f32 v16, v9;
	v14 =	vld [tilespmem:s26+$0xFFFFFFA0]  }
0xaa: {  	[tilespmem:s26+$0xFFFFFF40] =	vst v8;
	v8 =	vmul.f32 v17, v9;
	v15 =	vld [tilespmem:s26+$0xFFFFFFB0]  }
0xab: {  	v16 =	vmov s11;
	[tilespmem:s26+$0xFFFFFF50] =	vst v6;
	v6 =	vmul.f32 v10, v9;
	v9 =	vld [tilespmem:s26+$0xFFFFFFC0]  }
0xac: {  	s12 =	sadd.s32 $0x1, s11;
	s15 =	sadd.s32 $0x2, s11;
	v10 =	vshrl.u32 v16, $0x3;
	[tilespmem:s26+$0xFFFFFF60] =	vst v8;
	v8 =	vmul.f32 v12, v11;
	v12 =	vld [tilespmem:s26+$0xFFFFFFD0]  }
0xad: {  	v17 =	vmov s15;
	s15 =	sadd.s32 $0x4, s11;
	v16 =	vmov s12;
	s12 =	sadd.s32 $0x3, s11;
	[tilespmem:s26+$0xFFFFFF70] =	vst v6;
	v6 =	vmul.f32 v13, v11;
	v13 =	vld [tilespmem:s26+$0xFFFFFFE0]  }
0xae: {  	v19 =	vmov s15;
	s15 =	sadd.s32 $0x6, s11;
	v18 =	vmov s12;
	s12 =	sadd.s32 $0x5, s11;
	[tilespmem:s26+$0xFFFFFF80] =	vst v8;
	v8 =	vmul.f32 v14, v11;
	v14 =	vld [tilespmem:s26+$0xFFFFFFF0]  }
0xaf: {  	v21 =	vmov s15;
	v20 =	vmov s12;
	[tilespmem:s26+$0xFFFFFF90] =	vst v6;
	v6 =	vmul.f32 v15, v11;
	v11 =	vld [tilespmem:s26+$0x0]  }
0xb0: {  	v10 =	vshll.u32 v10, v1;
	v15 =	vshrl.u32 v16, $0x3;
	[tilespmem:s26+$0xFFFFFFA0] =	vst v8;
	v8 =	vmul.f32 v9, v7;
	v9 =	vld [tilespmem:s26+$0x10]  }
0xb1: {  	v16 =	vshrl.u32 v17, $0x3;
	v17 =	vshrl.u32 v18, $0x3;
	[tilespmem:s26+$0xFFFFFFB0] =	vst v6;
	v12 =	vmul.f32 v12, v7;
	v18 =	vld [tilespmem:s26+$0x20]  }
0xb2: {  	v19 =	vshrl.u32 v19, $0x3;
	v20 =	vshrl.u32 v20, $0x3;
	[tilespmem:s26+$0xFFFFFFC0] =	vst v8;
	v8 =	vmul.f32 v13, v7;
	v13 =	vld [tilespmem:s26+$0x30]  }
0xb3: {  	v6 =	vbroadcast v10, $0x0;
	v10 =	vshrl.u32 v21, $0x3;
	[tilespmem:s26+$0xFFFFFFD0] =	vst v12;
	v7 =	vmul.f32 v14, v7;
	v12 =	vld [tilespmem:s26+$0x40]  }
0xb4: {  	v14 =	vshll.u32 v15, v1;
	v15 =	vshll.u32 v16, v1;
	[tilespmem:s26+$0xFFFFFFE0] =	vst v8;
	v8 =	vmul.f32 v11, v5;
	v11 =	vld [tilespmem:s26+$0x50]  }
0xb5: {  	v19 =	vshll.u32 v19, v1;
	v16 =	vshll.u32 v17, v1;
	[tilespmem:s26+$0xFFFFFFF0] =	vst v7;
	v9 =	vmul.f32 v9, v5;
	v21 =	vld [tilespmem:s26+$0x60]  }
.Ltmp1:
0xb6: {  	v20 =	vshll.u32 v20, v1;
	v22 =	vshll.u32 v10, v1;
	[tilespmem:s26+$0x0] =	vst v8;
	v8 =	vmul.f32 v18, v5;
	v7 =	vld [tilespmem:s26+$0x70];
	(pc) =	sbr.rel @p1 .LBB2_5-.Ltmp1, $4  }
0xb7: {  	v10 =	vadd.s32 $0x1, v14;
	v15 =	vadd.s32 $0x2, v15;
	[tilespmem:s26+$0x10] =	vst v9;
	v9 =	vmul.f32 v13, v5;
	v5 =	vld [tilespmem:s26+$0x80]  }
0xb8: {  	v17 =	vadd.s32 $0x3, v16;
	v13 =	vadd.s32 $0x4, v19;
	[tilespmem:s26+$0x20] =	vst v8;
	v18 =	vmul.f32 v12, v4;
	v8 =	vld [tilespmem:s26+$0x90]  }
0xb9: {  	v14 =	vadd.s32 $0x5, v20;
	v10 =	vbroadcast v10, $0x0;
	[tilespmem:s26+$0x30] =	vst v9;
	v16 =	vmul.f32 v11, v4;
	v9 =	vld [tilespmem:s26+$0xA0]  }
0xba: {  	s12 =	sadd.s32 $0x7, s11;
	s11 =	sadd.s32 $0x8, s11;
	v12 =	vbroadcast v15, $0x0;
	v15 =	vadd.s32 $0x6, v22;
	[tilespmem:s26+$0x40] =	vst v18;
	v18 =	vmul.f32 v21, v4;
	v11 =	vld [tilespmem:s26+$0xB0]  }
0xbb: {  	_ = 	snop  }
0xbc: {  	v20 =	vld [tilespmem:s26+$0xC0]  }
0xbd: {  	v21 =	vld [tilespmem:s26+$0xD0]  }
0xbe: {  	v19 =	vmov s12;
	v22 =	vld [tilespmem:s26+$0xE0]  }
0xbf: {  	v6 =	vld.idx.msk [tilespmem:v6+s30+$0x0], $0xffff;
	v19 =	vshrl.u32 v19, $0x3  }
0xc0: {  	v17 =	vbroadcast v17, $0x0;
	v10 =	vld.idx.msk [tilespmem:v10+s30+$0x0], $0xffff;
	v4 =	vmul.f32 v7, v4;
	v19 =	vshll.u32 v19, v1  }
0xc1: {  	v14 =	vbroadcast v14, $0x0;
	[tilespmem:s26+$0x50] =	vst v16;
	s11 =	sadd.s32 $0x200, s26;
	v12 =	vld.idx.msk [tilespmem:v12+s30+$0x0], $0xffff;
	v5 =	vmul.f32 v5, v3;
	v19 =	vadd.s32 $0x7, v19  }
0xc2: {  	v16 =	vld [tilespmem:s11+$0xFFFFFF60];
	[tilespmem:s26+$0x70] =	vst v4;
	v4 =	vmul.f32 v8, v3;
	v19 =	vbroadcast v19, $0x0  }
0xc3: {  	v15 =	vbroadcast v15, $0x0;
	[tilespmem:s26+$0x80] =	vst v5;
	v5 =	vmul.f32 v9, v3;
	v9 =	vld [tilespmem:s11+$0xF0]  }
0xc4: {  	[tilespmem:s26+$0x90] =	vst v4;
	v4 =	vld [tilespmem:s11+$0xFFFFFF00]  }
0xc5: {  	v3 =	vmul.f32 v11, v3;
	v11 =	vld [tilespmem:s11+$0xFFFFFF10]  }
0xc6: {  	v17 =	vld.idx.msk [tilespmem:v17+s30+$0x0], $0xffff  }
0xc7: {  	v7 =	vld.idx.msk [tilespmem:v14+s30+$0x0], $0xffff  }
0xc8: {  	v13 =	vbroadcast v13, $0x0;
	[tilespmem:s26+$0xA0] =	vst v5;
	v5 =	vmul.f32 v20, v2;
	v8 =	vld.idx.msk [tilespmem:v19+s30+$0x0], $0xffff  }
0xc9: {  	v14 =	vld.idx.msk [tilespmem:v15+s30+$0x0], $0xffff;
	[tilespmem:s26+$0xB0] =	vst v3;
	v3 =	vmul.f32 v21, v2  }
0xca: {  	v15 =	vld [tilespmem:s11+$0xFFFFFF20];
	v2 =	vmul.f32 v22, v2;
	[tilespmem:s26+$0xC0] =	vst v5  }
0xcb: {  	v5 =	vld [tilespmem:s11+$0xFFFFFF30];
	[tilespmem:s26+$0xD0] =	vst v3  }
0xcc: {  	v3 =	vld [tilespmem:s11+$0xFFFFFF40];
	[tilespmem:s26+$0xE0] =	vst v2;
	v2 =	vmul.f32 v4, v6  }
0xcd: {  	[tilespmem:s26+$0x60] =	vst v18;
	v4 =	vld [tilespmem:s11+$0xFFFFFF50];
	v9 =	vmul.f32 v9, v8  }
0xce: {  	v13 =	vld.idx.msk [tilespmem:v13+s30+$0x0], $0xffff;
	v11 =	vmul.f32 v11, v6;
	[tilespmem:s11+$0xFFFFFF00] =	vst v2  }
0xcf: {  	v2 =	vmul.f32 v15, v6;
	[tilespmem:s11+$0xF0] =	vst v9;
	v9 =	vld [tilespmem:s11+$0xFFFFFF70]  }
0xd0: {  	[tilespmem:s11+$0xFFFFFF10] =	vst v11;
	v5 =	vmul.f32 v5, v6;
	v6 =	vld [tilespmem:s11+$0xFFFFFF80]  }
0xd1: {  	[tilespmem:s11+$0xFFFFFF20] =	vst v2;
	v2 =	vmul.f32 v3, v10;
	v3 =	vld [tilespmem:s11+$0xFFFFFF90]  }
0xd2: {  	[tilespmem:s11+$0xFFFFFF30] =	vst v5;
	v4 =	vmul.f32 v4, v10;
	v5 =	vld [tilespmem:s11+$0xFFFFFFA0]  }
0xd3: {  	v11 =	vld [tilespmem:s11+$0xFFFFFFB0];
	[tilespmem:s11+$0xFFFFFF40] =	vst v2;
	v2 =	vmul.f32 v16, v10  }
0xd4: {  	[tilespmem:s11+$0xFFFFFF50] =	vst v4;
	v4 =	vmul.f32 v9, v10;
	v9 =	vld [tilespmem:s11+$0xFFFFFFC0]  }
0xd5: {  	[tilespmem:s11+$0xFFFFFF60] =	vst v2;
	v2 =	vmul.f32 v6, v12;
	v6 =	vld [tilespmem:s11+$0xFFFFFFD0]  }
0xd6: {  	v3 =	vmul.f32 v3, v12;
	[tilespmem:s11+$0xFFFFFF70] =	vst v4;
	v4 =	vld [tilespmem:s11+$0xFFFFFFE0]  }
0xd7: {  	[tilespmem:s11+$0xFFFFFF80] =	vst v2;
	v2 =	vmul.f32 v5, v12;
	v5 =	vld [tilespmem:s11+$0xFFFFFFF0]  }
0xd8: {  	[tilespmem:s11+$0xFFFFFF90] =	vst v3;
	v3 =	vmul.f32 v11, v12;
	v10 =	vld [tilespmem:s11+$0x0]  }
0xd9: {  	[tilespmem:s11+$0xFFFFFFA0] =	vst v2;
	v2 =	vmul.f32 v9, v17;
	v9 =	vld [tilespmem:s11+$0x10]  }
0xda: {  	[tilespmem:s11+$0xFFFFFFB0] =	vst v3;
	v3 =	vmul.f32 v6, v17;
	v6 =	vld [tilespmem:s11+$0x20]  }
0xdb: {  	[tilespmem:s11+$0xFFFFFFC0] =	vst v2;
	v2 =	vmul.f32 v4, v17;
	v4 =	vld [tilespmem:s11+$0x30]  }
0xdc: {  	[tilespmem:s11+$0xFFFFFFD0] =	vst v3;
	v3 =	vmul.f32 v5, v17;
	v5 =	vld [tilespmem:s11+$0x40]  }
0xdd: {  	[tilespmem:s11+$0xFFFFFFE0] =	vst v2;
	v2 =	vmul.f32 v10, v13;
	v10 =	vld [tilespmem:s11+$0x50]  }
0xde: {  	[tilespmem:s11+$0xFFFFFFF0] =	vst v3;
	v3 =	vmul.f32 v9, v13;
	v9 =	vld [tilespmem:s11+$0x60]  }
0xdf: {  	[tilespmem:s11+$0x0] =	vst v2;
	v2 =	vmul.f32 v6, v13;
	v6 =	vld [tilespmem:s11+$0x70]  }
0xe0: {  	[tilespmem:s11+$0x10] =	vst v3;
	v3 =	vmul.f32 v4, v13;
	v4 =	vld [tilespmem:s11+$0x80]  }
0xe1: {  	[tilespmem:s11+$0x20] =	vst v2;
	v2 =	vmul.f32 v5, v7;
	v5 =	vld [tilespmem:s11+$0x90]  }
0xe2: {  	[tilespmem:s11+$0x30] =	vst v3;
	v3 =	vmul.f32 v10, v7;
	v10 =	vld [tilespmem:s11+$0xA0]  }
0xe3: {  	[tilespmem:s11+$0x40] =	vst v2;
	v2 =	vmul.f32 v9, v7;
	v9 =	vld [tilespmem:s11+$0xB0]  }
0xe4: {  	[tilespmem:s11+$0x50] =	vst v3;
	v3 =	vmul.f32 v6, v7;
	v6 =	vld [tilespmem:s11+$0xC0]  }
0xe5: {  	[tilespmem:s11+$0x60] =	vst v2;
	v2 =	vmul.f32 v4, v14;
	v4 =	vld [tilespmem:s11+$0xD0]  }
0xe6: {  	[tilespmem:s11+$0x70] =	vst v3;
	v3 =	vmul.f32 v5, v14;
	v5 =	vld [tilespmem:s11+$0xE0]  }
0xe7: {  	[tilespmem:s11+$0x80] =	vst v2;
	v2 =	vmul.f32 v10, v14  }
0xe8: {  	[tilespmem:s11+$0x90] =	vst v3;
	v3 =	vmul.f32 v9, v14  }
0xe9: {  	[tilespmem:s11+$0xA0] =	vst v2;
	v2 =	vmul.f32 v6, v8  }
0xea: {  	[tilespmem:s11+$0xB0] =	vst v3;
	v3 =	vmul.f32 v4, v8  }
0xeb: {  	[tilespmem:s11+$0xC0] =	vst v2;
	v2 =	vmul.f32 v5, v8  }
0xec: {  	[tilespmem:s11+$0xD0] =	vst v3  }
0xed: {  	s16 =	simm.s32 $0x5800;
	s26 =	simm.s32 $0x5000;
	[tilespmem:s11+$0xE0] =	vst v2;
	s11 =	simm.s32 @!p0 $0xE  }
0xee: {  	[spmem:s2] =	stream.indirect.scatter.add.f32 [tilespmem:s16], [sflag:$0x9], $0x40, s26, s28, $0xb8;
	[tilespmem:$0x1F800] =	vst v63  }
0xef: {  	_ =	swait.ge @!p0 [sflag:s11], $0x2000  }
0xf0: {  	s15 =	sor.u32 $0x280, s10;
	[sflag:s11] =	ssyncset.done @!p0 $0x0  }
0xf1: {  	s16 =	simm.s32 $0xF800;
	[sflag:s11] =	ssyncadd.s32 @!p0 $0xFFFFE000;
	s11 =	sadd.s32 s3, s15  }
0xf2: {  	[tilespmem:s16], [sflag:$0x6] =	stream.indirect.gather [hbm4b:s9+s28], $0x40, s15, s28, $0xb8;
	[tilespmem:$0x1F800] =	vst v63  }
0xf3: {  	s11 =	sshrl.u32 s11, $0x3  }
0xf4: {  	s15 =	simm.s32 $0x0;
	s16 =	simm.s32 $0x5280;
	s26 =	sadd.s32 s5, s11  }
0xf5: {  	[tilespmem:s16], [sflag:$0x6] =	stream.linear.gather [hbm4b:s26+s15], $0x80, $0x38;
	[tilespmem:$0x1F800] =	vst v63  }
0xf6: {  	s26 =	simm.s32 $0x2  }
0xf7: {  	s12 =	simm.s32 $0x6;
	v4 =	vmov s26;
	s26 =	simm.s32 $0x4  }
0xf8: {  	v8 =	vmov s12;
	v3 =	vmov s15;
	s11 =	sadd.s32 s6, s11;
	s16 =	simm.s32 $0x1;
	v6 =	vmov s26;
	s26 =	simm.s32 $0x5680  }
0xf9: {  	v8 =	vshrl.u32 v8, $0x3;
	v3 =	vshrl.u32 v3, $0x3;
	[tilespmem:s26], [sflag:$0x6] =	stream.linear.gather [hbm4b:s11+s15], $0x80, $0x38;
	[tilespmem:$0x1F800] =	vst v63  }
0xfa: {  	v8 =	vshll.u32 v8, v1;
	v2 =	vmov s16;
	s16 =	simm.s32 $0x3;
	v3 =	vshll.u32 v3, v1;
	_ =	swait.ge [sflag:s18], $0x2000  }
0xfb: {  	v5 =	vmov s16;
	v2 =	vshrl.u32 v2, $0x3;
	v3 =	vadd.s32 $0x80, v3;
	[sflag:s18] =	ssyncset.done $0x0  }
0xfc: {  	v5 =	vshrl.u32 v5, $0x3;
	v6 =	vshrl.u32 v6, $0x3;
	v2 =	vshll.u32 v2, v1;
	[sflag:s18] =	ssyncadd.s32 $0xFFFFE000  }
0xfd: {  	v3 =	vbroadcast v3, $0x0;
	v5 =	vshll.u32 v5, v1;
	v2 =	vadd.s32 $0x81, v2;
	_ =	swait.ge [sflag:s18], $0x80  }
0xfe: {  	v6 =	vshll.u32 v6, v1;
	v2 =	vbroadcast v2, $0x0;
	v5 =	vadd.s32 $0x83, v5;
	[sflag:s18] =	ssyncset.done $0x0  }
0xff: {  	v8 =	vadd.s32 $0x86, v8;
	s16 =	simm.s32 $0x5;
	v6 =	vadd.s32 $0x84, v6;
	v5 =	vbroadcast v5, $0x0;
	[sflag:s18] =	ssyncadd.s32 $0xFFFFFF80  }
0x100: {  	v4 =	vshrl.u32 v4, $0x3;
	v7 =	vmov s16;
	s15 =	simm.s32 $0x7;
	v6 =	vbroadcast v6, $0x0;
	_ =	swait.ge [sflag:s18], $0x80  }
0x101: {  	v4 =	vshll.u32 v4, v1;
	v7 =	vshrl.u32 v7, $0x3;
	v9 =	vmov s15;
	[sflag:s18] =	ssyncset.done $0x0  }
0x102: {  	v4 =	vadd.s32 $0x82, v4;
	v7 =	vshll.u32 v7, v1;
	v9 =	vshrl.u32 v9, $0x3;
	[sflag:s18] =	ssyncadd.s32 $0xFFFFFF80  }
0x103: {  	v4 =	vbroadcast v4, $0x0;
	v7 =	vadd.s32 $0x85, v7;
	v9 =	vshll.u32 v9, v1;
	v10 =	vld.idx.msk [tilespmem:v3+s30+$0x0], $0xffff  }
0x104: {  	v7 =	vbroadcast v7, $0x0;
	v3 =	vbroadcast v8, $0x0;
	v8 =	vadd.s32 $0x87, v9;
	v9 =	vld.idx.msk [tilespmem:v2+s30+$0x0], $0xffff  }
0x105: {  	v5 =	vld.idx.msk [tilespmem:v5+s30+$0x0], $0xffff  }
0x106: {  	s26 =	simm.s32 $0x7900;
	v11 =	vld.idx.msk [tilespmem:v6+s30+$0x0], $0xffff;
	v2 =	vbroadcast v8, $0x0  }
0x107: {  	v6 =	vld [tilespmem:s26+$0xF0]  }
0x108: {  	v12 =	vld [tilespmem:s26+$0xFFFFFF10]  }
0x109: {  	v8 =	vld.idx.msk [tilespmem:v4+s30+$0x0], $0xffff  }
0x10a: {  	v4 =	vld.idx.msk [tilespmem:v7+s30+$0x0], $0xffff  }
0x10b: {  	v7 =	vld [tilespmem:s26+$0xFFFFFF00]  }
0x10c: {  	v2 =	vld.idx.msk [tilespmem:v2+s30+$0x0], $0xffff  }
0x10d: {  	v13 =	vld [tilespmem:s26+$0xFFFFFF20]  }
0x10e: {  	v14 =	vld [tilespmem:s26+$0xFFFFFF30]  }
0x10f: {  	v15 =	vld [tilespmem:s26+$0xFFFFFF40]  }
0x110: {  	v16 =	vld [tilespmem:s26+$0xFFFFFF50];
	v7 =	vmul.f32 v7, v10  }
0x111: {  	v17 =	vld [tilespmem:s26+$0xFFFFFF60];
	v6 =	vmul.f32 v6, v2  }
0x112: {  	v12 =	vmul.f32 v12, v10;
	v3 =	vld.idx.msk [tilespmem:v3+s30+$0x0], $0xffff;
	[tilespmem:s26+$0xFFFFFF00] =	vst v7  }
0x113: {  	v7 =	vld [tilespmem:s26+$0xFFFFFF70];
	[tilespmem:s26+$0xF0] =	vst v6;
	v6 =	vmul.f32 v13, v10  }
0x114: {  	[tilespmem:s26+$0xFFFFFF10] =	vst v12;
	v12 =	vld [tilespmem:s26+$0xFFFFFF80];
	v10 =	vmul.f32 v14, v10  }
0x115: {  	v13 =	vld [tilespmem:s26+$0xFFFFFF90];
	[tilespmem:s26+$0xFFFFFF20] =	vst v6;
	v6 =	vmul.f32 v15, v9  }
0x116: {  	v14 =	vld [tilespmem:s26+$0xFFFFFFA0];
	[tilespmem:s26+$0xFFFFFF30] =	vst v10;
	v10 =	vmul.f32 v16, v9  }
0x117: {  	s16 =	simm.s32 $0x8;
	v15 =	vld [tilespmem:s26+$0xFFFFFFB0];
	[tilespmem:s26+$0xFFFFFF40] =	vst v6;
	v6 =	vmul.f32 v17, v9  }
0x118: {  	v7 =	vmul.f32 v7, v9;
	v16 =	vmov s16;
	s16 =	simm.s32 $0xB;
	[tilespmem:s26+$0xFFFFFF50] =	vst v10;
	v9 =	vld [tilespmem:s26+$0xFFFFFFC0]  }
0x119: {  	s12 =	simm.s32 $0x9;
	s15 =	simm.s32 $0xA;
	v18 =	vmov s16;
	v10 =	vshrl.u32 v16, $0x3;
	[tilespmem:s26+$0xFFFFFF60] =	vst v6;
	v6 =	vmul.f32 v12, v8;
	v12 =	vld [tilespmem:s26+$0xFFFFFFD0]  }
0x11a: {  	[tilespmem:s26+$0xFFFFFF70] =	vst v7;
	s16 =	simm.s32 $0xE;
	v16 =	vmov s12;
	v17 =	vmov s15;
	s12 =	simm.s32 $0xC;
	v7 =	vmul.f32 v13, v8;
	v13 =	vld [tilespmem:s26+$0xFFFFFFE0]  }
0x11b: {  	s15 =	simm.s32 $0xD;
	v61 =	vmov s16;
	v19 =	vmov s12;
	[tilespmem:s26+$0xFFFFFF80] =	vst v6;
	v6 =	vmul.f32 v14, v8;
	v14 =	vld [tilespmem:s26+$0xFFFFFFF0]  }
0x11c: {  	v20 =	vmov s15;
	v10 =	vshll.u32 v10, v1;
	[tilespmem:s26+$0xFFFFFF90] =	vst v7;
	v7 =	vmul.f32 v15, v8;
	v8 =	vld [tilespmem:s26+$0x0]  }
0x11d: {  	v10 =	vadd.s32 $0x80, v10;
	v15 =	vshrl.u32 v16, $0x3;
	[tilespmem:s26+$0xFFFFFFA0] =	vst v6;
	v6 =	vmul.f32 v9, v5;
	v9 =	vld [tilespmem:s26+$0x10]  }
0x11e: {  	v16 =	vshrl.u32 v17, $0x3;
	v17 =	vshrl.u32 v18, $0x3;
	[tilespmem:s26+$0xFFFFFFB0] =	vst v7;
	v7 =	vmul.f32 v12, v5;
	v12 =	vld [tilespmem:s26+$0x20]  }
0x11f: {  	v18 =	vshrl.u32 v19, $0x3;
	v19 =	vshrl.u32 v20, $0x3;
	[tilespmem:s26+$0xFFFFFFC0] =	vst v6;
	v6 =	vmul.f32 v13, v5;
	v13 =	vld [tilespmem:s26+$0x30]  }
0x120: {  	v20 =	vshrl.u32 v61, $0x3;
	v15 =	vshll.u32 v15, v1;
	[tilespmem:s26+$0xFFFFFFD0] =	vst v7;
	v5 =	vmul.f32 v14, v5;
	v14 =	vld [tilespmem:s26+$0x40]  }
0x121: {  	v62 =	vld [tilespmem:s26+$0x50];
	v16 =	vshll.u32 v16, v1;
	v17 =	vshll.u32 v17, v1;
	v7 =	vmul.f32 v8, v11;
	[tilespmem:s26+$0xFFFFFFE0] =	vst v6  }
0x122: {  	v8 =	vshll.u32 v18, v1;
	v18 =	vshll.u32 v19, v1;
	v19 =	vld [tilespmem:s26+$0x60];
	[tilespmem:s26+$0xFFFFFFF0] =	vst v5;
	v5 =	vmul.f32 v9, v11  }
0x123: {  	v20 =	vshll.u32 v20, v1;
	v17 =	vadd.s32 $0x83, v17;
	[tilespmem:s26+$0x0] =	vst v7;
	v7 =	vld [tilespmem:s26+$0x70];
	v9 =	vmul.f32 v12, v11  }
0x124: {  	v6 =	vbroadcast v10, $0x0;
	v10 =	vadd.s32 $0x81, v15;
	[tilespmem:s26+$0x10] =	vst v5;
	v11 =	vmul.f32 v13, v11;
	v5 =	vld [tilespmem:s26+$0x80]  }
0x125: {  	v15 =	vadd.s32 $0x86, v20;
	v13 =	vadd.s32 $0x84, v8;
	v8 =	vld [tilespmem:s26+$0x90];
	[tilespmem:s26+$0x20] =	vst v9;
	v63 =	vmul.f32 v14, v4  }
0x126: {  	v10 =	vbroadcast v10, $0x0;
	v12 =	vadd.s32 $0x82, v16;
	v16 =	vmul.f32 v62, v4;
	v9 =	vld [tilespmem:s26+$0xA0];
	[tilespmem:s26+$0x30] =	vst v11  }
0x127: {  	s11 =	simm.s32 $0x10;
	s12 =	simm.s32 $0xF;
	v12 =	vbroadcast v12, $0x0;
	v14 =	vadd.s32 $0x85, v18;
	v18 =	vmul.f32 v19, v4;
	v11 =	vld [tilespmem:s26+$0xB0];
	[tilespmem:s26+$0x40] =	vst v63  }
.LBB2_7:
0x128: {  	p1 =	slt.u32 s11, $0x78;
	v17 =	vbroadcast v17, $0x0;
	v19 =	vmov s12;
	[tilespmem:s26+$0x50] =	vst v16;
	v4 =	vmul.f32 v7, v4;
	v7 =	vld [tilespmem:s26+$0xC0]  }
0x129: {  	v13 =	vbroadcast v13, $0x0;
	v16 =	vshrl.u32 v19, $0x3;
	[tilespmem:s26+$0x60] =	vst v18;
	v5 =	vmul.f32 v5, v3;
	v18 =	vld [tilespmem:s26+$0xD0]  }
0x12a: {  	v14 =	vbroadcast v14, $0x0;
	v16 =	vshll.u32 v16, v1;
	[tilespmem:s26+$0x70] =	vst v4;
	v4 =	vmul.f32 v8, v3;
	v8 =	vld [tilespmem:s26+$0xE0]  }
0x12b: {  	v15 =	vbroadcast v15, $0x0;
	v6 =	vld.idx.msk [tilespmem:v6+s30+$0x0], $0xffff;
	v16 =	vadd.s32 $0x87, v16;
	[tilespmem:s26+$0x80] =	vst v5;
	v5 =	vmul.f32 v9, v3  }
0x12c: {  	v9 =	vld.idx.msk [tilespmem:v10+s30+$0x0], $0xffff;
	v10 =	vbroadcast v16, $0x0;
	[tilespmem:s26+$0x90] =	vst v4;
	v3 =	vmul.f32 v11, v3  }
0x12d: {  	v11 =	vld.idx.msk [tilespmem:v12+s30+$0x0], $0xffff;
	[tilespmem:s26+$0xA0] =	vst v5;
	v4 =	vmul.f32 v7, v2  }
0x12e: {  	v7 =	vld.idx.msk [tilespmem:v17+s30+$0x0], $0xffff;
	[tilespmem:s26+$0xB0] =	vst v3;
	v3 =	vmul.f32 v18, v2  }
0x12f: {  	v5 =	vld.idx.msk [tilespmem:v13+s30+$0x0], $0xffff;
	[tilespmem:s26+$0xC0] =	vst v4;
	v2 =	vmul.f32 v8, v2  }
0x130: {  	v4 =	vld.idx.msk [tilespmem:v14+s30+$0x0], $0xffff;
	[tilespmem:s26+$0xD0] =	vst v3  }
0x131: {  	v3 =	vld.idx.msk [tilespmem:v15+s30+$0x0], $0xffff;
	[tilespmem:s26+$0xE0] =	vst v2  }
0x132: {  	s26 =	sadd.s32 $0x200, s26;
	v2 =	vld.idx.msk [tilespmem:v10+s30+$0x0], $0xffff  }
0x133: {  	v8 =	vld [tilespmem:s26+$0xF0]  }
0x134: {  	v10 =	vld [tilespmem:s26+$0xFFFFFF00]  }
0x135: {  	v12 =	vld [tilespmem:s26+$0xFFFFFF10]  }
0x136: {  	v13 =	vld [tilespmem:s26+$0xFFFFFF20]  }
0x137: {  	v14 =	vld [tilespmem:s26+$0xFFFFFF30]  }
0x138: {  	v15 =	vld [tilespmem:s26+$0xFFFFFF40];
	v8 =	vmul.f32 v8, v2  }
0x139: {  	v10 =	vmul.f32 v10, v6;
	v16 =	vld [tilespmem:s26+$0xFFFFFF50]  }
0x13a: {  	v12 =	vmul.f32 v12, v6;
	v17 =	vld [tilespmem:s26+$0xFFFFFF60];
	[tilespmem:s26+$0xF0] =	vst v8  }
0x13b: {  	[tilespmem:s26+$0xFFFFFF00] =	vst v10;
	v8 =	vmul.f32 v13, v6;
	v10 =	vld [tilespmem:s26+$0xFFFFFF70]  }
0x13c: {  	[tilespmem:s26+$0xFFFFFF10] =	vst v12;
	v6 =	vmul.f32 v14, v6;
	v12 =	vld [tilespmem:s26+$0xFFFFFF80]  }
0x13d: {  	[tilespmem:s26+$0xFFFFFF20] =	vst v8;
	v8 =	vmul.f32 v15, v9;
	v13 =	vld [tilespmem:s26+$0xFFFFFF90]  }
0x13e: {  	[tilespmem:s26+$0xFFFFFF30] =	vst v6;
	v6 =	vmul.f32 v16, v9;
	v14 =	vld [tilespmem:s26+$0xFFFFFFA0]  }
0x13f: {  	[tilespmem:s26+$0xFFFFFF40] =	vst v8;
	v8 =	vmul.f32 v17, v9;
	v15 =	vld [tilespmem:s26+$0xFFFFFFB0]  }
0x140: {  	s12 =	sadd.s32 $0x1, s11;
	v16 =	vmov s11;
	[tilespmem:s26+$0xFFFFFF50] =	vst v6;
	v6 =	vmul.f32 v10, v9;
	v9 =	vld [tilespmem:s26+$0xFFFFFFC0]  }
0x141: {  	s15 =	sadd.s32 $0x3, s11;
	v10 =	vshrl.u32 v16, $0x3;
	v16 =	vmov s12;
	s12 =	sadd.s32 $0x2, s11;
	[tilespmem:s26+$0xFFFFFF60] =	vst v8;
	v8 =	vmul.f32 v12, v11;
	v12 =	vld [tilespmem:s26+$0xFFFFFFD0]  }
0x142: {  	v18 =	vmov s15;
	s15 =	sadd.s32 $0x5, s11;
	v17 =	vmov s12;
	s12 =	sadd.s32 $0x4, s11;
	[tilespmem:s26+$0xFFFFFF70] =	vst v6;
	v6 =	vmul.f32 v13, v11;
	v13 =	vld [tilespmem:s26+$0xFFFFFFE0]  }
0x143: {  	v20 =	vmov s15;
	v19 =	vmov s12;
	s12 =	sadd.s32 $0x6, s11;
	[tilespmem:s26+$0xFFFFFF80] =	vst v8;
	v8 =	vmul.f32 v14, v11;
	v14 =	vld [tilespmem:s26+$0xFFFFFFF0]  }
0x144: {  	v10 =	vshll.u32 v10, v1;
	v21 =	vmov s12;
	[tilespmem:s26+$0xFFFFFF90] =	vst v6;
	v6 =	vmul.f32 v15, v11;
	v11 =	vld [tilespmem:s26+$0x0]  }
0x145: {  	v15 =	vshrl.u32 v16, $0x3;
	v16 =	vshrl.u32 v17, $0x3;
	[tilespmem:s26+$0xFFFFFFA0] =	vst v8;
	v8 =	vmul.f32 v9, v7;
	v9 =	vld [tilespmem:s26+$0x10]  }
0x146: {  	v17 =	vshrl.u32 v18, $0x3;
	v18 =	vshrl.u32 v19, $0x3;
	[tilespmem:s26+$0xFFFFFFB0] =	vst v6;
	v6 =	vmul.f32 v12, v7;
	v12 =	vld [tilespmem:s26+$0x20]  }
0x147: {  	v19 =	vshrl.u32 v20, $0x3;
	v20 =	vshrl.u32 v21, $0x3;
	[tilespmem:s26+$0xFFFFFFC0] =	vst v8;
	v8 =	vmul.f32 v13, v7;
	v13 =	vld [tilespmem:s26+$0x30]  }
0x148: {  	v10 =	vadd.s32 $0x80, v10;
	v15 =	vshll.u32 v15, v1;
	[tilespmem:s26+$0xFFFFFFD0] =	vst v6;
	v6 =	vmul.f32 v14, v7;
	v14 =	vld [tilespmem:s26+$0x40]  }
0x149: {  	v16 =	vshll.u32 v16, v1;
	v17 =	vshll.u32 v17, v1;
	[tilespmem:s26+$0xFFFFFFE0] =	vst v8;
	v7 =	vmul.f32 v11, v5;
	v11 =	vld [tilespmem:s26+$0x50]  }
0x14a: {  	v8 =	vshll.u32 v18, v1;
	v18 =	vshll.u32 v19, v1;
	[tilespmem:s26+$0xFFFFFFF0] =	vst v6;
	v9 =	vmul.f32 v9, v5;
	v19 =	vld [tilespmem:s26+$0x60]  }
.Ltmp2:
0x14b: {  	v20 =	vshll.u32 v20, v1;
	v6 =	vbroadcast v10, $0x0;
	[tilespmem:s26+$0x0] =	vst v7;
	v10 =	vmul.f32 v12, v5;
	v7 =	vld [tilespmem:s26+$0x70];
	(pc) =	sbr.rel @p1 .LBB2_7-.Ltmp2, $4  }
0x14c: {  	v12 =	vadd.s32 $0x81, v15;
	v15 =	vadd.s32 $0x82, v16;
	[tilespmem:s26+$0x10] =	vst v9;
	v9 =	vmul.f32 v13, v5;
	v5 =	vld [tilespmem:s26+$0x80]  }
0x14d: {  	v17 =	vadd.s32 $0x83, v17;
	v13 =	vadd.s32 $0x84, v8;
	[tilespmem:s26+$0x20] =	vst v10;
	v21 =	vmul.f32 v14, v4;
	v8 =	vld [tilespmem:s26+$0x90]  }
0x14e: {  	v10 =	vbroadcast v12, $0x0;
	v14 =	vadd.s32 $0x85, v18;
	[tilespmem:s26+$0x30] =	vst v9;
	v16 =	vmul.f32 v11, v4;
	v9 =	vld [tilespmem:s26+$0xA0]  }
0x14f: {  	s12 =	sadd.s32 $0x7, s11;
	s11 =	sadd.s32 $0x8, s11;
	v12 =	vbroadcast v15, $0x0;
	v15 =	vadd.s32 $0x86, v20;
	[tilespmem:s26+$0x40] =	vst v21;
	v18 =	vmul.f32 v19, v4;
	v11 =	vld [tilespmem:s26+$0xB0]  }
0x150: {  	_ = 	snop  }
0x151: {  	v20 =	vld [tilespmem:s26+$0xC0]  }
0x152: {  	v21 =	vld [tilespmem:s26+$0xD0]  }
0x153: {  	v19 =	vmov s12;
	v22 =	vld [tilespmem:s26+$0xE0]  }
0x154: {  	v6 =	vld.idx.msk [tilespmem:v6+s30+$0x0], $0xffff;
	v19 =	vshrl.u32 v19, $0x3  }
0x155: {  	v17 =	vbroadcast v17, $0x0;
	v10 =	vld.idx.msk [tilespmem:v10+s30+$0x0], $0xffff;
	v4 =	vmul.f32 v7, v4;
	v19 =	vshll.u32 v19, v1  }
0x156: {  	v14 =	vbroadcast v14, $0x0;
	[tilespmem:s26+$0x50] =	vst v16;
	s11 =	sadd.s32 $0x200, s26;
	v12 =	vld.idx.msk [tilespmem:v12+s30+$0x0], $0xffff;
	v5 =	vmul.f32 v5, v3;
	v19 =	vadd.s32 $0x87, v19  }
0x157: {  	v16 =	vld [tilespmem:s11+$0xFFFFFF60];
	[tilespmem:s26+$0x70] =	vst v4;
	v4 =	vmul.f32 v8, v3;
	v19 =	vbroadcast v19, $0x0  }
0x158: {  	v15 =	vbroadcast v15, $0x0;
	[tilespmem:s26+$0x80] =	vst v5;
	v5 =	vmul.f32 v9, v3;
	v9 =	vld [tilespmem:s11+$0xF0]  }
0x159: {  	[tilespmem:s26+$0x90] =	vst v4;
	v4 =	vld [tilespmem:s11+$0xFFFFFF00]  }
0x15a: {  	v3 =	vmul.f32 v11, v3;
	v11 =	vld [tilespmem:s11+$0xFFFFFF10]  }
0x15b: {  	v17 =	vld.idx.msk [tilespmem:v17+s30+$0x0], $0xffff  }
0x15c: {  	v7 =	vld.idx.msk [tilespmem:v14+s30+$0x0], $0xffff  }
0x15d: {  	v13 =	vbroadcast v13, $0x0;
	[tilespmem:s26+$0xA0] =	vst v5;
	v5 =	vmul.f32 v20, v2;
	v8 =	vld.idx.msk [tilespmem:v19+s30+$0x0], $0xffff  }
0x15e: {  	v14 =	vld.idx.msk [tilespmem:v15+s30+$0x0], $0xffff;
	[tilespmem:s26+$0xB0] =	vst v3;
	v3 =	vmul.f32 v21, v2  }
0x15f: {  	v15 =	vld [tilespmem:s11+$0xFFFFFF20];
	v2 =	vmul.f32 v22, v2;
	[tilespmem:s26+$0xC0] =	vst v5  }
0x160: {  	v5 =	vld [tilespmem:s11+$0xFFFFFF30];
	[tilespmem:s26+$0xD0] =	vst v3  }
0x161: {  	v3 =	vld [tilespmem:s11+$0xFFFFFF40];
	[tilespmem:s26+$0xE0] =	vst v2;
	v2 =	vmul.f32 v4, v6  }
0x162: {  	[tilespmem:s26+$0x60] =	vst v18;
	v4 =	vld [tilespmem:s11+$0xFFFFFF50];
	v9 =	vmul.f32 v9, v8  }
0x163: {  	v13 =	vld.idx.msk [tilespmem:v13+s30+$0x0], $0xffff;
	v11 =	vmul.f32 v11, v6;
	[tilespmem:s11+$0xFFFFFF00] =	vst v2  }
0x164: {  	v2 =	vmul.f32 v15, v6;
	[tilespmem:s11+$0xF0] =	vst v9;
	v9 =	vld [tilespmem:s11+$0xFFFFFF70]  }
0x165: {  	[tilespmem:s11+$0xFFFFFF10] =	vst v11;
	v5 =	vmul.f32 v5, v6;
	v6 =	vld [tilespmem:s11+$0xFFFFFF80]  }
0x166: {  	[tilespmem:s11+$0xFFFFFF20] =	vst v2;
	v2 =	vmul.f32 v3, v10;
	v3 =	vld [tilespmem:s11+$0xFFFFFF90]  }
0x167: {  	[tilespmem:s11+$0xFFFFFF30] =	vst v5;
	v4 =	vmul.f32 v4, v10;
	v5 =	vld [tilespmem:s11+$0xFFFFFFA0]  }
0x168: {  	v11 =	vld [tilespmem:s11+$0xFFFFFFB0];
	[tilespmem:s11+$0xFFFFFF40] =	vst v2;
	v2 =	vmul.f32 v16, v10  }
0x169: {  	[tilespmem:s11+$0xFFFFFF50] =	vst v4;
	v4 =	vmul.f32 v9, v10;
	v9 =	vld [tilespmem:s11+$0xFFFFFFC0]  }
0x16a: {  	[tilespmem:s11+$0xFFFFFF60] =	vst v2;
	v2 =	vmul.f32 v6, v12;
	v6 =	vld [tilespmem:s11+$0xFFFFFFD0]  }
0x16b: {  	v3 =	vmul.f32 v3, v12;
	[tilespmem:s11+$0xFFFFFF70] =	vst v4;
	v4 =	vld [tilespmem:s11+$0xFFFFFFE0]  }
0x16c: {  	[tilespmem:s11+$0xFFFFFF80] =	vst v2;
	v2 =	vmul.f32 v5, v12;
	v5 =	vld [tilespmem:s11+$0xFFFFFFF0]  }
0x16d: {  	[tilespmem:s11+$0xFFFFFF90] =	vst v3;
	v3 =	vmul.f32 v11, v12;
	v10 =	vld [tilespmem:s11+$0x0]  }
0x16e: {  	[tilespmem:s11+$0xFFFFFFA0] =	vst v2;
	v2 =	vmul.f32 v9, v17;
	v9 =	vld [tilespmem:s11+$0x10]  }
0x16f: {  	[tilespmem:s11+$0xFFFFFFB0] =	vst v3;
	v3 =	vmul.f32 v6, v17;
	v6 =	vld [tilespmem:s11+$0x20]  }
0x170: {  	[tilespmem:s11+$0xFFFFFFC0] =	vst v2;
	v2 =	vmul.f32 v4, v17;
	v4 =	vld [tilespmem:s11+$0x30]  }
0x171: {  	[tilespmem:s11+$0xFFFFFFD0] =	vst v3;
	v3 =	vmul.f32 v5, v17;
	v5 =	vld [tilespmem:s11+$0x40]  }
0x172: {  	[tilespmem:s11+$0xFFFFFFE0] =	vst v2;
	v2 =	vmul.f32 v10, v13;
	v10 =	vld [tilespmem:s11+$0x50]  }
0x173: {  	[tilespmem:s11+$0xFFFFFFF0] =	vst v3;
	v3 =	vmul.f32 v9, v13;
	v9 =	vld [tilespmem:s11+$0x60]  }
0x174: {  	[tilespmem:s11+$0x0] =	vst v2;
	v2 =	vmul.f32 v6, v13;
	v6 =	vld [tilespmem:s11+$0x70]  }
0x175: {  	[tilespmem:s11+$0x10] =	vst v3;
	v3 =	vmul.f32 v4, v13;
	v4 =	vld [tilespmem:s11+$0x80]  }
0x176: {  	[tilespmem:s11+$0x20] =	vst v2;
	v2 =	vmul.f32 v5, v7;
	v5 =	vld [tilespmem:s11+$0x90]  }
0x177: {  	[tilespmem:s11+$0x30] =	vst v3;
	v3 =	vmul.f32 v10, v7;
	v10 =	vld [tilespmem:s11+$0xA0]  }
0x178: {  	[tilespmem:s11+$0x40] =	vst v2;
	v2 =	vmul.f32 v9, v7;
	v9 =	vld [tilespmem:s11+$0xB0]  }
0x179: {  	[tilespmem:s11+$0x50] =	vst v3;
	v3 =	vmul.f32 v6, v7;
	v6 =	vld [tilespmem:s11+$0xC0]  }
0x17a: {  	[tilespmem:s11+$0x60] =	vst v2;
	v2 =	vmul.f32 v4, v14;
	v4 =	vld [tilespmem:s11+$0xD0]  }
0x17b: {  	[tilespmem:s11+$0x70] =	vst v3;
	v3 =	vmul.f32 v5, v14;
	v5 =	vld [tilespmem:s11+$0xE0]  }
0x17c: {  	[tilespmem:s11+$0x80] =	vst v2;
	v2 =	vmul.f32 v10, v14  }
0x17d: {  	[tilespmem:s11+$0x90] =	vst v3;
	v3 =	vmul.f32 v9, v14  }
0x17e: {  	[tilespmem:s11+$0xA0] =	vst v2;
	v2 =	vmul.f32 v6, v8  }
0x17f: {  	[tilespmem:s11+$0xB0] =	vst v3;
	v3 =	vmul.f32 v4, v8  }
0x180: {  	[tilespmem:s11+$0xC0] =	vst v2;
	v2 =	vmul.f32 v5, v8  }
0x181: {  	[tilespmem:s11+$0xD0] =	vst v3  }
0x182: {  	s12 =	simm.s32 $0x7800;
	s15 =	simm.s32 $0x5080;
	[tilespmem:s11+$0xE0] =	vst v2;
	s11 =	simm.s32 @!p0 $0xF  }
0x183: {  	[spmem:s2] =	stream.indirect.scatter.add.f32 [tilespmem:s12], [sflag:$0xA], $0x40, s15, s28, $0xb8;
	[tilespmem:$0x1F800] =	vst v63  }
0x184: {  	_ =	swait.ge @!p0 [sflag:s11], $0x2000  }
0x185: {  	s16 =	sor.u32 $0x300, s10;
	[sflag:s11] =	ssyncset.done @!p0 $0x0  }
0x186: {  	[sflag:s11] =	ssyncadd.s32 @!p0 $0xFFFFE000;
	s11 =	sadd.s32 s3, s16  }
0x187: {  	[tilespmem:s19], [sflag:$0x7] =	stream.indirect.gather [hbm4b:s9+s28], $0x40, s16, s28, $0xb8;
	[tilespmem:$0x1F800] =	vst v63  }
0x188: {  	s11 =	sshrl.u32 s11, $0x3;
	s16 =	simm.s32 $0x1  }
0x189: {  	s15 =	simm.s32 $0x0;
	s26 =	sadd.s32 s5, s11;
	v2 =	vmov s16;
	s16 =	simm.s32 $0x3  }
0x18a: {  	v3 =	vmov s15;
	[tilespmem:s20], [sflag:$0x7] =	stream.linear.gather [hbm4b:s26+s15], $0x80, $0x38;
	[tilespmem:$0x1F800] =	vst v63  }
0x18b: {  	v3 =	vshrl.u32 v3, $0x3;
	v5 =	vmov s16;
	s16 =	simm.s32 $0x5  }
0x18c: {  	v3 =	vshll.u32 v3, v1;
	s11 =	sadd.s32 s6, s11;
	v7 =	vmov s16;
	s16 =	simm.s32 $0x5700  }
0x18d: {  	v3 =	vadd.s32 $0x100, v3;
	[tilespmem:s16], [sflag:$0x7] =	stream.linear.gather [hbm4b:s11+s15], $0x80, $0x38;
	[tilespmem:$0x1F800] =	vst v63  }
0x18e: {  	v3 =	vbroadcast v3, $0x0;
	s26 =	simm.s32 $0x2;
	v2 =	vshrl.u32 v2, $0x3;
	_ =	swait.ge [sflag:s22], $0x2000  }
0x18f: {  	v4 =	vmov s26;
	s26 =	simm.s32 $0x4;
	v5 =	vshrl.u32 v5, $0x3;
	v2 =	vshll.u32 v2, v1;
	[sflag:s22] =	ssyncset.done $0x0  }
0x190: {  	v6 =	vmov s26;
	v4 =	vshrl.u32 v4, $0x3;
	v7 =	vshrl.u32 v7, $0x3;
	[sflag:s22] =	ssyncadd.s32 $0xFFFFE000  }
0x191: {  	v5 =	vshll.u32 v5, v1;
	v2 =	vadd.s32 $0x101, v2;
	v6 =	vshrl.u32 v6, $0x3;
	_ =	swait.ge [sflag:s22], $0x80  }
0x192: {  	s26 =	simm.s32 $0x6;
	v2 =	vbroadcast v2, $0x0;
	v5 =	vadd.s32 $0x103, v5;
	v6 =	vshll.u32 v6, v1;
	[sflag:s22] =	ssyncset.done $0x0  }
0x193: {  	v8 =	vmov s26;
	v5 =	vbroadcast v5, $0x0;
	v6 =	vadd.s32 $0x104, v6;
	[sflag:s22] =	ssyncadd.s32 $0xFFFFFF80  }
0x194: {  	s15 =	simm.s32 $0x7;
	v4 =	vshll.u32 v4, v1;
	v7 =	vshll.u32 v7, v1;
	v6 =	vbroadcast v6, $0x0;
	_ =	swait.ge [sflag:s22], $0x80  }
0x195: {  	v9 =	vmov s15;
	v8 =	vshrl.u32 v8, $0x3;
	v4 =	vadd.s32 $0x102, v4;
	[sflag:s22] =	ssyncset.done $0x0  }
0x196: {  	v7 =	vadd.s32 $0x105, v7;
	v9 =	vshrl.u32 v9, $0x3;
	v8 =	vshll.u32 v8, v1;
	[sflag:s22] =	ssyncadd.s32 $0xFFFFFF80  }
0x197: {  	v4 =	vbroadcast v4, $0x0;
	v9 =	vshll.u32 v9, v1;
	v8 =	vadd.s32 $0x106, v8;
	v10 =	vld.idx.msk [tilespmem:v3+s30+$0x0], $0xffff  }
0x198: {  	v7 =	vbroadcast v7, $0x0;
	v3 =	vbroadcast v8, $0x0;
	v8 =	vadd.s32 $0x107, v9;
	v9 =	vld.idx.msk [tilespmem:v2+s30+$0x0], $0xffff  }
0x199: {  	v5 =	vld.idx.msk [tilespmem:v5+s30+$0x0], $0xffff  }
0x19a: {  	s26 =	simm.s32 $0x9900;
	v11 =	vld.idx.msk [tilespmem:v6+s30+$0x0], $0xffff;
	v2 =	vbroadcast v8, $0x0  }
0x19b: {  	v6 =	vld [tilespmem:s26+$0xF0]  }
0x19c: {  	v12 =	vld [tilespmem:s26+$0xFFFFFF10]  }
0x19d: {  	v8 =	vld.idx.msk [tilespmem:v4+s30+$0x0], $0xffff  }
0x19e: {  	v4 =	vld.idx.msk [tilespmem:v7+s30+$0x0], $0xffff  }
0x19f: {  	v7 =	vld [tilespmem:s26+$0xFFFFFF00]  }
0x1a0: {  	v2 =	vld.idx.msk [tilespmem:v2+s30+$0x0], $0xffff  }
0x1a1: {  	v13 =	vld [tilespmem:s26+$0xFFFFFF20]  }
0x1a2: {  	v14 =	vld [tilespmem:s26+$0xFFFFFF30]  }
0x1a3: {  	v15 =	vld [tilespmem:s26+$0xFFFFFF40]  }
0x1a4: {  	v16 =	vld [tilespmem:s26+$0xFFFFFF50];
	v7 =	vmul.f32 v7, v10  }
0x1a5: {  	v17 =	vld [tilespmem:s26+$0xFFFFFF60];
	v6 =	vmul.f32 v6, v2  }
0x1a6: {  	v12 =	vmul.f32 v12, v10;
	v3 =	vld.idx.msk [tilespmem:v3+s30+$0x0], $0xffff;
	[tilespmem:s26+$0xFFFFFF00] =	vst v7  }
0x1a7: {  	v7 =	vld [tilespmem:s26+$0xFFFFFF70];
	[tilespmem:s26+$0xF0] =	vst v6;
	v6 =	vmul.f32 v13, v10  }
0x1a8: {  	[tilespmem:s26+$0xFFFFFF10] =	vst v12;
	v12 =	vld [tilespmem:s26+$0xFFFFFF80];
	v10 =	vmul.f32 v14, v10  }
0x1a9: {  	v13 =	vld [tilespmem:s26+$0xFFFFFF90];
	[tilespmem:s26+$0xFFFFFF20] =	vst v6;
	v6 =	vmul.f32 v15, v9  }
0x1aa: {  	v14 =	vld [tilespmem:s26+$0xFFFFFFA0];
	[tilespmem:s26+$0xFFFFFF30] =	vst v10;
	v10 =	vmul.f32 v16, v9  }
0x1ab: {  	s16 =	simm.s32 $0x8;
	v15 =	vld [tilespmem:s26+$0xFFFFFFB0];
	[tilespmem:s26+$0xFFFFFF40] =	vst v6;
	v6 =	vmul.f32 v17, v9  }
0x1ac: {  	v7 =	vmul.f32 v7, v9;
	v16 =	vmov s16;
	s16 =	simm.s32 $0xB;
	[tilespmem:s26+$0xFFFFFF50] =	vst v10;
	v9 =	vld [tilespmem:s26+$0xFFFFFFC0]  }
0x1ad: {  	s12 =	simm.s32 $0x9;
	s15 =	simm.s32 $0xA;
	v18 =	vmov s16;
	v10 =	vshrl.u32 v16, $0x3;
	[tilespmem:s26+$0xFFFFFF60] =	vst v6;
	v6 =	vmul.f32 v12, v8;
	v12 =	vld [tilespmem:s26+$0xFFFFFFD0]  }
0x1ae: {  	[tilespmem:s26+$0xFFFFFF70] =	vst v7;
	s16 =	simm.s32 $0xE;
	v16 =	vmov s12;
	v17 =	vmov s15;
	s12 =	simm.s32 $0xC;
	v7 =	vmul.f32 v13, v8;
	v13 =	vld [tilespmem:s26+$0xFFFFFFE0]  }
0x1af: {  	s15 =	simm.s32 $0xD;
	v61 =	vmov s16;
	v19 =	vmov s12;
	[tilespmem:s26+$0xFFFFFF80] =	vst v6;
	v6 =	vmul.f32 v14, v8;
	v14 =	vld [tilespmem:s26+$0xFFFFFFF0]  }
0x1b0: {  	v20 =	vmov s15;
	v10 =	vshll.u32 v10, v1;
	[tilespmem:s26+$0xFFFFFF90] =	vst v7;
	v7 =	vmul.f32 v15, v8;
	v8 =	vld [tilespmem:s26+$0x0]  }
0x1b1: {  	v10 =	vadd.s32 $0x100, v10;
	v15 =	vshrl.u32 v16, $0x3;
	[tilespmem:s26+$0xFFFFFFA0] =	vst v6;
	v6 =	vmul.f32 v9, v5;
	v9 =	vld [tilespmem:s26+$0x10]  }
0x1b2: {  	v16 =	vshrl.u32 v17, $0x3;
	v17 =	vshrl.u32 v18, $0x3;
	[tilespmem:s26+$0xFFFFFFB0] =	vst v7;
	v7 =	vmul.f32 v12, v5;
	v12 =	vld [tilespmem:s26+$0x20]  }
0x1b3: {  	v18 =	vshrl.u32 v19, $0x3;
	v19 =	vshrl.u32 v20, $0x3;
	[tilespmem:s26+$0xFFFFFFC0] =	vst v6;
	v6 =	vmul.f32 v13, v5;
	v13 =	vld [tilespmem:s26+$0x30]  }
0x1b4: {  	v20 =	vshrl.u32 v61, $0x3;
	v15 =	vshll.u32 v15, v1;
	[tilespmem:s26+$0xFFFFFFD0] =	vst v7;
	v5 =	vmul.f32 v14, v5;
	v14 =	vld [tilespmem:s26+$0x40]  }
0x1b5: {  	v62 =	vld [tilespmem:s26+$0x50];
	v16 =	vshll.u32 v16, v1;
	v17 =	vshll.u32 v17, v1;
	v7 =	vmul.f32 v8, v11;
	[tilespmem:s26+$0xFFFFFFE0] =	vst v6  }
0x1b6: {  	v8 =	vshll.u32 v18, v1;
	v18 =	vshll.u32 v19, v1;
	v19 =	vld [tilespmem:s26+$0x60];
	[tilespmem:s26+$0xFFFFFFF0] =	vst v5;
	v5 =	vmul.f32 v9, v11  }
0x1b7: {  	v20 =	vshll.u32 v20, v1;
	v17 =	vadd.s32 $0x103, v17;
	[tilespmem:s26+$0x0] =	vst v7;
	v7 =	vld [tilespmem:s26+$0x70];
	v9 =	vmul.f32 v12, v11  }
0x1b8: {  	v6 =	vbroadcast v10, $0x0;
	v10 =	vadd.s32 $0x101, v15;
	[tilespmem:s26+$0x10] =	vst v5;
	v11 =	vmul.f32 v13, v11;
	v5 =	vld [tilespmem:s26+$0x80]  }
0x1b9: {  	v15 =	vadd.s32 $0x106, v20;
	v13 =	vadd.s32 $0x104, v8;
	v8 =	vld [tilespmem:s26+$0x90];
	[tilespmem:s26+$0x20] =	vst v9;
	v63 =	vmul.f32 v14, v4  }
0x1ba: {  	v10 =	vbroadcast v10, $0x0;
	v12 =	vadd.s32 $0x102, v16;
	v16 =	vmul.f32 v62, v4;
	v9 =	vld [tilespmem:s26+$0xA0];
	[tilespmem:s26+$0x30] =	vst v11  }
0x1bb: {  	s11 =	simm.s32 $0x10;
	s12 =	simm.s32 $0xF;
	v12 =	vbroadcast v12, $0x0;
	v14 =	vadd.s32 $0x105, v18;
	v18 =	vmul.f32 v19, v4;
	v11 =	vld [tilespmem:s26+$0xB0];
	[tilespmem:s26+$0x40] =	vst v63  }
.LBB2_9:
0x1bc: {  	p1 =	slt.u32 s11, $0x78;
	v17 =	vbroadcast v17, $0x0;
	v19 =	vmov s12;
	[tilespmem:s26+$0x50] =	vst v16;
	v4 =	vmul.f32 v7, v4;
	v7 =	vld [tilespmem:s26+$0xC0]  }
0x1bd: {  	v13 =	vbroadcast v13, $0x0;
	v16 =	vshrl.u32 v19, $0x3;
	[tilespmem:s26+$0x60] =	vst v18;
	v5 =	vmul.f32 v5, v3;
	v18 =	vld [tilespmem:s26+$0xD0]  }
0x1be: {  	v14 =	vbroadcast v14, $0x0;
	v16 =	vshll.u32 v16, v1;
	[tilespmem:s26+$0x70] =	vst v4;
	v4 =	vmul.f32 v8, v3;
	v8 =	vld [tilespmem:s26+$0xE0]  }
0x1bf: {  	v15 =	vbroadcast v15, $0x0;
	v6 =	vld.idx.msk [tilespmem:v6+s30+$0x0], $0xffff;
	v16 =	vadd.s32 $0x107, v16;
	[tilespmem:s26+$0x80] =	vst v5;
	v5 =	vmul.f32 v9, v3  }
0x1c0: {  	v9 =	vld.idx.msk [tilespmem:v10+s30+$0x0], $0xffff;
	v10 =	vbroadcast v16, $0x0;
	[tilespmem:s26+$0x90] =	vst v4;
	v3 =	vmul.f32 v11, v3  }
0x1c1: {  	v11 =	vld.idx.msk [tilespmem:v12+s30+$0x0], $0xffff;
	[tilespmem:s26+$0xA0] =	vst v5;
	v4 =	vmul.f32 v7, v2  }
0x1c2: {  	v7 =	vld.idx.msk [tilespmem:v17+s30+$0x0], $0xffff;
	[tilespmem:s26+$0xB0] =	vst v3;
	v3 =	vmul.f32 v18, v2  }
0x1c3: {  	v5 =	vld.idx.msk [tilespmem:v13+s30+$0x0], $0xffff;
	[tilespmem:s26+$0xC0] =	vst v4;
	v2 =	vmul.f32 v8, v2  }
0x1c4: {  	v4 =	vld.idx.msk [tilespmem:v14+s30+$0x0], $0xffff;
	[tilespmem:s26+$0xD0] =	vst v3  }
0x1c5: {  	v3 =	vld.idx.msk [tilespmem:v15+s30+$0x0], $0xffff;
	[tilespmem:s26+$0xE0] =	vst v2  }
0x1c6: {  	s26 =	sadd.s32 $0x200, s26;
	v2 =	vld.idx.msk [tilespmem:v10+s30+$0x0], $0xffff  }
0x1c7: {  	v8 =	vld [tilespmem:s26+$0xF0]  }
0x1c8: {  	v10 =	vld [tilespmem:s26+$0xFFFFFF00]  }
0x1c9: {  	v12 =	vld [tilespmem:s26+$0xFFFFFF10]  }
0x1ca: {  	v13 =	vld [tilespmem:s26+$0xFFFFFF20]  }
0x1cb: {  	v14 =	vld [tilespmem:s26+$0xFFFFFF30]  }
0x1cc: {  	v15 =	vld [tilespmem:s26+$0xFFFFFF40];
	v8 =	vmul.f32 v8, v2  }
0x1cd: {  	v10 =	vmul.f32 v10, v6;
	v16 =	vld [tilespmem:s26+$0xFFFFFF50]  }
0x1ce: {  	v12 =	vmul.f32 v12, v6;
	v17 =	vld [tilespmem:s26+$0xFFFFFF60];
	[tilespmem:s26+$0xF0] =	vst v8  }
0x1cf: {  	[tilespmem:s26+$0xFFFFFF00] =	vst v10;
	v8 =	vmul.f32 v13, v6;
	v10 =	vld [tilespmem:s26+$0xFFFFFF70]  }
0x1d0: {  	[tilespmem:s26+$0xFFFFFF10] =	vst v12;
	v6 =	vmul.f32 v14, v6;
	v12 =	vld [tilespmem:s26+$0xFFFFFF80]  }
0x1d1: {  	[tilespmem:s26+$0xFFFFFF20] =	vst v8;
	v8 =	vmul.f32 v15, v9;
	v13 =	vld [tilespmem:s26+$0xFFFFFF90]  }
0x1d2: {  	[tilespmem:s26+$0xFFFFFF30] =	vst v6;
	v6 =	vmul.f32 v16, v9;
	v14 =	vld [tilespmem:s26+$0xFFFFFFA0]  }
0x1d3: {  	[tilespmem:s26+$0xFFFFFF40] =	vst v8;
	v8 =	vmul.f32 v17, v9;
	v15 =	vld [tilespmem:s26+$0xFFFFFFB0]  }
0x1d4: {  	s12 =	sadd.s32 $0x1, s11;
	v16 =	vmov s11;
	[tilespmem:s26+$0xFFFFFF50] =	vst v6;
	v6 =	vmul.f32 v10, v9;
	v9 =	vld [tilespmem:s26+$0xFFFFFFC0]  }
0x1d5: {  	s15 =	sadd.s32 $0x3, s11;
	v10 =	vshrl.u32 v16, $0x3;
	v16 =	vmov s12;
	s12 =	sadd.s32 $0x2, s11;
	[tilespmem:s26+$0xFFFFFF60] =	vst v8;
	v8 =	vmul.f32 v12, v11;
	v12 =	vld [tilespmem:s26+$0xFFFFFFD0]  }
0x1d6: {  	v18 =	vmov s15;
	s15 =	sadd.s32 $0x5, s11;
	v17 =	vmov s12;
	s12 =	sadd.s32 $0x4, s11;
	[tilespmem:s26+$0xFFFFFF70] =	vst v6;
	v6 =	vmul.f32 v13, v11;
	v13 =	vld [tilespmem:s26+$0xFFFFFFE0]  }
0x1d7: {  	v20 =	vmov s15;
	v19 =	vmov s12;
	s12 =	sadd.s32 $0x6, s11;
	[tilespmem:s26+$0xFFFFFF80] =	vst v8;
	v8 =	vmul.f32 v14, v11;
	v14 =	vld [tilespmem:s26+$0xFFFFFFF0]  }
0x1d8: {  	v10 =	vshll.u32 v10, v1;
	v21 =	vmov s12;
	[tilespmem:s26+$0xFFFFFF90] =	vst v6;
	v6 =	vmul.f32 v15, v11;
	v11 =	vld [tilespmem:s26+$0x0]  }
0x1d9: {  	v15 =	vshrl.u32 v16, $0x3;
	v16 =	vshrl.u32 v17, $0x3;
	[tilespmem:s26+$0xFFFFFFA0] =	vst v8;
	v8 =	vmul.f32 v9, v7;
	v9 =	vld [tilespmem:s26+$0x10]  }
0x1da: {  	v17 =	vshrl.u32 v18, $0x3;
	v18 =	vshrl.u32 v19, $0x3;
	[tilespmem:s26+$0xFFFFFFB0] =	vst v6;
	v6 =	vmul.f32 v12, v7;
	v12 =	vld [tilespmem:s26+$0x20]  }
0x1db: {  	v19 =	vshrl.u32 v20, $0x3;
	v20 =	vshrl.u32 v21, $0x3;
	[tilespmem:s26+$0xFFFFFFC0] =	vst v8;
	v8 =	vmul.f32 v13, v7;
	v13 =	vld [tilespmem:s26+$0x30]  }
0x1dc: {  	v10 =	vadd.s32 $0x100, v10;
	v15 =	vshll.u32 v15, v1;
	[tilespmem:s26+$0xFFFFFFD0] =	vst v6;
	v6 =	vmul.f32 v14, v7;
	v14 =	vld [tilespmem:s26+$0x40]  }
0x1dd: {  	v16 =	vshll.u32 v16, v1;
	v17 =	vshll.u32 v17, v1;
	[tilespmem:s26+$0xFFFFFFE0] =	vst v8;
	v7 =	vmul.f32 v11, v5;
	v11 =	vld [tilespmem:s26+$0x50]  }
0x1de: {  	v8 =	vshll.u32 v18, v1;
	v18 =	vshll.u32 v19, v1;
	[tilespmem:s26+$0xFFFFFFF0] =	vst v6;
	v9 =	vmul.f32 v9, v5;
	v19 =	vld [tilespmem:s26+$0x60]  }
.Ltmp3:
0x1df: {  	v20 =	vshll.u32 v20, v1;
	v6 =	vbroadcast v10, $0x0;
	[tilespmem:s26+$0x0] =	vst v7;
	v10 =	vmul.f32 v12, v5;
	v7 =	vld [tilespmem:s26+$0x70];
	(pc) =	sbr.rel @p1 .LBB2_9-.Ltmp3, $4  }
0x1e0: {  	v12 =	vadd.s32 $0x101, v15;
	v15 =	vadd.s32 $0x102, v16;
	[tilespmem:s26+$0x10] =	vst v9;
	v9 =	vmul.f32 v13, v5;
	v5 =	vld [tilespmem:s26+$0x80]  }
0x1e1: {  	v17 =	vadd.s32 $0x103, v17;
	v13 =	vadd.s32 $0x104, v8;
	[tilespmem:s26+$0x20] =	vst v10;
	v21 =	vmul.f32 v14, v4;
	v8 =	vld [tilespmem:s26+$0x90]  }
0x1e2: {  	v10 =	vbroadcast v12, $0x0;
	v14 =	vadd.s32 $0x105, v18;
	[tilespmem:s26+$0x30] =	vst v9;
	v16 =	vmul.f32 v11, v4;
	v9 =	vld [tilespmem:s26+$0xA0]  }
0x1e3: {  	s12 =	sadd.s32 $0x7, s11;
	s11 =	sadd.s32 $0x8, s11;
	v12 =	vbroadcast v15, $0x0;
	v15 =	vadd.s32 $0x106, v20;
	[tilespmem:s26+$0x40] =	vst v21;
	v18 =	vmul.f32 v19, v4;
	v11 =	vld [tilespmem:s26+$0xB0]  }
0x1e4: {  	_ = 	snop  }
0x1e5: {  	v20 =	vld [tilespmem:s26+$0xC0]  }
0x1e6: {  	v21 =	vld [tilespmem:s26+$0xD0]  }
0x1e7: {  	v19 =	vmov s12;
	v22 =	vld [tilespmem:s26+$0xE0]  }
0x1e8: {  	v6 =	vld.idx.msk [tilespmem:v6+s30+$0x0], $0xffff;
	v19 =	vshrl.u32 v19, $0x3  }
0x1e9: {  	v17 =	vbroadcast v17, $0x0;
	v10 =	vld.idx.msk [tilespmem:v10+s30+$0x0], $0xffff;
	v4 =	vmul.f32 v7, v4;
	v19 =	vshll.u32 v19, v1  }
0x1ea: {  	v14 =	vbroadcast v14, $0x0;
	[tilespmem:s26+$0x50] =	vst v16;
	s11 =	sadd.s32 $0x200, s26;
	v12 =	vld.idx.msk [tilespmem:v12+s30+$0x0], $0xffff;
	v5 =	vmul.f32 v5, v3;
	v19 =	vadd.s32 $0x107, v19  }
0x1eb: {  	v16 =	vld [tilespmem:s11+$0xFFFFFF60];
	[tilespmem:s26+$0x70] =	vst v4;
	v4 =	vmul.f32 v8, v3;
	v19 =	vbroadcast v19, $0x0  }
0x1ec: {  	v15 =	vbroadcast v15, $0x0;
	[tilespmem:s26+$0x80] =	vst v5;
	v5 =	vmul.f32 v9, v3;
	v9 =	vld [tilespmem:s11+$0xF0]  }
0x1ed: {  	[tilespmem:s26+$0x90] =	vst v4;
	v4 =	vld [tilespmem:s11+$0xFFFFFF00]  }
0x1ee: {  	v3 =	vmul.f32 v11, v3;
	v11 =	vld [tilespmem:s11+$0xFFFFFF10]  }
0x1ef: {  	v17 =	vld.idx.msk [tilespmem:v17+s30+$0x0], $0xffff  }
0x1f0: {  	v7 =	vld.idx.msk [tilespmem:v14+s30+$0x0], $0xffff  }
0x1f1: {  	v13 =	vbroadcast v13, $0x0;
	[tilespmem:s26+$0xA0] =	vst v5;
	v5 =	vmul.f32 v20, v2;
	v8 =	vld.idx.msk [tilespmem:v19+s30+$0x0], $0xffff  }
0x1f2: {  	v14 =	vld.idx.msk [tilespmem:v15+s30+$0x0], $0xffff;
	[tilespmem:s26+$0xB0] =	vst v3;
	v3 =	vmul.f32 v21, v2  }
0x1f3: {  	v15 =	vld [tilespmem:s11+$0xFFFFFF20];
	v2 =	vmul.f32 v22, v2;
	[tilespmem:s26+$0xC0] =	vst v5  }
0x1f4: {  	v5 =	vld [tilespmem:s11+$0xFFFFFF30];
	[tilespmem:s26+$0xD0] =	vst v3  }
0x1f5: {  	v3 =	vld [tilespmem:s11+$0xFFFFFF40];
	[tilespmem:s26+$0xE0] =	vst v2;
	v2 =	vmul.f32 v4, v6  }
0x1f6: {  	[tilespmem:s26+$0x60] =	vst v18;
	v4 =	vld [tilespmem:s11+$0xFFFFFF50];
	v9 =	vmul.f32 v9, v8  }
0x1f7: {  	v13 =	vld.idx.msk [tilespmem:v13+s30+$0x0], $0xffff;
	v11 =	vmul.f32 v11, v6;
	[tilespmem:s11+$0xFFFFFF00] =	vst v2  }
0x1f8: {  	v2 =	vmul.f32 v15, v6;
	[tilespmem:s11+$0xF0] =	vst v9;
	v9 =	vld [tilespmem:s11+$0xFFFFFF70]  }
0x1f9: {  	[tilespmem:s11+$0xFFFFFF10] =	vst v11;
	v5 =	vmul.f32 v5, v6;
	v6 =	vld [tilespmem:s11+$0xFFFFFF80]  }
0x1fa: {  	[tilespmem:s11+$0xFFFFFF20] =	vst v2;
	v2 =	vmul.f32 v3, v10;
	v3 =	vld [tilespmem:s11+$0xFFFFFF90]  }
0x1fb: {  	[tilespmem:s11+$0xFFFFFF30] =	vst v5;
	v4 =	vmul.f32 v4, v10;
	v5 =	vld [tilespmem:s11+$0xFFFFFFA0]  }
0x1fc: {  	v11 =	vld [tilespmem:s11+$0xFFFFFFB0];
	[tilespmem:s11+$0xFFFFFF40] =	vst v2;
	v2 =	vmul.f32 v16, v10  }
0x1fd: {  	[tilespmem:s11+$0xFFFFFF50] =	vst v4;
	v4 =	vmul.f32 v9, v10;
	v9 =	vld [tilespmem:s11+$0xFFFFFFC0]  }
0x1fe: {  	[tilespmem:s11+$0xFFFFFF60] =	vst v2;
	v2 =	vmul.f32 v6, v12;
	v6 =	vld [tilespmem:s11+$0xFFFFFFD0]  }
0x1ff: {  	v3 =	vmul.f32 v3, v12;
	[tilespmem:s11+$0xFFFFFF70] =	vst v4;
	v4 =	vld [tilespmem:s11+$0xFFFFFFE0]  }
0x200: {  	[tilespmem:s11+$0xFFFFFF80] =	vst v2;
	v2 =	vmul.f32 v5, v12;
	v5 =	vld [tilespmem:s11+$0xFFFFFFF0]  }
0x201: {  	[tilespmem:s11+$0xFFFFFF90] =	vst v3;
	v3 =	vmul.f32 v11, v12;
	v10 =	vld [tilespmem:s11+$0x0]  }
0x202: {  	[tilespmem:s11+$0xFFFFFFA0] =	vst v2;
	v2 =	vmul.f32 v9, v17;
	v9 =	vld [tilespmem:s11+$0x10]  }
0x203: {  	[tilespmem:s11+$0xFFFFFFB0] =	vst v3;
	v3 =	vmul.f32 v6, v17;
	v6 =	vld [tilespmem:s11+$0x20]  }
0x204: {  	[tilespmem:s11+$0xFFFFFFC0] =	vst v2;
	v2 =	vmul.f32 v4, v17;
	v4 =	vld [tilespmem:s11+$0x30]  }
0x205: {  	[tilespmem:s11+$0xFFFFFFD0] =	vst v3;
	v3 =	vmul.f32 v5, v17;
	v5 =	vld [tilespmem:s11+$0x40]  }
0x206: {  	[tilespmem:s11+$0xFFFFFFE0] =	vst v2;
	v2 =	vmul.f32 v10, v13;
	v10 =	vld [tilespmem:s11+$0x50]  }
0x207: {  	[tilespmem:s11+$0xFFFFFFF0] =	vst v3;
	v3 =	vmul.f32 v9, v13;
	v9 =	vld [tilespmem:s11+$0x60]  }
0x208: {  	[tilespmem:s11+$0x0] =	vst v2;
	v2 =	vmul.f32 v6, v13;
	v6 =	vld [tilespmem:s11+$0x70]  }
0x209: {  	[tilespmem:s11+$0x10] =	vst v3;
	v3 =	vmul.f32 v4, v13;
	v4 =	vld [tilespmem:s11+$0x80]  }
0x20a: {  	[tilespmem:s11+$0x20] =	vst v2;
	v2 =	vmul.f32 v5, v7;
	v5 =	vld [tilespmem:s11+$0x90]  }
0x20b: {  	[tilespmem:s11+$0x30] =	vst v3;
	v3 =	vmul.f32 v10, v7;
	v10 =	vld [tilespmem:s11+$0xA0]  }
0x20c: {  	[tilespmem:s11+$0x40] =	vst v2;
	v2 =	vmul.f32 v9, v7;
	v9 =	vld [tilespmem:s11+$0xB0]  }
0x20d: {  	[tilespmem:s11+$0x50] =	vst v3;
	v3 =	vmul.f32 v6, v7;
	v6 =	vld [tilespmem:s11+$0xC0]  }
0x20e: {  	[tilespmem:s11+$0x60] =	vst v2;
	v2 =	vmul.f32 v4, v14;
	v4 =	vld [tilespmem:s11+$0xD0]  }
0x20f: {  	[tilespmem:s11+$0x70] =	vst v3;
	v3 =	vmul.f32 v5, v14;
	v5 =	vld [tilespmem:s11+$0xE0]  }
0x210: {  	[tilespmem:s11+$0x80] =	vst v2;
	v2 =	vmul.f32 v10, v14  }
0x211: {  	[tilespmem:s11+$0x90] =	vst v3;
	v3 =	vmul.f32 v9, v14  }
0x212: {  	[tilespmem:s11+$0xA0] =	vst v2;
	v2 =	vmul.f32 v6, v8  }
0x213: {  	[tilespmem:s11+$0xB0] =	vst v3;
	v3 =	vmul.f32 v4, v8  }
0x214: {  	[tilespmem:s11+$0xC0] =	vst v2;
	v2 =	vmul.f32 v5, v8  }
0x215: {  	[tilespmem:s11+$0xD0] =	vst v3  }
0x216: {  	s12 =	simm.s32 $0x9800;
	s15 =	simm.s32 $0x5100;
	[tilespmem:s11+$0xE0] =	vst v2;
	s11 =	simm.s32 @!p0 $0x10  }
0x217: {  	[spmem:s2] =	stream.indirect.scatter.add.f32 [tilespmem:s12], [sflag:$0xB], $0x40, s15, s28, $0xb8;
	[tilespmem:$0x1F800] =	vst v63  }
0x218: {  	_ =	swait.ge @!p0 [sflag:s11], $0x2000  }
0x219: {  	s16 =	sor.u32 $0x380, s10;
	[sflag:s11] =	ssyncset.done @!p0 $0x0  }
0x21a: {  	[sflag:s11] =	ssyncadd.s32 @!p0 $0xFFFFE000;
	s11 =	sadd.s32 s3, s16  }
0x21b: {  	[tilespmem:s23], [sflag:$0x8] =	stream.indirect.gather [hbm4b:s9+s28], $0x40, s16, s28, $0xb8;
	[tilespmem:$0x1F800] =	vst v63  }
0x21c: {  	s11 =	sshrl.u32 s11, $0x3;
	s16 =	simm.s32 $0x1  }
0x21d: {  	s15 =	simm.s32 $0x0;
	s26 =	sadd.s32 s5, s11;
	v2 =	vmov s16;
	s16 =	simm.s32 $0x3  }
0x21e: {  	v3 =	vmov s15;
	[tilespmem:s25], [sflag:$0x8] =	stream.linear.gather [hbm4b:s26+s15], $0x80, $0x38;
	[tilespmem:$0x1F800] =	vst v63  }
0x21f: {  	v3 =	vshrl.u32 v3, $0x3;
	v5 =	vmov s16;
	s16 =	simm.s32 $0x5  }
0x220: {  	v3 =	vshll.u32 v3, v1;
	s11 =	sadd.s32 s6, s11;
	v7 =	vmov s16;
	s16 =	simm.s32 $0x5780  }
0x221: {  	v3 =	vadd.s32 $0x180, v3;
	[tilespmem:s16], [sflag:$0x8] =	stream.linear.gather [hbm4b:s11+s15], $0x80, $0x38;
	[tilespmem:$0x1F800] =	vst v63  }
0x222: {  	v3 =	vbroadcast v3, $0x0;
	s26 =	simm.s32 $0x2;
	v2 =	vshrl.u32 v2, $0x3;
	_ =	swait.ge [sflag:s24], $0x2000  }
0x223: {  	v4 =	vmov s26;
	s26 =	simm.s32 $0x4;
	v5 =	vshrl.u32 v5, $0x3;
	v2 =	vshll.u32 v2, v1;
	[sflag:s24] =	ssyncset.done $0x0  }
0x224: {  	v6 =	vmov s26;
	v4 =	vshrl.u32 v4, $0x3;
	v7 =	vshrl.u32 v7, $0x3;
	[sflag:s24] =	ssyncadd.s32 $0xFFFFE000  }
0x225: {  	v5 =	vshll.u32 v5, v1;
	v2 =	vadd.s32 $0x181, v2;
	v6 =	vshrl.u32 v6, $0x3;
	_ =	swait.ge [sflag:s24], $0x80  }
0x226: {  	s26 =	simm.s32 $0x6;
	v2 =	vbroadcast v2, $0x0;
	v5 =	vadd.s32 $0x183, v5;
	v6 =	vshll.u32 v6, v1;
	[sflag:s24] =	ssyncset.done $0x0  }
0x227: {  	v8 =	vmov s26;
	v5 =	vbroadcast v5, $0x0;
	v6 =	vadd.s32 $0x184, v6;
	[sflag:s24] =	ssyncadd.s32 $0xFFFFFF80  }
0x228: {  	s15 =	simm.s32 $0x7;
	v4 =	vshll.u32 v4, v1;
	v7 =	vshll.u32 v7, v1;
	v6 =	vbroadcast v6, $0x0;
	_ =	swait.ge [sflag:s24], $0x80  }
0x229: {  	v9 =	vmov s15;
	v8 =	vshrl.u32 v8, $0x3;
	v4 =	vadd.s32 $0x182, v4;
	[sflag:s24] =	ssyncset.done $0x0  }
0x22a: {  	v7 =	vadd.s32 $0x185, v7;
	v9 =	vshrl.u32 v9, $0x3;
	v8 =	vshll.u32 v8, v1;
	[sflag:s24] =	ssyncadd.s32 $0xFFFFFF80  }
0x22b: {  	v4 =	vbroadcast v4, $0x0;
	v9 =	vshll.u32 v9, v1;
	v8 =	vadd.s32 $0x186, v8;
	v10 =	vld.idx.msk [tilespmem:v3+s30+$0x0], $0xffff  }
0x22c: {  	v7 =	vbroadcast v7, $0x0;
	v3 =	vbroadcast v8, $0x0;
	v8 =	vadd.s32 $0x187, v9;
	v9 =	vld.idx.msk [tilespmem:v2+s30+$0x0], $0xffff  }
0x22d: {  	v5 =	vld.idx.msk [tilespmem:v5+s30+$0x0], $0xffff  }
0x22e: {  	s26 =	simm.s32 $0xB900;
	v11 =	vld.idx.msk [tilespmem:v6+s30+$0x0], $0xffff;
	v2 =	vbroadcast v8, $0x0  }
0x22f: {  	v6 =	vld [tilespmem:s26+$0xF0]  }
0x230: {  	v12 =	vld [tilespmem:s26+$0xFFFFFF10]  }
0x231: {  	v8 =	vld.idx.msk [tilespmem:v4+s30+$0x0], $0xffff  }
0x232: {  	v4 =	vld.idx.msk [tilespmem:v7+s30+$0x0], $0xffff  }
0x233: {  	v7 =	vld [tilespmem:s26+$0xFFFFFF00]  }
0x234: {  	v2 =	vld.idx.msk [tilespmem:v2+s30+$0x0], $0xffff  }
0x235: {  	v13 =	vld [tilespmem:s26+$0xFFFFFF20]  }
0x236: {  	v14 =	vld [tilespmem:s26+$0xFFFFFF30]  }
0x237: {  	v15 =	vld [tilespmem:s26+$0xFFFFFF40]  }
0x238: {  	v16 =	vld [tilespmem:s26+$0xFFFFFF50];
	v7 =	vmul.f32 v7, v10  }
0x239: {  	v17 =	vld [tilespmem:s26+$0xFFFFFF60];
	v6 =	vmul.f32 v6, v2  }
0x23a: {  	v12 =	vmul.f32 v12, v10;
	v3 =	vld.idx.msk [tilespmem:v3+s30+$0x0], $0xffff;
	[tilespmem:s26+$0xFFFFFF00] =	vst v7  }
0x23b: {  	v7 =	vld [tilespmem:s26+$0xFFFFFF70];
	[tilespmem:s26+$0xF0] =	vst v6;
	v6 =	vmul.f32 v13, v10  }
0x23c: {  	[tilespmem:s26+$0xFFFFFF10] =	vst v12;
	v12 =	vld [tilespmem:s26+$0xFFFFFF80];
	v10 =	vmul.f32 v14, v10  }
0x23d: {  	v13 =	vld [tilespmem:s26+$0xFFFFFF90];
	[tilespmem:s26+$0xFFFFFF20] =	vst v6;
	v6 =	vmul.f32 v15, v9  }
0x23e: {  	v14 =	vld [tilespmem:s26+$0xFFFFFFA0];
	[tilespmem:s26+$0xFFFFFF30] =	vst v10;
	v10 =	vmul.f32 v16, v9  }
0x23f: {  	s16 =	simm.s32 $0x8;
	v15 =	vld [tilespmem:s26+$0xFFFFFFB0];
	[tilespmem:s26+$0xFFFFFF40] =	vst v6;
	v6 =	vmul.f32 v17, v9  }
0x240: {  	v7 =	vmul.f32 v7, v9;
	v16 =	vmov s16;
	s16 =	simm.s32 $0xB;
	[tilespmem:s26+$0xFFFFFF50] =	vst v10;
	v9 =	vld [tilespmem:s26+$0xFFFFFFC0]  }
0x241: {  	s12 =	simm.s32 $0x9;
	s15 =	simm.s32 $0xA;
	v18 =	vmov s16;
	v10 =	vshrl.u32 v16, $0x3;
	[tilespmem:s26+$0xFFFFFF60] =	vst v6;
	v6 =	vmul.f32 v12, v8;
	v12 =	vld [tilespmem:s26+$0xFFFFFFD0]  }
0x242: {  	[tilespmem:s26+$0xFFFFFF70] =	vst v7;
	s16 =	simm.s32 $0xE;
	v16 =	vmov s12;
	v17 =	vmov s15;
	s12 =	simm.s32 $0xC;
	v7 =	vmul.f32 v13, v8;
	v13 =	vld [tilespmem:s26+$0xFFFFFFE0]  }
0x243: {  	s15 =	simm.s32 $0xD;
	v61 =	vmov s16;
	v19 =	vmov s12;
	[tilespmem:s26+$0xFFFFFF80] =	vst v6;
	v6 =	vmul.f32 v14, v8;
	v14 =	vld [tilespmem:s26+$0xFFFFFFF0]  }
0x244: {  	v20 =	vmov s15;
	v10 =	vshll.u32 v10, v1;
	[tilespmem:s26+$0xFFFFFF90] =	vst v7;
	v7 =	vmul.f32 v15, v8;
	v8 =	vld [tilespmem:s26+$0x0]  }
0x245: {  	v10 =	vadd.s32 $0x180, v10;
	v15 =	vshrl.u32 v16, $0x3;
	[tilespmem:s26+$0xFFFFFFA0] =	vst v6;
	v6 =	vmul.f32 v9, v5;
	v9 =	vld [tilespmem:s26+$0x10]  }
0x246: {  	v16 =	vshrl.u32 v17, $0x3;
	v17 =	vshrl.u32 v18, $0x3;
	[tilespmem:s26+$0xFFFFFFB0] =	vst v7;
	v7 =	vmul.f32 v12, v5;
	v12 =	vld [tilespmem:s26+$0x20]  }
0x247: {  	v18 =	vshrl.u32 v19, $0x3;
	v19 =	vshrl.u32 v20, $0x3;
	[tilespmem:s26+$0xFFFFFFC0] =	vst v6;
	v6 =	vmul.f32 v13, v5;
	v13 =	vld [tilespmem:s26+$0x30]  }
0x248: {  	v20 =	vshrl.u32 v61, $0x3;
	v15 =	vshll.u32 v15, v1;
	[tilespmem:s26+$0xFFFFFFD0] =	vst v7;
	v5 =	vmul.f32 v14, v5;
	v14 =	vld [tilespmem:s26+$0x40]  }
0x249: {  	v62 =	vld [tilespmem:s26+$0x50];
	v16 =	vshll.u32 v16, v1;
	v17 =	vshll.u32 v17, v1;
	v7 =	vmul.f32 v8, v11;
	[tilespmem:s26+$0xFFFFFFE0] =	vst v6  }
0x24a: {  	v8 =	vshll.u32 v18, v1;
	v18 =	vshll.u32 v19, v1;
	v19 =	vld [tilespmem:s26+$0x60];
	[tilespmem:s26+$0xFFFFFFF0] =	vst v5;
	v5 =	vmul.f32 v9, v11  }
0x24b: {  	v20 =	vshll.u32 v20, v1;
	v17 =	vadd.s32 $0x183, v17;
	[tilespmem:s26+$0x0] =	vst v7;
	v7 =	vld [tilespmem:s26+$0x70];
	v9 =	vmul.f32 v12, v11  }
0x24c: {  	v6 =	vbroadcast v10, $0x0;
	v10 =	vadd.s32 $0x181, v15;
	[tilespmem:s26+$0x10] =	vst v5;
	v11 =	vmul.f32 v13, v11;
	v5 =	vld [tilespmem:s26+$0x80]  }
0x24d: {  	v15 =	vadd.s32 $0x186, v20;
	v13 =	vadd.s32 $0x184, v8;
	v8 =	vld [tilespmem:s26+$0x90];
	[tilespmem:s26+$0x20] =	vst v9;
	v63 =	vmul.f32 v14, v4  }
0x24e: {  	v10 =	vbroadcast v10, $0x0;
	v12 =	vadd.s32 $0x182, v16;
	v16 =	vmul.f32 v62, v4;
	v9 =	vld [tilespmem:s26+$0xA0];
	[tilespmem:s26+$0x30] =	vst v11  }
0x24f: {  	s11 =	simm.s32 $0x10;
	s12 =	simm.s32 $0xF;
	v12 =	vbroadcast v12, $0x0;
	v14 =	vadd.s32 $0x185, v18;
	v18 =	vmul.f32 v19, v4;
	v11 =	vld [tilespmem:s26+$0xB0];
	[tilespmem:s26+$0x40] =	vst v63  }
.LBB2_11:
0x250: {  	p0 =	slt.u32 s11, $0x78;
	v17 =	vbroadcast v17, $0x0;
	v19 =	vmov s12;
	[tilespmem:s26+$0x50] =	vst v16;
	v4 =	vmul.f32 v7, v4;
	v7 =	vld [tilespmem:s26+$0xC0]  }
0x251: {  	v13 =	vbroadcast v13, $0x0;
	v16 =	vshrl.u32 v19, $0x3;
	[tilespmem:s26+$0x60] =	vst v18;
	v5 =	vmul.f32 v5, v3;
	v18 =	vld [tilespmem:s26+$0xD0]  }
0x252: {  	v14 =	vbroadcast v14, $0x0;
	v16 =	vshll.u32 v16, v1;
	[tilespmem:s26+$0x70] =	vst v4;
	v4 =	vmul.f32 v8, v3;
	v8 =	vld [tilespmem:s26+$0xE0]  }
0x253: {  	v15 =	vbroadcast v15, $0x0;
	v6 =	vld.idx.msk [tilespmem:v6+s30+$0x0], $0xffff;
	v16 =	vadd.s32 $0x187, v16;
	[tilespmem:s26+$0x80] =	vst v5;
	v5 =	vmul.f32 v9, v3  }
0x254: {  	v9 =	vld.idx.msk [tilespmem:v10+s30+$0x0], $0xffff;
	v10 =	vbroadcast v16, $0x0;
	[tilespmem:s26+$0x90] =	vst v4;
	v3 =	vmul.f32 v11, v3  }
0x255: {  	v11 =	vld.idx.msk [tilespmem:v12+s30+$0x0], $0xffff;
	[tilespmem:s26+$0xA0] =	vst v5;
	v4 =	vmul.f32 v7, v2  }
0x256: {  	v7 =	vld.idx.msk [tilespmem:v17+s30+$0x0], $0xffff;
	[tilespmem:s26+$0xB0] =	vst v3;
	v3 =	vmul.f32 v18, v2  }
0x257: {  	v5 =	vld.idx.msk [tilespmem:v13+s30+$0x0], $0xffff;
	[tilespmem:s26+$0xC0] =	vst v4;
	v2 =	vmul.f32 v8, v2  }
0x258: {  	v4 =	vld.idx.msk [tilespmem:v14+s30+$0x0], $0xffff;
	[tilespmem:s26+$0xD0] =	vst v3  }
0x259: {  	v3 =	vld.idx.msk [tilespmem:v15+s30+$0x0], $0xffff;
	[tilespmem:s26+$0xE0] =	vst v2  }
0x25a: {  	s26 =	sadd.s32 $0x200, s26;
	v2 =	vld.idx.msk [tilespmem:v10+s30+$0x0], $0xffff  }
0x25b: {  	v8 =	vld [tilespmem:s26+$0xF0]  }
0x25c: {  	v10 =	vld [tilespmem:s26+$0xFFFFFF00]  }
0x25d: {  	v12 =	vld [tilespmem:s26+$0xFFFFFF10]  }
0x25e: {  	v13 =	vld [tilespmem:s26+$0xFFFFFF20]  }
0x25f: {  	v14 =	vld [tilespmem:s26+$0xFFFFFF30]  }
0x260: {  	v15 =	vld [tilespmem:s26+$0xFFFFFF40];
	v8 =	vmul.f32 v8, v2  }
0x261: {  	v10 =	vmul.f32 v10, v6;
	v16 =	vld [tilespmem:s26+$0xFFFFFF50]  }
0x262: {  	v12 =	vmul.f32 v12, v6;
	v17 =	vld [tilespmem:s26+$0xFFFFFF60];
	[tilespmem:s26+$0xF0] =	vst v8  }
0x263: {  	[tilespmem:s26+$0xFFFFFF00] =	vst v10;
	v8 =	vmul.f32 v13, v6;
	v10 =	vld [tilespmem:s26+$0xFFFFFF70]  }
0x264: {  	[tilespmem:s26+$0xFFFFFF10] =	vst v12;
	v6 =	vmul.f32 v14, v6;
	v12 =	vld [tilespmem:s26+$0xFFFFFF80]  }
0x265: {  	[tilespmem:s26+$0xFFFFFF20] =	vst v8;
	v8 =	vmul.f32 v15, v9;
	v13 =	vld [tilespmem:s26+$0xFFFFFF90]  }
0x266: {  	[tilespmem:s26+$0xFFFFFF30] =	vst v6;
	v6 =	vmul.f32 v16, v9;
	v14 =	vld [tilespmem:s26+$0xFFFFFFA0]  }
0x267: {  	[tilespmem:s26+$0xFFFFFF40] =	vst v8;
	v8 =	vmul.f32 v17, v9;
	v15 =	vld [tilespmem:s26+$0xFFFFFFB0]  }
0x268: {  	s12 =	sadd.s32 $0x1, s11;
	v16 =	vmov s11;
	[tilespmem:s26+$0xFFFFFF50] =	vst v6;
	v6 =	vmul.f32 v10, v9;
	v9 =	vld [tilespmem:s26+$0xFFFFFFC0]  }
0x269: {  	s15 =	sadd.s32 $0x3, s11;
	v10 =	vshrl.u32 v16, $0x3;
	v16 =	vmov s12;
	s12 =	sadd.s32 $0x2, s11;
	[tilespmem:s26+$0xFFFFFF60] =	vst v8;
	v8 =	vmul.f32 v12, v11;
	v12 =	vld [tilespmem:s26+$0xFFFFFFD0]  }
0x26a: {  	v18 =	vmov s15;
	s15 =	sadd.s32 $0x5, s11;
	v17 =	vmov s12;
	s12 =	sadd.s32 $0x4, s11;
	[tilespmem:s26+$0xFFFFFF70] =	vst v6;
	v6 =	vmul.f32 v13, v11;
	v13 =	vld [tilespmem:s26+$0xFFFFFFE0]  }
0x26b: {  	v20 =	vmov s15;
	v19 =	vmov s12;
	s12 =	sadd.s32 $0x6, s11;
	[tilespmem:s26+$0xFFFFFF80] =	vst v8;
	v8 =	vmul.f32 v14, v11;
	v14 =	vld [tilespmem:s26+$0xFFFFFFF0]  }
0x26c: {  	v10 =	vshll.u32 v10, v1;
	v21 =	vmov s12;
	[tilespmem:s26+$0xFFFFFF90] =	vst v6;
	v6 =	vmul.f32 v15, v11;
	v11 =	vld [tilespmem:s26+$0x0]  }
0x26d: {  	v15 =	vshrl.u32 v16, $0x3;
	v16 =	vshrl.u32 v17, $0x3;
	[tilespmem:s26+$0xFFFFFFA0] =	vst v8;
	v8 =	vmul.f32 v9, v7;
	v9 =	vld [tilespmem:s26+$0x10]  }
0x26e: {  	v17 =	vshrl.u32 v18, $0x3;
	v18 =	vshrl.u32 v19, $0x3;
	[tilespmem:s26+$0xFFFFFFB0] =	vst v6;
	v6 =	vmul.f32 v12, v7;
	v12 =	vld [tilespmem:s26+$0x20]  }
0x26f: {  	v19 =	vshrl.u32 v20, $0x3;
	v20 =	vshrl.u32 v21, $0x3;
	[tilespmem:s26+$0xFFFFFFC0] =	vst v8;
	v8 =	vmul.f32 v13, v7;
	v13 =	vld [tilespmem:s26+$0x30]  }
0x270: {  	v10 =	vadd.s32 $0x180, v10;
	v15 =	vshll.u32 v15, v1;
	[tilespmem:s26+$0xFFFFFFD0] =	vst v6;
	v6 =	vmul.f32 v14, v7;
	v14 =	vld [tilespmem:s26+$0x40]  }
0x271: {  	v16 =	vshll.u32 v16, v1;
	v17 =	vshll.u32 v17, v1;
	[tilespmem:s26+$0xFFFFFFE0] =	vst v8;
	v7 =	vmul.f32 v11, v5;
	v11 =	vld [tilespmem:s26+$0x50]  }
0x272: {  	v8 =	vshll.u32 v18, v1;
	v18 =	vshll.u32 v19, v1;
	[tilespmem:s26+$0xFFFFFFF0] =	vst v6;
	v9 =	vmul.f32 v9, v5;
	v19 =	vld [tilespmem:s26+$0x60]  }
.Ltmp4:
0x273: {  	v20 =	vshll.u32 v20, v1;
	v6 =	vbroadcast v10, $0x0;
	[tilespmem:s26+$0x0] =	vst v7;
	v10 =	vmul.f32 v12, v5;
	v7 =	vld [tilespmem:s26+$0x70];
	(pc) =	sbr.rel @p0 .LBB2_11-.Ltmp4, $4  }
0x274: {  	v12 =	vadd.s32 $0x181, v15;
	v15 =	vadd.s32 $0x182, v16;
	[tilespmem:s26+$0x10] =	vst v9;
	v9 =	vmul.f32 v13, v5;
	v5 =	vld [tilespmem:s26+$0x80]  }
0x275: {  	v17 =	vadd.s32 $0x183, v17;
	v13 =	vadd.s32 $0x184, v8;
	[tilespmem:s26+$0x20] =	vst v10;
	v21 =	vmul.f32 v14, v4;
	v8 =	vld [tilespmem:s26+$0x90]  }
0x276: {  	v10 =	vbroadcast v12, $0x0;
	v14 =	vadd.s32 $0x185, v18;
	[tilespmem:s26+$0x30] =	vst v9;
	v16 =	vmul.f32 v11, v4;
	v9 =	vld [tilespmem:s26+$0xA0]  }
0x277: {  	s12 =	sadd.s32 $0x7, s11;
	s11 =	sadd.s32 $0x8, s11;
	v12 =	vbroadcast v15, $0x0;
	v15 =	vadd.s32 $0x186, v20;
	[tilespmem:s26+$0x40] =	vst v21;
	v18 =	vmul.f32 v19, v4;
	v11 =	vld [tilespmem:s26+$0xB0]  }
0x278: {  	_ = 	snop  }
0x279: {  	v20 =	vld [tilespmem:s26+$0xC0]  }
0x27a: {  	v21 =	vld [tilespmem:s26+$0xD0]  }
0x27b: {  	v19 =	vmov s12;
	v22 =	vld [tilespmem:s26+$0xE0]  }
0x27c: {  	v6 =	vld.idx.msk [tilespmem:v6+s30+$0x0], $0xffff;
	v19 =	vshrl.u32 v19, $0x3  }
0x27d: {  	v17 =	vbroadcast v17, $0x0;
	v10 =	vld.idx.msk [tilespmem:v10+s30+$0x0], $0xffff;
	v4 =	vmul.f32 v7, v4;
	v19 =	vshll.u32 v19, v1  }
0x27e: {  	v14 =	vbroadcast v14, $0x0;
	[tilespmem:s26+$0x50] =	vst v16;
	s11 =	sadd.s32 $0x200, s26;
	v12 =	vld.idx.msk [tilespmem:v12+s30+$0x0], $0xffff;
	v5 =	vmul.f32 v5, v3;
	v19 =	vadd.s32 $0x187, v19  }
0x27f: {  	v16 =	vld [tilespmem:s11+$0xFFFFFF60];
	[tilespmem:s26+$0x70] =	vst v4;
	v4 =	vmul.f32 v8, v3;
	v19 =	vbroadcast v19, $0x0  }
0x280: {  	v15 =	vbroadcast v15, $0x0;
	[tilespmem:s26+$0x80] =	vst v5;
	v5 =	vmul.f32 v9, v3;
	v9 =	vld [tilespmem:s11+$0xF0]  }
0x281: {  	[tilespmem:s26+$0x90] =	vst v4;
	v4 =	vld [tilespmem:s11+$0xFFFFFF00]  }
0x282: {  	v3 =	vmul.f32 v11, v3;
	v11 =	vld [tilespmem:s11+$0xFFFFFF10]  }
0x283: {  	v17 =	vld.idx.msk [tilespmem:v17+s30+$0x0], $0xffff  }
0x284: {  	v7 =	vld.idx.msk [tilespmem:v14+s30+$0x0], $0xffff  }
0x285: {  	v13 =	vbroadcast v13, $0x0;
	[tilespmem:s26+$0xA0] =	vst v5;
	v5 =	vmul.f32 v20, v2;
	v8 =	vld.idx.msk [tilespmem:v19+s30+$0x0], $0xffff  }
0x286: {  	v14 =	vld.idx.msk [tilespmem:v15+s30+$0x0], $0xffff;
	[tilespmem:s26+$0xB0] =	vst v3;
	v3 =	vmul.f32 v21, v2  }
0x287: {  	v15 =	vld [tilespmem:s11+$0xFFFFFF20];
	v2 =	vmul.f32 v22, v2;
	[tilespmem:s26+$0xC0] =	vst v5  }
0x288: {  	v5 =	vld [tilespmem:s11+$0xFFFFFF30];
	[tilespmem:s26+$0xD0] =	vst v3  }
0x289: {  	v3 =	vld [tilespmem:s11+$0xFFFFFF40];
	[tilespmem:s26+$0xE0] =	vst v2;
	v2 =	vmul.f32 v4, v6  }
0x28a: {  	[tilespmem:s26+$0x60] =	vst v18;
	v4 =	vld [tilespmem:s11+$0xFFFFFF50];
	v9 =	vmul.f32 v9, v8  }
0x28b: {  	v13 =	vld.idx.msk [tilespmem:v13+s30+$0x0], $0xffff;
	v11 =	vmul.f32 v11, v6;
	[tilespmem:s11+$0xFFFFFF00] =	vst v2  }
0x28c: {  	v2 =	vmul.f32 v15, v6;
	[tilespmem:s11+$0xF0] =	vst v9;
	v9 =	vld [tilespmem:s11+$0xFFFFFF70]  }
0x28d: {  	[tilespmem:s11+$0xFFFFFF10] =	vst v11;
	v5 =	vmul.f32 v5, v6;
	v6 =	vld [tilespmem:s11+$0xFFFFFF80]  }
0x28e: {  	[tilespmem:s11+$0xFFFFFF20] =	vst v2;
	v2 =	vmul.f32 v3, v10;
	v3 =	vld [tilespmem:s11+$0xFFFFFF90]  }
0x28f: {  	[tilespmem:s11+$0xFFFFFF30] =	vst v5;
	v4 =	vmul.f32 v4, v10;
	v5 =	vld [tilespmem:s11+$0xFFFFFFA0]  }
0x290: {  	v11 =	vld [tilespmem:s11+$0xFFFFFFB0];
	[tilespmem:s11+$0xFFFFFF40] =	vst v2;
	v2 =	vmul.f32 v16, v10  }
0x291: {  	[tilespmem:s11+$0xFFFFFF50] =	vst v4;
	v4 =	vmul.f32 v9, v10;
	v9 =	vld [tilespmem:s11+$0xFFFFFFC0]  }
0x292: {  	[tilespmem:s11+$0xFFFFFF60] =	vst v2;
	v2 =	vmul.f32 v6, v12;
	v6 =	vld [tilespmem:s11+$0xFFFFFFD0]  }
0x293: {  	v3 =	vmul.f32 v3, v12;
	[tilespmem:s11+$0xFFFFFF70] =	vst v4;
	v4 =	vld [tilespmem:s11+$0xFFFFFFE0]  }
0x294: {  	[tilespmem:s11+$0xFFFFFF80] =	vst v2;
	v2 =	vmul.f32 v5, v12;
	v5 =	vld [tilespmem:s11+$0xFFFFFFF0]  }
0x295: {  	[tilespmem:s11+$0xFFFFFF90] =	vst v3;
	v3 =	vmul.f32 v11, v12;
	v10 =	vld [tilespmem:s11+$0x0]  }
0x296: {  	[tilespmem:s11+$0xFFFFFFA0] =	vst v2;
	v2 =	vmul.f32 v9, v17;
	v9 =	vld [tilespmem:s11+$0x10]  }
0x297: {  	[tilespmem:s11+$0xFFFFFFB0] =	vst v3;
	v3 =	vmul.f32 v6, v17;
	v6 =	vld [tilespmem:s11+$0x20]  }
0x298: {  	[tilespmem:s11+$0xFFFFFFC0] =	vst v2;
	v2 =	vmul.f32 v4, v17;
	v4 =	vld [tilespmem:s11+$0x30]  }
0x299: {  	[tilespmem:s11+$0xFFFFFFD0] =	vst v3;
	v3 =	vmul.f32 v5, v17;
	v5 =	vld [tilespmem:s11+$0x40]  }
0x29a: {  	[tilespmem:s11+$0xFFFFFFE0] =	vst v2;
	v2 =	vmul.f32 v10, v13;
	v10 =	vld [tilespmem:s11+$0x50]  }
0x29b: {  	[tilespmem:s11+$0xFFFFFFF0] =	vst v3;
	v3 =	vmul.f32 v9, v13;
	v9 =	vld [tilespmem:s11+$0x60]  }
0x29c: {  	[tilespmem:s11+$0x0] =	vst v2;
	v2 =	vmul.f32 v6, v13;
	v6 =	vld [tilespmem:s11+$0x70]  }
0x29d: {  	[tilespmem:s11+$0x10] =	vst v3;
	v3 =	vmul.f32 v4, v13;
	v4 =	vld [tilespmem:s11+$0x80]  }
0x29e: {  	[tilespmem:s11+$0x20] =	vst v2;
	v2 =	vmul.f32 v5, v7;
	v5 =	vld [tilespmem:s11+$0x90]  }
0x29f: {  	[tilespmem:s11+$0x30] =	vst v3;
	v3 =	vmul.f32 v10, v7;
	v10 =	vld [tilespmem:s11+$0xA0]  }
0x2a0: {  	[tilespmem:s11+$0x40] =	vst v2;
	v2 =	vmul.f32 v9, v7;
	v9 =	vld [tilespmem:s11+$0xB0]  }
0x2a1: {  	[tilespmem:s11+$0x50] =	vst v3;
	v3 =	vmul.f32 v6, v7;
	v6 =	vld [tilespmem:s11+$0xC0]  }
0x2a2: {  	[tilespmem:s11+$0x60] =	vst v2;
	v2 =	vmul.f32 v4, v14;
	v4 =	vld [tilespmem:s11+$0xD0]  }
0x2a3: {  	[tilespmem:s11+$0x70] =	vst v3;
	v3 =	vmul.f32 v5, v14;
	v5 =	vld [tilespmem:s11+$0xE0]  }
0x2a4: {  	[tilespmem:s11+$0x80] =	vst v2;
	v2 =	vmul.f32 v10, v14  }
0x2a5: {  	[tilespmem:s11+$0x90] =	vst v3;
	v3 =	vmul.f32 v9, v14  }
0x2a6: {  	[tilespmem:s11+$0xA0] =	vst v2;
	v2 =	vmul.f32 v6, v8  }
0x2a7: {  	[tilespmem:s11+$0xB0] =	vst v3;
	v3 =	vmul.f32 v4, v8  }
0x2a8: {  	[tilespmem:s11+$0xC0] =	vst v2;
	v2 =	vmul.f32 v5, v8  }
0x2a9: {  	[tilespmem:s11+$0xD0] =	vst v3  }
0x2aa: {  	s15 =	simm.s32 $0xB800;
	s16 =	simm.s32 $0x5180;
	[tilespmem:s11+$0xE0] =	vst v2  }
0x2ab: {  	[spmem:s2] =	stream.indirect.scatter.add.f32 [tilespmem:s15], [sflag:$0xC], $0x40, s16, s28, $0xb8;
	[tilespmem:$0x1F800] =	vst v63  }
0x2ac: {  	p0 =	seq.s32 s7, $0x13;
	_ =	swait.ge [sflag:s13], $0x2000  }
0x2ad: {  	s12 =	simm.s32 @!p0 $0x80;
	[sflag:s13] =	ssyncset.done $0x0  }
0x2ae: {  	s11 =	sadd.s32 @!p0 $0x400, s10;
	s15 =	simm.s32 @!p0 $0x5800;
	[sflag:s13] =	ssyncadd.s32 $0xFFFFE000  }
0x2af: {  	[tilespmem:s15], [sflag:$0x1] =	stream.indirect.gather @!p0 [hbm4b:s9+s12], $0x40, s11, s12, $0xb8;
	[tilespmem:$0x1F800] =	vst v63  }
0x2b0: {  	s11 =	sadd.s32 @!p0 s3, s11  }
0x2b1: {  	s26 =	simm.s32 @!p0 $0x5000;
	s11 =	sshrl.u32 @!p0 s11, $0x3  }
0x2b2: {  	s16 =	simm.s32 $0x3;
	s15 =	simm.s32 @!p0 $0x0;
	s12 =	sadd.s32 @!p0 s5, s11  }
0x2b3: {  	[tilespmem:s26], [sflag:$0x1] =	stream.linear.gather @!p0 [hbm4b:s12+s15], $0x80, $0x38;
	[tilespmem:$0x1F800] =	vst v63  }
0x2b4: {  	v5 =	vmov s16;
	s16 =	simm.s32 $0x4;
	s12 =	simm.s32 $0x1  }
0x2b5: {  	v6 =	vmov s16;
	v5 =	vshrl.u32 v5, $0x3;
	s11 =	sadd.s32 @!p0 s6, s11;
	s26 =	simm.s32 $0x0;
	v3 =	vmov s12;
	s12 =	simm.s32 @!p0 $0x5400  }
0x2b6: {  	v6 =	vshrl.u32 v6, $0x3;
	v5 =	vshll.u32 v5, v1;
	v2 =	vmov s26;
	[tilespmem:s12], [sflag:$0x1] =	stream.linear.gather @!p0 [hbm4b:s11+s15], $0x80, $0x38;
	[tilespmem:$0x1F800] =	vst v63  }
0x2b7: {  	v6 =	vshll.u32 v6, v1;
	v5 =	vadd.s32 $0x203, v5;
	s26 =	simm.s32 $0x2;
	v2 =	vshrl.u32 v2, $0x3;
	_ =	swait.ge [sflag:s17], $0x2000  }
0x2b8: {  	v4 =	vmov s26;
	v3 =	vshrl.u32 v3, $0x3;
	v2 =	vshll.u32 v2, v1;
	[sflag:s17] =	ssyncset.done $0x0  }
0x2b9: {  	v4 =	vshrl.u32 v4, $0x3;
	v3 =	vshll.u32 v3, v1;
	v2 =	vadd.s32 $0x200, v2;
	[sflag:s17] =	ssyncadd.s32 $0xFFFFE000  }
0x2ba: {  	v4 =	vshll.u32 v4, v1;
	v3 =	vadd.s32 $0x201, v3;
	v2 =	vbroadcast v2, $0x0;
	_ =	swait.ge [sflag:s17], $0x80  }
0x2bb: {  	v6 =	vadd.s32 $0x204, v6;
	s26 =	simm.s32 $0x5;
	v4 =	vadd.s32 $0x202, v4;
	v3 =	vbroadcast v3, $0x0;
	[sflag:s17] =	ssyncset.done $0x0  }
0x2bc: {  	v5 =	vbroadcast v5, $0x0;
	v7 =	vmov s26;
	s26 =	simm.s32 $0x6;
	v4 =	vbroadcast v4, $0x0;
	[sflag:s17] =	ssyncadd.s32 $0xFFFFFF80  }
0x2bd: {  	v6 =	vbroadcast v6, $0x0;
	s15 =	simm.s32 $0x7;
	v8 =	vmov s26;
	v7 =	vshrl.u32 v7, $0x3;
	_ =	swait.ge [sflag:s17], $0x80  }
0x2be: {  	v9 =	vmov s15;
	v8 =	vshrl.u32 v8, $0x3;
	v7 =	vshll.u32 v7, v1;
	[sflag:s17] =	ssyncset.done $0x0  }
0x2bf: {  	v9 =	vshrl.u32 v9, $0x3;
	v8 =	vshll.u32 v8, v1;
	v7 =	vadd.s32 $0x205, v7;
	[sflag:s17] =	ssyncadd.s32 $0xFFFFFF80  }
0x2c0: {  	v9 =	vshll.u32 v9, v1;
	v8 =	vadd.s32 $0x206, v8;
	v7 =	vbroadcast v7, $0x0;
	v10 =	vld.idx.msk [tilespmem:v2+s30+$0x0], $0xffff  }
0x2c1: {  	v2 =	vbroadcast v8, $0x0;
	v8 =	vadd.s32 $0x207, v9;
	v9 =	vld.idx.msk [tilespmem:v3+s30+$0x0], $0xffff  }
0x2c2: {  	v11 =	vld.idx.msk [tilespmem:v4+s30+$0x0], $0xffff  }
0x2c3: {  	v5 =	vld.idx.msk [tilespmem:v5+s30+$0x0], $0xffff;
	v8 =	vbroadcast v8, $0x0  }
0x2c4: {  	s26 =	simm.s32 $0xD900;
	v12 =	vld.idx.msk [tilespmem:v6+s30+$0x0], $0xffff  }
0x2c5: {  	v6 =	vld [tilespmem:s26+$0xF0]  }
0x2c6: {  	v4 =	vld.idx.msk [tilespmem:v7+s30+$0x0], $0xffff  }
0x2c7: {  	v7 =	vld [tilespmem:s26+$0xFFFFFF00]  }
0x2c8: {  	v3 =	vld.idx.msk [tilespmem:v2+s30+$0x0], $0xffff  }
0x2c9: {  	v2 =	vld.idx.msk [tilespmem:v8+s30+$0x0], $0xffff  }
0x2ca: {  	v8 =	vld [tilespmem:s26+$0xFFFFFF10]  }
0x2cb: {  	v13 =	vld [tilespmem:s26+$0xFFFFFF20]  }
0x2cc: {  	v14 =	vld [tilespmem:s26+$0xFFFFFF30]  }
0x2cd: {  	v15 =	vld [tilespmem:s26+$0xFFFFFF40];
	v7 =	vmul.f32 v7, v10  }
0x2ce: {  	v16 =	vld [tilespmem:s26+$0xFFFFFF50];
	v6 =	vmul.f32 v6, v2  }
0x2cf: {  	v17 =	vld [tilespmem:s26+$0xFFFFFF60];
	[tilespmem:s26+$0xFFFFFF00] =	vst v7;
	v8 =	vmul.f32 v8, v10  }
0x2d0: {  	v7 =	vld [tilespmem:s26+$0xFFFFFF70];
	[tilespmem:s26+$0xF0] =	vst v6;
	v6 =	vmul.f32 v13, v10  }
0x2d1: {  	[tilespmem:s26+$0xFFFFFF10] =	vst v8;
	v8 =	vmul.f32 v14, v10;
	v10 =	vld [tilespmem:s26+$0xFFFFFF80]  }
0x2d2: {  	v13 =	vld [tilespmem:s26+$0xFFFFFF90];
	[tilespmem:s26+$0xFFFFFF20] =	vst v6;
	v6 =	vmul.f32 v15, v9  }
0x2d3: {  	v14 =	vld [tilespmem:s26+$0xFFFFFFA0];
	[tilespmem:s26+$0xFFFFFF30] =	vst v8;
	v8 =	vmul.f32 v16, v9  }
0x2d4: {  	s16 =	simm.s32 $0x8;
	v15 =	vld [tilespmem:s26+$0xFFFFFFB0];
	[tilespmem:s26+$0xFFFFFF40] =	vst v6;
	v6 =	vmul.f32 v17, v9  }
0x2d5: {  	v7 =	vmul.f32 v7, v9;
	v16 =	vmov s16;
	s16 =	simm.s32 $0xB;
	[tilespmem:s26+$0xFFFFFF50] =	vst v8;
	v8 =	vld [tilespmem:s26+$0xFFFFFFC0]  }
0x2d6: {  	s12 =	simm.s32 $0x9;
	s15 =	simm.s32 $0xA;
	v18 =	vmov s16;
	v9 =	vshrl.u32 v16, $0x3;
	[tilespmem:s26+$0xFFFFFF60] =	vst v6;
	v6 =	vmul.f32 v10, v11;
	v10 =	vld [tilespmem:s26+$0xFFFFFFD0]  }
0x2d7: {  	[tilespmem:s26+$0xFFFFFF70] =	vst v7;
	s16 =	simm.s32 $0xE;
	v16 =	vmov s12;
	v17 =	vmov s15;
	s12 =	simm.s32 $0xC;
	v7 =	vmul.f32 v13, v11;
	v13 =	vld [tilespmem:s26+$0xFFFFFFE0]  }
0x2d8: {  	s15 =	simm.s32 $0xD;
	v62 =	vmov s16;
	v19 =	vmov s12;
	[tilespmem:s26+$0xFFFFFF80] =	vst v6;
	v6 =	vmul.f32 v14, v11;
	v14 =	vld [tilespmem:s26+$0xFFFFFFF0]  }
0x2d9: {  	v20 =	vmov s15;
	v9 =	vshll.u32 v9, v1;
	[tilespmem:s26+$0xFFFFFF90] =	vst v7;
	v7 =	vmul.f32 v15, v11;
	v11 =	vld [tilespmem:s26+$0x0]  }
0x2da: {  	v9 =	vadd.s32 $0x200, v9;
	v15 =	vshrl.u32 v16, $0x3;
	[tilespmem:s26+$0xFFFFFFA0] =	vst v6;
	v6 =	vmul.f32 v8, v5;
	v8 =	vld [tilespmem:s26+$0x10]  }
0x2db: {  	v16 =	vshrl.u32 v17, $0x3;
	v17 =	vshrl.u32 v18, $0x3;
	[tilespmem:s26+$0xFFFFFFB0] =	vst v7;
	v7 =	vmul.f32 v10, v5;
	v10 =	vld [tilespmem:s26+$0x20]  }
0x2dc: {  	v18 =	vshrl.u32 v19, $0x3;
	v19 =	vshrl.u32 v20, $0x3;
	[tilespmem:s26+$0xFFFFFFC0] =	vst v6;
	v6 =	vmul.f32 v13, v5;
	v13 =	vld [tilespmem:s26+$0x30]  }
0x2dd: {  	v20 =	vshrl.u32 v62, $0x3;
	v15 =	vshll.u32 v15, v1;
	[tilespmem:s26+$0xFFFFFFD0] =	vst v7;
	v5 =	vmul.f32 v14, v5;
	v14 =	vld [tilespmem:s26+$0x40]  }
0x2de: {  	v16 =	vshll.u32 v16, v1;
	v17 =	vshll.u32 v17, v1;
	v7 =	vmul.f32 v11, v12;
	v11 =	vld [tilespmem:s26+$0x50];
	[tilespmem:s26+$0xFFFFFFE0] =	vst v6  }
0x2df: {  	v63 =	vld [tilespmem:s26+$0x60];
	v18 =	vshll.u32 v18, v1;
	v19 =	vshll.u32 v19, v1;
	[tilespmem:s26+$0xFFFFFFF0] =	vst v5;
	v5 =	vmul.f32 v8, v12  }
0x2e0: {  	v20 =	vshll.u32 v20, v1;
	v17 =	vadd.s32 $0x203, v17;
	[tilespmem:s26+$0x0] =	vst v7;
	v7 =	vld [tilespmem:s26+$0x70];
	v8 =	vmul.f32 v10, v12  }
0x2e1: {  	v6 =	vbroadcast v9, $0x0;
	v9 =	vadd.s32 $0x201, v15;
	[tilespmem:s26+$0x10] =	vst v5;
	v12 =	vmul.f32 v13, v12;
	v5 =	vld [tilespmem:s26+$0x80]  }
0x2e2: {  	v15 =	vadd.s32 $0x202, v16;
	v13 =	vadd.s32 $0x204, v18;
	[tilespmem:s26+$0x20] =	vst v8;
	v18 =	vmul.f32 v14, v4;
	v8 =	vld [tilespmem:s26+$0x90]  }
0x2e3: {  	v10 =	vbroadcast v9, $0x0;
	v9 =	vld [tilespmem:s26+$0xA0];
	v14 =	vadd.s32 $0x205, v19;
	v16 =	vmul.f32 v11, v4;
	[tilespmem:s26+$0x30] =	vst v12  }
0x2e4: {  	s11 =	simm.s32 $0x10;
	s12 =	simm.s32 $0xF;
	v11 =	vld [tilespmem:s26+$0xB0];
	v12 =	vbroadcast v15, $0x0;
	v15 =	vadd.s32 $0x206, v20;
	[tilespmem:s26+$0x40] =	vst v18;
	v18 =	vmul.f32 v63, v4  }
.LBB2_13:
0x2e5: {  	p1 =	slt.u32 s11, $0x78;
	v17 =	vbroadcast v17, $0x0;
	v19 =	vmov s12;
	[tilespmem:s26+$0x50] =	vst v16;
	v4 =	vmul.f32 v7, v4;
	v7 =	vld [tilespmem:s26+$0xC0]  }
0x2e6: {  	v13 =	vbroadcast v13, $0x0;
	v16 =	vshrl.u32 v19, $0x3;
	[tilespmem:s26+$0x60] =	vst v18;
	v5 =	vmul.f32 v5, v3;
	v18 =	vld [tilespmem:s26+$0xD0]  }
0x2e7: {  	v14 =	vbroadcast v14, $0x0;
	v16 =	vshll.u32 v16, v1;
	[tilespmem:s26+$0x70] =	vst v4;
	v4 =	vmul.f32 v8, v3;
	v8 =	vld [tilespmem:s26+$0xE0]  }
0x2e8: {  	v15 =	vbroadcast v15, $0x0;
	v6 =	vld.idx.msk [tilespmem:v6+s30+$0x0], $0xffff;
	v16 =	vadd.s32 $0x207, v16;
	[tilespmem:s26+$0x80] =	vst v5;
	v5 =	vmul.f32 v9, v3  }
0x2e9: {  	v9 =	vld.idx.msk [tilespmem:v10+s30+$0x0], $0xffff;
	v10 =	vbroadcast v16, $0x0;
	[tilespmem:s26+$0x90] =	vst v4;
	v3 =	vmul.f32 v11, v3  }
0x2ea: {  	v11 =	vld.idx.msk [tilespmem:v12+s30+$0x0], $0xffff;
	[tilespmem:s26+$0xA0] =	vst v5;
	v4 =	vmul.f32 v7, v2  }
0x2eb: {  	v7 =	vld.idx.msk [tilespmem:v17+s30+$0x0], $0xffff;
	[tilespmem:s26+$0xB0] =	vst v3;
	v3 =	vmul.f32 v18, v2  }
0x2ec: {  	v5 =	vld.idx.msk [tilespmem:v13+s30+$0x0], $0xffff;
	[tilespmem:s26+$0xC0] =	vst v4;
	v2 =	vmul.f32 v8, v2  }
0x2ed: {  	v4 =	vld.idx.msk [tilespmem:v14+s30+$0x0], $0xffff;
	[tilespmem:s26+$0xD0] =	vst v3  }
0x2ee: {  	v3 =	vld.idx.msk [tilespmem:v15+s30+$0x0], $0xffff;
	[tilespmem:s26+$0xE0] =	vst v2  }
0x2ef: {  	s26 =	sadd.s32 $0x200, s26;
	v2 =	vld.idx.msk [tilespmem:v10+s30+$0x0], $0xffff  }
0x2f0: {  	v8 =	vld [tilespmem:s26+$0xF0]  }
0x2f1: {  	v10 =	vld [tilespmem:s26+$0xFFFFFF00]  }
0x2f2: {  	v12 =	vld [tilespmem:s26+$0xFFFFFF10]  }
0x2f3: {  	v13 =	vld [tilespmem:s26+$0xFFFFFF20]  }
0x2f4: {  	v14 =	vld [tilespmem:s26+$0xFFFFFF30]  }
0x2f5: {  	v15 =	vld [tilespmem:s26+$0xFFFFFF40];
	v8 =	vmul.f32 v8, v2  }
0x2f6: {  	v10 =	vmul.f32 v10, v6;
	v16 =	vld [tilespmem:s26+$0xFFFFFF50]  }
0x2f7: {  	v12 =	vmul.f32 v12, v6;
	v17 =	vld [tilespmem:s26+$0xFFFFFF60];
	[tilespmem:s26+$0xF0] =	vst v8  }
0x2f8: {  	[tilespmem:s26+$0xFFFFFF00] =	vst v10;
	v8 =	vmul.f32 v13, v6;
	v10 =	vld [tilespmem:s26+$0xFFFFFF70]  }
0x2f9: {  	[tilespmem:s26+$0xFFFFFF10] =	vst v12;
	v6 =	vmul.f32 v14, v6;
	v12 =	vld [tilespmem:s26+$0xFFFFFF80]  }
0x2fa: {  	[tilespmem:s26+$0xFFFFFF20] =	vst v8;
	v8 =	vmul.f32 v15, v9;
	v13 =	vld [tilespmem:s26+$0xFFFFFF90]  }
0x2fb: {  	[tilespmem:s26+$0xFFFFFF30] =	vst v6;
	v6 =	vmul.f32 v16, v9;
	v14 =	vld [tilespmem:s26+$0xFFFFFFA0]  }
0x2fc: {  	[tilespmem:s26+$0xFFFFFF40] =	vst v8;
	v8 =	vmul.f32 v17, v9;
	v15 =	vld [tilespmem:s26+$0xFFFFFFB0]  }
0x2fd: {  	s12 =	sadd.s32 $0x1, s11;
	v16 =	vmov s11;
	[tilespmem:s26+$0xFFFFFF50] =	vst v6;
	v6 =	vmul.f32 v10, v9;
	v9 =	vld [tilespmem:s26+$0xFFFFFFC0]  }
0x2fe: {  	s15 =	sadd.s32 $0x3, s11;
	v10 =	vshrl.u32 v16, $0x3;
	v16 =	vmov s12;
	s12 =	sadd.s32 $0x2, s11;
	[tilespmem:s26+$0xFFFFFF60] =	vst v8;
	v8 =	vmul.f32 v12, v11;
	v12 =	vld [tilespmem:s26+$0xFFFFFFD0]  }
0x2ff: {  	v18 =	vmov s15;
	s15 =	sadd.s32 $0x5, s11;
	v17 =	vmov s12;
	s12 =	sadd.s32 $0x4, s11;
	[tilespmem:s26+$0xFFFFFF70] =	vst v6;
	v6 =	vmul.f32 v13, v11;
	v13 =	vld [tilespmem:s26+$0xFFFFFFE0]  }
0x300: {  	v20 =	vmov s15;
	v19 =	vmov s12;
	s12 =	sadd.s32 $0x6, s11;
	[tilespmem:s26+$0xFFFFFF80] =	vst v8;
	v8 =	vmul.f32 v14, v11;
	v14 =	vld [tilespmem:s26+$0xFFFFFFF0]  }
0x301: {  	v10 =	vshll.u32 v10, v1;
	v21 =	vmov s12;
	[tilespmem:s26+$0xFFFFFF90] =	vst v6;
	v6 =	vmul.f32 v15, v11;
	v11 =	vld [tilespmem:s26+$0x0]  }
0x302: {  	v15 =	vshrl.u32 v16, $0x3;
	v16 =	vshrl.u32 v17, $0x3;
	[tilespmem:s26+$0xFFFFFFA0] =	vst v8;
	v8 =	vmul.f32 v9, v7;
	v9 =	vld [tilespmem:s26+$0x10]  }
0x303: {  	v17 =	vshrl.u32 v18, $0x3;
	v18 =	vshrl.u32 v19, $0x3;
	[tilespmem:s26+$0xFFFFFFB0] =	vst v6;
	v6 =	vmul.f32 v12, v7;
	v12 =	vld [tilespmem:s26+$0x20]  }
0x304: {  	v19 =	vshrl.u32 v20, $0x3;
	v20 =	vshrl.u32 v21, $0x3;
	[tilespmem:s26+$0xFFFFFFC0] =	vst v8;
	v8 =	vmul.f32 v13, v7;
	v13 =	vld [tilespmem:s26+$0x30]  }
0x305: {  	v10 =	vadd.s32 $0x200, v10;
	v15 =	vshll.u32 v15, v1;
	[tilespmem:s26+$0xFFFFFFD0] =	vst v6;
	v6 =	vmul.f32 v14, v7;
	v14 =	vld [tilespmem:s26+$0x40]  }
0x306: {  	v16 =	vshll.u32 v16, v1;
	v17 =	vshll.u32 v17, v1;
	[tilespmem:s26+$0xFFFFFFE0] =	vst v8;
	v7 =	vmul.f32 v11, v5;
	v11 =	vld [tilespmem:s26+$0x50]  }
0x307: {  	v8 =	vshll.u32 v18, v1;
	v18 =	vshll.u32 v19, v1;
	[tilespmem:s26+$0xFFFFFFF0] =	vst v6;
	v9 =	vmul.f32 v9, v5;
	v19 =	vld [tilespmem:s26+$0x60]  }
.Ltmp5:
0x308: {  	v20 =	vshll.u32 v20, v1;
	v6 =	vbroadcast v10, $0x0;
	[tilespmem:s26+$0x0] =	vst v7;
	v10 =	vmul.f32 v12, v5;
	v7 =	vld [tilespmem:s26+$0x70];
	(pc) =	sbr.rel @p1 .LBB2_13-.Ltmp5, $4  }
0x309: {  	v12 =	vadd.s32 $0x201, v15;
	v15 =	vadd.s32 $0x202, v16;
	[tilespmem:s26+$0x10] =	vst v9;
	v9 =	vmul.f32 v13, v5;
	v5 =	vld [tilespmem:s26+$0x80]  }
0x30a: {  	v17 =	vadd.s32 $0x203, v17;
	v13 =	vadd.s32 $0x204, v8;
	[tilespmem:s26+$0x20] =	vst v10;
	v21 =	vmul.f32 v14, v4;
	v8 =	vld [tilespmem:s26+$0x90]  }
0x30b: {  	v10 =	vbroadcast v12, $0x0;
	v14 =	vadd.s32 $0x205, v18;
	[tilespmem:s26+$0x30] =	vst v9;
	v16 =	vmul.f32 v11, v4;
	v9 =	vld [tilespmem:s26+$0xA0]  }
0x30c: {  	s12 =	sadd.s32 $0x7, s11;
	s11 =	sadd.s32 $0x8, s11;
	v12 =	vbroadcast v15, $0x0;
	v15 =	vadd.s32 $0x206, v20;
	[tilespmem:s26+$0x40] =	vst v21;
	v18 =	vmul.f32 v19, v4;
	v11 =	vld [tilespmem:s26+$0xB0]  }
0x30d: {  	_ = 	snop  }
0x30e: {  	v20 =	vld [tilespmem:s26+$0xC0]  }
0x30f: {  	v21 =	vld [tilespmem:s26+$0xD0]  }
0x310: {  	v19 =	vmov s12;
	v22 =	vld [tilespmem:s26+$0xE0]  }
0x311: {  	v6 =	vld.idx.msk [tilespmem:v6+s30+$0x0], $0xffff;
	v19 =	vshrl.u32 v19, $0x3  }
0x312: {  	v17 =	vbroadcast v17, $0x0;
	v10 =	vld.idx.msk [tilespmem:v10+s30+$0x0], $0xffff;
	v4 =	vmul.f32 v7, v4;
	v19 =	vshll.u32 v19, v1  }
0x313: {  	v14 =	vbroadcast v14, $0x0;
	[tilespmem:s26+$0x50] =	vst v16;
	s11 =	sadd.s32 $0x200, s26;
	v12 =	vld.idx.msk [tilespmem:v12+s30+$0x0], $0xffff;
	v5 =	vmul.f32 v5, v3;
	v19 =	vadd.s32 $0x207, v19  }
0x314: {  	v16 =	vld [tilespmem:s11+$0xFFFFFF60];
	[tilespmem:s26+$0x70] =	vst v4;
	v4 =	vmul.f32 v8, v3;
	v19 =	vbroadcast v19, $0x0  }
0x315: {  	v15 =	vbroadcast v15, $0x0;
	[tilespmem:s26+$0x80] =	vst v5;
	v5 =	vmul.f32 v9, v3;
	v9 =	vld [tilespmem:s11+$0xF0]  }
0x316: {  	[tilespmem:s26+$0x90] =	vst v4;
	v4 =	vld [tilespmem:s11+$0xFFFFFF00]  }
0x317: {  	v3 =	vmul.f32 v11, v3;
	v11 =	vld [tilespmem:s11+$0xFFFFFF10]  }
0x318: {  	v17 =	vld.idx.msk [tilespmem:v17+s30+$0x0], $0xffff  }
0x319: {  	v7 =	vld.idx.msk [tilespmem:v14+s30+$0x0], $0xffff  }
0x31a: {  	v13 =	vbroadcast v13, $0x0;
	[tilespmem:s26+$0xA0] =	vst v5;
	v5 =	vmul.f32 v20, v2;
	v8 =	vld.idx.msk [tilespmem:v19+s30+$0x0], $0xffff  }
0x31b: {  	v14 =	vld.idx.msk [tilespmem:v15+s30+$0x0], $0xffff;
	[tilespmem:s26+$0xB0] =	vst v3;
	v3 =	vmul.f32 v21, v2  }
0x31c: {  	v15 =	vld [tilespmem:s11+$0xFFFFFF20];
	v2 =	vmul.f32 v22, v2;
	[tilespmem:s26+$0xC0] =	vst v5  }
0x31d: {  	v5 =	vld [tilespmem:s11+$0xFFFFFF30];
	[tilespmem:s26+$0xD0] =	vst v3  }
0x31e: {  	v3 =	vld [tilespmem:s11+$0xFFFFFF40];
	[tilespmem:s26+$0xE0] =	vst v2;
	v2 =	vmul.f32 v4, v6  }
0x31f: {  	[tilespmem:s26+$0x60] =	vst v18;
	v4 =	vld [tilespmem:s11+$0xFFFFFF50];
	v9 =	vmul.f32 v9, v8  }
0x320: {  	v13 =	vld.idx.msk [tilespmem:v13+s30+$0x0], $0xffff;
	v11 =	vmul.f32 v11, v6;
	[tilespmem:s11+$0xFFFFFF00] =	vst v2  }
0x321: {  	v2 =	vmul.f32 v15, v6;
	[tilespmem:s11+$0xF0] =	vst v9;
	v9 =	vld [tilespmem:s11+$0xFFFFFF70]  }
0x322: {  	[tilespmem:s11+$0xFFFFFF10] =	vst v11;
	v5 =	vmul.f32 v5, v6;
	v6 =	vld [tilespmem:s11+$0xFFFFFF80]  }
0x323: {  	[tilespmem:s11+$0xFFFFFF20] =	vst v2;
	v2 =	vmul.f32 v3, v10;
	v3 =	vld [tilespmem:s11+$0xFFFFFF90]  }
0x324: {  	[tilespmem:s11+$0xFFFFFF30] =	vst v5;
	v4 =	vmul.f32 v4, v10;
	v5 =	vld [tilespmem:s11+$0xFFFFFFA0]  }
0x325: {  	v11 =	vld [tilespmem:s11+$0xFFFFFFB0];
	[tilespmem:s11+$0xFFFFFF40] =	vst v2;
	v2 =	vmul.f32 v16, v10  }
0x326: {  	[tilespmem:s11+$0xFFFFFF50] =	vst v4;
	v4 =	vmul.f32 v9, v10;
	v9 =	vld [tilespmem:s11+$0xFFFFFFC0]  }
0x327: {  	[tilespmem:s11+$0xFFFFFF60] =	vst v2;
	v2 =	vmul.f32 v6, v12;
	v6 =	vld [tilespmem:s11+$0xFFFFFFD0]  }
0x328: {  	v3 =	vmul.f32 v3, v12;
	[tilespmem:s11+$0xFFFFFF70] =	vst v4;
	v4 =	vld [tilespmem:s11+$0xFFFFFFE0]  }
0x329: {  	[tilespmem:s11+$0xFFFFFF80] =	vst v2;
	v2 =	vmul.f32 v5, v12;
	v5 =	vld [tilespmem:s11+$0xFFFFFFF0]  }
0x32a: {  	[tilespmem:s11+$0xFFFFFF90] =	vst v3;
	v3 =	vmul.f32 v11, v12;
	v10 =	vld [tilespmem:s11+$0x0]  }
0x32b: {  	[tilespmem:s11+$0xFFFFFFA0] =	vst v2;
	v2 =	vmul.f32 v9, v17;
	v9 =	vld [tilespmem:s11+$0x10]  }
0x32c: {  	[tilespmem:s11+$0xFFFFFFB0] =	vst v3;
	v3 =	vmul.f32 v6, v17;
	v6 =	vld [tilespmem:s11+$0x20]  }
0x32d: {  	[tilespmem:s11+$0xFFFFFFC0] =	vst v2;
	v2 =	vmul.f32 v4, v17;
	v4 =	vld [tilespmem:s11+$0x30]  }
0x32e: {  	[tilespmem:s11+$0xFFFFFFD0] =	vst v3;
	v3 =	vmul.f32 v5, v17;
	v5 =	vld [tilespmem:s11+$0x40]  }
0x32f: {  	[tilespmem:s11+$0xFFFFFFE0] =	vst v2;
	v2 =	vmul.f32 v10, v13;
	v10 =	vld [tilespmem:s11+$0x50]  }
0x330: {  	[tilespmem:s11+$0xFFFFFFF0] =	vst v3;
	v3 =	vmul.f32 v9, v13;
	v9 =	vld [tilespmem:s11+$0x60]  }
0x331: {  	[tilespmem:s11+$0x0] =	vst v2;
	v2 =	vmul.f32 v6, v13;
	v6 =	vld [tilespmem:s11+$0x70]  }
0x332: {  	[tilespmem:s11+$0x10] =	vst v3;
	v3 =	vmul.f32 v4, v13;
	v4 =	vld [tilespmem:s11+$0x80]  }
0x333: {  	[tilespmem:s11+$0x20] =	vst v2;
	v2 =	vmul.f32 v5, v7;
	v5 =	vld [tilespmem:s11+$0x90]  }
0x334: {  	[tilespmem:s11+$0x30] =	vst v3;
	v3 =	vmul.f32 v10, v7;
	v10 =	vld [tilespmem:s11+$0xA0]  }
0x335: {  	[tilespmem:s11+$0x40] =	vst v2;
	v2 =	vmul.f32 v9, v7;
	v9 =	vld [tilespmem:s11+$0xB0]  }
0x336: {  	[tilespmem:s11+$0x50] =	vst v3;
	v3 =	vmul.f32 v6, v7;
	v6 =	vld [tilespmem:s11+$0xC0]  }
0x337: {  	[tilespmem:s11+$0x60] =	vst v2;
	v2 =	vmul.f32 v4, v14;
	v4 =	vld [tilespmem:s11+$0xD0]  }
0x338: {  	[tilespmem:s11+$0x70] =	vst v3;
	v3 =	vmul.f32 v5, v14;
	v5 =	vld [tilespmem:s11+$0xE0]  }
0x339: {  	[tilespmem:s11+$0x80] =	vst v2;
	v2 =	vmul.f32 v10, v14  }
0x33a: {  	[tilespmem:s11+$0x90] =	vst v3;
	v3 =	vmul.f32 v9, v14  }
0x33b: {  	[tilespmem:s11+$0xA0] =	vst v2;
	v2 =	vmul.f32 v6, v8  }
0x33c: {  	[tilespmem:s11+$0xB0] =	vst v3;
	v3 =	vmul.f32 v4, v8  }
0x33d: {  	[tilespmem:s11+$0xC0] =	vst v2;
	v2 =	vmul.f32 v5, v8  }
0x33e: {  	[tilespmem:s11+$0xD0] =	vst v3  }
0x33f: {  	s15 =	simm.s32 $0xD800;
	s16 =	simm.s32 $0x5200;
	[tilespmem:s11+$0xE0] =	vst v2  }
0x340: {  	[spmem:s2] =	stream.indirect.scatter.add.f32 [tilespmem:s15], [sflag:$0xD], $0x40, s16, s28, $0xb8;
	[tilespmem:$0x1F800] =	vst v63  }
0x341: {  	_ =	swait.ge [sflag:s21], $0x2000  }
0x342: {  	s12 =	simm.s32 @!p0 $0x80;
	[sflag:s21] =	ssyncset.done $0x0  }
0x343: {  	s11 =	sadd.s32 @!p0 $0x480, s10;
	s15 =	simm.s32 @!p0 $0x7800;
	[sflag:s21] =	ssyncadd.s32 $0xFFFFE000  }
0x344: {  	[tilespmem:s15], [sflag:$0x2] =	stream.indirect.gather @!p0 [hbm4b:s9+s12], $0x40, s11, s12, $0xb8;
	[tilespmem:$0x1F800] =	vst v63  }
0x345: {  	s26 =	simm.s32 $0x0;
	s11 =	sadd.s32 @!p0 s3, s11  }
0x346: {  	v2 =	vmov s26;
	s26 =	simm.s32 $0x3;
	s11 =	sshrl.u32 @!p0 s11, $0x3  }
0x347: {  	s16 =	simm.s32 @!p0 $0x5080;
	s15 =	simm.s32 @!p0 $0x0;
	s12 =	sadd.s32 @!p0 s5, s11  }
0x348: {  	[tilespmem:s16], [sflag:$0x2] =	stream.linear.gather @!p0 [hbm4b:s12+s15], $0x80, $0x38;
	[tilespmem:$0x1F800] =	vst v63  }
0x349: {  	v5 =	vmov s26;
	s26 =	simm.s32 $0x5;
	s12 =	simm.s32 $0x1  }
0x34a: {  	v2 =	vshrl.u32 v2, $0x3;
	v7 =	vmov s26;
	s26 =	simm.s32 $0x6;
	s11 =	sadd.s32 @!p0 s6, s11;
	v3 =	vmov s12;
	s12 =	simm.s32 @!p0 $0x5480  }
0x34b: {  	v2 =	vshll.u32 v2, v1;
	v5 =	vshrl.u32 v5, $0x3;
	v8 =	vmov s26;
	[tilespmem:s12], [sflag:$0x2] =	stream.linear.gather @!p0 [hbm4b:s11+s15], $0x80, $0x38;
	[tilespmem:$0x1F800] =	vst v63  }
0x34c: {  	v7 =	vshrl.u32 v7, $0x3;
	v2 =	vadd.s32 $0x280, v2;
	v5 =	vshll.u32 v5, v1;
	s16 =	simm.s32 $0x2;
	_ =	swait.ge [sflag:s8], $0x2000  }
0x34d: {  	v8 =	vshrl.u32 v8, $0x3;
	v4 =	vmov s16;
	v3 =	vshrl.u32 v3, $0x3;
	[sflag:s8] =	ssyncset.done $0x0  }
0x34e: {  	v2 =	vbroadcast v2, $0x0;
	s16 =	simm.s32 $0x4;
	v4 =	vshrl.u32 v4, $0x3;
	v3 =	vshll.u32 v3, v1;
	[sflag:s8] =	ssyncadd.s32 $0xFFFFE000  }
0x34f: {  	v6 =	vmov s16;
	v4 =	vshll.u32 v4, v1;
	v3 =	vadd.s32 $0x281, v3;
	_ =	swait.ge [sflag:s8], $0x80  }
0x350: {  	v6 =	vshrl.u32 v6, $0x3;
	v4 =	vadd.s32 $0x282, v4;
	v3 =	vbroadcast v3, $0x0;
	[sflag:s8] =	ssyncset.done $0x0  }
0x351: {  	v5 =	vadd.s32 $0x283, v5;
	v6 =	vshll.u32 v6, v1;
	v4 =	vbroadcast v4, $0x0;
	[sflag:s8] =	ssyncadd.s32 $0xFFFFFF80  }
0x352: {  	v7 =	vshll.u32 v7, v1;
	v5 =	vbroadcast v5, $0x0;
	s15 =	simm.s32 $0x7;
	v6 =	vadd.s32 $0x284, v6;
	_ =	swait.ge [sflag:s8], $0x80  }
0x353: {  	v7 =	vadd.s32 $0x285, v7;
	v9 =	vmov s15;
	v6 =	vbroadcast v6, $0x0;
	[sflag:s8] =	ssyncset.done $0x0  }
0x354: {  	v8 =	vshll.u32 v8, v1;
	v7 =	vbroadcast v7, $0x0;
	v9 =	vshrl.u32 v9, $0x3;
	[sflag:s8] =	ssyncadd.s32 $0xFFFFFF80  }
0x355: {  	v8 =	vadd.s32 $0x286, v8;
	v9 =	vshll.u32 v9, v1;
	v10 =	vld.idx.msk [tilespmem:v2+s30+$0x0], $0xffff  }
0x356: {  	v2 =	vbroadcast v8, $0x0;
	v8 =	vadd.s32 $0x287, v9;
	v9 =	vld.idx.msk [tilespmem:v3+s30+$0x0], $0xffff  }
0x357: {  	v11 =	vld.idx.msk [tilespmem:v4+s30+$0x0], $0xffff  }
0x358: {  	v5 =	vld.idx.msk [tilespmem:v5+s30+$0x0], $0xffff;
	v8 =	vbroadcast v8, $0x0  }
0x359: {  	v12 =	vld.idx.msk [tilespmem:v6+s30+$0x0], $0xffff  }
0x35a: {  	s26 =	simm.s32 $0xF900;
	v4 =	vld.idx.msk [tilespmem:v7+s30+$0x0], $0xffff  }
0x35b: {  	v6 =	vld [tilespmem:s26+$0xF0]  }
0x35c: {  	v7 =	vld [tilespmem:s26+$0xFFFFFF00]  }
0x35d: {  	v3 =	vld.idx.msk [tilespmem:v2+s30+$0x0], $0xffff  }
0x35e: {  	v2 =	vld.idx.msk [tilespmem:v8+s30+$0x0], $0xffff  }
0x35f: {  	v8 =	vld [tilespmem:s26+$0xFFFFFF10]  }
0x360: {  	v13 =	vld [tilespmem:s26+$0xFFFFFF20]  }
0x361: {  	v14 =	vld [tilespmem:s26+$0xFFFFFF30]  }
0x362: {  	v15 =	vld [tilespmem:s26+$0xFFFFFF40];
	v7 =	vmul.f32 v7, v10  }
0x363: {  	v16 =	vld [tilespmem:s26+$0xFFFFFF50];
	v6 =	vmul.f32 v6, v2  }
0x364: {  	v17 =	vld [tilespmem:s26+$0xFFFFFF60];
	[tilespmem:s26+$0xFFFFFF00] =	vst v7;
	v8 =	vmul.f32 v8, v10  }
0x365: {  	v7 =	vld [tilespmem:s26+$0xFFFFFF70];
	[tilespmem:s26+$0xF0] =	vst v6;
	v6 =	vmul.f32 v13, v10  }
0x366: {  	[tilespmem:s26+$0xFFFFFF10] =	vst v8;
	v8 =	vmul.f32 v14, v10;
	v10 =	vld [tilespmem:s26+$0xFFFFFF80]  }
0x367: {  	v13 =	vld [tilespmem:s26+$0xFFFFFF90];
	[tilespmem:s26+$0xFFFFFF20] =	vst v6;
	v6 =	vmul.f32 v15, v9  }
0x368: {  	v14 =	vld [tilespmem:s26+$0xFFFFFFA0];
	[tilespmem:s26+$0xFFFFFF30] =	vst v8;
	v8 =	vmul.f32 v16, v9  }
0x369: {  	s16 =	simm.s32 $0x8;
	v15 =	vld [tilespmem:s26+$0xFFFFFFB0];
	[tilespmem:s26+$0xFFFFFF40] =	vst v6;
	v6 =	vmul.f32 v17, v9  }
0x36a: {  	v7 =	vmul.f32 v7, v9;
	v16 =	vmov s16;
	s16 =	simm.s32 $0xB;
	[tilespmem:s26+$0xFFFFFF50] =	vst v8;
	v8 =	vld [tilespmem:s26+$0xFFFFFFC0]  }
0x36b: {  	s12 =	simm.s32 $0x9;
	s15 =	simm.s32 $0xA;
	v18 =	vmov s16;
	v9 =	vshrl.u32 v16, $0x3;
	[tilespmem:s26+$0xFFFFFF60] =	vst v6;
	v6 =	vmul.f32 v10, v11;
	v10 =	vld [tilespmem:s26+$0xFFFFFFD0]  }
0x36c: {  	[tilespmem:s26+$0xFFFFFF70] =	vst v7;
	s16 =	simm.s32 $0xE;
	v16 =	vmov s12;
	v17 =	vmov s15;
	s12 =	simm.s32 $0xC;
	v7 =	vmul.f32 v13, v11;
	v13 =	vld [tilespmem:s26+$0xFFFFFFE0]  }
0x36d: {  	s15 =	simm.s32 $0xD;
	v62 =	vmov s16;
	v19 =	vmov s12;
	[tilespmem:s26+$0xFFFFFF80] =	vst v6;
	v6 =	vmul.f32 v14, v11;
	v14 =	vld [tilespmem:s26+$0xFFFFFFF0]  }
0x36e: {  	v20 =	vmov s15;
	v9 =	vshll.u32 v9, v1;
	[tilespmem:s26+$0xFFFFFF90] =	vst v7;
	v7 =	vmul.f32 v15, v11;
	v11 =	vld [tilespmem:s26+$0x0]  }
0x36f: {  	v9 =	vadd.s32 $0x280, v9;
	v15 =	vshrl.u32 v16, $0x3;
	[tilespmem:s26+$0xFFFFFFA0] =	vst v6;
	v6 =	vmul.f32 v8, v5;
	v8 =	vld [tilespmem:s26+$0x10]  }
0x370: {  	v16 =	vshrl.u32 v17, $0x3;
	v17 =	vshrl.u32 v18, $0x3;
	[tilespmem:s26+$0xFFFFFFB0] =	vst v7;
	v7 =	vmul.f32 v10, v5;
	v10 =	vld [tilespmem:s26+$0x20]  }
0x371: {  	v18 =	vshrl.u32 v19, $0x3;
	v19 =	vshrl.u32 v20, $0x3;
	[tilespmem:s26+$0xFFFFFFC0] =	vst v6;
	v6 =	vmul.f32 v13, v5;
	v13 =	vld [tilespmem:s26+$0x30]  }
0x372: {  	v20 =	vshrl.u32 v62, $0x3;
	v15 =	vshll.u32 v15, v1;
	[tilespmem:s26+$0xFFFFFFD0] =	vst v7;
	v5 =	vmul.f32 v14, v5;
	v14 =	vld [tilespmem:s26+$0x40]  }
0x373: {  	v16 =	vshll.u32 v16, v1;
	v17 =	vshll.u32 v17, v1;
	v7 =	vmul.f32 v11, v12;
	v11 =	vld [tilespmem:s26+$0x50];
	[tilespmem:s26+$0xFFFFFFE0] =	vst v6  }
0x374: {  	v63 =	vld [tilespmem:s26+$0x60];
	v18 =	vshll.u32 v18, v1;
	v19 =	vshll.u32 v19, v1;
	[tilespmem:s26+$0xFFFFFFF0] =	vst v5;
	v5 =	vmul.f32 v8, v12  }
0x375: {  	v20 =	vshll.u32 v20, v1;
	v17 =	vadd.s32 $0x283, v17;
	[tilespmem:s26+$0x0] =	vst v7;
	v7 =	vld [tilespmem:s26+$0x70];
	v8 =	vmul.f32 v10, v12  }
0x376: {  	v6 =	vbroadcast v9, $0x0;
	v9 =	vadd.s32 $0x281, v15;
	[tilespmem:s26+$0x10] =	vst v5;
	v12 =	vmul.f32 v13, v12;
	v5 =	vld [tilespmem:s26+$0x80]  }
0x377: {  	v15 =	vadd.s32 $0x282, v16;
	v13 =	vadd.s32 $0x284, v18;
	[tilespmem:s26+$0x20] =	vst v8;
	v18 =	vmul.f32 v14, v4;
	v8 =	vld [tilespmem:s26+$0x90]  }
0x378: {  	v10 =	vbroadcast v9, $0x0;
	v9 =	vld [tilespmem:s26+$0xA0];
	v14 =	vadd.s32 $0x285, v19;
	v16 =	vmul.f32 v11, v4;
	[tilespmem:s26+$0x30] =	vst v12  }
0x379: {  	s11 =	simm.s32 $0x10;
	s12 =	simm.s32 $0xF;
	v11 =	vld [tilespmem:s26+$0xB0];
	v12 =	vbroadcast v15, $0x0;
	v15 =	vadd.s32 $0x286, v20;
	[tilespmem:s26+$0x40] =	vst v18;
	v18 =	vmul.f32 v63, v4  }
.LBB2_15:
0x37a: {  	p1 =	slt.u32 s11, $0x78;
	v17 =	vbroadcast v17, $0x0;
	v19 =	vmov s12;
	[tilespmem:s26+$0x50] =	vst v16;
	v4 =	vmul.f32 v7, v4;
	v7 =	vld [tilespmem:s26+$0xC0]  }
0x37b: {  	v13 =	vbroadcast v13, $0x0;
	v16 =	vshrl.u32 v19, $0x3;
	[tilespmem:s26+$0x60] =	vst v18;
	v5 =	vmul.f32 v5, v3;
	v18 =	vld [tilespmem:s26+$0xD0]  }
0x37c: {  	v14 =	vbroadcast v14, $0x0;
	v16 =	vshll.u32 v16, v1;
	[tilespmem:s26+$0x70] =	vst v4;
	v4 =	vmul.f32 v8, v3;
	v8 =	vld [tilespmem:s26+$0xE0]  }
0x37d: {  	v15 =	vbroadcast v15, $0x0;
	v6 =	vld.idx.msk [tilespmem:v6+s30+$0x0], $0xffff;
	v16 =	vadd.s32 $0x287, v16;
	[tilespmem:s26+$0x80] =	vst v5;
	v5 =	vmul.f32 v9, v3  }
0x37e: {  	v9 =	vld.idx.msk [tilespmem:v10+s30+$0x0], $0xffff;
	v10 =	vbroadcast v16, $0x0;
	[tilespmem:s26+$0x90] =	vst v4;
	v3 =	vmul.f32 v11, v3  }
0x37f: {  	v11 =	vld.idx.msk [tilespmem:v12+s30+$0x0], $0xffff;
	[tilespmem:s26+$0xA0] =	vst v5;
	v4 =	vmul.f32 v7, v2  }
0x380: {  	v7 =	vld.idx.msk [tilespmem:v17+s30+$0x0], $0xffff;
	[tilespmem:s26+$0xB0] =	vst v3;
	v3 =	vmul.f32 v18, v2  }
0x381: {  	v5 =	vld.idx.msk [tilespmem:v13+s30+$0x0], $0xffff;
	[tilespmem:s26+$0xC0] =	vst v4;
	v2 =	vmul.f32 v8, v2  }
0x382: {  	v4 =	vld.idx.msk [tilespmem:v14+s30+$0x0], $0xffff;
	[tilespmem:s26+$0xD0] =	vst v3  }
0x383: {  	v3 =	vld.idx.msk [tilespmem:v15+s30+$0x0], $0xffff;
	[tilespmem:s26+$0xE0] =	vst v2  }
0x384: {  	s26 =	sadd.s32 $0x200, s26;
	v2 =	vld.idx.msk [tilespmem:v10+s30+$0x0], $0xffff  }
0x385: {  	v8 =	vld [tilespmem:s26+$0xF0]  }
0x386: {  	v10 =	vld [tilespmem:s26+$0xFFFFFF00]  }
0x387: {  	v12 =	vld [tilespmem:s26+$0xFFFFFF10]  }
0x388: {  	v13 =	vld [tilespmem:s26+$0xFFFFFF20]  }
0x389: {  	v14 =	vld [tilespmem:s26+$0xFFFFFF30]  }
0x38a: {  	v15 =	vld [tilespmem:s26+$0xFFFFFF40];
	v8 =	vmul.f32 v8, v2  }
0x38b: {  	v10 =	vmul.f32 v10, v6;
	v16 =	vld [tilespmem:s26+$0xFFFFFF50]  }
0x38c: {  	v12 =	vmul.f32 v12, v6;
	v17 =	vld [tilespmem:s26+$0xFFFFFF60];
	[tilespmem:s26+$0xF0] =	vst v8  }
0x38d: {  	[tilespmem:s26+$0xFFFFFF00] =	vst v10;
	v8 =	vmul.f32 v13, v6;
	v10 =	vld [tilespmem:s26+$0xFFFFFF70]  }
0x38e: {  	[tilespmem:s26+$0xFFFFFF10] =	vst v12;
	v6 =	vmul.f32 v14, v6;
	v12 =	vld [tilespmem:s26+$0xFFFFFF80]  }
0x38f: {  	[tilespmem:s26+$0xFFFFFF20] =	vst v8;
	v8 =	vmul.f32 v15, v9;
	v13 =	vld [tilespmem:s26+$0xFFFFFF90]  }
0x390: {  	[tilespmem:s26+$0xFFFFFF30] =	vst v6;
	v6 =	vmul.f32 v16, v9;
	v14 =	vld [tilespmem:s26+$0xFFFFFFA0]  }
0x391: {  	[tilespmem:s26+$0xFFFFFF40] =	vst v8;
	v8 =	vmul.f32 v17, v9;
	v15 =	vld [tilespmem:s26+$0xFFFFFFB0]  }
0x392: {  	s12 =	sadd.s32 $0x1, s11;
	v16 =	vmov s11;
	[tilespmem:s26+$0xFFFFFF50] =	vst v6;
	v6 =	vmul.f32 v10, v9;
	v9 =	vld [tilespmem:s26+$0xFFFFFFC0]  }
0x393: {  	s15 =	sadd.s32 $0x3, s11;
	v10 =	vshrl.u32 v16, $0x3;
	v16 =	vmov s12;
	s12 =	sadd.s32 $0x2, s11;
	[tilespmem:s26+$0xFFFFFF60] =	vst v8;
	v8 =	vmul.f32 v12, v11;
	v12 =	vld [tilespmem:s26+$0xFFFFFFD0]  }
0x394: {  	v18 =	vmov s15;
	s15 =	sadd.s32 $0x5, s11;
	v17 =	vmov s12;
	s12 =	sadd.s32 $0x4, s11;
	[tilespmem:s26+$0xFFFFFF70] =	vst v6;
	v6 =	vmul.f32 v13, v11;
	v13 =	vld [tilespmem:s26+$0xFFFFFFE0]  }
0x395: {  	v20 =	vmov s15;
	v19 =	vmov s12;
	s12 =	sadd.s32 $0x6, s11;
	[tilespmem:s26+$0xFFFFFF80] =	vst v8;
	v8 =	vmul.f32 v14, v11;
	v14 =	vld [tilespmem:s26+$0xFFFFFFF0]  }
0x396: {  	v10 =	vshll.u32 v10, v1;
	v21 =	vmov s12;
	[tilespmem:s26+$0xFFFFFF90] =	vst v6;
	v6 =	vmul.f32 v15, v11;
	v11 =	vld [tilespmem:s26+$0x0]  }
0x397: {  	v15 =	vshrl.u32 v16, $0x3;
	v16 =	vshrl.u32 v17, $0x3;
	[tilespmem:s26+$0xFFFFFFA0] =	vst v8;
	v8 =	vmul.f32 v9, v7;
	v9 =	vld [tilespmem:s26+$0x10]  }
0x398: {  	v17 =	vshrl.u32 v18, $0x3;
	v18 =	vshrl.u32 v19, $0x3;
	[tilespmem:s26+$0xFFFFFFB0] =	vst v6;
	v6 =	vmul.f32 v12, v7;
	v12 =	vld [tilespmem:s26+$0x20]  }
0x399: {  	v19 =	vshrl.u32 v20, $0x3;
	v20 =	vshrl.u32 v21, $0x3;
	[tilespmem:s26+$0xFFFFFFC0] =	vst v8;
	v8 =	vmul.f32 v13, v7;
	v13 =	vld [tilespmem:s26+$0x30]  }
0x39a: {  	v10 =	vadd.s32 $0x280, v10;
	v15 =	vshll.u32 v15, v1;
	[tilespmem:s26+$0xFFFFFFD0] =	vst v6;
	v6 =	vmul.f32 v14, v7;
	v14 =	vld [tilespmem:s26+$0x40]  }
0x39b: {  	v16 =	vshll.u32 v16, v1;
	v17 =	vshll.u32 v17, v1;
	[tilespmem:s26+$0xFFFFFFE0] =	vst v8;
	v7 =	vmul.f32 v11, v5;
	v11 =	vld [tilespmem:s26+$0x50]  }
0x39c: {  	v8 =	vshll.u32 v18, v1;
	v18 =	vshll.u32 v19, v1;
	[tilespmem:s26+$0xFFFFFFF0] =	vst v6;
	v9 =	vmul.f32 v9, v5;
	v19 =	vld [tilespmem:s26+$0x60]  }
.Ltmp6:
0x39d: {  	v20 =	vshll.u32 v20, v1;
	v6 =	vbroadcast v10, $0x0;
	[tilespmem:s26+$0x0] =	vst v7;
	v10 =	vmul.f32 v12, v5;
	v7 =	vld [tilespmem:s26+$0x70];
	(pc) =	sbr.rel @p1 .LBB2_15-.Ltmp6, $4  }
0x39e: {  	v12 =	vadd.s32 $0x281, v15;
	v15 =	vadd.s32 $0x282, v16;
	[tilespmem:s26+$0x10] =	vst v9;
	v9 =	vmul.f32 v13, v5;
	v5 =	vld [tilespmem:s26+$0x80]  }
0x39f: {  	v17 =	vadd.s32 $0x283, v17;
	v13 =	vadd.s32 $0x284, v8;
	[tilespmem:s26+$0x20] =	vst v10;
	v21 =	vmul.f32 v14, v4;
	v8 =	vld [tilespmem:s26+$0x90]  }
0x3a0: {  	v10 =	vbroadcast v12, $0x0;
	v14 =	vadd.s32 $0x285, v18;
	[tilespmem:s26+$0x30] =	vst v9;
	v16 =	vmul.f32 v11, v4;
	v9 =	vld [tilespmem:s26+$0xA0]  }
0x3a1: {  	s12 =	sadd.s32 $0x7, s11;
	s11 =	sadd.s32 $0x8, s11;
	v12 =	vbroadcast v15, $0x0;
	v15 =	vadd.s32 $0x286, v20;
	[tilespmem:s26+$0x40] =	vst v21;
	v18 =	vmul.f32 v19, v4;
	v11 =	vld [tilespmem:s26+$0xB0]  }
0x3a2: {  	_ = 	snop  }
0x3a3: {  	v20 =	vld [tilespmem:s26+$0xC0]  }
0x3a4: {  	v21 =	vld [tilespmem:s26+$0xD0]  }
0x3a5: {  	v19 =	vmov s12;
	v22 =	vld [tilespmem:s26+$0xE0]  }
0x3a6: {  	v6 =	vld.idx.msk [tilespmem:v6+s30+$0x0], $0xffff;
	v19 =	vshrl.u32 v19, $0x3  }
0x3a7: {  	v17 =	vbroadcast v17, $0x0;
	v10 =	vld.idx.msk [tilespmem:v10+s30+$0x0], $0xffff;
	v4 =	vmul.f32 v7, v4;
	v19 =	vshll.u32 v19, v1  }
0x3a8: {  	v14 =	vbroadcast v14, $0x0;
	[tilespmem:s26+$0x50] =	vst v16;
	s11 =	sadd.s32 $0x200, s26;
	v12 =	vld.idx.msk [tilespmem:v12+s30+$0x0], $0xffff;
	v5 =	vmul.f32 v5, v3;
	v19 =	vadd.s32 $0x287, v19  }
0x3a9: {  	v16 =	vld [tilespmem:s11+$0xFFFFFF60];
	[tilespmem:s26+$0x70] =	vst v4;
	v4 =	vmul.f32 v8, v3;
	v19 =	vbroadcast v19, $0x0  }
0x3aa: {  	v15 =	vbroadcast v15, $0x0;
	[tilespmem:s26+$0x80] =	vst v5;
	v5 =	vmul.f32 v9, v3;
	v9 =	vld [tilespmem:s11+$0xF0]  }
0x3ab: {  	[tilespmem:s26+$0x90] =	vst v4;
	v4 =	vld [tilespmem:s11+$0xFFFFFF00]  }
0x3ac: {  	v3 =	vmul.f32 v11, v3;
	v11 =	vld [tilespmem:s11+$0xFFFFFF10]  }
0x3ad: {  	v17 =	vld.idx.msk [tilespmem:v17+s30+$0x0], $0xffff  }
0x3ae: {  	v7 =	vld.idx.msk [tilespmem:v14+s30+$0x0], $0xffff  }
0x3af: {  	v13 =	vbroadcast v13, $0x0;
	[tilespmem:s26+$0xA0] =	vst v5;
	v5 =	vmul.f32 v20, v2;
	v8 =	vld.idx.msk [tilespmem:v19+s30+$0x0], $0xffff  }
0x3b0: {  	v14 =	vld.idx.msk [tilespmem:v15+s30+$0x0], $0xffff;
	[tilespmem:s26+$0xB0] =	vst v3;
	v3 =	vmul.f32 v21, v2  }
0x3b1: {  	v15 =	vld [tilespmem:s11+$0xFFFFFF20];
	v2 =	vmul.f32 v22, v2;
	[tilespmem:s26+$0xC0] =	vst v5  }
0x3b2: {  	v5 =	vld [tilespmem:s11+$0xFFFFFF30];
	[tilespmem:s26+$0xD0] =	vst v3  }
0x3b3: {  	v3 =	vld [tilespmem:s11+$0xFFFFFF40];
	[tilespmem:s26+$0xE0] =	vst v2;
	v2 =	vmul.f32 v4, v6  }
0x3b4: {  	[tilespmem:s26+$0x60] =	vst v18;
	v4 =	vld [tilespmem:s11+$0xFFFFFF50];
	v9 =	vmul.f32 v9, v8  }
0x3b5: {  	v13 =	vld.idx.msk [tilespmem:v13+s30+$0x0], $0xffff;
	v11 =	vmul.f32 v11, v6;
	[tilespmem:s11+$0xFFFFFF00] =	vst v2  }
0x3b6: {  	v2 =	vmul.f32 v15, v6;
	[tilespmem:s11+$0xF0] =	vst v9;
	v9 =	vld [tilespmem:s11+$0xFFFFFF70]  }
0x3b7: {  	[tilespmem:s11+$0xFFFFFF10] =	vst v11;
	v5 =	vmul.f32 v5, v6;
	v6 =	vld [tilespmem:s11+$0xFFFFFF80]  }
0x3b8: {  	[tilespmem:s11+$0xFFFFFF20] =	vst v2;
	v2 =	vmul.f32 v3, v10;
	v3 =	vld [tilespmem:s11+$0xFFFFFF90]  }
0x3b9: {  	[tilespmem:s11+$0xFFFFFF30] =	vst v5;
	v4 =	vmul.f32 v4, v10;
	v5 =	vld [tilespmem:s11+$0xFFFFFFA0]  }
0x3ba: {  	v11 =	vld [tilespmem:s11+$0xFFFFFFB0];
	[tilespmem:s11+$0xFFFFFF40] =	vst v2;
	v2 =	vmul.f32 v16, v10  }
0x3bb: {  	[tilespmem:s11+$0xFFFFFF50] =	vst v4;
	v4 =	vmul.f32 v9, v10;
	v9 =	vld [tilespmem:s11+$0xFFFFFFC0]  }
0x3bc: {  	[tilespmem:s11+$0xFFFFFF60] =	vst v2;
	v2 =	vmul.f32 v6, v12;
	v6 =	vld [tilespmem:s11+$0xFFFFFFD0]  }
0x3bd: {  	v3 =	vmul.f32 v3, v12;
	[tilespmem:s11+$0xFFFFFF70] =	vst v4;
	v4 =	vld [tilespmem:s11+$0xFFFFFFE0]  }
0x3be: {  	[tilespmem:s11+$0xFFFFFF80] =	vst v2;
	v2 =	vmul.f32 v5, v12;
	v5 =	vld [tilespmem:s11+$0xFFFFFFF0]  }
0x3bf: {  	[tilespmem:s11+$0xFFFFFF90] =	vst v3;
	v3 =	vmul.f32 v11, v12;
	v10 =	vld [tilespmem:s11+$0x0]  }
0x3c0: {  	[tilespmem:s11+$0xFFFFFFA0] =	vst v2;
	v2 =	vmul.f32 v9, v17;
	v9 =	vld [tilespmem:s11+$0x10]  }
0x3c1: {  	[tilespmem:s11+$0xFFFFFFB0] =	vst v3;
	v3 =	vmul.f32 v6, v17;
	v6 =	vld [tilespmem:s11+$0x20]  }
0x3c2: {  	[tilespmem:s11+$0xFFFFFFC0] =	vst v2;
	v2 =	vmul.f32 v4, v17;
	v4 =	vld [tilespmem:s11+$0x30]  }
0x3c3: {  	[tilespmem:s11+$0xFFFFFFD0] =	vst v3;
	v3 =	vmul.f32 v5, v17;
	v5 =	vld [tilespmem:s11+$0x40]  }
0x3c4: {  	[tilespmem:s11+$0xFFFFFFE0] =	vst v2;
	v2 =	vmul.f32 v10, v13;
	v10 =	vld [tilespmem:s11+$0x50]  }
0x3c5: {  	[tilespmem:s11+$0xFFFFFFF0] =	vst v3;
	v3 =	vmul.f32 v9, v13;
	v9 =	vld [tilespmem:s11+$0x60]  }
0x3c6: {  	[tilespmem:s11+$0x0] =	vst v2;
	v2 =	vmul.f32 v6, v13;
	v6 =	vld [tilespmem:s11+$0x70]  }
0x3c7: {  	[tilespmem:s11+$0x10] =	vst v3;
	v3 =	vmul.f32 v4, v13;
	v4 =	vld [tilespmem:s11+$0x80]  }
0x3c8: {  	[tilespmem:s11+$0x20] =	vst v2;
	v2 =	vmul.f32 v5, v7;
	v5 =	vld [tilespmem:s11+$0x90]  }
0x3c9: {  	[tilespmem:s11+$0x30] =	vst v3;
	v3 =	vmul.f32 v10, v7;
	v10 =	vld [tilespmem:s11+$0xA0]  }
0x3ca: {  	[tilespmem:s11+$0x40] =	vst v2;
	v2 =	vmul.f32 v9, v7;
	v9 =	vld [tilespmem:s11+$0xB0]  }
0x3cb: {  	[tilespmem:s11+$0x50] =	vst v3;
	v3 =	vmul.f32 v6, v7;
	v6 =	vld [tilespmem:s11+$0xC0]  }
0x3cc: {  	[tilespmem:s11+$0x60] =	vst v2;
	v2 =	vmul.f32 v4, v14;
	v4 =	vld [tilespmem:s11+$0xD0]  }
0x3cd: {  	[tilespmem:s11+$0x70] =	vst v3;
	v3 =	vmul.f32 v5, v14;
	v5 =	vld [tilespmem:s11+$0xE0]  }
0x3ce: {  	[tilespmem:s11+$0x80] =	vst v2;
	v2 =	vmul.f32 v10, v14  }
0x3cf: {  	[tilespmem:s11+$0x90] =	vst v3;
	v3 =	vmul.f32 v9, v14  }
0x3d0: {  	[tilespmem:s11+$0xA0] =	vst v2;
	v2 =	vmul.f32 v6, v8  }
0x3d1: {  	[tilespmem:s11+$0xB0] =	vst v3;
	v3 =	vmul.f32 v4, v8  }
0x3d2: {  	[tilespmem:s11+$0xC0] =	vst v2;
	v2 =	vmul.f32 v5, v8  }
0x3d3: {  	[tilespmem:s11+$0xD0] =	vst v3  }
0x3d4: {  	s15 =	simm.s32 $0xF800;
	s16 =	simm.s32 $0x5280;
	[tilespmem:s11+$0xE0] =	vst v2  }
0x3d5: {  	[spmem:s2] =	stream.indirect.scatter.add.f32 [tilespmem:s15], [sflag:$0xE], $0x40, s16, s28, $0xb8;
	[tilespmem:$0x1F800] =	vst v63  }
0x3d6: {  	_ =	swait.ge [sflag:s29], $0x2000  }
0x3d7: {  	s12 =	simm.s32 @!p0 $0x80;
	[sflag:s29] =	ssyncset.done $0x0  }
0x3d8: {  	s11 =	sadd.s32 @!p0 $0x500, s10;
	s15 =	simm.s32 @!p0 $0x9800;
	[sflag:s29] =	ssyncadd.s32 $0xFFFFE000  }
0x3d9: {  	[tilespmem:s15], [sflag:$0x3] =	stream.indirect.gather @!p0 [hbm4b:s9+s12], $0x40, s11, s12, $0xb8;
	[tilespmem:$0x1F800] =	vst v63  }
0x3da: {  	s26 =	simm.s32 $0x0;
	s11 =	sadd.s32 @!p0 s3, s11  }
0x3db: {  	v2 =	vmov s26;
	s26 =	simm.s32 $0x3;
	s11 =	sshrl.u32 @!p0 s11, $0x3  }
0x3dc: {  	s16 =	simm.s32 @!p0 $0x5100;
	s15 =	simm.s32 @!p0 $0x0;
	s12 =	sadd.s32 @!p0 s5, s11  }
0x3dd: {  	[tilespmem:s16], [sflag:$0x3] =	stream.linear.gather @!p0 [hbm4b:s12+s15], $0x80, $0x38;
	[tilespmem:$0x1F800] =	vst v63  }
0x3de: {  	v5 =	vmov s26;
	s26 =	simm.s32 $0x5;
	s12 =	simm.s32 $0x1  }
0x3df: {  	v2 =	vshrl.u32 v2, $0x3;
	v7 =	vmov s26;
	s26 =	simm.s32 $0x6;
	s11 =	sadd.s32 @!p0 s6, s11;
	v3 =	vmov s12;
	s12 =	simm.s32 @!p0 $0x5500  }
0x3e0: {  	v2 =	vshll.u32 v2, v1;
	v5 =	vshrl.u32 v5, $0x3;
	v8 =	vmov s26;
	[tilespmem:s12], [sflag:$0x3] =	stream.linear.gather @!p0 [hbm4b:s11+s15], $0x80, $0x38;
	[tilespmem:$0x1F800] =	vst v63  }
0x3e1: {  	v7 =	vshrl.u32 v7, $0x3;
	v2 =	vadd.s32 $0x300, v2;
	v5 =	vshll.u32 v5, v1;
	s16 =	simm.s32 $0x2;
	_ =	swait.ge [sflag:s31], $0x2000  }
0x3e2: {  	v8 =	vshrl.u32 v8, $0x3;
	v4 =	vmov s16;
	v3 =	vshrl.u32 v3, $0x3;
	[sflag:s31] =	ssyncset.done $0x0  }
0x3e3: {  	v2 =	vbroadcast v2, $0x0;
	s16 =	simm.s32 $0x4;
	v4 =	vshrl.u32 v4, $0x3;
	v3 =	vshll.u32 v3, v1;
	[sflag:s31] =	ssyncadd.s32 $0xFFFFE000  }
0x3e4: {  	v6 =	vmov s16;
	v4 =	vshll.u32 v4, v1;
	v3 =	vadd.s32 $0x301, v3;
	_ =	swait.ge [sflag:s31], $0x80  }
0x3e5: {  	v6 =	vshrl.u32 v6, $0x3;
	v4 =	vadd.s32 $0x302, v4;
	v3 =	vbroadcast v3, $0x0;
	[sflag:s31] =	ssyncset.done $0x0  }
0x3e6: {  	v5 =	vadd.s32 $0x303, v5;
	v6 =	vshll.u32 v6, v1;
	v4 =	vbroadcast v4, $0x0;
	[sflag:s31] =	ssyncadd.s32 $0xFFFFFF80  }
0x3e7: {  	v7 =	vshll.u32 v7, v1;
	v5 =	vbroadcast v5, $0x0;
	s15 =	simm.s32 $0x7;
	v6 =	vadd.s32 $0x304, v6;
	_ =	swait.ge [sflag:s31], $0x80  }
0x3e8: {  	v7 =	vadd.s32 $0x305, v7;
	v9 =	vmov s15;
	v6 =	vbroadcast v6, $0x0;
	[sflag:s31] =	ssyncset.done $0x0  }
0x3e9: {  	v8 =	vshll.u32 v8, v1;
	v7 =	vbroadcast v7, $0x0;
	v9 =	vshrl.u32 v9, $0x3;
	[sflag:s31] =	ssyncadd.s32 $0xFFFFFF80  }
0x3ea: {  	v8 =	vadd.s32 $0x306, v8;
	v9 =	vshll.u32 v9, v1;
	v10 =	vld.idx.msk [tilespmem:v2+s30+$0x0], $0xffff  }
0x3eb: {  	v2 =	vbroadcast v8, $0x0;
	v8 =	vadd.s32 $0x307, v9;
	v9 =	vld.idx.msk [tilespmem:v3+s30+$0x0], $0xffff  }
0x3ec: {  	v11 =	vld.idx.msk [tilespmem:v4+s30+$0x0], $0xffff  }
0x3ed: {  	v5 =	vld.idx.msk [tilespmem:v5+s30+$0x0], $0xffff;
	v8 =	vbroadcast v8, $0x0  }
0x3ee: {  	v12 =	vld.idx.msk [tilespmem:v6+s30+$0x0], $0xffff  }
0x3ef: {  	s26 =	simm.s32 $0x11900;
	v4 =	vld.idx.msk [tilespmem:v7+s30+$0x0], $0xffff  }
0x3f0: {  	v6 =	vld [tilespmem:s26+$0xF0]  }
0x3f1: {  	v7 =	vld [tilespmem:s26+$0xFFFFFF00]  }
0x3f2: {  	v3 =	vld.idx.msk [tilespmem:v2+s30+$0x0], $0xffff  }
0x3f3: {  	v2 =	vld.idx.msk [tilespmem:v8+s30+$0x0], $0xffff  }
0x3f4: {  	v8 =	vld [tilespmem:s26+$0xFFFFFF10]  }
0x3f5: {  	v13 =	vld [tilespmem:s26+$0xFFFFFF20]  }
0x3f6: {  	v14 =	vld [tilespmem:s26+$0xFFFFFF30]  }
0x3f7: {  	v15 =	vld [tilespmem:s26+$0xFFFFFF40];
	v7 =	vmul.f32 v7, v10  }
0x3f8: {  	v16 =	vld [tilespmem:s26+$0xFFFFFF50];
	v6 =	vmul.f32 v6, v2  }
0x3f9: {  	v17 =	vld [tilespmem:s26+$0xFFFFFF60];
	[tilespmem:s26+$0xFFFFFF00] =	vst v7;
	v8 =	vmul.f32 v8, v10  }
0x3fa: {  	v7 =	vld [tilespmem:s26+$0xFFFFFF70];
	[tilespmem:s26+$0xF0] =	vst v6;
	v6 =	vmul.f32 v13, v10  }
0x3fb: {  	[tilespmem:s26+$0xFFFFFF10] =	vst v8;
	v8 =	vmul.f32 v14, v10;
	v10 =	vld [tilespmem:s26+$0xFFFFFF80]  }
0x3fc: {  	v13 =	vld [tilespmem:s26+$0xFFFFFF90];
	[tilespmem:s26+$0xFFFFFF20] =	vst v6;
	v6 =	vmul.f32 v15, v9  }
0x3fd: {  	v14 =	vld [tilespmem:s26+$0xFFFFFFA0];
	[tilespmem:s26+$0xFFFFFF30] =	vst v8;
	v8 =	vmul.f32 v16, v9  }
0x3fe: {  	s16 =	simm.s32 $0x8;
	v15 =	vld [tilespmem:s26+$0xFFFFFFB0];
	[tilespmem:s26+$0xFFFFFF40] =	vst v6;
	v6 =	vmul.f32 v17, v9  }
0x3ff: {  	v7 =	vmul.f32 v7, v9;
	v16 =	vmov s16;
	s16 =	simm.s32 $0xB;
	[tilespmem:s26+$0xFFFFFF50] =	vst v8;
	v8 =	vld [tilespmem:s26+$0xFFFFFFC0]  }
0x400: {  	s12 =	simm.s32 $0x9;
	s15 =	simm.s32 $0xA;
	v18 =	vmov s16;
	v9 =	vshrl.u32 v16, $0x3;
	[tilespmem:s26+$0xFFFFFF60] =	vst v6;
	v6 =	vmul.f32 v10, v11;
	v10 =	vld [tilespmem:s26+$0xFFFFFFD0]  }
0x401: {  	[tilespmem:s26+$0xFFFFFF70] =	vst v7;
	s16 =	simm.s32 $0xE;
	v16 =	vmov s12;
	v17 =	vmov s15;
	s12 =	simm.s32 $0xC;
	v7 =	vmul.f32 v13, v11;
	v13 =	vld [tilespmem:s26+$0xFFFFFFE0]  }
0x402: {  	s15 =	simm.s32 $0xD;
	v62 =	vmov s16;
	v19 =	vmov s12;
	[tilespmem:s26+$0xFFFFFF80] =	vst v6;
	v6 =	vmul.f32 v14, v11;
	v14 =	vld [tilespmem:s26+$0xFFFFFFF0]  }
0x403: {  	v20 =	vmov s15;
	v9 =	vshll.u32 v9, v1;
	[tilespmem:s26+$0xFFFFFF90] =	vst v7;
	v7 =	vmul.f32 v15, v11;
	v11 =	vld [tilespmem:s26+$0x0]  }
0x404: {  	v9 =	vadd.s32 $0x300, v9;
	v15 =	vshrl.u32 v16, $0x3;
	[tilespmem:s26+$0xFFFFFFA0] =	vst v6;
	v6 =	vmul.f32 v8, v5;
	v8 =	vld [tilespmem:s26+$0x10]  }
0x405: {  	v16 =	vshrl.u32 v17, $0x3;
	v17 =	vshrl.u32 v18, $0x3;
	[tilespmem:s26+$0xFFFFFFB0] =	vst v7;
	v7 =	vmul.f32 v10, v5;
	v10 =	vld [tilespmem:s26+$0x20]  }
0x406: {  	v18 =	vshrl.u32 v19, $0x3;
	v19 =	vshrl.u32 v20, $0x3;
	[tilespmem:s26+$0xFFFFFFC0] =	vst v6;
	v6 =	vmul.f32 v13, v5;
	v13 =	vld [tilespmem:s26+$0x30]  }
0x407: {  	v20 =	vshrl.u32 v62, $0x3;
	v15 =	vshll.u32 v15, v1;
	[tilespmem:s26+$0xFFFFFFD0] =	vst v7;
	v5 =	vmul.f32 v14, v5;
	v14 =	vld [tilespmem:s26+$0x40]  }
0x408: {  	v16 =	vshll.u32 v16, v1;
	v17 =	vshll.u32 v17, v1;
	v7 =	vmul.f32 v11, v12;
	v11 =	vld [tilespmem:s26+$0x50];
	[tilespmem:s26+$0xFFFFFFE0] =	vst v6  }
0x409: {  	v63 =	vld [tilespmem:s26+$0x60];
	v18 =	vshll.u32 v18, v1;
	v19 =	vshll.u32 v19, v1;
	[tilespmem:s26+$0xFFFFFFF0] =	vst v5;
	v5 =	vmul.f32 v8, v12  }
0x40a: {  	v20 =	vshll.u32 v20, v1;
	v17 =	vadd.s32 $0x303, v17;
	[tilespmem:s26+$0x0] =	vst v7;
	v7 =	vld [tilespmem:s26+$0x70];
	v8 =	vmul.f32 v10, v12  }
0x40b: {  	v6 =	vbroadcast v9, $0x0;
	v9 =	vadd.s32 $0x301, v15;
	[tilespmem:s26+$0x10] =	vst v5;
	v12 =	vmul.f32 v13, v12;
	v5 =	vld [tilespmem:s26+$0x80]  }
0x40c: {  	v15 =	vadd.s32 $0x302, v16;
	v13 =	vadd.s32 $0x304, v18;
	[tilespmem:s26+$0x20] =	vst v8;
	v18 =	vmul.f32 v14, v4;
	v8 =	vld [tilespmem:s26+$0x90]  }
0x40d: {  	v10 =	vbroadcast v9, $0x0;
	v9 =	vld [tilespmem:s26+$0xA0];
	v14 =	vadd.s32 $0x305, v19;
	v16 =	vmul.f32 v11, v4;
	[tilespmem:s26+$0x30] =	vst v12  }
0x40e: {  	s11 =	simm.s32 $0x10;
	s12 =	simm.s32 $0xF;
	v11 =	vld [tilespmem:s26+$0xB0];
	v12 =	vbroadcast v15, $0x0;
	v15 =	vadd.s32 $0x306, v20;
	[tilespmem:s26+$0x40] =	vst v18;
	v18 =	vmul.f32 v63, v4  }
.LBB2_17:
0x40f: {  	p1 =	slt.u32 s11, $0x78;
	v17 =	vbroadcast v17, $0x0;
	v19 =	vmov s12;
	[tilespmem:s26+$0x50] =	vst v16;
	v4 =	vmul.f32 v7, v4;
	v7 =	vld [tilespmem:s26+$0xC0]  }
0x410: {  	v13 =	vbroadcast v13, $0x0;
	v16 =	vshrl.u32 v19, $0x3;
	[tilespmem:s26+$0x60] =	vst v18;
	v5 =	vmul.f32 v5, v3;
	v18 =	vld [tilespmem:s26+$0xD0]  }
0x411: {  	v14 =	vbroadcast v14, $0x0;
	v16 =	vshll.u32 v16, v1;
	[tilespmem:s26+$0x70] =	vst v4;
	v4 =	vmul.f32 v8, v3;
	v8 =	vld [tilespmem:s26+$0xE0]  }
0x412: {  	v15 =	vbroadcast v15, $0x0;
	v6 =	vld.idx.msk [tilespmem:v6+s30+$0x0], $0xffff;
	v16 =	vadd.s32 $0x307, v16;
	[tilespmem:s26+$0x80] =	vst v5;
	v5 =	vmul.f32 v9, v3  }
0x413: {  	v9 =	vld.idx.msk [tilespmem:v10+s30+$0x0], $0xffff;
	v10 =	vbroadcast v16, $0x0;
	[tilespmem:s26+$0x90] =	vst v4;
	v3 =	vmul.f32 v11, v3  }
0x414: {  	v11 =	vld.idx.msk [tilespmem:v12+s30+$0x0], $0xffff;
	[tilespmem:s26+$0xA0] =	vst v5;
	v4 =	vmul.f32 v7, v2  }
0x415: {  	v7 =	vld.idx.msk [tilespmem:v17+s30+$0x0], $0xffff;
	[tilespmem:s26+$0xB0] =	vst v3;
	v3 =	vmul.f32 v18, v2  }
0x416: {  	v5 =	vld.idx.msk [tilespmem:v13+s30+$0x0], $0xffff;
	[tilespmem:s26+$0xC0] =	vst v4;
	v2 =	vmul.f32 v8, v2  }
0x417: {  	v4 =	vld.idx.msk [tilespmem:v14+s30+$0x0], $0xffff;
	[tilespmem:s26+$0xD0] =	vst v3  }
0x418: {  	v3 =	vld.idx.msk [tilespmem:v15+s30+$0x0], $0xffff;
	[tilespmem:s26+$0xE0] =	vst v2  }
0x419: {  	s26 =	sadd.s32 $0x200, s26;
	v2 =	vld.idx.msk [tilespmem:v10+s30+$0x0], $0xffff  }
0x41a: {  	v8 =	vld [tilespmem:s26+$0xF0]  }
0x41b: {  	v10 =	vld [tilespmem:s26+$0xFFFFFF00]  }
0x41c: {  	v12 =	vld [tilespmem:s26+$0xFFFFFF10]  }
0x41d: {  	v13 =	vld [tilespmem:s26+$0xFFFFFF20]  }
0x41e: {  	v14 =	vld [tilespmem:s26+$0xFFFFFF30]  }
0x41f: {  	v15 =	vld [tilespmem:s26+$0xFFFFFF40];
	v8 =	vmul.f32 v8, v2  }
0x420: {  	v10 =	vmul.f32 v10, v6;
	v16 =	vld [tilespmem:s26+$0xFFFFFF50]  }
0x421: {  	v12 =	vmul.f32 v12, v6;
	v17 =	vld [tilespmem:s26+$0xFFFFFF60];
	[tilespmem:s26+$0xF0] =	vst v8  }
0x422: {  	[tilespmem:s26+$0xFFFFFF00] =	vst v10;
	v8 =	vmul.f32 v13, v6;
	v10 =	vld [tilespmem:s26+$0xFFFFFF70]  }
0x423: {  	[tilespmem:s26+$0xFFFFFF10] =	vst v12;
	v6 =	vmul.f32 v14, v6;
	v12 =	vld [tilespmem:s26+$0xFFFFFF80]  }
0x424: {  	[tilespmem:s26+$0xFFFFFF20] =	vst v8;
	v8 =	vmul.f32 v15, v9;
	v13 =	vld [tilespmem:s26+$0xFFFFFF90]  }
0x425: {  	[tilespmem:s26+$0xFFFFFF30] =	vst v6;
	v6 =	vmul.f32 v16, v9;
	v14 =	vld [tilespmem:s26+$0xFFFFFFA0]  }
0x426: {  	[tilespmem:s26+$0xFFFFFF40] =	vst v8;
	v8 =	vmul.f32 v17, v9;
	v15 =	vld [tilespmem:s26+$0xFFFFFFB0]  }
0x427: {  	s12 =	sadd.s32 $0x1, s11;
	v16 =	vmov s11;
	[tilespmem:s26+$0xFFFFFF50] =	vst v6;
	v6 =	vmul.f32 v10, v9;
	v9 =	vld [tilespmem:s26+$0xFFFFFFC0]  }
0x428: {  	s15 =	sadd.s32 $0x3, s11;
	v10 =	vshrl.u32 v16, $0x3;
	v16 =	vmov s12;
	s12 =	sadd.s32 $0x2, s11;
	[tilespmem:s26+$0xFFFFFF60] =	vst v8;
	v8 =	vmul.f32 v12, v11;
	v12 =	vld [tilespmem:s26+$0xFFFFFFD0]  }
0x429: {  	v18 =	vmov s15;
	s15 =	sadd.s32 $0x5, s11;
	v17 =	vmov s12;
	s12 =	sadd.s32 $0x4, s11;
	[tilespmem:s26+$0xFFFFFF70] =	vst v6;
	v6 =	vmul.f32 v13, v11;
	v13 =	vld [tilespmem:s26+$0xFFFFFFE0]  }
0x42a: {  	v20 =	vmov s15;
	v19 =	vmov s12;
	s12 =	sadd.s32 $0x6, s11;
	[tilespmem:s26+$0xFFFFFF80] =	vst v8;
	v8 =	vmul.f32 v14, v11;
	v14 =	vld [tilespmem:s26+$0xFFFFFFF0]  }
0x42b: {  	v10 =	vshll.u32 v10, v1;
	v21 =	vmov s12;
	[tilespmem:s26+$0xFFFFFF90] =	vst v6;
	v6 =	vmul.f32 v15, v11;
	v11 =	vld [tilespmem:s26+$0x0]  }
0x42c: {  	v15 =	vshrl.u32 v16, $0x3;
	v16 =	vshrl.u32 v17, $0x3;
	[tilespmem:s26+$0xFFFFFFA0] =	vst v8;
	v8 =	vmul.f32 v9, v7;
	v9 =	vld [tilespmem:s26+$0x10]  }
0x42d: {  	v17 =	vshrl.u32 v18, $0x3;
	v18 =	vshrl.u32 v19, $0x3;
	[tilespmem:s26+$0xFFFFFFB0] =	vst v6;
	v6 =	vmul.f32 v12, v7;
	v12 =	vld [tilespmem:s26+$0x20]  }
0x42e: {  	v19 =	vshrl.u32 v20, $0x3;
	v20 =	vshrl.u32 v21, $0x3;
	[tilespmem:s26+$0xFFFFFFC0] =	vst v8;
	v8 =	vmul.f32 v13, v7;
	v13 =	vld [tilespmem:s26+$0x30]  }
0x42f: {  	v10 =	vadd.s32 $0x300, v10;
	v15 =	vshll.u32 v15, v1;
	[tilespmem:s26+$0xFFFFFFD0] =	vst v6;
	v6 =	vmul.f32 v14, v7;
	v14 =	vld [tilespmem:s26+$0x40]  }
0x430: {  	v16 =	vshll.u32 v16, v1;
	v17 =	vshll.u32 v17, v1;
	[tilespmem:s26+$0xFFFFFFE0] =	vst v8;
	v7 =	vmul.f32 v11, v5;
	v11 =	vld [tilespmem:s26+$0x50]  }
0x431: {  	v8 =	vshll.u32 v18, v1;
	v18 =	vshll.u32 v19, v1;
	[tilespmem:s26+$0xFFFFFFF0] =	vst v6;
	v9 =	vmul.f32 v9, v5;
	v19 =	vld [tilespmem:s26+$0x60]  }
.Ltmp7:
0x432: {  	v20 =	vshll.u32 v20, v1;
	v6 =	vbroadcast v10, $0x0;
	[tilespmem:s26+$0x0] =	vst v7;
	v10 =	vmul.f32 v12, v5;
	v7 =	vld [tilespmem:s26+$0x70];
	(pc) =	sbr.rel @p1 .LBB2_17-.Ltmp7, $4  }
0x433: {  	v12 =	vadd.s32 $0x301, v15;
	v15 =	vadd.s32 $0x302, v16;
	[tilespmem:s26+$0x10] =	vst v9;
	v9 =	vmul.f32 v13, v5;
	v5 =	vld [tilespmem:s26+$0x80]  }
0x434: {  	v17 =	vadd.s32 $0x303, v17;
	v13 =	vadd.s32 $0x304, v8;
	[tilespmem:s26+$0x20] =	vst v10;
	v21 =	vmul.f32 v14, v4;
	v8 =	vld [tilespmem:s26+$0x90]  }
0x435: {  	v10 =	vbroadcast v12, $0x0;
	v14 =	vadd.s32 $0x305, v18;
	[tilespmem:s26+$0x30] =	vst v9;
	v16 =	vmul.f32 v11, v4;
	v9 =	vld [tilespmem:s26+$0xA0]  }
0x436: {  	s12 =	sadd.s32 $0x7, s11;
	s11 =	sadd.s32 $0x8, s11;
	v12 =	vbroadcast v15, $0x0;
	v15 =	vadd.s32 $0x306, v20;
	[tilespmem:s26+$0x40] =	vst v21;
	v18 =	vmul.f32 v19, v4;
	v11 =	vld [tilespmem:s26+$0xB0]  }
0x437: {  	_ = 	snop  }
0x438: {  	v20 =	vld [tilespmem:s26+$0xC0]  }
0x439: {  	v21 =	vld [tilespmem:s26+$0xD0]  }
0x43a: {  	v19 =	vmov s12;
	v22 =	vld [tilespmem:s26+$0xE0]  }
0x43b: {  	v6 =	vld.idx.msk [tilespmem:v6+s30+$0x0], $0xffff;
	v19 =	vshrl.u32 v19, $0x3  }
0x43c: {  	v17 =	vbroadcast v17, $0x0;
	v10 =	vld.idx.msk [tilespmem:v10+s30+$0x0], $0xffff;
	v4 =	vmul.f32 v7, v4;
	v19 =	vshll.u32 v19, v1  }
0x43d: {  	v14 =	vbroadcast v14, $0x0;
	[tilespmem:s26+$0x50] =	vst v16;
	s11 =	sadd.s32 $0x200, s26;
	v12 =	vld.idx.msk [tilespmem:v12+s30+$0x0], $0xffff;
	v5 =	vmul.f32 v5, v3;
	v19 =	vadd.s32 $0x307, v19  }
0x43e: {  	v16 =	vld [tilespmem:s11+$0xFFFFFF60];
	[tilespmem:s26+$0x70] =	vst v4;
	v4 =	vmul.f32 v8, v3;
	v19 =	vbroadcast v19, $0x0  }
0x43f: {  	v15 =	vbroadcast v15, $0x0;
	[tilespmem:s26+$0x80] =	vst v5;
	v5 =	vmul.f32 v9, v3;
	v9 =	vld [tilespmem:s11+$0xF0]  }
0x440: {  	[tilespmem:s26+$0x90] =	vst v4;
	v4 =	vld [tilespmem:s11+$0xFFFFFF00]  }
0x441: {  	v3 =	vmul.f32 v11, v3;
	v11 =	vld [tilespmem:s11+$0xFFFFFF10]  }
0x442: {  	v17 =	vld.idx.msk [tilespmem:v17+s30+$0x0], $0xffff  }
0x443: {  	v7 =	vld.idx.msk [tilespmem:v14+s30+$0x0], $0xffff  }
0x444: {  	v13 =	vbroadcast v13, $0x0;
	[tilespmem:s26+$0xA0] =	vst v5;
	v5 =	vmul.f32 v20, v2;
	v8 =	vld.idx.msk [tilespmem:v19+s30+$0x0], $0xffff  }
0x445: {  	v14 =	vld.idx.msk [tilespmem:v15+s30+$0x0], $0xffff;
	[tilespmem:s26+$0xB0] =	vst v3;
	v3 =	vmul.f32 v21, v2  }
0x446: {  	v15 =	vld [tilespmem:s11+$0xFFFFFF20];
	v2 =	vmul.f32 v22, v2;
	[tilespmem:s26+$0xC0] =	vst v5  }
0x447: {  	v5 =	vld [tilespmem:s11+$0xFFFFFF30];
	[tilespmem:s26+$0xD0] =	vst v3  }
0x448: {  	v3 =	vld [tilespmem:s11+$0xFFFFFF40];
	[tilespmem:s26+$0xE0] =	vst v2;
	v2 =	vmul.f32 v4, v6  }
0x449: {  	[tilespmem:s26+$0x60] =	vst v18;
	v4 =	vld [tilespmem:s11+$0xFFFFFF50];
	v9 =	vmul.f32 v9, v8  }
0x44a: {  	v13 =	vld.idx.msk [tilespmem:v13+s30+$0x0], $0xffff;
	v11 =	vmul.f32 v11, v6;
	[tilespmem:s11+$0xFFFFFF00] =	vst v2  }
0x44b: {  	v2 =	vmul.f32 v15, v6;
	[tilespmem:s11+$0xF0] =	vst v9;
	v9 =	vld [tilespmem:s11+$0xFFFFFF70]  }
0x44c: {  	[tilespmem:s11+$0xFFFFFF10] =	vst v11;
	v5 =	vmul.f32 v5, v6;
	v6 =	vld [tilespmem:s11+$0xFFFFFF80]  }
0x44d: {  	[tilespmem:s11+$0xFFFFFF20] =	vst v2;
	v2 =	vmul.f32 v3, v10;
	v3 =	vld [tilespmem:s11+$0xFFFFFF90]  }
0x44e: {  	[tilespmem:s11+$0xFFFFFF30] =	vst v5;
	v4 =	vmul.f32 v4, v10;
	v5 =	vld [tilespmem:s11+$0xFFFFFFA0]  }
0x44f: {  	v11 =	vld [tilespmem:s11+$0xFFFFFFB0];
	[tilespmem:s11+$0xFFFFFF40] =	vst v2;
	v2 =	vmul.f32 v16, v10  }
0x450: {  	[tilespmem:s11+$0xFFFFFF50] =	vst v4;
	v4 =	vmul.f32 v9, v10;
	v9 =	vld [tilespmem:s11+$0xFFFFFFC0]  }
0x451: {  	[tilespmem:s11+$0xFFFFFF60] =	vst v2;
	v2 =	vmul.f32 v6, v12;
	v6 =	vld [tilespmem:s11+$0xFFFFFFD0]  }
0x452: {  	v3 =	vmul.f32 v3, v12;
	[tilespmem:s11+$0xFFFFFF70] =	vst v4;
	v4 =	vld [tilespmem:s11+$0xFFFFFFE0]  }
0x453: {  	[tilespmem:s11+$0xFFFFFF80] =	vst v2;
	v2 =	vmul.f32 v5, v12;
	v5 =	vld [tilespmem:s11+$0xFFFFFFF0]  }
0x454: {  	[tilespmem:s11+$0xFFFFFF90] =	vst v3;
	v3 =	vmul.f32 v11, v12;
	v10 =	vld [tilespmem:s11+$0x0]  }
0x455: {  	[tilespmem:s11+$0xFFFFFFA0] =	vst v2;
	v2 =	vmul.f32 v9, v17;
	v9 =	vld [tilespmem:s11+$0x10]  }
0x456: {  	[tilespmem:s11+$0xFFFFFFB0] =	vst v3;
	v3 =	vmul.f32 v6, v17;
	v6 =	vld [tilespmem:s11+$0x20]  }
0x457: {  	[tilespmem:s11+$0xFFFFFFC0] =	vst v2;
	v2 =	vmul.f32 v4, v17;
	v4 =	vld [tilespmem:s11+$0x30]  }
0x458: {  	[tilespmem:s11+$0xFFFFFFD0] =	vst v3;
	v3 =	vmul.f32 v5, v17;
	v5 =	vld [tilespmem:s11+$0x40]  }
0x459: {  	[tilespmem:s11+$0xFFFFFFE0] =	vst v2;
	v2 =	vmul.f32 v10, v13;
	v10 =	vld [tilespmem:s11+$0x50]  }
0x45a: {  	[tilespmem:s11+$0xFFFFFFF0] =	vst v3;
	v3 =	vmul.f32 v9, v13;
	v9 =	vld [tilespmem:s11+$0x60]  }
0x45b: {  	[tilespmem:s11+$0x0] =	vst v2;
	v2 =	vmul.f32 v6, v13;
	v6 =	vld [tilespmem:s11+$0x70]  }
0x45c: {  	[tilespmem:s11+$0x10] =	vst v3;
	v3 =	vmul.f32 v4, v13;
	v4 =	vld [tilespmem:s11+$0x80]  }
0x45d: {  	[tilespmem:s11+$0x20] =	vst v2;
	v2 =	vmul.f32 v5, v7;
	v5 =	vld [tilespmem:s11+$0x90]  }
0x45e: {  	[tilespmem:s11+$0x30] =	vst v3;
	v3 =	vmul.f32 v10, v7;
	v10 =	vld [tilespmem:s11+$0xA0]  }
0x45f: {  	[tilespmem:s11+$0x40] =	vst v2;
	v2 =	vmul.f32 v9, v7;
	v9 =	vld [tilespmem:s11+$0xB0]  }
0x460: {  	[tilespmem:s11+$0x50] =	vst v3;
	v3 =	vmul.f32 v6, v7;
	v6 =	vld [tilespmem:s11+$0xC0]  }
0x461: {  	[tilespmem:s11+$0x60] =	vst v2;
	v2 =	vmul.f32 v4, v14;
	v4 =	vld [tilespmem:s11+$0xD0]  }
0x462: {  	[tilespmem:s11+$0x70] =	vst v3;
	v3 =	vmul.f32 v5, v14;
	v5 =	vld [tilespmem:s11+$0xE0]  }
0x463: {  	[tilespmem:s11+$0x80] =	vst v2;
	v2 =	vmul.f32 v10, v14  }
0x464: {  	[tilespmem:s11+$0x90] =	vst v3;
	v3 =	vmul.f32 v9, v14  }
0x465: {  	[tilespmem:s11+$0xA0] =	vst v2;
	v2 =	vmul.f32 v6, v8  }
0x466: {  	[tilespmem:s11+$0xB0] =	vst v3;
	v3 =	vmul.f32 v4, v8  }
0x467: {  	[tilespmem:s11+$0xC0] =	vst v2;
	v2 =	vmul.f32 v5, v8  }
0x468: {  	[tilespmem:s11+$0xD0] =	vst v3  }
0x469: {  	[tilespmem:s11+$0xE0] =	vst v2  }
0x46a: {  	[spmem:s2] =	stream.indirect.scatter.add.f32 [tilespmem:s19], [sflag:$0xF], $0x40, s20, s28, $0xb8;
	[tilespmem:$0x1F800] =	vst v63  }
0x46b: {  	_ =	swait.ge [sflag:s1], $0x2000  }
0x46c: {  	s10 =	sadd.s32 @!p0 $0x580, s10;
	[sflag:s1] =	ssyncset.done $0x0  }
0x46d: {  	s12 =	simm.s32 @!p0 $0xB800;
	s11 =	simm.s32 @!p0 $0x80;
	[sflag:s1] =	ssyncadd.s32 $0xFFFFE000  }
0x46e: {  	[tilespmem:s12], [sflag:$0x4] =	stream.indirect.gather @!p0 [hbm4b:s9+s11], $0x40, s10, s11, $0xb8;
	[tilespmem:$0x1F800] =	vst v63  }
0x46f: {  	s15 =	simm.s32 @!p0 $0x5180;
	s16 =	simm.s32 $0x3;
	s10 =	sadd.s32 @!p0 s3, s10  }
0x470: {  	s26 =	simm.s32 $0x0;
	v5 =	vmov s16;
	s16 =	simm.s32 $0x5;
	s10 =	sshrl.u32 @!p0 s10, $0x3  }
0x471: {  	v2 =	vmov s26;
	s26 =	simm.s32 $0x2;
	s12 =	simm.s32 @!p0 $0x0;
	s11 =	sadd.s32 @!p0 s5, s10  }
0x472: {  	v7 =	vmov s16;
	[tilespmem:s15], [sflag:$0x4] =	stream.linear.gather @!p0 [hbm4b:s11+s12], $0x80, $0x38;
	[tilespmem:$0x1F800] =	vst v63  }
0x473: {  	v5 =	vshrl.u32 v5, $0x3;
	v7 =	vshrl.u32 v7, $0x3;
	s10 =	sadd.s32 @!p0 s6, s10;
	s15 =	simm.s32 $0x1;
	s11 =	simm.s32 @!p0 $0x5580  }
0x474: {  	v5 =	vshll.u32 v5, v1;
	v4 =	vmov s26;
	v2 =	vshrl.u32 v2, $0x3;
	[tilespmem:s11], [sflag:$0x4] =	stream.linear.gather @!p0 [hbm4b:s10+s12], $0x80, $0x38;
	[tilespmem:$0x1F800] =	vst v63  }
0x475: {  	v7 =	vshll.u32 v7, v1;
	v5 =	vadd.s32 $0x383, v5;
	v3 =	vmov s15;
	_ =	swait.ge [sflag:s4], $0x2000  }
0x476: {  	v2 =	vshll.u32 v2, v1;
	v4 =	vshrl.u32 v4, $0x3;
	v3 =	vshrl.u32 v3, $0x3;
	[sflag:s4] =	ssyncset.done $0x0  }
0x477: {  	v2 =	vadd.s32 $0x380, v2;
	v4 =	vshll.u32 v4, v1;
	s15 =	simm.s32 $0x4;
	v3 =	vshll.u32 v3, v1;
	[sflag:s4] =	ssyncadd.s32 $0xFFFFE000  }
0x478: {  	v2 =	vbroadcast v2, $0x0;
	v6 =	vmov s15;
	v3 =	vadd.s32 $0x381, v3;
	_ =	swait.ge [sflag:s4], $0x80  }
0x479: {  	s26 =	simm.s32 $0x6;
	v4 =	vadd.s32 $0x382, v4;
	v6 =	vshrl.u32 v6, $0x3;
	v3 =	vbroadcast v3, $0x0;
	[sflag:s4] =	ssyncset.done $0x0  }
0x47a: {  	v8 =	vmov s26;
	v4 =	vbroadcast v4, $0x0;
	v6 =	vshll.u32 v6, v1;
	[sflag:s4] =	ssyncadd.s32 $0xFFFFFF80  }
0x47b: {  	v5 =	vbroadcast v5, $0x0;
	v7 =	vadd.s32 $0x385, v7;
	s11 =	simm.s32 $0x7;
	v6 =	vadd.s32 $0x384, v6;
	_ =	swait.ge [sflag:s4], $0x80  }
0x47c: {  	v8 =	vshrl.u32 v8, $0x3;
	v9 =	vmov s11;
	v6 =	vbroadcast v6, $0x0;
	[sflag:s4] =	ssyncset.done $0x0  }
0x47d: {  	v7 =	vbroadcast v7, $0x0;
	v8 =	vshll.u32 v8, v1;
	v9 =	vshrl.u32 v9, $0x3;
	[sflag:s4] =	ssyncadd.s32 $0xFFFFFF80  }
0x47e: {  	v8 =	vadd.s32 $0x386, v8;
	v9 =	vshll.u32 v9, v1;
	v10 =	vld.idx.msk [tilespmem:v2+s30+$0x0], $0xffff  }
0x47f: {  	v2 =	vbroadcast v8, $0x0;
	v8 =	vadd.s32 $0x387, v9;
	v9 =	vld.idx.msk [tilespmem:v3+s30+$0x0], $0xffff  }
0x480: {  	v11 =	vld.idx.msk [tilespmem:v4+s30+$0x0], $0xffff  }
0x481: {  	v5 =	vld.idx.msk [tilespmem:v5+s30+$0x0], $0xffff;
	v8 =	vbroadcast v8, $0x0  }
0x482: {  	v12 =	vld.idx.msk [tilespmem:v6+s30+$0x0], $0xffff  }
0x483: {  	s10 =	simm.s32 $0x13900;
	v4 =	vld.idx.msk [tilespmem:v7+s30+$0x0], $0xffff  }
0x484: {  	v6 =	vld [tilespmem:s10+$0xF0]  }
0x485: {  	v7 =	vld [tilespmem:s10+$0xFFFFFF00]  }
0x486: {  	v3 =	vld.idx.msk [tilespmem:v2+s30+$0x0], $0xffff  }
0x487: {  	v2 =	vld.idx.msk [tilespmem:v8+s30+$0x0], $0xffff  }
0x488: {  	v8 =	vld [tilespmem:s10+$0xFFFFFF10]  }
0x489: {  	v13 =	vld [tilespmem:s10+$0xFFFFFF20]  }
0x48a: {  	v14 =	vld [tilespmem:s10+$0xFFFFFF30]  }
0x48b: {  	v15 =	vld [tilespmem:s10+$0xFFFFFF40];
	v7 =	vmul.f32 v7, v10  }
0x48c: {  	v16 =	vld [tilespmem:s10+$0xFFFFFF50];
	v6 =	vmul.f32 v6, v2  }
0x48d: {  	v17 =	vld [tilespmem:s10+$0xFFFFFF60];
	[tilespmem:s10+$0xFFFFFF00] =	vst v7;
	v8 =	vmul.f32 v8, v10  }
0x48e: {  	v7 =	vld [tilespmem:s10+$0xFFFFFF70];
	[tilespmem:s10+$0xF0] =	vst v6;
	v6 =	vmul.f32 v13, v10  }
0x48f: {  	[tilespmem:s10+$0xFFFFFF10] =	vst v8;
	v8 =	vmul.f32 v14, v10;
	v10 =	vld [tilespmem:s10+$0xFFFFFF80]  }
0x490: {  	v13 =	vld [tilespmem:s10+$0xFFFFFF90];
	[tilespmem:s10+$0xFFFFFF20] =	vst v6;
	v6 =	vmul.f32 v15, v9  }
0x491: {  	v14 =	vld [tilespmem:s10+$0xFFFFFFA0];
	[tilespmem:s10+$0xFFFFFF30] =	vst v8;
	v8 =	vmul.f32 v16, v9  }
0x492: {  	s26 =	simm.s32 $0xB;
	v15 =	vld [tilespmem:s10+$0xFFFFFFB0];
	[tilespmem:s10+$0xFFFFFF40] =	vst v6;
	v6 =	vmul.f32 v17, v9  }
0x493: {  	v18 =	vmov s26;
	s26 =	simm.s32 $0xE;
	s12 =	simm.s32 $0x8;
	v7 =	vmul.f32 v7, v9;
	[tilespmem:s10+$0xFFFFFF50] =	vst v8;
	v8 =	vld [tilespmem:s10+$0xFFFFFFC0]  }
0x494: {  	v62 =	vmov s26;
	s15 =	simm.s32 $0x9;
	v16 =	vmov s12;
	[tilespmem:s10+$0xFFFFFF60] =	vst v6;
	v6 =	vmul.f32 v10, v11;
	v10 =	vld [tilespmem:s10+$0xFFFFFFD0]  }
0x495: {  	s16 =	simm.s32 $0xA;
	[tilespmem:s10+$0xFFFFFF70] =	vst v7;
	v9 =	vshrl.u32 v16, $0x3;
	v16 =	vmov s15;
	s15 =	simm.s32 $0xC;
	v7 =	vmul.f32 v13, v11;
	v13 =	vld [tilespmem:s10+$0xFFFFFFE0]  }
0x496: {  	v17 =	vmov s16;
	s16 =	simm.s32 $0xD;
	v19 =	vmov s15;
	[tilespmem:s10+$0xFFFFFF80] =	vst v6;
	v6 =	vmul.f32 v14, v11;
	v14 =	vld [tilespmem:s10+$0xFFFFFFF0]  }
0x497: {  	v20 =	vmov s16;
	v9 =	vshll.u32 v9, v1;
	[tilespmem:s10+$0xFFFFFF90] =	vst v7;
	v7 =	vmul.f32 v15, v11;
	v11 =	vld [tilespmem:s10+$0x0]  }
0x498: {  	v9 =	vadd.s32 $0x380, v9;
	v15 =	vshrl.u32 v16, $0x3;
	[tilespmem:s10+$0xFFFFFFA0] =	vst v6;
	v6 =	vmul.f32 v8, v5;
	v8 =	vld [tilespmem:s10+$0x10]  }
0x499: {  	v16 =	vshrl.u32 v17, $0x3;
	v17 =	vshrl.u32 v18, $0x3;
	[tilespmem:s10+$0xFFFFFFB0] =	vst v7;
	v7 =	vmul.f32 v10, v5;
	v10 =	vld [tilespmem:s10+$0x20]  }
0x49a: {  	v18 =	vshrl.u32 v19, $0x3;
	v19 =	vshrl.u32 v20, $0x3;
	[tilespmem:s10+$0xFFFFFFC0] =	vst v6;
	v6 =	vmul.f32 v13, v5;
	v13 =	vld [tilespmem:s10+$0x30]  }
0x49b: {  	v20 =	vshrl.u32 v62, $0x3;
	v15 =	vshll.u32 v15, v1;
	[tilespmem:s10+$0xFFFFFFD0] =	vst v7;
	v5 =	vmul.f32 v14, v5;
	v14 =	vld [tilespmem:s10+$0x40]  }
0x49c: {  	v16 =	vshll.u32 v16, v1;
	v17 =	vshll.u32 v17, v1;
	v7 =	vmul.f32 v11, v12;
	v11 =	vld [tilespmem:s10+$0x50];
	[tilespmem:s10+$0xFFFFFFE0] =	vst v6  }
0x49d: {  	v63 =	vld [tilespmem:s10+$0x60];
	v18 =	vshll.u32 v18, v1;
	v19 =	vshll.u32 v19, v1;
	[tilespmem:s10+$0xFFFFFFF0] =	vst v5;
	v5 =	vmul.f32 v8, v12  }
0x49e: {  	v20 =	vshll.u32 v20, v1;
	v17 =	vadd.s32 $0x383, v17;
	[tilespmem:s10+$0x0] =	vst v7;
	v7 =	vld [tilespmem:s10+$0x70];
	v8 =	vmul.f32 v10, v12  }
0x49f: {  	v6 =	vbroadcast v9, $0x0;
	v9 =	vadd.s32 $0x381, v15;
	[tilespmem:s10+$0x10] =	vst v5;
	v12 =	vmul.f32 v13, v12;
	v5 =	vld [tilespmem:s10+$0x80]  }
0x4a0: {  	v15 =	vadd.s32 $0x382, v16;
	v13 =	vadd.s32 $0x384, v18;
	[tilespmem:s10+$0x20] =	vst v8;
	v18 =	vmul.f32 v14, v4;
	v8 =	vld [tilespmem:s10+$0x90]  }
0x4a1: {  	v10 =	vbroadcast v9, $0x0;
	v9 =	vld [tilespmem:s10+$0xA0];
	v14 =	vadd.s32 $0x385, v19;
	v16 =	vmul.f32 v11, v4;
	[tilespmem:s10+$0x30] =	vst v12  }
0x4a2: {  	s11 =	simm.s32 $0x10;
	s12 =	simm.s32 $0xF;
	v11 =	vld [tilespmem:s10+$0xB0];
	v12 =	vbroadcast v15, $0x0;
	v15 =	vadd.s32 $0x386, v20;
	[tilespmem:s10+$0x40] =	vst v18;
	v18 =	vmul.f32 v63, v4  }
.LBB2_19:
0x4a3: {  	p0 =	slt.u32 s11, $0x78;
	v17 =	vbroadcast v17, $0x0;
	v19 =	vmov s12;
	[tilespmem:s10+$0x50] =	vst v16;
	v4 =	vmul.f32 v7, v4;
	v7 =	vld [tilespmem:s10+$0xC0]  }
0x4a4: {  	v13 =	vbroadcast v13, $0x0;
	v16 =	vshrl.u32 v19, $0x3;
	[tilespmem:s10+$0x60] =	vst v18;
	v5 =	vmul.f32 v5, v3;
	v18 =	vld [tilespmem:s10+$0xD0]  }
0x4a5: {  	v14 =	vbroadcast v14, $0x0;
	v16 =	vshll.u32 v16, v1;
	[tilespmem:s10+$0x70] =	vst v4;
	v4 =	vmul.f32 v8, v3;
	v8 =	vld [tilespmem:s10+$0xE0]  }
0x4a6: {  	v15 =	vbroadcast v15, $0x0;
	v6 =	vld.idx.msk [tilespmem:v6+s30+$0x0], $0xffff;
	v16 =	vadd.s32 $0x387, v16;
	[tilespmem:s10+$0x80] =	vst v5;
	v5 =	vmul.f32 v9, v3  }
0x4a7: {  	v9 =	vld.idx.msk [tilespmem:v10+s30+$0x0], $0xffff;
	v10 =	vbroadcast v16, $0x0;
	[tilespmem:s10+$0x90] =	vst v4;
	v3 =	vmul.f32 v11, v3  }
0x4a8: {  	v11 =	vld.idx.msk [tilespmem:v12+s30+$0x0], $0xffff;
	[tilespmem:s10+$0xA0] =	vst v5;
	v4 =	vmul.f32 v7, v2  }
0x4a9: {  	v7 =	vld.idx.msk [tilespmem:v17+s30+$0x0], $0xffff;
	[tilespmem:s10+$0xB0] =	vst v3;
	v3 =	vmul.f32 v18, v2  }
0x4aa: {  	v5 =	vld.idx.msk [tilespmem:v13+s30+$0x0], $0xffff;
	[tilespmem:s10+$0xC0] =	vst v4;
	v2 =	vmul.f32 v8, v2  }
0x4ab: {  	v4 =	vld.idx.msk [tilespmem:v14+s30+$0x0], $0xffff;
	[tilespmem:s10+$0xD0] =	vst v3  }
0x4ac: {  	v3 =	vld.idx.msk [tilespmem:v15+s30+$0x0], $0xffff;
	[tilespmem:s10+$0xE0] =	vst v2  }
0x4ad: {  	s10 =	sadd.s32 $0x200, s10;
	v2 =	vld.idx.msk [tilespmem:v10+s30+$0x0], $0xffff  }
0x4ae: {  	v8 =	vld [tilespmem:s10+$0xF0]  }
0x4af: {  	v10 =	vld [tilespmem:s10+$0xFFFFFF00]  }
0x4b0: {  	v12 =	vld [tilespmem:s10+$0xFFFFFF10]  }
0x4b1: {  	v13 =	vld [tilespmem:s10+$0xFFFFFF20]  }
0x4b2: {  	v14 =	vld [tilespmem:s10+$0xFFFFFF30]  }
0x4b3: {  	v15 =	vld [tilespmem:s10+$0xFFFFFF40];
	v8 =	vmul.f32 v8, v2  }
0x4b4: {  	v10 =	vmul.f32 v10, v6;
	v16 =	vld [tilespmem:s10+$0xFFFFFF50]  }
0x4b5: {  	v12 =	vmul.f32 v12, v6;
	v17 =	vld [tilespmem:s10+$0xFFFFFF60];
	[tilespmem:s10+$0xF0] =	vst v8  }
0x4b6: {  	[tilespmem:s10+$0xFFFFFF00] =	vst v10;
	v8 =	vmul.f32 v13, v6;
	v10 =	vld [tilespmem:s10+$0xFFFFFF70]  }
0x4b7: {  	[tilespmem:s10+$0xFFFFFF10] =	vst v12;
	v6 =	vmul.f32 v14, v6;
	v12 =	vld [tilespmem:s10+$0xFFFFFF80]  }
0x4b8: {  	[tilespmem:s10+$0xFFFFFF20] =	vst v8;
	v8 =	vmul.f32 v15, v9;
	v13 =	vld [tilespmem:s10+$0xFFFFFF90]  }
0x4b9: {  	[tilespmem:s10+$0xFFFFFF30] =	vst v6;
	v6 =	vmul.f32 v16, v9;
	v14 =	vld [tilespmem:s10+$0xFFFFFFA0]  }
0x4ba: {  	[tilespmem:s10+$0xFFFFFF40] =	vst v8;
	v8 =	vmul.f32 v17, v9;
	v15 =	vld [tilespmem:s10+$0xFFFFFFB0]  }
0x4bb: {  	s12 =	sadd.s32 $0x1, s11;
	v16 =	vmov s11;
	[tilespmem:s10+$0xFFFFFF50] =	vst v6;
	v6 =	vmul.f32 v10, v9;
	v9 =	vld [tilespmem:s10+$0xFFFFFFC0]  }
0x4bc: {  	s15 =	sadd.s32 $0x3, s11;
	v10 =	vshrl.u32 v16, $0x3;
	v16 =	vmov s12;
	s12 =	sadd.s32 $0x2, s11;
	[tilespmem:s10+$0xFFFFFF60] =	vst v8;
	v8 =	vmul.f32 v12, v11;
	v12 =	vld [tilespmem:s10+$0xFFFFFFD0]  }
0x4bd: {  	v18 =	vmov s15;
	s15 =	sadd.s32 $0x5, s11;
	v17 =	vmov s12;
	s12 =	sadd.s32 $0x4, s11;
	[tilespmem:s10+$0xFFFFFF70] =	vst v6;
	v6 =	vmul.f32 v13, v11;
	v13 =	vld [tilespmem:s10+$0xFFFFFFE0]  }
0x4be: {  	v20 =	vmov s15;
	v19 =	vmov s12;
	s12 =	sadd.s32 $0x6, s11;
	[tilespmem:s10+$0xFFFFFF80] =	vst v8;
	v8 =	vmul.f32 v14, v11;
	v14 =	vld [tilespmem:s10+$0xFFFFFFF0]  }
0x4bf: {  	v10 =	vshll.u32 v10, v1;
	v21 =	vmov s12;
	[tilespmem:s10+$0xFFFFFF90] =	vst v6;
	v6 =	vmul.f32 v15, v11;
	v11 =	vld [tilespmem:s10+$0x0]  }
0x4c0: {  	v15 =	vshrl.u32 v16, $0x3;
	v16 =	vshrl.u32 v17, $0x3;
	[tilespmem:s10+$0xFFFFFFA0] =	vst v8;
	v8 =	vmul.f32 v9, v7;
	v9 =	vld [tilespmem:s10+$0x10]  }
0x4c1: {  	v17 =	vshrl.u32 v18, $0x3;
	v18 =	vshrl.u32 v19, $0x3;
	[tilespmem:s10+$0xFFFFFFB0] =	vst v6;
	v6 =	vmul.f32 v12, v7;
	v12 =	vld [tilespmem:s10+$0x20]  }
0x4c2: {  	v19 =	vshrl.u32 v20, $0x3;
	v20 =	vshrl.u32 v21, $0x3;
	[tilespmem:s10+$0xFFFFFFC0] =	vst v8;
	v8 =	vmul.f32 v13, v7;
	v13 =	vld [tilespmem:s10+$0x30]  }
0x4c3: {  	v10 =	vadd.s32 $0x380, v10;
	v15 =	vshll.u32 v15, v1;
	[tilespmem:s10+$0xFFFFFFD0] =	vst v6;
	v6 =	vmul.f32 v14, v7;
	v14 =	vld [tilespmem:s10+$0x40]  }
0x4c4: {  	v16 =	vshll.u32 v16, v1;
	v17 =	vshll.u32 v17, v1;
	[tilespmem:s10+$0xFFFFFFE0] =	vst v8;
	v7 =	vmul.f32 v11, v5;
	v11 =	vld [tilespmem:s10+$0x50]  }
0x4c5: {  	v8 =	vshll.u32 v18, v1;
	v18 =	vshll.u32 v19, v1;
	[tilespmem:s10+$0xFFFFFFF0] =	vst v6;
	v9 =	vmul.f32 v9, v5;
	v19 =	vld [tilespmem:s10+$0x60]  }
.Ltmp8:
0x4c6: {  	v20 =	vshll.u32 v20, v1;
	v6 =	vbroadcast v10, $0x0;
	[tilespmem:s10+$0x0] =	vst v7;
	v10 =	vmul.f32 v12, v5;
	v7 =	vld [tilespmem:s10+$0x70];
	(pc) =	sbr.rel @p0 .LBB2_19-.Ltmp8, $4  }
0x4c7: {  	v12 =	vadd.s32 $0x381, v15;
	v15 =	vadd.s32 $0x382, v16;
	[tilespmem:s10+$0x10] =	vst v9;
	v9 =	vmul.f32 v13, v5;
	v5 =	vld [tilespmem:s10+$0x80]  }
0x4c8: {  	v17 =	vadd.s32 $0x383, v17;
	v13 =	vadd.s32 $0x384, v8;
	[tilespmem:s10+$0x20] =	vst v10;
	v21 =	vmul.f32 v14, v4;
	v8 =	vld [tilespmem:s10+$0x90]  }
0x4c9: {  	v10 =	vbroadcast v12, $0x0;
	v14 =	vadd.s32 $0x385, v18;
	[tilespmem:s10+$0x30] =	vst v9;
	v16 =	vmul.f32 v11, v4;
	v9 =	vld [tilespmem:s10+$0xA0]  }
0x4ca: {  	s12 =	sadd.s32 $0x7, s11;
	s11 =	sadd.s32 $0x8, s11;
	v12 =	vbroadcast v15, $0x0;
	v15 =	vadd.s32 $0x386, v20;
	[tilespmem:s10+$0x40] =	vst v21;
	v18 =	vmul.f32 v19, v4;
	v11 =	vld [tilespmem:s10+$0xB0]  }
0x4cb: {  	_ = 	snop  }
0x4cc: {  	v20 =	vld [tilespmem:s10+$0xC0]  }
0x4cd: {  	v21 =	vld [tilespmem:s10+$0xD0]  }
0x4ce: {  	v22 =	vld [tilespmem:s10+$0xE0]  }
0x4cf: {  	v6 =	vld.idx.msk [tilespmem:v6+s30+$0x0], $0xffff  }
0x4d0: {  	v10 =	vld.idx.msk [tilespmem:v10+s30+$0x0], $0xffff  }
0x4d1: {  	s11 =	sadd.s32 $0x200, s10;
	v12 =	vld.idx.msk [tilespmem:v12+s30+$0x0], $0xffff  }
0x4d2: {  	v32 =	vld [tilespmem:s11+$0xF0]  }
0x4d3: {  	v33 =	vld [tilespmem:s11+$0xFFFFFF00]  }
0x4d4: {  	[tilespmem:s10+$0x50] =	vst v16;
	v4 =	vmul.f32 v7, v4;
	v35 =	vld [tilespmem:s11+$0xFFFFFF10]  }
0x4d5: {  	v19 =	vmov s12;
	[tilespmem:s10+$0x60] =	vst v18;
	v5 =	vmul.f32 v5, v3;
	v36 =	vld [tilespmem:s11+$0xFFFFFF20]  }
0x4d6: {  	v19 =	vshrl.u32 v19, $0x3;
	v37 =	vld [tilespmem:s11+$0xFFFFFF30];
	[tilespmem:s10+$0x70] =	vst v4;
	v29 =	vmul.f32 v8, v3  }
0x4d7: {  	v38 =	vld [tilespmem:s11+$0xFFFFFF50];
	v19 =	vshll.u32 v19, v1;
	[tilespmem:s10+$0x80] =	vst v5;
	v31 =	vmul.f32 v9, v3  }
0x4d8: {  	v39 =	vld [tilespmem:s11+$0xFFFFFF60];
	v19 =	vadd.s32 $0x387, v19;
	[tilespmem:s10+$0x90] =	vst v29;
	v3 =	vmul.f32 v11, v3  }
0x4d9: {  	v40 =	vld [tilespmem:s11+$0xFFFFFF70];
	v19 =	vbroadcast v19, $0x0;
	[tilespmem:s10+$0xA0] =	vst v31;
	v34 =	vmul.f32 v20, v2  }
0x4da: {  	v41 =	vld [tilespmem:s11+$0xFFFFFF80];
	[tilespmem:s10+$0xB0] =	vst v3;
	v3 =	vmul.f32 v21, v2  }
0x4db: {  	v42 =	vld [tilespmem:s11+$0xFFFFFFA0];
	v2 =	vmul.f32 v22, v2;
	[tilespmem:s10+$0xC0] =	vst v34  }
0x4dc: {  	v11 =	vmul.f32 v35, v6;
	[tilespmem:s10+$0xD0] =	vst v3;
	v3 =	vld [tilespmem:s11+$0xFFFFFF40]  }
0x4dd: {  	v43 =	vld [tilespmem:s11+$0xFFFFFFB0];
	[tilespmem:s10+$0xE0] =	vst v2;
	v2 =	vmul.f32 v33, v6  }
0x4de: {  	v17 =	vbroadcast v17, $0x0;
	v45 =	vld [tilespmem:s11+$0xFFFFFFC0];
	v5 =	vmul.f32 v37, v6;
	[tilespmem:s11+$0xFFFFFF10] =	vst v11  }
0x4df: {  	v30 =	vld.idx.msk [tilespmem:v19+s30+$0x0], $0xffff;
	[tilespmem:s11+$0xFFFFFF00] =	vst v2;
	v2 =	vmul.f32 v36, v6  }
0x4e0: {  	v46 =	vld [tilespmem:s11+$0xFFFFFFD0];
	v4 =	vmul.f32 v38, v10;
	[tilespmem:s11+$0xFFFFFF30] =	vst v5  }
0x4e1: {  	[tilespmem:s11+$0xFFFFFF20] =	vst v2;
	v2 =	vmul.f32 v3, v10;
	v3 =	vld [tilespmem:s11+$0xFFFFFF90]  }
0x4e2: {  	v13 =	vbroadcast v13, $0x0;
	v47 =	vld [tilespmem:s11+$0xFFFFFFE0];
	v44 =	vmul.f32 v40, v10;
	[tilespmem:s11+$0xFFFFFF50] =	vst v4  }
0x4e3: {  	v48 =	vld [tilespmem:s11+$0xFFFFFFF0];
	[tilespmem:s11+$0xFFFFFF40] =	vst v2;
	v2 =	vmul.f32 v39, v10  }
0x4e4: {  	v17 =	vld.idx.msk [tilespmem:v17+s30+$0x0], $0xffff;
	[tilespmem:s11+$0xFFFFFF70] =	vst v44;
	v9 =	vmul.f32 v32, v30  }
0x4e5: {  	v49 =	vld [tilespmem:s11+$0x0];
	[tilespmem:s11+$0xFFFFFF60] =	vst v2;
	v2 =	vmul.f32 v41, v12  }
0x4e6: {  	v14 =	vbroadcast v14, $0x0;
	v50 =	vld [tilespmem:s11+$0x10];
	[tilespmem:s11+$0xF0] =	vst v9;
	v3 =	vmul.f32 v3, v12  }
0x4e7: {  	v51 =	vld [tilespmem:s11+$0x20];
	[tilespmem:s11+$0xFFFFFF80] =	vst v2;
	v2 =	vmul.f32 v42, v12  }
0x4e8: {  	v13 =	vld.idx.msk [tilespmem:v13+s30+$0x0], $0xffff;
	[tilespmem:s11+$0xFFFFFF90] =	vst v3;
	v3 =	vmul.f32 v43, v12  }
0x4e9: {  	v52 =	vld [tilespmem:s11+$0x30];
	[tilespmem:s11+$0xFFFFFFA0] =	vst v2;
	v2 =	vmul.f32 v45, v17  }
0x4ea: {  	v15 =	vbroadcast v15, $0x0;
	v53 =	vld [tilespmem:s11+$0x40];
	[tilespmem:s11+$0xFFFFFFB0] =	vst v3;
	v3 =	vmul.f32 v46, v17  }
0x4eb: {  	v54 =	vld [tilespmem:s11+$0x50];
	[tilespmem:s11+$0xFFFFFFC0] =	vst v2;
	v2 =	vmul.f32 v47, v17  }
0x4ec: {  	v27 =	vld.idx.msk [tilespmem:v14+s30+$0x0], $0xffff;
	[tilespmem:s11+$0xFFFFFFD0] =	vst v3;
	v3 =	vmul.f32 v48, v17  }
0x4ed: {  	v55 =	vld [tilespmem:s11+$0x60];
	[tilespmem:s11+$0xFFFFFFE0] =	vst v2;
	v2 =	vmul.f32 v49, v13  }
0x4ee: {  	v56 =	vld [tilespmem:s11+$0x70];
	[tilespmem:s11+$0xFFFFFFF0] =	vst v3;
	v3 =	vmul.f32 v50, v13  }
0x4ef: {  	v57 =	vld [tilespmem:s11+$0x80];
	[tilespmem:s11+$0x0] =	vst v2;
	v2 =	vmul.f32 v51, v13  }
0x4f0: {  	v28 =	vld.idx.msk [tilespmem:v15+s30+$0x0], $0xffff;
	[tilespmem:s11+$0x10] =	vst v3;
	v3 =	vmul.f32 v52, v13  }
0x4f1: {  	v58 =	vld [tilespmem:s11+$0x90];
	[tilespmem:s11+$0x20] =	vst v2;
	v2 =	vmul.f32 v53, v27  }
0x4f2: {  	v59 =	vld [tilespmem:s11+$0xA0];
	[tilespmem:s11+$0x30] =	vst v3;
	v3 =	vmul.f32 v54, v27  }
0x4f3: {  	v60 =	vld [tilespmem:s11+$0xB0];
	[tilespmem:s11+$0x40] =	vst v2;
	v2 =	vmul.f32 v55, v27  }
0x4f4: {  	v61 =	vld [tilespmem:s11+$0xC0];
	[tilespmem:s11+$0x50] =	vst v3;
	v3 =	vmul.f32 v56, v27  }
0x4f5: {  	v62 =	vld [tilespmem:s11+$0xD0];
	[tilespmem:s11+$0x60] =	vst v2;
	v2 =	vmul.f32 v57, v28  }
0x4f6: {  	v63 =	vld [tilespmem:s11+$0xE0];
	[tilespmem:s11+$0x70] =	vst v3;
	v3 =	vmul.f32 v58, v28  }
0x4f7: {  	[tilespmem:s11+$0x80] =	vst v2;
	v2 =	vmul.f32 v59, v28  }
0x4f8: {  	s7 =	sadd.s32 $0x1, s7;
	[tilespmem:s11+$0x90] =	vst v3;
	v3 =	vmul.f32 v60, v28  }
0x4f9: {  	p0 =	sne.s32 s7, $0x14;
	[tilespmem:s11+$0xA0] =	vst v2;
	v2 =	vmul.f32 v61, v30  }
.Ltmp9:
0x4fa: {  	[tilespmem:s11+$0xB0] =	vst v3;
	v3 =	vmul.f32 v62, v30;
	(pc) =	sbr.rel @p0 .LBB2_4-.Ltmp9, $4  }
0x4fb: {  	[tilespmem:s11+$0xC0] =	vst v2;
	v2 =	vmul.f32 v63, v30  }
0x4fc: {  	[tilespmem:s11+$0xD0] =	vst v3  }
0x4fd: {  	[tilespmem:s11+$0xE0] =	vst v2  }
0x4fe: {  	[spmem:s2] =	stream.indirect.scatter.add.f32 [tilespmem:s23], [sflag:$0x10], $0x40, s25, s28, $0xb8;
	[tilespmem:$0x1F800] =	vst v63  }
0x4ff: {  	s0 =	simm.s32 $0xD  }
0x500: {  	_ =	swait.ge [sflag:s0], $0x2000  }
0x501: {  	[sflag:s0] =	ssyncset.done $0x0  }
0x502: {  	s10 =	simm.s32 $0xE;
	[sflag:s0] =	ssyncadd.s32 $0xFFFFE000  }
0x503: {  	_ =	swait.ge [sflag:s10], $0x2000  }
0x504: {  	[sflag:s10] =	ssyncset.done $0x0  }
0x505: {  	s11 =	simm.s32 $0xF;
	[sflag:s10] =	ssyncadd.s32 $0xFFFFE000  }
0x506: {  	_ =	swait.ge [sflag:s11], $0x2000  }
0x507: {  	[sflag:s11] =	ssyncset.done $0x0  }
0x508: {  	s12 =	simm.s32 $0x10;
	[sflag:s11] =	ssyncadd.s32 $0xFFFFE000  }
0x509: {  	_ =	swait.ge [sflag:s12], $0x2000  }
0x50a: {  	[sflag:s12] =	ssyncset.done $0x0  }
0x50b: {  	[sflag:s12] =	ssyncadd.s32 $0xFFFFE000  }
0x50c: {  	s15 =	stileid.u32;
	[bflag:$0x0] =	sbarrier.arrive $0xFFFF  }
0x50d: {  	s0 =	sshll.u32 s15, $0x6;
	s7 =	rddreg [dreg:$0xe]  }
0x50e: {  	s0 =	sor.u32 $0x1C11, s0;
	s11 =	simm.s32 $0x11;
	s10 =	rddreg [dreg:$0x14]  }
0x50f: {  	[hbm:s7], [sflag:s0] =	dma.local [spmem:s10], $0x1400  }
0x510: {  	_ =	swait.ge [sflag:s11], $0x1400  }
0x511: {  	s16 =	rddreg [dreg:$0x15]  }
0x512: {  	s26 =	rddreg [dreg:$0xf];
	s7 =	sadd.s32 $0x1, s16  }
0x513: {  	p0 =	sne.s32 s7, s26  }
.Ltmp10:
0x514: {  	_ = 	snop;
	(pc) =	sbr.rel @p0 .LBB2_1-.Ltmp10, $3  }
0x515: {  	_ =	sdelay $0x1  }
0x516: {  	[sflag:s11] =	ssyncset.done $0x0  }
0x517: {  	[sflag:s11] =	ssyncadd.s32 $0xFFFFEC00  }
0x518: {  	_ =	sfence.sel $0x180000  }
0x519: {  	[bflag:$0x0] =	sbarrier.arrive $0xFFFF  }
0x51a: {  	_ =	strace $0x90000047  }
0x51b: {  	s0 =	stileid.u32;
	[bflag:$0x2] =	sbarrier.arrive $0xFFFF  }
0x51c: {  	p0 =	sne.s32 s0, $0x0;
	s0 =	rddreg [dreg:$0x3]  }
0x51d: {  	s0 =	sadd.s32 @!p0 $0x100000, s0  }
0x51e: {  	[sflag:s0] =	ssyncadd.tile.s32 @!p0 $0x1;
	_ =	shalt  }
.Lfunc_end2:
_tile_overlayer_lowered:
.L_overlay_start_2:
0x51f: {  	(tag) =	ssettag $0x2  }
0x520: {  	s0 =	rddreg [dreg:$0x0];
	s2 =	stileid.u32  }
0x521: {  	s1 =	rddreg [dreg:$0x1];
	p0 =	sne.s32 s2, $0x0  }
0x522: {  	s3 =	rddreg [dreg:$0x2];
	[bflag:$0x3] =	sbarrier.arrive $0xFFFF;
	s2 =	simm.s32 @!p0 $0x1C11  }
0x523: {  	[timem:s3], [sflag:s2] =	dma.local @!p0 [hbm:s0], s1  }
0x524: {  	s0 =	simm.s32 @!p0 $0x11  }
0x525: {  	_ =	swait.ge @!p0 [sflag:s0], s1  }
0x526: {  	s1 =	ssub.s32 @!p0 $0x0, s1;
	[sflag:s0] =	ssyncset.done @!p0 $0x0  }
0x527: {  	[sflag:s0] =	ssyncadd.s32 @!p0 s1  }
0x528: {  	[bflag:$0x3] =	sbarrier.arrive $0xFFFF  }
0x529: {  	_ =	shalt  }

</sc_bundles>
